<compile_context>
chip_gen: v7x
topology: tpu7x:2x2x1
jax: 0.10.2.dev20260603
libtpu: 0.0.44.dev20260713+nightly
codegen_flags: <defaults>
</compile_context>

<pallas_src>
import functools

import jax
import jax.numpy as jnp
from jax import lax
from jax.experimental import pallas as pl
from jax.experimental.pallas import tpu as pltpu
from jax.experimental.pallas import tpu_sc as plsc

_NL = 3
_NA = 3
_NC = 80
_BS = 16
_NT = 500
_KPA = 512
_KL = _NA * _KPA
_STRIDES = (8.0, 16.0, 32.0)
_GRIDS = ((80, 80), (40, 40), (20, 20))
_ROWS = tuple(_BS * _NA * ny * nx for (ny, nx) in _GRIDS)
_NSUB = 16
_CPT = _KL // _NSUB
_NVR = _CPT // 16
_GW = 96


_CPW = _KL // 32


def _candidate_rows(i, kv, bb_v, bi_v, anc_v, iota):
    ny, nx = _GRIDS[i]
    a = kv >> 9
    t = kv & 511
    tm = t < _NT
    tc = jnp.minimum(t, _NT - 1)
    t4 = tc * 4
    bx = plsc.load_gather(bb_v, [t4])
    by = plsc.load_gather(bb_v, [t4 + 1])
    bw = plsc.load_gather(bb_v, [t4 + 2])
    bh = plsc.load_gather(bb_v, [t4 + 3])
    b = plsc.load_gather(bi_v, [tc])
    a2 = (i * _NA + a) * 2
    aw = plsc.load_gather(anc_v, [a2])
    ah = plsc.load_gather(anc_v, [a2 + 1])
    rw = bw * (nx * _STRIDES[i]) / aw
    rh = bh * (ny * _STRIDES[i]) / ah
    m = (rw < 4.0) & (rw > 0.25) & (rh < 4.0) & (rh > 0.25) & tm
    gx = bx * nx
    gy = by * ny
    gi = jnp.clip(gx.astype(jnp.int32), 0, nx - 1)
    gj = jnp.clip(gy.astype(jnp.int32), 0, ny - 1)
    row = ((b * _NA + a) * ny + gj) * nx + gi
    return row, m


def _sc_layer(i, tflat, anchors, bboxes, batch_idx):
    mesh = plsc.VectorSubcoreMesh(core_axis_name="c", subcore_axis_name="s")
    out_type = (
        jax.ShapeDtypeStruct((_KL * _GW,), jnp.float32),
        jax.ShapeDtypeStruct((_KL,), jnp.int32),
    )
    scratch = [
        pltpu.VMEM((_NT * 4,), jnp.float32),
        pltpu.VMEM((_NT,), jnp.int32),
        pltpu.VMEM((_NL * _NA * 2,), jnp.float32),
        pltpu.VMEM((_CPW,), jnp.int32),
        pltpu.VMEM((_CPT,), jnp.int32),
        pltpu.VMEM((_CPT,), jnp.int32),
        pltpu.VMEM((_CPT,), jnp.int32),
        pltpu.VMEM((_CPW * _GW,), jnp.int32),
        pltpu.VMEM((_CPW * _GW,), jnp.float32),
        pltpu.VMEM_SHARED((_ROWS[i] + 16,), jnp.int32),
    ]
    stride = _SSTR[i] * 128

    @functools.partial(
        pl.kernel, out_type=out_type, mesh=mesh, scratch_types=scratch,
        compiler_params=pltpu.CompilerParams(needs_layout_passes=False,
                                             use_tc_tiling_on_sc=False))
    def k(p_h, anc_h, bb_h, bi_h, ps_h, got_h,
          bb_v, bi_v, anc_v, row_v, scat_v, val_v, got_v, eidx_v, rows_v,
          dbuf):
        cid = lax.axis_index("c")
        sid = lax.axis_index("s")
        wid = sid * 2 + cid
        pltpu.sync_copy(bb_h, bb_v)
        pltpu.sync_copy(bi_h, bi_v)
        pltpu.sync_copy(anc_h, anc_v)
        iota = lax.iota(jnp.int32, 16)
        trash = _ROWS[i]

        @pl.when(cid == 0)
        def _():
            for j in range(_NVR):
                kv = sid * _CPT + j * 16 + iota
                row, m = _candidate_rows(i, kv, bb_v, bi_v, anc_v, iota)
                sl = pl.ds(j * 16, 16)
                scat_v[sl] = jnp.where(m, row, trash)
                val_v[sl] = kv
            pltpu.sync_copy(val_v, dbuf.at[scat_v])

        for j in range(_CPW // 16):
            kv = wid * _CPW + j * 16 + iota
            row, _ = _candidate_rows(i, kv, bb_v, bi_v, anc_v, iota)
            row_v[pl.ds(j * 16, 16)] = row

        def qbody(q, _):
            rb = plsc.load_gather(row_v, [jnp.full((16,), q, jnp.int32)])
            for j in range(_GW // 16):
                c = jnp.minimum(j * 16 + iota, 84)
                eidx_v[pl.ds(q * _GW + j * 16, 16)] = rb + c * stride
            return 0

        lax.fori_loop(0, _CPW, qbody, 0)
        pltpu.sync_copy(p_h.at[eidx_v], rows_v)
        pltpu.sync_copy(rows_v, ps_h.at[pl.ds(wid * _CPW * _GW,
                                              _CPW * _GW)])

        plsc.subcore_barrier()

        @pl.when(cid == 0)
        def _():
            pltpu.sync_copy(dbuf.at[scat_v], got_v)
            pltpu.sync_copy(got_v, got_h.at[pl.ds(sid * _CPT, _CPT)])

    return k(tflat, anchors, bboxes, batch_idx)


_SSTR = (2400, 608, 160)


def _transflat(pf, br, ostr):
    rows = pf.shape[0]
    ns = br // 128
    whole = br == rows
    ons = ostr if whole else ns

    def body(p_ref, o_ref):
        t = p_ref[...].T
        if whole and ostr * 128 > rows:
            t = jnp.pad(t, ((0, 0), (0, ostr * 128 - rows)))
        o_ref[...] = t.reshape(85, ons, 128)

    return pl.pallas_call(
        body,
        grid=(rows // br,),
        in_specs=[pl.BlockSpec((br, 85), lambda g: (g, 0))],
        out_specs=pl.BlockSpec((85, ons, 128), lambda g: (0, g, 0)),
        out_shape=jax.ShapeDtypeStruct((85, ostr, 128), jnp.float32),
    )(pf)


def _atan_pos(x):
    inv = x > 1.0
    t = jnp.where(inv, 1.0 / jnp.maximum(x, 1e-30), x)
    t2 = t * t
    p = -0.0117212
    p = p * t2 + 0.05265332
    p = p * t2 - 0.11643287
    p = p * t2 + 0.19354346
    p = p * t2 - 0.33262347
    p = p * t2 + 0.99997726
    r = t * p
    return jnp.where(inv, (jnp.pi / 2.0) - r, r)


def _final_losses(pbs, xcs, gots, objs, bm, bwh_c, cls_c, anchors):

    def body(pb0, pb1, pb2, xc0, xc1, xc2, g0, g1, g2,
             ob0, ob1, ob2, bm_ref, bwhc_ref, clsc_ref, anc_ref,
             lbox_o, lcls_o, tot_o):
        objr = (ob0, ob1, ob2)
        pb = (pb0, pb1, pb2)
        xc = (xc0, xc1, xc2)
        got = (g0, g1, g2)
        r12 = lax.broadcasted_iota(jnp.int32, (12, 128), 0)
        c12 = lax.broadcasted_iota(jnp.int32, (12, 128), 1)
        k12 = r12 * 128 + c12
        a12 = r12 >> 2
        tm12 = (k12 & 511) < _NT
        kcol = lax.broadcasted_iota(jnp.int32, (_KL, 1), 0)
        acol = kcol >> 9
        tmcol = (kcol & 511) < _NT
        bx = bm_ref[0]
        by = bm_ref[1]
        bw = bm_ref[2]
        bh = bm_ref[3]
        bwc = bwhc_ref[:, 0:1]
        bhc = bwhc_ref[:, 1:2]
        clsc = clsc_ref[:, 0:1]
        l_box = 0.0
        l_cls = 0.0
        l_obj = 0.0
        eps = 1e-7
        for i in range(_NL):
            ny, nx = _GRIDS[i]
            sgain = _STRIDES[i]

            def asel(av, c):
                s0 = anc_ref[i, 0, c]
                s1 = anc_ref[i, 1, c]
                s2 = anc_ref[i, 2, c]
                return jnp.where(av == 0, s0, jnp.where(av == 1, s1, s2))

            aw12 = asel(a12, 0)
            ah12 = asel(a12, 1)
            awc = asel(acol, 0)
            ahc = asel(acol, 1)
            rw = bw * (nx * sgain) / aw12
            rh = bh * (ny * sgain) / ah12
            m12 = (rw < 4.0) & (rw > 0.25) & (rh < 4.0) & (rh > 0.25) & tm12
            rwc = bwc * (nx * sgain) / awc
            rhc = bhc * (ny * sgain) / ahc
            mcol = ((rwc < 4.0) & (rwc > 0.25) & (rhc < 4.0) & (rhc > 0.25)
                    & tmcol)
            n = jnp.sum(jnp.where(m12, 1.0, 0.0))
            safe_n = jnp.maximum(n, 1.0)

            px = pb[i][0]
            py = pb[i][1]
            pw = pb[i][2]
            ph = pb[i][3]
            pobj = pb[i][4]
            sx = 1.0 / (1.0 + jnp.exp(-px))
            sy = 1.0 / (1.0 + jnp.exp(-py))
            sw = 1.0 / (1.0 + jnp.exp(-pw))
            sh = 1.0 / (1.0 + jnp.exp(-ph))
            pxy_x = sx * 2.0 - 0.5
            pxy_y = sy * 2.0 - 0.5
            pw_ = (sw * 2.0) ** 2 * aw12
            ph_ = (sh * 2.0) ** 2 * ah12
            gx = bx * nx
            gy = by * ny
            tbx = gx - gx.astype(jnp.int32).astype(jnp.float32)
            tby = gy - gy.astype(jnp.int32).astype(jnp.float32)
            tbw = bw * nx
            tbh = bh * ny
            b1x1 = pxy_x - pw_ * 0.5
            b1x2 = pxy_x + pw_ * 0.5
            b1y1 = pxy_y - ph_ * 0.5
            b1y2 = pxy_y + ph_ * 0.5
            b2x1 = tbx - tbw * 0.5
            b2x2 = tbx + tbw * 0.5
            b2y1 = tby - tbh * 0.5
            b2y2 = tby + tbh * 0.5
            iw = jnp.maximum(jnp.minimum(b1x2, b2x2)
                             - jnp.maximum(b1x1, b2x1), 0.0)
            ih = jnp.maximum(jnp.minimum(b1y2, b2y2)
                             - jnp.maximum(b1y1, b2y1), 0.0)
            inter = iw * ih
            union = pw_ * ph_ + tbw * tbh - inter + eps
            iou = inter / union
            cw = jnp.maximum(b1x2, b2x2) - jnp.minimum(b1x1, b2x1)
            ch = jnp.maximum(b1y2, b2y2) - jnp.minimum(b1y1, b2y1)
            c2 = cw * cw + ch * ch + eps
            rho2 = ((b2x1 + b2x2 - b1x1 - b1x2) ** 2
                    + (b2y1 + b2y2 - b1y1 - b1y2) ** 2) * 0.25
            dv = (_atan_pos(tbw / (tbh + eps)) - _atan_pos(pw_ / (ph_ + eps)))
            v = (4.0 / (jnp.pi ** 2)) * dv * dv
            alpha = v / (v - iou + (1.0 + eps))
            ciou = iou - (rho2 / c2 + v * alpha)
            box_sum = jnp.sum(jnp.where(m12, 1.0 - ciou, 0.0))
            l_box = l_box + jnp.where(n > 0.0, box_sum / safe_n, 0.0)

            winner = m12 & (got[i][:] == k12)
            tsum = jnp.sum(jnp.where(winner, pobj * jnp.maximum(ciou, 0.0),
                                     0.0))
            xo = objr[i][0]
            sp = (jnp.maximum(xo, 0.0)
                  + jnp.log(1.0 + jnp.exp(-jnp.abs(xo))))
            if _SSTR[i] * 128 > _ROWS[i]:
                ro = lax.broadcasted_iota(jnp.int32, xo.shape, 0)
                sp = jnp.where(ro >= _ROWS[i] // 128, 0.0, sp)
            sp_sum = jnp.sum(sp)
            l_obj = l_obj + (sp_sum - tsum) / float(_ROWS[i])

            xcls = xc[i][:]
            oh = lax.broadcasted_iota(jnp.int32, (_KL, _NC), 1) == clsc
            elem = (jnp.maximum(xcls, 0.0) - jnp.where(oh, xcls, 0.0)
                    + jnp.log(1.0 + jnp.exp(-jnp.abs(xcls))))
            cls_sum = jnp.sum(jnp.where(mcol, elem, 0.0))
            l_cls = l_cls + jnp.where(n > 0.0,
                                      cls_sum / (safe_n * float(_NC)), 0.0)

        def put(ref, v):
            ref[...] = jnp.full((1, 1), v, jnp.float32)

        put(lbox_o, l_box * (0.05 * _BS))
        put(lcls_o, l_cls * (0.5 * _BS))
        put(tot_o, (l_box * 0.05 + l_cls * 0.5 + l_obj) * _BS)

    smem = pl.BlockSpec(memory_space=pltpu.SMEM)
    out_shape = tuple(jax.ShapeDtypeStruct((1, 1), jnp.float32)
                      for _ in range(3))
    obj_specs = [pl.BlockSpec((1, s, 128), lambda g: (4, 0, 0))
                 for s in _SSTR]

    def full(a):
        nd = len(a.shape)
        return pl.BlockSpec(a.shape, lambda g, _n=nd: (0,) * _n)

    arrs = (*pbs, *xcs, *gots)
    tails = (bm, bwh_c, cls_c)
    return pl.pallas_call(
        body,
        grid=(1,),
        in_specs=([full(a) for a in arrs] + obj_specs
                  + [full(a) for a in tails] + [smem]),
        out_specs=[pl.BlockSpec((1, 1), lambda g: (0, 0))] * 3,
        out_shape=out_shape,
    )(*arrs, *objs, *tails, anchors)


def _transflat5d(p5, ostr):
    rows = _ROWS[2]

    def body(p_ref, o_ref):
        t = p_ref[...].reshape(rows, 85).T
        t = jnp.pad(t, ((0, 0), (0, ostr * 128 - rows)))
        o_ref[...] = t.reshape(85, ostr, 128)

    return pl.pallas_call(
        body,
        in_specs=[pl.BlockSpec(p5.shape, lambda: (0,) * 5)],
        out_specs=pl.BlockSpec((85, ostr, 128), lambda: (0, 0, 0)),
        out_shape=jax.ShapeDtypeStruct((85, ostr, 128), jnp.float32),
    )(p5)


def kernel(p0, p1, p2, anchors, bboxes, batch_idx, cls):
    p0f = p0.reshape(_ROWS[0], 85)
    p1f = p1.reshape(_ROWS[1], 85)
    p2f = p2.reshape(_ROWS[2], 85)
    batch_idx = batch_idx.astype(jnp.int32)
    cls = cls.astype(jnp.int32)

    anc_f = anchors.reshape(-1)
    bb_f = bboxes.reshape(-1)
    t2 = _transflat5d(p2, _SSTR[2])
    ps2, got2 = _sc_layer(2, t2.reshape(-1), anc_f, bb_f, batch_idx)
    t1 = _transflat(p1f, 15360, _SSTR[1])
    ps1, got1 = _sc_layer(1, t1.reshape(-1), anc_f, bb_f, batch_idx)
    t0 = _transflat(p0f, 12288, _SSTR[0])
    ps0, got0 = _sc_layer(0, t0.reshape(-1), anc_f, bb_f, batch_idx)
    ps0, ps1, ps2 = (p.reshape(_KL, _GW) for p in (ps0, ps1, ps2))
    objs = [t0, t1, t2]

    def tile3(v):
        vp = jnp.pad(v, (0, _KPA - _NT))
        return jnp.tile(vp, 3)

    bm = jnp.stack([tile3(bboxes[:, c]).reshape(12, 128) for c in range(4)])
    bwh_c = jnp.stack([tile3(bboxes[:, 2]), tile3(bboxes[:, 3])], axis=1)
    cls_c = tile3(cls).reshape(_KL, 1)

    pbs, xcs, gots = [], [], []
    for ps, got in ((ps0, got0), (ps1, got1), (ps2, got2)):
        pbs.append(ps[:, :5].T.reshape(5, 12, 128))
        xcs.append(ps[:, 5:85])
        gots.append(got.reshape(12, 128))

    lb, lc, tot = _final_losses(pbs, xcs, gots, objs, bm, bwh_c, cls_c,
                                anchors)
    return (lb.reshape(1), lc.reshape(1), tot.reshape(1))

# --- scband reference (transcript-rebuilt; emitter-appended) ---
"""Pipeline reference for scband-anchor-detection-loss-49254684950652 (READ-ONLY COPY).

The authoritative reference and input builder live on the scoring server;
editing this copy changes nothing except your own understanding.
"""

import jax, jax.numpy as jnp
import numpy as np

NL = 3
NA = 3
NC = 80
BS = 16
NT = 500
STRIDES = [8.0, 16.0, 32.0]
GRIDS = [(80, 80), (40, 40), (20, 20)]
BOX_GAIN = 0.05
CLS_GAIN = 0.5
OBJ_GAIN = 1.0
ANCHOR_VALS = np.array([[[10.0, 13.0], [16.0, 30.0], [33.0, 23.0]],
                        [[30.0, 61.0], [62.0, 45.0], [59.0, 119.0]],
                        [[116.0, 90.0], [156.0, 198.0], [373.0, 326.0]]], dtype=np.float32)


def setup_inputs(seed: int = 0):
    key = jax.random.key(seed)
    ks = jax.random.split(key, 6)
    inp = {}
    for i, (ny, nx) in enumerate(GRIDS):
        inp['p%d' % i] = jax.random.normal(ks[i], (BS, NA, ny, nx, NC + 5), dtype=jnp.float32)
    inp['anchors'] = jnp.asarray(ANCHOR_VALS)
    inp['bboxes'] = jax.random.uniform(ks[3], (NT, 4), dtype=jnp.float32, minval=0.02, maxval=0.98)
    inp['batch_idx'] = jax.random.randint(ks[4], (NT,), 0, BS)
    inp['cls'] = jax.random.randint(ks[5], (NT,), 0, NC)
    return inp


def _build_targets(bboxes, batch_idx, cls, anchors):
    out = []
    for i, (ny, nx) in enumerate(GRIDS):
        anc = anchors[i] / STRIDES[i]
        gain = jnp.array([nx, ny, nx, ny], dtype=jnp.float32)
        twh = bboxes[:, 2:4] * gain[2:4]
        r = twh[None, :, :] / anc[:, None, :]
        j = jnp.max(jnp.maximum(r, 1.0 / r), axis=2) < 4.0
        m = j.reshape(-1)
        a_idx = jnp.repeat(jnp.arange(NA, dtype=jnp.int32), NT)
        t_idx = jnp.tile(jnp.arange(NT, dtype=jnp.int32), NA)
        gxy = bboxes[t_idx, :2] * gain[:2]
        gij = gxy.astype(jnp.int32)
        gi = jnp.clip(gij[:, 0], 0, nx - 1)
        gj = jnp.clip(gij[:, 1], 0, ny - 1)
        out.append({'b': batch_idx[t_idx].astype(jnp.int32), 'a': a_idx,
                    'gj': gj, 'gi': gi, 'gij': gij.astype(jnp.float32),
                    'tidx': t_idx, 'tcls': cls[t_idx].astype(jnp.int32), 'm': m})
    return out


def _bce_logits_mean(x, t):
    return jnp.mean(jnp.maximum(x, 0.0) - x * t + jnp.log1p(jnp.exp(-jnp.abs(x))))


def _ciou(box1, box2, eps=1e-7):
    x1, y1, w1, h1 = box1[:, 0], box1[:, 1], box1[:, 2], box1[:, 3]
    x2, y2, w2, h2 = box2[:, 0], box2[:, 1], box2[:, 2], box2[:, 3]
    b1x1, b1x2 = x1 - w1 / 2, x1 + w1 / 2
    b1y1, b1y2 = y1 - h1 / 2, y1 + h1 / 2
    b2x1, b2x2 = x2 - w2 / 2, x2 + w2 / 2
    b2y1, b2y2 = y2 - h2 / 2, y2 + h2 / 2
    iw = jnp.clip(jnp.minimum(b1x2, b2x2) - jnp.maximum(b1x1, b2x1), 0.0)
    ih = jnp.clip(jnp.minimum(b1y2, b2y2) - jnp.maximum(b1y1, b2y1), 0.0)
    inter = iw * ih
    union = w1 * h1 + w2 * h2 - inter + eps
    iou = inter / union
    cw = jnp.maximum(b1x2, b2x2) - jnp.minimum(b1x1, b2x1)
    ch = jnp.maximum(b1y2, b2y2) - jnp.minimum(b1y1, b2y1)
    c2 = cw ** 2 + ch ** 2 + eps
    rho2 = ((b2x1 + b2x2 - b1x1 - b1x2) ** 2 + (b2y1 + b2y2 - b1y1 - b1y2) ** 2) / 4.0
    v = (4.0 / jnp.pi ** 2) * (jnp.arctan(w2 / (h2 + eps)) - jnp.arctan(w1 / (h1 + eps))) ** 2
    alpha = jax.lax.stop_gradient(v / (v - iou + (1.0 + eps)))
    return iou - (rho2 / c2 + v * alpha)


def _forward(preds, anchors, bboxes, tgt):
    l_cls = jnp.zeros((1,), jnp.float32)
    l_box = jnp.zeros((1,), jnp.float32)
    l_obj = jnp.zeros((1,), jnp.float32)
    for i, pi in enumerate(preds):
        ny, nx = GRIDS[i]
        ti = tgt[i]
        m = ti['m']
        n = jnp.sum(m.astype(jnp.float32))
        safe_n = jnp.maximum(n, 1.0)
        b, a, gj, gi = ti['b'], ti['a'], ti['gj'], ti['gi']
        ps = pi[b, a, gj, gi]
        gain = jnp.array([float(nx), float(ny), float(nx), float(ny)], jnp.float32)
        gxy = bboxes[ti['tidx'], :2] * gain[:2]
        gwh = bboxes[ti['tidx'], 2:4] * gain[2:4]
        tbox = jnp.concatenate([gxy - ti['gij'], gwh], axis=1)
        anch = anchors[i][a]
        pxy = jax.nn.sigmoid(ps[:, :2]) * 2.0 - 0.5
        pwh = (jax.nn.sigmoid(ps[:, 2:4]) * 2.0) ** 2 * anch
        pbox = jnp.concatenate([pxy, pwh], axis=1)
        iou = _ciou(pbox, tbox)
        box_sum = jnp.sum(jnp.where(m, 1.0 - iou, 0.0))
        l_box = l_box + jnp.where(n > 0.0, box_sum / safe_n, 0.0)
        b_sc = jnp.where(m, b, jnp.int32(BS))
        tobj = jnp.zeros(pi.shape[:-1], pi.dtype).at[b_sc, a, gj, gi].set(
            jnp.clip(jax.lax.stop_gradient(iou), 0.0), mode='drop')
        if NC > 1:
            t1 = jax.nn.one_hot(ti['tcls'], NC, dtype=ps.dtype)
            x = ps[:, 5:]
            elem = jnp.maximum(x, 0.0) - x * t1 + jnp.log1p(jnp.exp(-jnp.abs(x)))
            cls_sum = jnp.sum(jnp.where(m[:, None], elem, 0.0))
            l_cls = l_cls + jnp.where(n > 0.0, cls_sum / (safe_n * float(NC)), 0.0)
        l_obj = l_obj + _bce_logits_mean(pi[..., 4], tobj)
    bs = preds[0].shape[0]
    l_box = l_box * BOX_GAIN * bs
    l_obj = l_obj * OBJ_GAIN * bs
    l_cls = l_cls * CLS_GAIN * bs
    return (l_box, l_cls, l_box + l_obj + l_cls)


def reference(p0, p1, p2, anchors, bboxes, batch_idx, cls):
    tgt = _build_targets(bboxes, batch_idx, cls, anchors)
    return _forward([p0, p1, p2], anchors, bboxes, tgt)

if __name__ == "__main__":
    import jax
    _d = setup_inputs()
    print(jax.jit(kernel)(*tuple(_d.values())))

</pallas_src>

<mosaic_0001>
#map = affine_map<(d0, d1) -> (0)>
module attributes {stable_mosaic.version = 14 : i64} {
  func.func @k(%arg0: i32, %arg1: i32, %arg2: memref<26112000xf32, #tpu.memory_space<hbm>>, %arg3: memref<18xf32, #tpu.memory_space<hbm>>, %arg4: memref<2000xf32, #tpu.memory_space<hbm>>, %arg5: memref<500xi32, #tpu.memory_space<hbm>>, %arg6: memref<147456xf32, #tpu.memory_space<hbm>>, %arg7: memref<1536xi32, #tpu.memory_space<hbm>>, %arg8: memref<2000xf32, #tpu.memory_space<vmem>>, %arg9: memref<500xi32, #tpu.memory_space<vmem>>, %arg10: memref<18xf32, #tpu.memory_space<vmem>>, %arg11: memref<48xi32, #tpu.memory_space<vmem>>, %arg12: memref<96xi32, #tpu.memory_space<vmem>>, %arg13: memref<96xi32, #tpu.memory_space<vmem>>, %arg14: memref<96xi32, #tpu.memory_space<vmem>>, %arg15: memref<4608xi32, #tpu.memory_space<vmem>>, %arg16: memref<4608xf32, #tpu.memory_space<vmem>>, %arg17: memref<307216xi32, #tpu.memory_space<vmem_shared>>) attributes {dimension_semantics = [#tpu.dimension_semantics<core_parallel>, #tpu.dimension_semantics<subcore_parallel>], iteration_bounds = array<i64: 2, 16>, scalar_prefetch = 0 : i64, scratch_operands = 10 : i64, tpu.core_type = #tpu.core_type<sc_vector_subcore>, window_params = [{transform_indices = #map}, {transform_indices = #map}, {transform_indices = #map}, {transform_indices = #map}, {transform_indices = #map}, {transform_indices = #map}]} {
    %mul3A = arith.constant 2 : i32
    %mul3A_0 = arith.muli %arg1, %mul3A : i32
    %add3A = arith.addi %mul3A_0, %arg0 : i32
    "tpu.region"() ({
      %run_scoped3A = tpu.sem_alloc : memref<!tpu.dma_semaphore, #tpu.memory_space<semaphore_mem>>
      tpu.enqueue_dma source(%arg4 : memref<2000xf32, #tpu.memory_space<hbm>>) target(%arg8 : memref<2000xf32, #tpu.memory_space<vmem>>) target_semaphore(%run_scoped3A : memref<!tpu.dma_semaphore, #tpu.memory_space<semaphore_mem>>)
      tpu.wait_dma2 semaphore(%run_scoped3A : memref<!tpu.dma_semaphore, #tpu.memory_space<semaphore_mem>>) src(%arg4 : memref<2000xf32, #tpu.memory_space<hbm>>) dst(%arg8 : memref<2000xf32, #tpu.memory_space<vmem>>)
      tpu.yield
    }) : () -> ()
    "tpu.region"() ({
      %run_scoped3A = tpu.sem_alloc : memref<!tpu.dma_semaphore, #tpu.memory_space<semaphore_mem>>
      tpu.enqueue_dma source(%arg5 : memref<500xi32, #tpu.memory_space<hbm>>) target(%arg9 : memref<500xi32, #tpu.memory_space<vmem>>) target_semaphore(%run_scoped3A : memref<!tpu.dma_semaphore, #tpu.memory_space<semaphore_mem>>)
      tpu.wait_dma2 semaphore(%run_scoped3A : memref<!tpu.dma_semaphore, #tpu.memory_space<semaphore_mem>>) src(%arg5 : memref<500xi32, #tpu.memory_space<hbm>>) dst(%arg9 : memref<500xi32, #tpu.memory_space<vmem>>)
      tpu.yield
    }) : () -> ()
    "tpu.region"() ({
      %run_scoped3A = tpu.sem_alloc : memref<!tpu.dma_semaphore, #tpu.memory_space<semaphore_mem>>
      tpu.enqueue_dma source(%arg3 : memref<18xf32, #tpu.memory_space<hbm>>) target(%arg10 : memref<18xf32, #tpu.memory_space<vmem>>) target_semaphore(%run_scoped3A : memref<!tpu.dma_semaphore, #tpu.memory_space<semaphore_mem>>)
      tpu.wait_dma2 semaphore(%run_scoped3A : memref<!tpu.dma_semaphore, #tpu.memory_space<semaphore_mem>>) src(%arg3 : memref<18xf32, #tpu.memory_space<hbm>>) dst(%arg10 : memref<18xf32, #tpu.memory_space<vmem>>)
      tpu.yield
    }) : () -> ()
    %iota3A = tpu.iota {dimensions = array<i32: 0>} : vector<16xi32>
    %eq3A = arith.constant 0 : i32
    %eq3A_1 = arith.cmpi eq, %arg0, %eq3A : i32
    %convert_element_type3A = arith.extui %eq3A_1 : i1 to i32
    %cond3A = arith.constant 0 : i32
    %cond3A_2 = arith.cmpi ne, %convert_element_type3A, %cond3A : i32
    scf.if %cond3A_2 {
      %mul3A_320 = arith.constant 96 : i32
      %mul3A_321 = arith.muli %arg1, %mul3A_320 : i32
      %add3A_322 = arith.constant 0 : i32
      %add3A_323 = arith.addi %mul3A_321, %add3A_322 : i32
      %add3A_324 = vector.broadcast %add3A_323 : i32 to vector<16xi32>
      %add3A_325 = arith.addi %add3A_324, %iota3A : vector<16xi32>
      %shift_right_arithmetic3A_326 = arith.constant 9 : i32
      %shift_right_arithmetic3A_327 = vector.broadcast %shift_right_arithmetic3A_326 : i32 to vector<16xi32>
      %shift_right_arithmetic3A_328 = arith.shrsi %add3A_325, %shift_right_arithmetic3A_327 : vector<16xi32>
      %and3A_329 = arith.constant 511 : i32
      %and3A_330 = vector.broadcast %and3A_329 : i32 to vector<16xi32>
      %and3A_331 = arith.andi %add3A_325, %and3A_330 : vector<16xi32>
      %lt3A_332 = arith.constant 500 : i32
      %lt3A_333 = vector.broadcast %lt3A_332 : i32 to vector<16xi32>
      %lt3A_334 = arith.cmpi slt, %and3A_331, %lt3A_333 : vector<16xi32>
      %min3A_335 = arith.constant 499 : i32
      %min3A_336 = vector.broadcast %min3A_335 : i32 to vector<16xi32>
      %min3A_337 = arith.minsi %and3A_331, %min3A_336 : vector<16xi32>
      %mul3A_338 = arith.constant 4 : i32
      %mul3A_339 = vector.broadcast %mul3A_338 : i32 to vector<16xi32>
      %mul3A_340 = arith.muli %min3A_337, %mul3A_339 : vector<16xi32>
      %gather3A_341 = tpu.vector_load_idx %arg8[%mul3A_340] : memref<2000xf32, #tpu.memory_space<vmem>>[vector<16xi32>], vector<16xf32>,
      %add3A_342 = arith.constant 1 : i32
      %add3A_343 = vector.broadcast %add3A_342 : i32 to vector<16xi32>
      %add3A_344 = arith.addi %mul3A_340, %add3A_343 : vector<16xi32>
      %gather3A_345 = tpu.vector_load_idx %arg8[%add3A_344] : memref<2000xf32, #tpu.memory_space<vmem>>[vector<16xi32>], vector<16xf32>,
      %add3A_346 = arith.constant 2 : i32
      %add3A_347 = vector.broadcast %add3A_346 : i32 to vector<16xi32>
      %add3A_348 = arith.addi %mul3A_340, %add3A_347 : vector<16xi32>
      %gather3A_349 = tpu.vector_load_idx %arg8[%add3A_348] : memref<2000xf32, #tpu.memory_space<vmem>>[vector<16xi32>], vector<16xf32>,
      %add3A_350 = arith.constant 3 : i32
      %add3A_351 = vector.broadcast %add3A_350 : i32 to vector<16xi32>
      %add3A_352 = arith.addi %mul3A_340, %add3A_351 : vector<16xi32>
      %gather3A_353 = tpu.vector_load_idx %arg8[%add3A_352] : memref<2000xf32, #tpu.memory_space<vmem>>[vector<16xi32>], vector<16xf32>,
      %gather3A_354 = tpu.vector_load_idx %arg9[%min3A_337] : memref<500xi32, #tpu.memory_space<vmem>>[vector<16xi32>], vector<16xi32>,
      %add3A_355 = arith.constant 0 : i32
      %add3A_356 = vector.broadcast %add3A_355 : i32 to vector<16xi32>
      %add3A_357 = arith.addi %add3A_356, %shift_right_arithmetic3A_328 : vector<16xi32>
      %mul3A_358 = arith.constant 2 : i32
      %mul3A_359 = vector.broadcast %mul3A_358 : i32 to vector<16xi32>
      %mul3A_360 = arith.muli %add3A_357, %mul3A_359 : vector<16xi32>
      %gather3A_361 = tpu.vector_load_idx %arg10[%mul3A_360] : memref<18xf32, #tpu.memory_space<vmem>>[vector<16xi32>], vector<16xf32>,
      %add3A_362 = arith.constant 1 : i32
      %add3A_363 = vector.broadcast %add3A_362 : i32 to vector<16xi32>
      %add3A_364 = arith.addi %mul3A_360, %add3A_363 : vector<16xi32>
      %gather3A_365 = tpu.vector_load_idx %arg10[%add3A_364] : memref<18xf32, #tpu.memory_space<vmem>>[vector<16xi32>], vector<16xf32>,
      %mul3A_366 = arith.constant 6.400000e+02 : f32
      %mul3A_367 = vector.broadcast %mul3A_366 : f32 to vector<16xf32>
      %mul3A_368 = arith.mulf %gather3A_349, %mul3A_367 : vector<16xf32>
      %div3A_369 = arith.divf %mul3A_368, %gather3A_361 : vector<16xf32>
      %mul3A_370 = arith.constant 6.400000e+02 : f32
      %mul3A_371 = vector.broadcast %mul3A_370 : f32 to vector<16xf32>
      %mul3A_372 = arith.mulf %gather3A_353, %mul3A_371 : vector<16xf32>
      %div3A_373 = arith.divf %mul3A_372, %gather3A_365 : vector<16xf32>
      %lt3A_374 = arith.constant 4.000000e+00 : f32
      %lt3A_375 = vector.broadcast %lt3A_374 : f32 to vector<16xf32>
      %lt3A_376 = arith.cmpf olt, %div3A_369, %lt3A_375 : vector<16xf32>
      %gt3A_377 = arith.constant 2.500000e-01 : f32
      %gt3A_378 = vector.broadcast %gt3A_377 : f32 to vector<16xf32>
      %gt3A_379 = arith.cmpf ogt, %div3A_369, %gt3A_378 : vector<16xf32>
      %and3A_380 = arith.andi %lt3A_376, %gt3A_379 : vector<16xi1>
      %lt3A_381 = arith.constant 4.000000e+00 : f32
      %lt3A_382 = vector.broadcast %lt3A_381 : f32 to vector<16xf32>
      %lt3A_383 = arith.cmpf olt, %div3A_373, %lt3A_382 : vector<16xf32>
      %and3A_384 = arith.andi %and3A_380, %lt3A_383 : vector<16xi1>
      %gt3A_385 = arith.constant 2.500000e-01 : f32
      %gt3A_386 = vector.broadcast %gt3A_385 : f32 to vector<16xf32>
      %gt3A_387 = arith.cmpf ogt, %div3A_373, %gt3A_386 : vector<16xf32>
      %and3A_388 = arith.andi %and3A_384, %gt3A_387 : vector<16xi1>
      %and3A_389 = arith.andi %and3A_388, %lt3A_334 : vector<16xi1>
      %mul3A_390 = arith.constant 8.000000e+01 : f32
      %mul3A_391 = vector.broadcast %mul3A_390 : f32 to vector<16xf32>
      %mul3A_392 = arith.mulf %gather3A_341, %mul3A_391 : vector<16xf32>
      %mul3A_393 = arith.constant 8.000000e+01 : f32
      %mul3A_394 = vector.broadcast %mul3A_393 : f32 to vector<16xf32>
      %mul3A_395 = arith.mulf %gather3A_345, %mul3A_394 : vector<16xf32>
      %convert_element_type3A_396 = arith.fptosi %mul3A_392 : vector<16xf32> to vector<16xi32>
      %jit3A_397 = arith.constant 0 : i32
      %jit3A_398 = arith.constant 79 : i32
      %max3A_399 = vector.broadcast %jit3A_397 : i32 to vector<16xi32>
      %max3A_400 = arith.maxsi %max3A_399, %convert_element_type3A_396 : vector<16xi32>
      %min3A_401 = vector.broadcast %jit3A_398 : i32 to vector<16xi32>
      %min3A_402 = arith.minsi %min3A_401, %max3A_400 : vector<16xi32>
      %convert_element_type3A_403 = arith.fptosi %mul3A_395 : vector<16xf32> to vector<16xi32>
      %jit3A_404 = arith.constant 0 : i32
      %jit3A_405 = arith.constant 79 : i32
      %max3A_406 = vector.broadcast %jit3A_404 : i32 to vector<16xi32>
      %max3A_407 = arith.maxsi %max3A_406, %convert_element_type3A_403 : vector<16xi32>
      %min3A_408 = vector.broadcast %jit3A_405 : i32 to vector<16xi32>
      %min3A_409 = arith.minsi %min3A_408, %max3A_407 : vector<16xi32>
      %mul3A_410 = arith.constant 3 : i32
      %mul3A_411 = vector.broadcast %mul3A_410 : i32 to vector<16xi32>
      %mul3A_412 = arith.muli %gather3A_354, %mul3A_411 : vector<16xi32>
      %add3A_413 = arith.addi %mul3A_412, %shift_right_arithmetic3A_328 : vector<16xi32>
      %mul3A_414 = arith.constant 80 : i32
      %mul3A_415 = vector.broadcast %mul3A_414 : i32 to vector<16xi32>
      %mul3A_416 = arith.muli %add3A_413, %mul3A_415 : vector<16xi32>
      %add3A_417 = arith.addi %mul3A_416, %min3A_409 : vector<16xi32>
      %mul3A_418 = arith.constant 80 : i32
      %mul3A_419 = vector.broadcast %mul3A_418 : i32 to vector<16xi32>
      %mul3A_420 = arith.muli %add3A_417, %mul3A_419 : vector<16xi32>
      %add3A_421 = arith.addi %mul3A_420, %min3A_402 : vector<16xi32>
      %jit3A_422 = arith.constant 307200 : i32
      %broadcast_in_dim3A = vector.broadcast %jit3A_422 : i32 to vector<16xi32>
      %select_n3A = arith.select %and3A_389, %add3A_421, %broadcast_in_dim3A : vector<16xi1>, vector<16xi32>
      %swap3A_423 = arith.constant 0 : index
      %swap3A_424 = tpu.vector_load %arg12[%swap3A_423] {strides = array<i32>} : memref<96xi32, #tpu.memory_space<vmem>>, vector<16xi32>,
      tpu.vector_store %arg12[%swap3A_423], %select_n3A {strides = array<i32>} : memref<96xi32, #tpu.memory_space<vmem>>, vector<16xi32>,
      %swap3A_425 = arith.constant 0 : index
      %swap3A_426 = tpu.vector_load %arg13[%swap3A_425] {strides = array<i32>} : memref<96xi32, #tpu.memory_space<vmem>>, vector<16xi32>,
      tpu.vector_store %arg13[%swap3A_425], %add3A_325 {strides = array<i32>} : memref<96xi32, #tpu.memory_space<vmem>>, vector<16xi32>,
      %mul3A_427 = arith.constant 96 : i32
      %mul3A_428 = arith.muli %arg1, %mul3A_427 : i32
      %add3A_429 = arith.constant 16 : i32
      %add3A_430 = arith.addi %mul3A_428, %add3A_429 : i32
      %add3A_431 = vector.broadcast %add3A_430 : i32 to vector<16xi32>
      %add3A_432 = arith.addi %add3A_431, %iota3A : vector<16xi32>
      %shift_right_arithmetic3A_433 = arith.constant 9 : i32
      %shift_right_arithmetic3A_434 = vector.broadcast %shift_right_arithmetic3A_433 : i32 to vector<16xi32>
      %shift_right_arithmetic3A_435 = arith.shrsi %add3A_432, %shift_right_arithmetic3A_434 : vector<16xi32>
      %and3A_436 = arith.constant 511 : i32
      %and3A_437 = vector.broadcast %and3A_436 : i32 to vector<16xi32>
      %and3A_438 = arith.andi %add3A_432, %and3A_437 : vector<16xi32>
      %lt3A_439 = arith.constant 500 : i32
      %lt3A_440 = vector.broadcast %lt3A_439 : i32 to vector<16xi32>
      %lt3A_441 = arith.cmpi slt, %and3A_438, %lt3A_440 : vector<16xi32>
      %min3A_442 = arith.constant 499 : i32
      %min3A_443 = vector.broadcast %min3A_442 : i32 to vector<16xi32>
      %min3A_444 = arith.minsi %and3A_438, %min3A_443 : vector<16xi32>
      %mul3A_445 = arith.constant 4 : i32
      %mul3A_446 = vector.broadcast %mul3A_445 : i32 to vector<16xi32>
      %mul3A_447 = arith.muli %min3A_444, %mul3A_446 : vector<16xi32>
      %gather3A_448 = tpu.vector_load_idx %arg8[%mul3A_447] : memref<2000xf32, #tpu.memory_space<vmem>>[vector<16xi32>], vector<16xf32>,
      %add3A_449 = arith.constant 1 : i32
      %add3A_450 = vector.broadcast %add3A_449 : i32 to vector<16xi32>
      %add3A_451 = arith.addi %mul3A_447, %add3A_450 : vector<16xi32>
      %gather3A_452 = tpu.vector_load_idx %arg8[%add3A_451] : memref<2000xf32, #tpu.memory_space<vmem>>[vector<16xi32>], vector<16xf32>,
      %add3A_453 = arith.constant 2 : i32
      %add3A_454 = vector.broadcast %add3A_453 : i32 to vector<16xi32>
      %add3A_455 = arith.addi %mul3A_447, %add3A_454 : vector<16xi32>
      %gather3A_456 = tpu.vector_load_idx %arg8[%add3A_455] : memref<2000xf32, #tpu.memory_space<vmem>>[vector<16xi32>], vector<16xf32>,
      %add3A_457 = arith.constant 3 : i32
      %add3A_458 = vector.broadcast %add3A_457 : i32 to vector<16xi32>
      %add3A_459 = arith.addi %mul3A_447, %add3A_458 : vector<16xi32>
      %gather3A_460 = tpu.vector_load_idx %arg8[%add3A_459] : memref<2000xf32, #tpu.memory_space<vmem>>[vector<16xi32>], vector<16xf32>,
      %gather3A_461 = tpu.vector_load_idx %arg9[%min3A_444] : memref<500xi32, #tpu.memory_space<vmem>>[vector<16xi32>], vector<16xi32>,
      %add3A_462 = arith.constant 0 : i32
      %add3A_463 = vector.broadcast %add3A_462 : i32 to vector<16xi32>
      %add3A_464 = arith.addi %add3A_463, %shift_right_arithmetic3A_435 : vector<16xi32>
      %mul3A_465 = arith.constant 2 : i32
      %mul3A_466 = vector.broadcast %mul3A_465 : i32 to vector<16xi32>
      %mul3A_467 = arith.muli %add3A_464, %mul3A_466 : vector<16xi32>
      %gather3A_468 = tpu.vector_load_idx %arg10[%mul3A_467] : memref<18xf32, #tpu.memory_space<vmem>>[vector<16xi32>], vector<16xf32>,
      %add3A_469 = arith.constant 1 : i32
      %add3A_470 = vector.broadcast %add3A_469 : i32 to vector<16xi32>
      %add3A_471 = arith.addi %mul3A_467, %add3A_470 : vector<16xi32>
      %gather3A_472 = tpu.vector_load_idx %arg10[%add3A_471] : memref<18xf32, #tpu.memory_space<vmem>>[vector<16xi32>], vector<16xf32>,
      %mul3A_473 = arith.constant 6.400000e+02 : f32
      %mul3A_474 = vector.broadcast %mul3A_473 : f32 to vector<16xf32>
      %mul3A_475 = arith.mulf %gather3A_456, %mul3A_474 : vector<16xf32>
      %div3A_476 = arith.divf %mul3A_475, %gather3A_468 : vector<16xf32>
      %mul3A_477 = arith.constant 6.400000e+02 : f32
      %mul3A_478 = vector.broadcast %mul3A_477 : f32 to vector<16xf32>
      %mul3A_479 = arith.mulf %gather3A_460, %mul3A_478 : vector<16xf32>
      %div3A_480 = arith.divf %mul3A_479, %gather3A_472 : vector<16xf32>
      %lt3A_481 = arith.constant 4.000000e+00 : f32
      %lt3A_482 = vector.broadcast %lt3A_481 : f32 to vector<16xf32>
      %lt3A_483 = arith.cmpf olt, %div3A_476, %lt3A_482 : vector<16xf32>
      %gt3A_484 = arith.constant 2.500000e-01 : f32
      %gt3A_485 = vector.broadcast %gt3A_484 : f32 to vector<16xf32>
      %gt3A_486 = arith.cmpf ogt, %div3A_476, %gt3A_485 : vector<16xf32>
      %and3A_487 = arith.andi %lt3A_483, %gt3A_486 : vector<16xi1>
      %lt3A_488 = arith.constant 4.000000e+00 : f32
      %lt3A_489 = vector.broadcast %lt3A_488 : f32 to vector<16xf32>
      %lt3A_490 = arith.cmpf olt, %div3A_480, %lt3A_489 : vector<16xf32>
      %and3A_491 = arith.andi %and3A_487, %lt3A_490 : vector<16xi1>
      %gt3A_492 = arith.constant 2.500000e-01 : f32
      %gt3A_493 = vector.broadcast %gt3A_492 : f32 to vector<16xf32>
      %gt3A_494 = arith.cmpf ogt, %div3A_480, %gt3A_493 : vector<16xf32>
      %and3A_495 = arith.andi %and3A_491, %gt3A_494 : vector<16xi1>
      %and3A_496 = arith.andi %and3A_495, %lt3A_441 : vector<16xi1>
      %mul3A_497 = arith.constant 8.000000e+01 : f32
      %mul3A_498 = vector.broadcast %mul3A_497 : f32 to vector<16xf32>
      %mul3A_499 = arith.mulf %gather3A_448, %mul3A_498 : vector<16xf32>
      %mul3A_500 = arith.constant 8.000000e+01 : f32
      %mul3A_501 = vector.broadcast %mul3A_500 : f32 to vector<16xf32>
      %mul3A_502 = arith.mulf %gather3A_452, %mul3A_501 : vector<16xf32>
      %convert_element_type3A_503 = arith.fptosi %mul3A_499 : vector<16xf32> to vector<16xi32>
      %jit3A_504 = arith.constant 0 : i32
      %jit3A_505 = arith.constant 79 : i32
      %max3A_506 = vector.broadcast %jit3A_504 : i32 to vector<16xi32>
      %max3A_507 = arith.maxsi %max3A_506, %convert_element_type3A_503 : vector<16xi32>
      %min3A_508 = vector.broadcast %jit3A_505 : i32 to vector<16xi32>
      %min3A_509 = arith.minsi %min3A_508, %max3A_507 : vector<16xi32>
      %convert_element_type3A_510 = arith.fptosi %mul3A_502 : vector<16xf32> to vector<16xi32>
      %jit3A_511 = arith.constant 0 : i32
      %jit3A_512 = arith.constant 79 : i32
      %max3A_513 = vector.broadcast %jit3A_511 : i32 to vector<16xi32>
      %max3A_514 = arith.maxsi %max3A_513, %convert_element_type3A_510 : vector<16xi32>
      %min3A_515 = vector.broadcast %jit3A_512 : i32 to vector<16xi32>
      %min3A_516 = arith.minsi %min3A_515, %max3A_514 : vector<16xi32>
      %mul3A_517 = arith.constant 3 : i32
      %mul3A_518 = vector.broadcast %mul3A_517 : i32 to vector<16xi32>
      %mul3A_519 = arith.muli %gather3A_461, %mul3A_518 : vector<16xi32>
      %add3A_520 = arith.addi %mul3A_519, %shift_right_arithmetic3A_435 : vector<16xi32>
      %mul3A_521 = arith.constant 80 : i32
      %mul3A_522 = vector.broadcast %mul3A_521 : i32 to vector<16xi32>
      %mul3A_523 = arith.muli %add3A_520, %mul3A_522 : vector<16xi32>
      %add3A_524 = arith.addi %mul3A_523, %min3A_516 : vector<16xi32>
      %mul3A_525 = arith.constant 80 : i32
      %mul3A_526 = vector.broadcast %mul3A_525 : i32 to vector<16xi32>
      %mul3A_527 = arith.muli %add3A_524, %mul3A_526 : vector<16xi32>
      %add3A_528 = arith.addi %mul3A_527, %min3A_509 : vector<16xi32>
      %jit3A_529 = arith.constant 307200 : i32
      %broadcast_in_dim3A_530 = vector.broadcast %jit3A_529 : i32 to vector<16xi32>
      %select_n3A_531 = arith.select %and3A_496, %add3A_528, %broadcast_in_dim3A_530 : vector<16xi1>, vector<16xi32>
      %swap3A_532 = arith.constant 16 : index
      %swap3A_533 = tpu.vector_load %arg12[%swap3A_532] {strides = array<i32>} : memref<96xi32, #tpu.memory_space<vmem>>, vector<16xi32>,
      tpu.vector_store %arg12[%swap3A_532], %select_n3A_531 {strides = array<i32>} : memref<96xi32, #tpu.memory_space<vmem>>, vector<16xi32>,
      %swap3A_534 = arith.constant 16 : index
      %swap3A_535 = tpu.vector_load %arg13[%swap3A_534] {strides = array<i32>} : memref<96xi32, #tpu.memory_space<vmem>>, vector<16xi32>,
      tpu.vector_store %arg13[%swap3A_534], %add3A_432 {strides = array<i32>} : memref<96xi32, #tpu.memory_space<vmem>>, vector<16xi32>,
      %mul3A_536 = arith.constant 96 : i32
      %mul3A_537 = arith.muli %arg1, %mul3A_536 : i32
      %add3A_538 = arith.constant 32 : i32
      %add3A_539 = arith.addi %mul3A_537, %add3A_538 : i32
      %add3A_540 = vector.broadcast %add3A_539 : i32 to vector<16xi32>
      %add3A_541 = arith.addi %add3A_540, %iota3A : vector<16xi32>
      %shift_right_arithmetic3A_542 = arith.constant 9 : i32
      %shift_right_arithmetic3A_543 = vector.broadcast %shift_right_arithmetic3A_542 : i32 to vector<16xi32>
      %shift_right_arithmetic3A_544 = arith.shrsi %add3A_541, %shift_right_arithmetic3A_543 : vector<16xi32>
      %and3A_545 = arith.constant 511 : i32
      %and3A_546 = vector.broadcast %and3A_545 : i32 to vector<16xi32>
      %and3A_547 = arith.andi %add3A_541, %and3A_546 : vector<16xi32>
      %lt3A_548 = arith.constant 500 : i32
      %lt3A_549 = vector.broadcast %lt3A_548 : i32 to vector<16xi32>
      %lt3A_550 = arith.cmpi slt, %and3A_547, %lt3A_549 : vector<16xi32>
      %min3A_551 = arith.constant 499 : i32
      %min3A_552 = vector.broadcast %min3A_551 : i32 to vector<16xi32>
      %min3A_553 = arith.minsi %and3A_547, %min3A_552 : vector<16xi32>
      %mul3A_554 = arith.constant 4 : i32
      %mul3A_555 = vector.broadcast %mul3A_554 : i32 to vector<16xi32>
      %mul3A_556 = arith.muli %min3A_553, %mul3A_555 : vector<16xi32>
      %gather3A_557 = tpu.vector_load_idx %arg8[%mul3A_556] : memref<2000xf32, #tpu.memory_space<vmem>>[vector<16xi32>], vector<16xf32>,
      %add3A_558 = arith.constant 1 : i32
      %add3A_559 = vector.broadcast %add3A_558 : i32 to vector<16xi32>
      %add3A_560 = arith.addi %mul3A_556, %add3A_559 : vector<16xi32>
      %gather3A_561 = tpu.vector_load_idx %arg8[%add3A_560] : memref<2000xf32, #tpu.memory_space<vmem>>[vector<16xi32>], vector<16xf32>,
      %add3A_562 = arith.constant 2 : i32
      %add3A_563 = vector.broadcast %add3A_562 : i32 to vector<16xi32>
      %add3A_564 = arith.addi %mul3A_556, %add3A_563 : vector<16xi32>
      %gather3A_565 = tpu.vector_load_idx %arg8[%add3A_564] : memref<2000xf32, #tpu.memory_space<vmem>>[vector<16xi32>], vector<16xf32>,
      %add3A_566 = arith.constant 3 : i32
      %add3A_567 = vector.broadcast %add3A_566 : i32 to vector<16xi32>
      %add3A_568 = arith.addi %mul3A_556, %add3A_567 : vector<16xi32>
      %gather3A_569 = tpu.vector_load_idx %arg8[%add3A_568] : memref<2000xf32, #tpu.memory_space<vmem>>[vector<16xi32>], vector<16xf32>,
      %gather3A_570 = tpu.vector_load_idx %arg9[%min3A_553] : memref<500xi32, #tpu.memory_space<vmem>>[vector<16xi32>], vector<16xi32>,
      %add3A_571 = arith.constant 0 : i32
      %add3A_572 = vector.broadcast %add3A_571 : i32 to vector<16xi32>
      %add3A_573 = arith.addi %add3A_572, %shift_right_arithmetic3A_544 : vector<16xi32>
      %mul3A_574 = arith.constant 2 : i32
      %mul3A_575 = vector.broadcast %mul3A_574 : i32 to vector<16xi32>
      %mul3A_576 = arith.muli %add3A_573, %mul3A_575 : vector<16xi32>
      %gather3A_577 = tpu.vector_load_idx %arg10[%mul3A_576] : memref<18xf32, #tpu.memory_space<vmem>>[vector<16xi32>], vector<16xf32>,
      %add3A_578 = arith.constant 1 : i32
      %add3A_579 = vector.broadcast %add3A_578 : i32 to vector<16xi32>
      %add3A_580 = arith.addi %mul3A_576, %add3A_579 : vector<16xi32>
      %gather3A_581 = tpu.vector_load_idx %arg10[%add3A_580] : memref<18xf32, #tpu.memory_space<vmem>>[vector<16xi32>], vector<16xf32>,
      %mul3A_582 = arith.constant 6.400000e+02 : f32
      %mul3A_583 = vector.broadcast %mul3A_582 : f32 to vector<16xf32>
      %mul3A_584 = arith.mulf %gather3A_565, %mul3A_583 : vector<16xf32>
      %div3A_585 = arith.divf %mul3A_584, %gather3A_577 : vector<16xf32>
      %mul3A_586 = arith.constant 6.400000e+02 : f32
      %mul3A_587 = vector.broadcast %mul3A_586 : f32 to vector<16xf32>
      %mul3A_588 = arith.mulf %gather3A_569, %mul3A_587 : vector<16xf32>
      %div3A_589 = arith.divf %mul3A_588, %gather3A_581 : vector<16xf32>
      %lt3A_590 = arith.constant 4.000000e+00 : f32
      %lt3A_591 = vector.broadcast %lt3A_590 : f32 to vector<16xf32>
      %lt3A_592 = arith.cmpf olt, %div3A_585, %lt3A_591 : vector<16xf32>
      %gt3A_593 = arith.constant 2.500000e-01 : f32
      %gt3A_594 = vector.broadcast %gt3A_593 : f32 to vector<16xf32>
      %gt3A_595 = arith.cmpf ogt, %div3A_585, %gt3A_594 : vector<16xf32>
      %and3A_596 = arith.andi %lt3A_592, %gt3A_595 : vector<16xi1>
      %lt3A_597 = arith.constant 4.000000e+00 : f32
      %lt3A_598 = vector.broadcast %lt3A_597 : f32 to vector<16xf32>
      %lt3A_599 = arith.cmpf olt, %div3A_589, %lt3A_598 : vector<16xf32>
      %and3A_600 = arith.andi %and3A_596, %lt3A_599 : vector<16xi1>
      %gt3A_601 = arith.constant 2.500000e-01 : f32
      %gt3A_602 = vector.broadcast %gt3A_601 : f32 to vector<16xf32>
      %gt3A_603 = arith.cmpf ogt, %div3A_589, %gt3A_602 : vector<16xf32>
      %and3A_604 = arith.andi %and3A_600, %gt3A_603 : vector<16xi1>
      %and3A_605 = arith.andi %and3A_604, %lt3A_550 : vector<16xi1>
      %mul3A_606 = arith.constant 8.000000e+01 : f32
      %mul3A_607 = vector.broadcast %mul3A_606 : f32 to vector<16xf32>
      %mul3A_608 = arith.mulf %gather3A_557, %mul3A_607 : vector<16xf32>
      %mul3A_609 = arith.constant 8.000000e+01 : f32
      %mul3A_610 = vector.broadcast %mul3A_609 : f32 to vector<16xf32>
      %mul3A_611 = arith.mulf %gather3A_561, %mul3A_610 : vector<16xf32>
      %convert_element_type3A_612 = arith.fptosi %mul3A_608 : vector<16xf32> to vector<16xi32>
      %jit3A_613 = arith.constant 0 : i32
      %jit3A_614 = arith.constant 79 : i32
      %max3A_615 = vector.broadcast %jit3A_613 : i32 to vector<16xi32>
      %max3A_616 = arith.maxsi %max3A_615, %convert_element_type3A_612 : vector<16xi32>
      %min3A_617 = vector.broadcast %jit3A_614 : i32 to vector<16xi32>
      %min3A_618 = arith.minsi %min3A_617, %max3A_616 : vector<16xi32>
      %convert_element_type3A_619 = arith.fptosi %mul3A_611 : vector<16xf32> to vector<16xi32>
      %jit3A_620 = arith.constant 0 : i32
      %jit3A_621 = arith.constant 79 : i32
      %max3A_622 = vector.broadcast %jit3A_620 : i32 to vector<16xi32>
      %max3A_623 = arith.maxsi %max3A_622, %convert_element_type3A_619 : vector<16xi32>
      %min3A_624 = vector.broadcast %jit3A_621 : i32 to vector<16xi32>
      %min3A_625 = arith.minsi %min3A_624, %max3A_623 : vector<16xi32>
      %mul3A_626 = arith.constant 3 : i32
      %mul3A_627 = vector.broadcast %mul3A_626 : i32 to vector<16xi32>
      %mul3A_628 = arith.muli %gather3A_570, %mul3A_627 : vector<16xi32>
      %add3A_629 = arith.addi %mul3A_628, %shift_right_arithmetic3A_544 : vector<16xi32>
      %mul3A_630 = arith.constant 80 : i32
      %mul3A_631 = vector.broadcast %mul3A_630 : i32 to vector<16xi32>
      %mul3A_632 = arith.muli %add3A_629, %mul3A_631 : vector<16xi32>
      %add3A_633 = arith.addi %mul3A_632, %min3A_625 : vector<16xi32>
      %mul3A_634 = arith.constant 80 : i32
      %mul3A_635 = vector.broadcast %mul3A_634 : i32 to vector<16xi32>
      %mul3A_636 = arith.muli %add3A_633, %mul3A_635 : vector<16xi32>
      %add3A_637 = arith.addi %mul3A_636, %min3A_618 : vector<16xi32>
      %jit3A_638 = arith.constant 307200 : i32
      %broadcast_in_dim3A_639 = vector.broadcast %jit3A_638 : i32 to vector<16xi32>
      %select_n3A_640 = arith.select %and3A_605, %add3A_637, %broadcast_in_dim3A_639 : vector<16xi1>, vector<16xi32>
      %swap3A_641 = arith.constant 32 : index
      %swap3A_642 = tpu.vector_load %arg12[%swap3A_641] {strides = array<i32>} : memref<96xi32, #tpu.memory_space<vmem>>, vector<16xi32>,
      tpu.vector_store %arg12[%swap3A_641], %select_n3A_640 {strides = array<i32>} : memref<96xi32, #tpu.memory_space<vmem>>, vector<16xi32>,
      %swap3A_643 = arith.constant 32 : index
      %swap3A_644 = tpu.vector_load %arg13[%swap3A_643] {strides = array<i32>} : memref<96xi32, #tpu.memory_space<vmem>>, vector<16xi32>,
      tpu.vector_store %arg13[%swap3A_643], %add3A_541 {strides = array<i32>} : memref<96xi32, #tpu.memory_space<vmem>>, vector<16xi32>,
      %mul3A_645 = arith.constant 96 : i32
      %mul3A_646 = arith.muli %arg1, %mul3A_645 : i32
      %add3A_647 = arith.constant 48 : i32
      %add3A_648 = arith.addi %mul3A_646, %add3A_647 : i32
      %add3A_649 = vector.broadcast %add3A_648 : i32 to vector<16xi32>
      %add3A_650 = arith.addi %add3A_649, %iota3A : vector<16xi32>
      %shift_right_arithmetic3A_651 = arith.constant 9 : i32
      %shift_right_arithmetic3A_652 = vector.broadcast %shift_right_arithmetic3A_651 : i32 to vector<16xi32>
      %shift_right_arithmetic3A_653 = arith.shrsi %add3A_650, %shift_right_arithmetic3A_652 : vector<16xi32>
      %and3A_654 = arith.constant 511 : i32
      %and3A_655 = vector.broadcast %and3A_654 : i32 to vector<16xi32>
      %and3A_656 = arith.andi %add3A_650, %and3A_655 : vector<16xi32>
      %lt3A_657 = arith.constant 500 : i32
      %lt3A_658 = vector.broadcast %lt3A_657 : i32 to vector<16xi32>
      %lt3A_659 = arith.cmpi slt, %and3A_656, %lt3A_658 : vector<16xi32>
      %min3A_660 = arith.constant 499 : i32
      %min3A_661 = vector.broadcast %min3A_660 : i32 to vector<16xi32>
      %min3A_662 = arith.minsi %and3A_656, %min3A_661 : vector<16xi32>
      %mul3A_663 = arith.constant 4 : i32
      %mul3A_664 = vector.broadcast %mul3A_663 : i32 to vector<16xi32>
      %mul3A_665 = arith.muli %min3A_662, %mul3A_664 : vector<16xi32>
      %gather3A_666 = tpu.vector_load_idx %arg8[%mul3A_665] : memref<2000xf32, #tpu.memory_space<vmem>>[vector<16xi32>], vector<16xf32>,
      %add3A_667 = arith.constant 1 : i32
      %add3A_668 = vector.broadcast %add3A_667 : i32 to vector<16xi32>
      %add3A_669 = arith.addi %mul3A_665, %add3A_668 : vector<16xi32>
      %gather3A_670 = tpu.vector_load_idx %arg8[%add3A_669] : memref<2000xf32, #tpu.memory_space<vmem>>[vector<16xi32>], vector<16xf32>,
      %add3A_671 = arith.constant 2 : i32
      %add3A_672 = vector.broadcast %add3A_671 : i32 to vector<16xi32>
      %add3A_673 = arith.addi %mul3A_665, %add3A_672 : vector<16xi32>
      %gather3A_674 = tpu.vector_load_idx %arg8[%add3A_673] : memref<2000xf32, #tpu.memory_space<vmem>>[vector<16xi32>], vector<16xf32>,
      %add3A_675 = arith.constant 3 : i32
      %add3A_676 = vector.broadcast %add3A_675 : i32 to vector<16xi32>
      %add3A_677 = arith.addi %mul3A_665, %add3A_676 : vector<16xi32>
      %gather3A_678 = tpu.vector_load_idx %arg8[%add3A_677] : memref<2000xf32, #tpu.memory_space<vmem>>[vector<16xi32>], vector<16xf32>,
      %gather3A_679 = tpu.vector_load_idx %arg9[%min3A_662] : memref<500xi32, #tpu.memory_space<vmem>>[vector<16xi32>], vector<16xi32>,
      %add3A_680 = arith.constant 0 : i32
      %add3A_681 = vector.broadcast %add3A_680 : i32 to vector<16xi32>
      %add3A_682 = arith.addi %add3A_681, %shift_right_arithmetic3A_653 : vector<16xi32>
      %mul3A_683 = arith.constant 2 : i32
      %mul3A_684 = vector.broadcast %mul3A_683 : i32 to vector<16xi32>
      %mul3A_685 = arith.muli %add3A_682, %mul3A_684 : vector<16xi32>
      %gather3A_686 = tpu.vector_load_idx %arg10[%mul3A_685] : memref<18xf32, #tpu.memory_space<vmem>>[vector<16xi32>], vector<16xf32>,
      %add3A_687 = arith.constant 1 : i32
      %add3A_688 = vector.broadcast %add3A_687 : i32 to vector<16xi32>
      %add3A_689 = arith.addi %mul3A_685, %add3A_688 : vector<16xi32>
      %gather3A_690 = tpu.vector_load_idx %arg10[%add3A_689] : memref<18xf32, #tpu.memory_space<vmem>>[vector<16xi32>], vector<16xf32>,
      %mul3A_691 = arith.constant 6.400000e+02 : f32
      %mul3A_692 = vector.broadcast %mul3A_691 : f32 to vector<16xf32>
      %mul3A_693 = arith.mulf %gather3A_674, %mul3A_692 : vector<16xf32>
      %div3A_694 = arith.divf %mul3A_693, %gather3A_686 : vector<16xf32>
      %mul3A_695 = arith.constant 6.400000e+02 : f32
      %mul3A_696 = vector.broadcast %mul3A_695 : f32 to vector<16xf32>
      %mul3A_697 = arith.mulf %gather3A_678, %mul3A_696 : vector<16xf32>
      %div3A_698 = arith.divf %mul3A_697, %gather3A_690 : vector<16xf32>
      %lt3A_699 = arith.constant 4.000000e+00 : f32
      %lt3A_700 = vector.broadcast %lt3A_699 : f32 to vector<16xf32>
      %lt3A_701 = arith.cmpf olt, %div3A_694, %lt3A_700 : vector<16xf32>
      %gt3A_702 = arith.constant 2.500000e-01 : f32
      %gt3A_703 = vector.broadcast %gt3A_702 : f32 to vector<16xf32>
      %gt3A_704 = arith.cmpf ogt, %div3A_694, %gt3A_703 : vector<16xf32>
      %and3A_705 = arith.andi %lt3A_701, %gt3A_704 : vector<16xi1>
      %lt3A_706 = arith.constant 4.000000e+00 : f32
      %lt3A_707 = vector.broadcast %lt3A_706 : f32 to vector<16xf32>
      %lt3A_708 = arith.cmpf olt, %div3A_698, %lt3A_707 : vector<16xf32>
      %and3A_709 = arith.andi %and3A_705, %lt3A_708 : vector<16xi1>
      %gt3A_710 = arith.constant 2.500000e-01 : f32
      %gt3A_711 = vector.broadcast %gt3A_710 : f32 to vector<16xf32>
      %gt3A_712 = arith.cmpf ogt, %div3A_698, %gt3A_711 : vector<16xf32>
      %and3A_713 = arith.andi %and3A_709, %gt3A_712 : vector<16xi1>
      %and3A_714 = arith.andi %and3A_713, %lt3A_659 : vector<16xi1>
      %mul3A_715 = arith.constant 8.000000e+01 : f32
      %mul3A_716 = vector.broadcast %mul3A_715 : f32 to vector<16xf32>
      %mul3A_717 = arith.mulf %gather3A_666, %mul3A_716 : vector<16xf32>
      %mul3A_718 = arith.constant 8.000000e+01 : f32
      %mul3A_719 = vector.broadcast %mul3A_718 : f32 to vector<16xf32>
      %mul3A_720 = arith.mulf %gather3A_670, %mul3A_719 : vector<16xf32>
      %convert_element_type3A_721 = arith.fptosi %mul3A_717 : vector<16xf32> to vector<16xi32>
      %jit3A_722 = arith.constant 0 : i32
      %jit3A_723 = arith.constant 79 : i32
      %max3A_724 = vector.broadcast %jit3A_722 : i32 to vector<16xi32>
      %max3A_725 = arith.maxsi %max3A_724, %convert_element_type3A_721 : vector<16xi32>
      %min3A_726 = vector.broadcast %jit3A_723 : i32 to vector<16xi32>
      %min3A_727 = arith.minsi %min3A_726, %max3A_725 : vector<16xi32>
      %convert_element_type3A_728 = arith.fptosi %mul3A_720 : vector<16xf32> to vector<16xi32>
      %jit3A_729 = arith.constant 0 : i32
      %jit3A_730 = arith.constant 79 : i32
      %max3A_731 = vector.broadcast %jit3A_729 : i32 to vector<16xi32>
      %max3A_732 = arith.maxsi %max3A_731, %convert_element_type3A_728 : vector<16xi32>
      %min3A_733 = vector.broadcast %jit3A_730 : i32 to vector<16xi32>
      %min3A_734 = arith.minsi %min3A_733, %max3A_732 : vector<16xi32>
      %mul3A_735 = arith.constant 3 : i32
      %mul3A_736 = vector.broadcast %mul3A_735 : i32 to vector<16xi32>
      %mul3A_737 = arith.muli %gather3A_679, %mul3A_736 : vector<16xi32>
      %add3A_738 = arith.addi %mul3A_737, %shift_right_arithmetic3A_653 : vector<16xi32>
      %mul3A_739 = arith.constant 80 : i32
      %mul3A_740 = vector.broadcast %mul3A_739 : i32 to vector<16xi32>
      %mul3A_741 = arith.muli %add3A_738, %mul3A_740 : vector<16xi32>
      %add3A_742 = arith.addi %mul3A_741, %min3A_734 : vector<16xi32>
      %mul3A_743 = arith.constant 80 : i32
      %mul3A_744 = vector.broadcast %mul3A_743 : i32 to vector<16xi32>
      %mul3A_745 = arith.muli %add3A_742, %mul3A_744 : vector<16xi32>
      %add3A_746 = arith.addi %mul3A_745, %min3A_727 : vector<16xi32>
      %jit3A_747 = arith.constant 307200 : i32
      %broadcast_in_dim3A_748 = vector.broadcast %jit3A_747 : i32 to vector<16xi32>
      %select_n3A_749 = arith.select %and3A_714, %add3A_746, %broadcast_in_dim3A_748 : vector<16xi1>, vector<16xi32>
      %swap3A_750 = arith.constant 48 : index
      %swap3A_751 = tpu.vector_load %arg12[%swap3A_750] {strides = array<i32>} : memref<96xi32, #tpu.memory_space<vmem>>, vector<16xi32>,
      tpu.vector_store %arg12[%swap3A_750], %select_n3A_749 {strides = array<i32>} : memref<96xi32, #tpu.memory_space<vmem>>, vector<16xi32>,
      %swap3A_752 = arith.constant 48 : index
      %swap3A_753 = tpu.vector_load %arg13[%swap3A_752] {strides = array<i32>} : memref<96xi32, #tpu.memory_space<vmem>>, vector<16xi32>,
      tpu.vector_store %arg13[%swap3A_752], %add3A_650 {strides = array<i32>} : memref<96xi32, #tpu.memory_space<vmem>>, vector<16xi32>,
      %mul3A_754 = arith.constant 96 : i32
      %mul3A_755 = arith.muli %arg1, %mul3A_754 : i32
      %add3A_756 = arith.constant 64 : i32
      %add3A_757 = arith.addi %mul3A_755, %add3A_756 : i32
      %add3A_758 = vector.broadcast %add3A_757 : i32 to vector<16xi32>
      %add3A_759 = arith.addi %add3A_758, %iota3A : vector<16xi32>
      %shift_right_arithmetic3A_760 = arith.constant 9 : i32
      %shift_right_arithmetic3A_761 = vector.broadcast %shift_right_arithmetic3A_760 : i32 to vector<16xi32>
      %shift_right_arithmetic3A_762 = arith.shrsi %add3A_759, %shift_right_arithmetic3A_761 : vector<16xi32>
      %and3A_763 = arith.constant 511 : i32
      %and3A_764 = vector.broadcast %and3A_763 : i32 to vector<16xi32>
      %and3A_765 = arith.andi %add3A_759, %and3A_764 : vector<16xi32>
      %lt3A_766 = arith.constant 500 : i32
      %lt3A_767 = vector.broadcast %lt3A_766 : i32 to vector<16xi32>
      %lt3A_768 = arith.cmpi slt, %and3A_765, %lt3A_767 : vector<16xi32>
      %min3A_769 = arith.constant 499 : i32
      %min3A_770 = vector.broadcast %min3A_769 : i32 to vector<16xi32>
      %min3A_771 = arith.minsi %and3A_765, %min3A_770 : vector<16xi32>
      %mul3A_772 = arith.constant 4 : i32
      %mul3A_773 = vector.broadcast %mul3A_772 : i32 to vector<16xi32>
      %mul3A_774 = arith.muli %min3A_771, %mul3A_773 : vector<16xi32>
      %gather3A_775 = tpu.vector_load_idx %arg8[%mul3A_774] : memref<2000xf32, #tpu.memory_space<vmem>>[vector<16xi32>], vector<16xf32>,
      %add3A_776 = arith.constant 1 : i32
      %add3A_777 = vector.broadcast %add3A_776 : i32 to vector<16xi32>
      %add3A_778 = arith.addi %mul3A_774, %add3A_777 : vector<16xi32>
      %gather3A_779 = tpu.vector_load_idx %arg8[%add3A_778] : memref<2000xf32, #tpu.memory_space<vmem>>[vector<16xi32>], vector<16xf32>,
      %add3A_780 = arith.constant 2 : i32
      %add3A_781 = vector.broadcast %add3A_780 : i32 to vector<16xi32>
      %add3A_782 = arith.addi %mul3A_774, %add3A_781 : vector<16xi32>
      %gather3A_783 = tpu.vector_load_idx %arg8[%add3A_782] : memref<2000xf32, #tpu.memory_space<vmem>>[vector<16xi32>], vector<16xf32>,
      %add3A_784 = arith.constant 3 : i32
      %add3A_785 = vector.broadcast %add3A_784 : i32 to vector<16xi32>
      %add3A_786 = arith.addi %mul3A_774, %add3A_785 : vector<16xi32>
      %gather3A_787 = tpu.vector_load_idx %arg8[%add3A_786] : memref<2000xf32, #tpu.memory_space<vmem>>[vector<16xi32>], vector<16xf32>,
      %gather3A_788 = tpu.vector_load_idx %arg9[%min3A_771] : memref<500xi32, #tpu.memory_space<vmem>>[vector<16xi32>], vector<16xi32>,
      %add3A_789 = arith.constant 0 : i32
      %add3A_790 = vector.broadcast %add3A_789 : i32 to vector<16xi32>
      %add3A_791 = arith.addi %add3A_790, %shift_right_arithmetic3A_762 : vector<16xi32>
      %mul3A_792 = arith.constant 2 : i32
      %mul3A_793 = vector.broadcast %mul3A_792 : i32 to vector<16xi32>
      %mul3A_794 = arith.muli %add3A_791, %mul3A_793 : vector<16xi32>
      %gather3A_795 = tpu.vector_load_idx %arg10[%mul3A_794] : memref<18xf32, #tpu.memory_space<vmem>>[vector<16xi32>], vector<16xf32>,
      %add3A_796 = arith.constant 1 : i32
      %add3A_797 = vector.broadcast %add3A_796 : i32 to vector<16xi32>
      %add3A_798 = arith.addi %mul3A_794, %add3A_797 : vector<16xi32>
      %gather3A_799 = tpu.vector_load_idx %arg10[%add3A_798] : memref<18xf32, #tpu.memory_space<vmem>>[vector<16xi32>], vector<16xf32>,
      %mul3A_800 = arith.constant 6.400000e+02 : f32
      %mul3A_801 = vector.broadcast %mul3A_800 : f32 to vector<16xf32>
      %mul3A_802 = arith.mulf %gather3A_783, %mul3A_801 : vector<16xf32>
      %div3A_803 = arith.divf %mul3A_802, %gather3A_795 : vector<16xf32>
      %mul3A_804 = arith.constant 6.400000e+02 : f32
      %mul3A_805 = vector.broadcast %mul3A_804 : f32 to vector<16xf32>
      %mul3A_806 = arith.mulf %gather3A_787, %mul3A_805 : vector<16xf32>
      %div3A_807 = arith.divf %mul3A_806, %gather3A_799 : vector<16xf32>
      %lt3A_808 = arith.constant 4.000000e+00 : f32
      %lt3A_809 = vector.broadcast %lt3A_808 : f32 to vector<16xf32>
      %lt3A_810 = arith.cmpf olt, %div3A_803, %lt3A_809 : vector<16xf32>
      %gt3A_811 = arith.constant 2.500000e-01 : f32
      %gt3A_812 = vector.broadcast %gt3A_811 : f32 to vector<16xf32>
      %gt3A_813 = arith.cmpf ogt, %div3A_803, %gt3A_812 : vector<16xf32>
      %and3A_814 = arith.andi %lt3A_810, %gt3A_813 : vector<16xi1>
      %lt3A_815 = arith.constant 4.000000e+00 : f32
      %lt3A_816 = vector.broadcast %lt3A_815 : f32 to vector<16xf32>
      %lt3A_817 = arith.cmpf olt, %div3A_807, %lt3A_816 : vector<16xf32>
      %and3A_818 = arith.andi %and3A_814, %lt3A_817 : vector<16xi1>
      %gt3A_819 = arith.constant 2.500000e-01 : f32
      %gt3A_820 = vector.broadcast %gt3A_819 : f32 to vector<16xf32>
      %gt3A_821 = arith.cmpf ogt, %div3A_807, %gt3A_820 : vector<16xf32>
      %and3A_822 = arith.andi %and3A_818, %gt3A_821 : vector<16xi1>
      %and3A_823 = arith.andi %and3A_822, %lt3A_768 : vector<16xi1>
      %mul3A_824 = arith.constant 8.000000e+01 : f32
      %mul3A_825 = vector.broadcast %mul3A_824 : f32 to vector<16xf32>
      %mul3A_826 = arith.mulf %gather3A_775, %mul3A_825 : vector<16xf32>
      %mul3A_827 = arith.constant 8.000000e+01 : f32
      %mul3A_828 = vector.broadcast %mul3A_827 : f32 to vector<16xf32>
      %mul3A_829 = arith.mulf %gather3A_779, %mul3A_828 : vector<16xf32>
      %convert_element_type3A_830 = arith.fptosi %mul3A_826 : vector<16xf32> to vector<16xi32>
      %jit3A_831 = arith.constant 0 : i32
      %jit3A_832 = arith.constant 79 : i32
      %max3A_833 = vector.broadcast %jit3A_831 : i32 to vector<16xi32>
      %max3A_834 = arith.maxsi %max3A_833, %convert_element_type3A_830 : vector<16xi32>
      %min3A_835 = vector.broadcast %jit3A_832 : i32 to vector<16xi32>
      %min3A_836 = arith.minsi %min3A_835, %max3A_834 : vector<16xi32>
      %convert_element_type3A_837 = arith.fptosi %mul3A_829 : vector<16xf32> to vector<16xi32>
      %jit3A_838 = arith.constant 0 : i32
      %jit3A_839 = arith.constant 79 : i32
      %max3A_840 = vector.broadcast %jit3A_838 : i32 to vector<16xi32>
      %max3A_841 = arith.maxsi %max3A_840, %convert_element_type3A_837 : vector<16xi32>
      %min3A_842 = vector.broadcast %jit3A_839 : i32 to vector<16xi32>
      %min3A_843 = arith.minsi %min3A_842, %max3A_841 : vector<16xi32>
      %mul3A_844 = arith.constant 3 : i32
      %mul3A_845 = vector.broadcast %mul3A_844 : i32 to vector<16xi32>
      %mul3A_846 = arith.muli %gather3A_788, %mul3A_845 : vector<16xi32>
      %add3A_847 = arith.addi %mul3A_846, %shift_right_arithmetic3A_762 : vector<16xi32>
      %mul3A_848 = arith.constant 80 : i32
      %mul3A_849 = vector.broadcast %mul3A_848 : i32 to vector<16xi32>
      %mul3A_850 = arith.muli %add3A_847, %mul3A_849 : vector<16xi32>
      %add3A_851 = arith.addi %mul3A_850, %min3A_843 : vector<16xi32>
      %mul3A_852 = arith.constant 80 : i32
      %mul3A_853 = vector.broadcast %mul3A_852 : i32 to vector<16xi32>
      %mul3A_854 = arith.muli %add3A_851, %mul3A_853 : vector<16xi32>
      %add3A_855 = arith.addi %mul3A_854, %min3A_836 : vector<16xi32>
      %jit3A_856 = arith.constant 307200 : i32
      %broadcast_in_dim3A_857 = vector.broadcast %jit3A_856 : i32 to vector<16xi32>
      %select_n3A_858 = arith.select %and3A_823, %add3A_855, %broadcast_in_dim3A_857 : vector<16xi1>, vector<16xi32>
      %swap3A_859 = arith.constant 64 : index
      %swap3A_860 = tpu.vector_load %arg12[%swap3A_859] {strides = array<i32>} : memref<96xi32, #tpu.memory_space<vmem>>, vector<16xi32>,
      tpu.vector_store %arg12[%swap3A_859], %select_n3A_858 {strides = array<i32>} : memref<96xi32, #tpu.memory_space<vmem>>, vector<16xi32>,
      %swap3A_861 = arith.constant 64 : index
      %swap3A_862 = tpu.vector_load %arg13[%swap3A_861] {strides = array<i32>} : memref<96xi32, #tpu.memory_space<vmem>>, vector<16xi32>,
      tpu.vector_store %arg13[%swap3A_861], %add3A_759 {strides = array<i32>} : memref<96xi32, #tpu.memory_space<vmem>>, vector<16xi32>,
      %mul3A_863 = arith.constant 96 : i32
      %mul3A_864 = arith.muli %arg1, %mul3A_863 : i32
      %add3A_865 = arith.constant 80 : i32
      %add3A_866 = arith.addi %mul3A_864, %add3A_865 : i32
      %add3A_867 = vector.broadcast %add3A_866 : i32 to vector<16xi32>
      %add3A_868 = arith.addi %add3A_867, %iota3A : vector<16xi32>
      %shift_right_arithmetic3A_869 = arith.constant 9 : i32
      %shift_right_arithmetic3A_870 = vector.broadcast %shift_right_arithmetic3A_869 : i32 to vector<16xi32>
      %shift_right_arithmetic3A_871 = arith.shrsi %add3A_868, %shift_right_arithmetic3A_870 : vector<16xi32>
      %and3A_872 = arith.constant 511 : i32
      %and3A_873 = vector.broadcast %and3A_872 : i32 to vector<16xi32>
      %and3A_874 = arith.andi %add3A_868, %and3A_873 : vector<16xi32>
      %lt3A_875 = arith.constant 500 : i32
      %lt3A_876 = vector.broadcast %lt3A_875 : i32 to vector<16xi32>
      %lt3A_877 = arith.cmpi slt, %and3A_874, %lt3A_876 : vector<16xi32>
      %min3A_878 = arith.constant 499 : i32
      %min3A_879 = vector.broadcast %min3A_878 : i32 to vector<16xi32>
      %min3A_880 = arith.minsi %and3A_874, %min3A_879 : vector<16xi32>
      %mul3A_881 = arith.constant 4 : i32
      %mul3A_882 = vector.broadcast %mul3A_881 : i32 to vector<16xi32>
      %mul3A_883 = arith.muli %min3A_880, %mul3A_882 : vector<16xi32>
      %gather3A_884 = tpu.vector_load_idx %arg8[%mul3A_883] : memref<2000xf32, #tpu.memory_space<vmem>>[vector<16xi32>], vector<16xf32>,
      %add3A_885 = arith.constant 1 : i32
      %add3A_886 = vector.broadcast %add3A_885 : i32 to vector<16xi32>
      %add3A_887 = arith.addi %mul3A_883, %add3A_886 : vector<16xi32>
      %gather3A_888 = tpu.vector_load_idx %arg8[%add3A_887] : memref<2000xf32, #tpu.memory_space<vmem>>[vector<16xi32>], vector<16xf32>,
      %add3A_889 = arith.constant 2 : i32
      %add3A_890 = vector.broadcast %add3A_889 : i32 to vector<16xi32>
      %add3A_891 = arith.addi %mul3A_883, %add3A_890 : vector<16xi32>
      %gather3A_892 = tpu.vector_load_idx %arg8[%add3A_891] : memref<2000xf32, #tpu.memory_space<vmem>>[vector<16xi32>], vector<16xf32>,
      %add3A_893 = arith.constant 3 : i32
      %add3A_894 = vector.broadcast %add3A_893 : i32 to vector<16xi32>
      %add3A_895 = arith.addi %mul3A_883, %add3A_894 : vector<16xi32>
      %gather3A_896 = tpu.vector_load_idx %arg8[%add3A_895] : memref<2000xf32, #tpu.memory_space<vmem>>[vector<16xi32>], vector<16xf32>,
      %gather3A_897 = tpu.vector_load_idx %arg9[%min3A_880] : memref<500xi32, #tpu.memory_space<vmem>>[vector<16xi32>], vector<16xi32>,
      %add3A_898 = arith.constant 0 : i32
      %add3A_899 = vector.broadcast %add3A_898 : i32 to vector<16xi32>
      %add3A_900 = arith.addi %add3A_899, %shift_right_arithmetic3A_871 : vector<16xi32>
      %mul3A_901 = arith.constant 2 : i32
      %mul3A_902 = vector.broadcast %mul3A_901 : i32 to vector<16xi32>
      %mul3A_903 = arith.muli %add3A_900, %mul3A_902 : vector<16xi32>
      %gather3A_904 = tpu.vector_load_idx %arg10[%mul3A_903] : memref<18xf32, #tpu.memory_space<vmem>>[vector<16xi32>], vector<16xf32>,
      %add3A_905 = arith.constant 1 : i32
      %add3A_906 = vector.broadcast %add3A_905 : i32 to vector<16xi32>
      %add3A_907 = arith.addi %mul3A_903, %add3A_906 : vector<16xi32>
      %gather3A_908 = tpu.vector_load_idx %arg10[%add3A_907] : memref<18xf32, #tpu.memory_space<vmem>>[vector<16xi32>], vector<16xf32>,
      %mul3A_909 = arith.constant 6.400000e+02 : f32
      %mul3A_910 = vector.broadcast %mul3A_909 : f32 to vector<16xf32>
      %mul3A_911 = arith.mulf %gather3A_892, %mul3A_910 : vector<16xf32>
      %div3A_912 = arith.divf %mul3A_911, %gather3A_904 : vector<16xf32>
      %mul3A_913 = arith.constant 6.400000e+02 : f32
      %mul3A_914 = vector.broadcast %mul3A_913 : f32 to vector<16xf32>
      %mul3A_915 = arith.mulf %gather3A_896, %mul3A_914 : vector<16xf32>
      %div3A_916 = arith.divf %mul3A_915, %gather3A_908 : vector<16xf32>
      %lt3A_917 = arith.constant 4.000000e+00 : f32
      %lt3A_918 = vector.broadcast %lt3A_917 : f32 to vector<16xf32>
      %lt3A_919 = arith.cmpf olt, %div3A_912, %lt3A_918 : vector<16xf32>
      %gt3A_920 = arith.constant 2.500000e-01 : f32
      %gt3A_921 = vector.broadcast %gt3A_920 : f32 to vector<16xf32>
      %gt3A_922 = arith.cmpf ogt, %div3A_912, %gt3A_921 : vector<16xf32>
      %and3A_923 = arith.andi %lt3A_919, %gt3A_922 : vector<16xi1>
      %lt3A_924 = arith.constant 4.000000e+00 : f32
      %lt3A_925 = vector.broadcast %lt3A_924 : f32 to vector<16xf32>
      %lt3A_926 = arith.cmpf olt, %div3A_916, %lt3A_925 : vector<16xf32>
      %and3A_927 = arith.andi %and3A_923, %lt3A_926 : vector<16xi1>
      %gt3A_928 = arith.constant 2.500000e-01 : f32
      %gt3A_929 = vector.broadcast %gt3A_928 : f32 to vector<16xf32>
      %gt3A_930 = arith.cmpf ogt, %div3A_916, %gt3A_929 : vector<16xf32>
      %and3A_931 = arith.andi %and3A_927, %gt3A_930 : vector<16xi1>
      %and3A_932 = arith.andi %and3A_931, %lt3A_877 : vector<16xi1>
      %mul3A_933 = arith.constant 8.000000e+01 : f32
      %mul3A_934 = vector.broadcast %mul3A_933 : f32 to vector<16xf32>
      %mul3A_935 = arith.mulf %gather3A_884, %mul3A_934 : vector<16xf32>
      %mul3A_936 = arith.constant 8.000000e+01 : f32
      %mul3A_937 = vector.broadcast %mul3A_936 : f32 to vector<16xf32>
      %mul3A_938 = arith.mulf %gather3A_888, %mul3A_937 : vector<16xf32>
      %convert_element_type3A_939 = arith.fptosi %mul3A_935 : vector<16xf32> to vector<16xi32>
      %jit3A_940 = arith.constant 0 : i32
      %jit3A_941 = arith.constant 79 : i32
      %max3A_942 = vector.broadcast %jit3A_940 : i32 to vector<16xi32>
      %max3A_943 = arith.maxsi %max3A_942, %convert_element_type3A_939 : vector<16xi32>
      %min3A_944 = vector.broadcast %jit3A_941 : i32 to vector<16xi32>
      %min3A_945 = arith.minsi %min3A_944, %max3A_943 : vector<16xi32>
      %convert_element_type3A_946 = arith.fptosi %mul3A_938 : vector<16xf32> to vector<16xi32>
      %jit3A_947 = arith.constant 0 : i32
      %jit3A_948 = arith.constant 79 : i32
      %max3A_949 = vector.broadcast %jit3A_947 : i32 to vector<16xi32>
      %max3A_950 = arith.maxsi %max3A_949, %convert_element_type3A_946 : vector<16xi32>
      %min3A_951 = vector.broadcast %jit3A_948 : i32 to vector<16xi32>
      %min3A_952 = arith.minsi %min3A_951, %max3A_950 : vector<16xi32>
      %mul3A_953 = arith.constant 3 : i32
      %mul3A_954 = vector.broadcast %mul3A_953 : i32 to vector<16xi32>
      %mul3A_955 = arith.muli %gather3A_897, %mul3A_954 : vector<16xi32>
      %add3A_956 = arith.addi %mul3A_955, %shift_right_arithmetic3A_871 : vector<16xi32>
      %mul3A_957 = arith.constant 80 : i32
      %mul3A_958 = vector.broadcast %mul3A_957 : i32 to vector<16xi32>
      %mul3A_959 = arith.muli %add3A_956, %mul3A_958 : vector<16xi32>
      %add3A_960 = arith.addi %mul3A_959, %min3A_952 : vector<16xi32>
      %mul3A_961 = arith.constant 80 : i32
      %mul3A_962 = vector.broadcast %mul3A_961 : i32 to vector<16xi32>
      %mul3A_963 = arith.muli %add3A_960, %mul3A_962 : vector<16xi32>
      %add3A_964 = arith.addi %mul3A_963, %min3A_945 : vector<16xi32>
      %jit3A_965 = arith.constant 307200 : i32
      %broadcast_in_dim3A_966 = vector.broadcast %jit3A_965 : i32 to vector<16xi32>
      %select_n3A_967 = arith.select %and3A_932, %add3A_964, %broadcast_in_dim3A_966 : vector<16xi1>, vector<16xi32>
      %swap3A_968 = arith.constant 80 : index
      %swap3A_969 = tpu.vector_load %arg12[%swap3A_968] {strides = array<i32>} : memref<96xi32, #tpu.memory_space<vmem>>, vector<16xi32>,
      tpu.vector_store %arg12[%swap3A_968], %select_n3A_967 {strides = array<i32>} : memref<96xi32, #tpu.memory_space<vmem>>, vector<16xi32>,
      %swap3A_970 = arith.constant 80 : index
      %swap3A_971 = tpu.vector_load %arg13[%swap3A_970] {strides = array<i32>} : memref<96xi32, #tpu.memory_space<vmem>>, vector<16xi32>,
      tpu.vector_store %arg13[%swap3A_970], %add3A_868 {strides = array<i32>} : memref<96xi32, #tpu.memory_space<vmem>>, vector<16xi32>,
      "tpu.region"() ({
        %run_scoped3A = tpu.sem_alloc : memref<!tpu.dma_semaphore, #tpu.memory_space<semaphore_mem>>
        %dma_start3A = arith.constant 0 : i32
        %dma_start3A_972 = tpu.memref_slice %arg17[%dma_start3A] : memref<307216xi32, #tpu.memory_space<vmem_shared>> -> memref<307216xi32, #tpu.memory_space<vmem_shared>>
        tpu.enqueue_indirect_dma source(%arg13 : memref<96xi32, #tpu.memory_space<vmem>>) target(%dma_start3A_972 : memref<307216xi32, #tpu.memory_space<vmem_shared>>) offsets(%arg12 : memref<96xi32, #tpu.memory_space<vmem>>) semaphore(%run_scoped3A : memref<!tpu.dma_semaphore, #tpu.memory_space<semaphore_mem>>)
        %dma_wait3A = arith.constant 0 : i32
        %dma_wait3A_973 = tpu.memref_slice %arg17[%dma_wait3A] : memref<307216xi32, #tpu.memory_space<vmem_shared>> -> memref<307216xi32, #tpu.memory_space<vmem_shared>>
        tpu.wait_indirect_dma semaphore(%run_scoped3A : memref<!tpu.dma_semaphore, #tpu.memory_space<semaphore_mem>>) src(%arg13 : memref<96xi32, #tpu.memory_space<vmem>>) dst(%dma_wait3A_973 : memref<307216xi32, #tpu.memory_space<vmem_shared>>)
        tpu.yield
      }) : () -> ()
    } else {
    }
    %mul3A_3 = arith.constant 48 : i32
    %mul3A_4 = arith.muli %add3A, %mul3A_3 : i32
    %add3A_5 = arith.constant 0 : i32
    %add3A_6 = arith.addi %mul3A_4, %add3A_5 : i32
    %add3A_7 = vector.broadcast %add3A_6 : i32 to vector<16xi32>
    %add3A_8 = arith.addi %add3A_7, %iota3A : vector<16xi32>
    %shift_right_arithmetic3A = arith.constant 9 : i32
    %shift_right_arithmetic3A_9 = vector.broadcast %shift_right_arithmetic3A : i32 to vector<16xi32>
    %shift_right_arithmetic3A_10 = arith.shrsi %add3A_8, %shift_right_arithmetic3A_9 : vector<16xi32>
    %and3A = arith.constant 511 : i32
    %and3A_11 = vector.broadcast %and3A : i32 to vector<16xi32>
    %and3A_12 = arith.andi %add3A_8, %and3A_11 : vector<16xi32>
    %lt3A = arith.constant 500 : i32
    %lt3A_13 = vector.broadcast %lt3A : i32 to vector<16xi32>
    %lt3A_14 = arith.cmpi slt, %and3A_12, %lt3A_13 : vector<16xi32>
    %min3A = arith.constant 499 : i32
    %min3A_15 = vector.broadcast %min3A : i32 to vector<16xi32>
    %min3A_16 = arith.minsi %and3A_12, %min3A_15 : vector<16xi32>
    %mul3A_17 = arith.constant 4 : i32
    %mul3A_18 = vector.broadcast %mul3A_17 : i32 to vector<16xi32>
    %mul3A_19 = arith.muli %min3A_16, %mul3A_18 : vector<16xi32>
    %gather3A = tpu.vector_load_idx %arg8[%mul3A_19] : memref<2000xf32, #tpu.memory_space<vmem>>[vector<16xi32>], vector<16xf32>,
    %add3A_20 = arith.constant 1 : i32
    %add3A_21 = vector.broadcast %add3A_20 : i32 to vector<16xi32>
    %add3A_22 = arith.addi %mul3A_19, %add3A_21 : vector<16xi32>
    %gather3A_23 = tpu.vector_load_idx %arg8[%add3A_22] : memref<2000xf32, #tpu.memory_space<vmem>>[vector<16xi32>], vector<16xf32>,
    %add3A_24 = arith.constant 2 : i32
    %add3A_25 = vector.broadcast %add3A_24 : i32 to vector<16xi32>
    %add3A_26 = arith.addi %mul3A_19, %add3A_25 : vector<16xi32>
    %gather3A_27 = tpu.vector_load_idx %arg8[%add3A_26] : memref<2000xf32, #tpu.memory_space<vmem>>[vector<16xi32>], vector<16xf32>,
    %add3A_28 = arith.constant 3 : i32
    %add3A_29 = vector.broadcast %add3A_28 : i32 to vector<16xi32>
    %add3A_30 = arith.addi %mul3A_19, %add3A_29 : vector<16xi32>
    %gather3A_31 = tpu.vector_load_idx %arg8[%add3A_30] : memref<2000xf32, #tpu.memory_space<vmem>>[vector<16xi32>], vector<16xf32>,
    %gather3A_32 = tpu.vector_load_idx %arg9[%min3A_16] : memref<500xi32, #tpu.memory_space<vmem>>[vector<16xi32>], vector<16xi32>,
    %add3A_33 = arith.constant 0 : i32
    %add3A_34 = vector.broadcast %add3A_33 : i32 to vector<16xi32>
    %add3A_35 = arith.addi %add3A_34, %shift_right_arithmetic3A_10 : vector<16xi32>
    %mul3A_36 = arith.constant 2 : i32
    %mul3A_37 = vector.broadcast %mul3A_36 : i32 to vector<16xi32>
    %mul3A_38 = arith.muli %add3A_35, %mul3A_37 : vector<16xi32>
    %gather3A_39 = tpu.vector_load_idx %arg10[%mul3A_38] : memref<18xf32, #tpu.memory_space<vmem>>[vector<16xi32>], vector<16xf32>,
    %add3A_40 = arith.constant 1 : i32
    %add3A_41 = vector.broadcast %add3A_40 : i32 to vector<16xi32>
    %add3A_42 = arith.addi %mul3A_38, %add3A_41 : vector<16xi32>
    %gather3A_43 = tpu.vector_load_idx %arg10[%add3A_42] : memref<18xf32, #tpu.memory_space<vmem>>[vector<16xi32>], vector<16xf32>,
    %mul3A_44 = arith.constant 6.400000e+02 : f32
    %mul3A_45 = vector.broadcast %mul3A_44 : f32 to vector<16xf32>
    %mul3A_46 = arith.mulf %gather3A_27, %mul3A_45 : vector<16xf32>
    %div3A = arith.divf %mul3A_46, %gather3A_39 : vector<16xf32>
    %mul3A_47 = arith.constant 6.400000e+02 : f32
    %mul3A_48 = vector.broadcast %mul3A_47 : f32 to vector<16xf32>
    %mul3A_49 = arith.mulf %gather3A_31, %mul3A_48 : vector<16xf32>
    %div3A_50 = arith.divf %mul3A_49, %gather3A_43 : vector<16xf32>
    %lt3A_51 = arith.constant 4.000000e+00 : f32
    %lt3A_52 = vector.broadcast %lt3A_51 : f32 to vector<16xf32>
    %lt3A_53 = arith.cmpf olt, %div3A, %lt3A_52 : vector<16xf32>
    %gt3A = arith.constant 2.500000e-01 : f32
    %gt3A_54 = vector.broadcast %gt3A : f32 to vector<16xf32>
    %gt3A_55 = arith.cmpf ogt, %div3A, %gt3A_54 : vector<16xf32>
    %and3A_56 = arith.andi %lt3A_53, %gt3A_55 : vector<16xi1>
    %lt3A_57 = arith.constant 4.000000e+00 : f32
    %lt3A_58 = vector.broadcast %lt3A_57 : f32 to vector<16xf32>
    %lt3A_59 = arith.cmpf olt, %div3A_50, %lt3A_58 : vector<16xf32>
    %and3A_60 = arith.andi %and3A_56, %lt3A_59 : vector<16xi1>
    %gt3A_61 = arith.constant 2.500000e-01 : f32
    %gt3A_62 = vector.broadcast %gt3A_61 : f32 to vector<16xf32>
    %gt3A_63 = arith.cmpf ogt, %div3A_50, %gt3A_62 : vector<16xf32>
    %and3A_64 = arith.andi %and3A_60, %gt3A_63 : vector<16xi1>
    %and3A_65 = arith.andi %and3A_64, %lt3A_14 : vector<16xi1>
    %mul3A_66 = arith.constant 8.000000e+01 : f32
    %mul3A_67 = vector.broadcast %mul3A_66 : f32 to vector<16xf32>
    %mul3A_68 = arith.mulf %gather3A, %mul3A_67 : vector<16xf32>
    %mul3A_69 = arith.constant 8.000000e+01 : f32
    %mul3A_70 = vector.broadcast %mul3A_69 : f32 to vector<16xf32>
    %mul3A_71 = arith.mulf %gather3A_23, %mul3A_70 : vector<16xf32>
    %convert_element_type3A_72 = arith.fptosi %mul3A_68 : vector<16xf32> to vector<16xi32>
    %jit3A = arith.constant 0 : i32
    %jit3A_73 = arith.constant 79 : i32
    %max3A = vector.broadcast %jit3A : i32 to vector<16xi32>
    %max3A_74 = arith.maxsi %max3A, %convert_element_type3A_72 : vector<16xi32>
    %min3A_75 = vector.broadcast %jit3A_73 : i32 to vector<16xi32>
    %min3A_76 = arith.minsi %min3A_75, %max3A_74 : vector<16xi32>
    %convert_element_type3A_77 = arith.fptosi %mul3A_71 : vector<16xf32> to vector<16xi32>
    %jit3A_78 = arith.constant 0 : i32
    %jit3A_79 = arith.constant 79 : i32
    %max3A_80 = vector.broadcast %jit3A_78 : i32 to vector<16xi32>
    %max3A_81 = arith.maxsi %max3A_80, %convert_element_type3A_77 : vector<16xi32>
    %min3A_82 = vector.broadcast %jit3A_79 : i32 to vector<16xi32>
    %min3A_83 = arith.minsi %min3A_82, %max3A_81 : vector<16xi32>
    %mul3A_84 = arith.constant 3 : i32
    %mul3A_85 = vector.broadcast %mul3A_84 : i32 to vector<16xi32>
    %mul3A_86 = arith.muli %gather3A_32, %mul3A_85 : vector<16xi32>
    %add3A_87 = arith.addi %mul3A_86, %shift_right_arithmetic3A_10 : vector<16xi32>
    %mul3A_88 = arith.constant 80 : i32
    %mul3A_89 = vector.broadcast %mul3A_88 : i32 to vector<16xi32>
    %mul3A_90 = arith.muli %add3A_87, %mul3A_89 : vector<16xi32>
    %add3A_91 = arith.addi %mul3A_90, %min3A_83 : vector<16xi32>
    %mul3A_92 = arith.constant 80 : i32
    %mul3A_93 = vector.broadcast %mul3A_92 : i32 to vector<16xi32>
    %mul3A_94 = arith.muli %add3A_91, %mul3A_93 : vector<16xi32>
    %add3A_95 = arith.addi %mul3A_94, %min3A_76 : vector<16xi32>
    %swap3A = arith.constant 0 : index
    %swap3A_96 = tpu.vector_load %arg11[%swap3A] {strides = array<i32>} : memref<48xi32, #tpu.memory_space<vmem>>, vector<16xi32>,
    tpu.vector_store %arg11[%swap3A], %add3A_95 {strides = array<i32>} : memref<48xi32, #tpu.memory_space<vmem>>, vector<16xi32>,
    %mul3A_97 = arith.constant 48 : i32
    %mul3A_98 = arith.muli %add3A, %mul3A_97 : i32
    %add3A_99 = arith.constant 16 : i32
    %add3A_100 = arith.addi %mul3A_98, %add3A_99 : i32
    %add3A_101 = vector.broadcast %add3A_100 : i32 to vector<16xi32>
    %add3A_102 = arith.addi %add3A_101, %iota3A : vector<16xi32>
    %shift_right_arithmetic3A_103 = arith.constant 9 : i32
    %shift_right_arithmetic3A_104 = vector.broadcast %shift_right_arithmetic3A_103 : i32 to vector<16xi32>
    %shift_right_arithmetic3A_105 = arith.shrsi %add3A_102, %shift_right_arithmetic3A_104 : vector<16xi32>
    %and3A_106 = arith.constant 511 : i32
    %and3A_107 = vector.broadcast %and3A_106 : i32 to vector<16xi32>
    %and3A_108 = arith.andi %add3A_102, %and3A_107 : vector<16xi32>
    %lt3A_109 = arith.constant 500 : i32
    %lt3A_110 = vector.broadcast %lt3A_109 : i32 to vector<16xi32>
    %lt3A_111 = arith.cmpi slt, %and3A_108, %lt3A_110 : vector<16xi32>
    %min3A_112 = arith.constant 499 : i32
    %min3A_113 = vector.broadcast %min3A_112 : i32 to vector<16xi32>
    %min3A_114 = arith.minsi %and3A_108, %min3A_113 : vector<16xi32>
    %mul3A_115 = arith.constant 4 : i32
    %mul3A_116 = vector.broadcast %mul3A_115 : i32 to vector<16xi32>
    %mul3A_117 = arith.muli %min3A_114, %mul3A_116 : vector<16xi32>
    %gather3A_118 = tpu.vector_load_idx %arg8[%mul3A_117] : memref<2000xf32, #tpu.memory_space<vmem>>[vector<16xi32>], vector<16xf32>,
    %add3A_119 = arith.constant 1 : i32
    %add3A_120 = vector.broadcast %add3A_119 : i32 to vector<16xi32>
    %add3A_121 = arith.addi %mul3A_117, %add3A_120 : vector<16xi32>
    %gather3A_122 = tpu.vector_load_idx %arg8[%add3A_121] : memref<2000xf32, #tpu.memory_space<vmem>>[vector<16xi32>], vector<16xf32>,
    %add3A_123 = arith.constant 2 : i32
    %add3A_124 = vector.broadcast %add3A_123 : i32 to vector<16xi32>
    %add3A_125 = arith.addi %mul3A_117, %add3A_124 : vector<16xi32>
    %gather3A_126 = tpu.vector_load_idx %arg8[%add3A_125] : memref<2000xf32, #tpu.memory_space<vmem>>[vector<16xi32>], vector<16xf32>,
    %add3A_127 = arith.constant 3 : i32
    %add3A_128 = vector.broadcast %add3A_127 : i32 to vector<16xi32>
    %add3A_129 = arith.addi %mul3A_117, %add3A_128 : vector<16xi32>
    %gather3A_130 = tpu.vector_load_idx %arg8[%add3A_129] : memref<2000xf32, #tpu.memory_space<vmem>>[vector<16xi32>], vector<16xf32>,
    %gather3A_131 = tpu.vector_load_idx %arg9[%min3A_114] : memref<500xi32, #tpu.memory_space<vmem>>[vector<16xi32>], vector<16xi32>,
    %add3A_132 = arith.constant 0 : i32
    %add3A_133 = vector.broadcast %add3A_132 : i32 to vector<16xi32>
    %add3A_134 = arith.addi %add3A_133, %shift_right_arithmetic3A_105 : vector<16xi32>
    %mul3A_135 = arith.constant 2 : i32
    %mul3A_136 = vector.broadcast %mul3A_135 : i32 to vector<16xi32>
    %mul3A_137 = arith.muli %add3A_134, %mul3A_136 : vector<16xi32>
    %gather3A_138 = tpu.vector_load_idx %arg10[%mul3A_137] : memref<18xf32, #tpu.memory_space<vmem>>[vector<16xi32>], vector<16xf32>,
    %add3A_139 = arith.constant 1 : i32
    %add3A_140 = vector.broadcast %add3A_139 : i32 to vector<16xi32>
    %add3A_141 = arith.addi %mul3A_137, %add3A_140 : vector<16xi32>
    %gather3A_142 = tpu.vector_load_idx %arg10[%add3A_141] : memref<18xf32, #tpu.memory_space<vmem>>[vector<16xi32>], vector<16xf32>,
    %mul3A_143 = arith.constant 6.400000e+02 : f32
    %mul3A_144 = vector.broadcast %mul3A_143 : f32 to vector<16xf32>
    %mul3A_145 = arith.mulf %gather3A_126, %mul3A_144 : vector<16xf32>
    %div3A_146 = arith.divf %mul3A_145, %gather3A_138 : vector<16xf32>
    %mul3A_147 = arith.constant 6.400000e+02 : f32
    %mul3A_148 = vector.broadcast %mul3A_147 : f32 to vector<16xf32>
    %mul3A_149 = arith.mulf %gather3A_130, %mul3A_148 : vector<16xf32>
    %div3A_150 = arith.divf %mul3A_149, %gather3A_142 : vector<16xf32>
    %lt3A_151 = arith.constant 4.000000e+00 : f32
    %lt3A_152 = vector.broadcast %lt3A_151 : f32 to vector<16xf32>
    %lt3A_153 = arith.cmpf olt, %div3A_146, %lt3A_152 : vector<16xf32>
    %gt3A_154 = arith.constant 2.500000e-01 : f32
    %gt3A_155 = vector.broadcast %gt3A_154 : f32 to vector<16xf32>
    %gt3A_156 = arith.cmpf ogt, %div3A_146, %gt3A_155 : vector<16xf32>
    %and3A_157 = arith.andi %lt3A_153, %gt3A_156 : vector<16xi1>
    %lt3A_158 = arith.constant 4.000000e+00 : f32
    %lt3A_159 = vector.broadcast %lt3A_158 : f32 to vector<16xf32>
    %lt3A_160 = arith.cmpf olt, %div3A_150, %lt3A_159 : vector<16xf32>
    %and3A_161 = arith.andi %and3A_157, %lt3A_160 : vector<16xi1>
    %gt3A_162 = arith.constant 2.500000e-01 : f32
    %gt3A_163 = vector.broadcast %gt3A_162 : f32 to vector<16xf32>
    %gt3A_164 = arith.cmpf ogt, %div3A_150, %gt3A_163 : vector<16xf32>
    %and3A_165 = arith.andi %and3A_161, %gt3A_164 : vector<16xi1>
    %and3A_166 = arith.andi %and3A_165, %lt3A_111 : vector<16xi1>
    %mul3A_167 = arith.constant 8.000000e+01 : f32
    %mul3A_168 = vector.broadcast %mul3A_167 : f32 to vector<16xf32>
    %mul3A_169 = arith.mulf %gather3A_118, %mul3A_168 : vector<16xf32>
    %mul3A_170 = arith.constant 8.000000e+01 : f32
    %mul3A_171 = vector.broadcast %mul3A_170 : f32 to vector<16xf32>
    %mul3A_172 = arith.mulf %gather3A_122, %mul3A_171 : vector<16xf32>
    %convert_element_type3A_173 = arith.fptosi %mul3A_169 : vector<16xf32> to vector<16xi32>
    %jit3A_174 = arith.constant 0 : i32
    %jit3A_175 = arith.constant 79 : i32
    %max3A_176 = vector.broadcast %jit3A_174 : i32 to vector<16xi32>
    %max3A_177 = arith.maxsi %max3A_176, %convert_element_type3A_173 : vector<16xi32>
    %min3A_178 = vector.broadcast %jit3A_175 : i32 to vector<16xi32>
    %min3A_179 = arith.minsi %min3A_178, %max3A_177 : vector<16xi32>
    %convert_element_type3A_180 = arith.fptosi %mul3A_172 : vector<16xf32> to vector<16xi32>
    %jit3A_181 = arith.constant 0 : i32
    %jit3A_182 = arith.constant 79 : i32
    %max3A_183 = vector.broadcast %jit3A_181 : i32 to vector<16xi32>
    %max3A_184 = arith.maxsi %max3A_183, %convert_element_type3A_180 : vector<16xi32>
    %min3A_185 = vector.broadcast %jit3A_182 : i32 to vector<16xi32>
    %min3A_186 = arith.minsi %min3A_185, %max3A_184 : vector<16xi32>
    %mul3A_187 = arith.constant 3 : i32
    %mul3A_188 = vector.broadcast %mul3A_187 : i32 to vector<16xi32>
    %mul3A_189 = arith.muli %gather3A_131, %mul3A_188 : vector<16xi32>
    %add3A_190 = arith.addi %mul3A_189, %shift_right_arithmetic3A_105 : vector<16xi32>
    %mul3A_191 = arith.constant 80 : i32
    %mul3A_192 = vector.broadcast %mul3A_191 : i32 to vector<16xi32>
    %mul3A_193 = arith.muli %add3A_190, %mul3A_192 : vector<16xi32>
    %add3A_194 = arith.addi %mul3A_193, %min3A_186 : vector<16xi32>
    %mul3A_195 = arith.constant 80 : i32
    %mul3A_196 = vector.broadcast %mul3A_195 : i32 to vector<16xi32>
    %mul3A_197 = arith.muli %add3A_194, %mul3A_196 : vector<16xi32>
    %add3A_198 = arith.addi %mul3A_197, %min3A_179 : vector<16xi32>
    %swap3A_199 = arith.constant 16 : index
    %swap3A_200 = tpu.vector_load %arg11[%swap3A_199] {strides = array<i32>} : memref<48xi32, #tpu.memory_space<vmem>>, vector<16xi32>,
    tpu.vector_store %arg11[%swap3A_199], %add3A_198 {strides = array<i32>} : memref<48xi32, #tpu.memory_space<vmem>>, vector<16xi32>,
    %mul3A_201 = arith.constant 48 : i32
    %mul3A_202 = arith.muli %add3A, %mul3A_201 : i32
    %add3A_203 = arith.constant 32 : i32
    %add3A_204 = arith.addi %mul3A_202, %add3A_203 : i32
    %add3A_205 = vector.broadcast %add3A_204 : i32 to vector<16xi32>
    %add3A_206 = arith.addi %add3A_205, %iota3A : vector<16xi32>
    %shift_right_arithmetic3A_207 = arith.constant 9 : i32
    %shift_right_arithmetic3A_208 = vector.broadcast %shift_right_arithmetic3A_207 : i32 to vector<16xi32>
    %shift_right_arithmetic3A_209 = arith.shrsi %add3A_206, %shift_right_arithmetic3A_208 : vector<16xi32>
    %and3A_210 = arith.constant 511 : i32
    %and3A_211 = vector.broadcast %and3A_210 : i32 to vector<16xi32>
    %and3A_212 = arith.andi %add3A_206, %and3A_211 : vector<16xi32>
    %lt3A_213 = arith.constant 500 : i32
    %lt3A_214 = vector.broadcast %lt3A_213 : i32 to vector<16xi32>
    %lt3A_215 = arith.cmpi slt, %and3A_212, %lt3A_214 : vector<16xi32>
    %min3A_216 = arith.constant 499 : i32
    %min3A_217 = vector.broadcast %min3A_216 : i32 to vector<16xi32>
    %min3A_218 = arith.minsi %and3A_212, %min3A_217 : vector<16xi32>
    %mul3A_219 = arith.constant 4 : i32
    %mul3A_220 = vector.broadcast %mul3A_219 : i32 to vector<16xi32>
    %mul3A_221 = arith.muli %min3A_218, %mul3A_220 : vector<16xi32>
    %gather3A_222 = tpu.vector_load_idx %arg8[%mul3A_221] : memref<2000xf32, #tpu.memory_space<vmem>>[vector<16xi32>], vector<16xf32>,
    %add3A_223 = arith.constant 1 : i32
    %add3A_224 = vector.broadcast %add3A_223 : i32 to vector<16xi32>
    %add3A_225 = arith.addi %mul3A_221, %add3A_224 : vector<16xi32>
    %gather3A_226 = tpu.vector_load_idx %arg8[%add3A_225] : memref<2000xf32, #tpu.memory_space<vmem>>[vector<16xi32>], vector<16xf32>,
    %add3A_227 = arith.constant 2 : i32
    %add3A_228 = vector.broadcast %add3A_227 : i32 to vector<16xi32>
    %add3A_229 = arith.addi %mul3A_221, %add3A_228 : vector<16xi32>
    %gather3A_230 = tpu.vector_load_idx %arg8[%add3A_229] : memref<2000xf32, #tpu.memory_space<vmem>>[vector<16xi32>], vector<16xf32>,
    %add3A_231 = arith.constant 3 : i32
    %add3A_232 = vector.broadcast %add3A_231 : i32 to vector<16xi32>
    %add3A_233 = arith.addi %mul3A_221, %add3A_232 : vector<16xi32>
    %gather3A_234 = tpu.vector_load_idx %arg8[%add3A_233] : memref<2000xf32, #tpu.memory_space<vmem>>[vector<16xi32>], vector<16xf32>,
    %gather3A_235 = tpu.vector_load_idx %arg9[%min3A_218] : memref<500xi32, #tpu.memory_space<vmem>>[vector<16xi32>], vector<16xi32>,
    %add3A_236 = arith.constant 0 : i32
    %add3A_237 = vector.broadcast %add3A_236 : i32 to vector<16xi32>
    %add3A_238 = arith.addi %add3A_237, %shift_right_arithmetic3A_209 : vector<16xi32>
    %mul3A_239 = arith.constant 2 : i32
    %mul3A_240 = vector.broadcast %mul3A_239 : i32 to vector<16xi32>
    %mul3A_241 = arith.muli %add3A_238, %mul3A_240 : vector<16xi32>
    %gather3A_242 = tpu.vector_load_idx %arg10[%mul3A_241] : memref<18xf32, #tpu.memory_space<vmem>>[vector<16xi32>], vector<16xf32>,
    %add3A_243 = arith.constant 1 : i32
    %add3A_244 = vector.broadcast %add3A_243 : i32 to vector<16xi32>
    %add3A_245 = arith.addi %mul3A_241, %add3A_244 : vector<16xi32>
    %gather3A_246 = tpu.vector_load_idx %arg10[%add3A_245] : memref<18xf32, #tpu.memory_space<vmem>>[vector<16xi32>], vector<16xf32>,
    %mul3A_247 = arith.constant 6.400000e+02 : f32
    %mul3A_248 = vector.broadcast %mul3A_247 : f32 to vector<16xf32>
    %mul3A_249 = arith.mulf %gather3A_230, %mul3A_248 : vector<16xf32>
    %div3A_250 = arith.divf %mul3A_249, %gather3A_242 : vector<16xf32>
    %mul3A_251 = arith.constant 6.400000e+02 : f32
    %mul3A_252 = vector.broadcast %mul3A_251 : f32 to vector<16xf32>
    %mul3A_253 = arith.mulf %gather3A_234, %mul3A_252 : vector<16xf32>
    %div3A_254 = arith.divf %mul3A_253, %gather3A_246 : vector<16xf32>
    %lt3A_255 = arith.constant 4.000000e+00 : f32
    %lt3A_256 = vector.broadcast %lt3A_255 : f32 to vector<16xf32>
    %lt3A_257 = arith.cmpf olt, %div3A_250, %lt3A_256 : vector<16xf32>
    %gt3A_258 = arith.constant 2.500000e-01 : f32
    %gt3A_259 = vector.broadcast %gt3A_258 : f32 to vector<16xf32>
    %gt3A_260 = arith.cmpf ogt, %div3A_250, %gt3A_259 : vector<16xf32>
    %and3A_261 = arith.andi %lt3A_257, %gt3A_260 : vector<16xi1>
    %lt3A_262 = arith.constant 4.000000e+00 : f32
    %lt3A_263 = vector.broadcast %lt3A_262 : f32 to vector<16xf32>
    %lt3A_264 = arith.cmpf olt, %div3A_254, %lt3A_263 : vector<16xf32>
    %and3A_265 = arith.andi %and3A_261, %lt3A_264 : vector<16xi1>
    %gt3A_266 = arith.constant 2.500000e-01 : f32
    %gt3A_267 = vector.broadcast %gt3A_266 : f32 to vector<16xf32>
    %gt3A_268 = arith.cmpf ogt, %div3A_254, %gt3A_267 : vector<16xf32>
    %and3A_269 = arith.andi %and3A_265, %gt3A_268 : vector<16xi1>
    %and3A_270 = arith.andi %and3A_269, %lt3A_215 : vector<16xi1>
    %mul3A_271 = arith.constant 8.000000e+01 : f32
    %mul3A_272 = vector.broadcast %mul3A_271 : f32 to vector<16xf32>
    %mul3A_273 = arith.mulf %gather3A_222, %mul3A_272 : vector<16xf32>
    %mul3A_274 = arith.constant 8.000000e+01 : f32
    %mul3A_275 = vector.broadcast %mul3A_274 : f32 to vector<16xf32>
    %mul3A_276 = arith.mulf %gather3A_226, %mul3A_275 : vector<16xf32>
    %convert_element_type3A_277 = arith.fptosi %mul3A_273 : vector<16xf32> to vector<16xi32>
    %jit3A_278 = arith.constant 0 : i32
    %jit3A_279 = arith.constant 79 : i32
    %max3A_280 = vector.broadcast %jit3A_278 : i32 to vector<16xi32>
    %max3A_281 = arith.maxsi %max3A_280, %convert_element_type3A_277 : vector<16xi32>
    %min3A_282 = vector.broadcast %jit3A_279 : i32 to vector<16xi32>
    %min3A_283 = arith.minsi %min3A_282, %max3A_281 : vector<16xi32>
    %convert_element_type3A_284 = arith.fptosi %mul3A_276 : vector<16xf32> to vector<16xi32>
    %jit3A_285 = arith.constant 0 : i32
    %jit3A_286 = arith.constant 79 : i32
    %max3A_287 = vector.broadcast %jit3A_285 : i32 to vector<16xi32>
    %max3A_288 = arith.maxsi %max3A_287, %convert_element_type3A_284 : vector<16xi32>
    %min3A_289 = vector.broadcast %jit3A_286 : i32 to vector<16xi32>
    %min3A_290 = arith.minsi %min3A_289, %max3A_288 : vector<16xi32>
    %mul3A_291 = arith.constant 3 : i32
    %mul3A_292 = vector.broadcast %mul3A_291 : i32 to vector<16xi32>
    %mul3A_293 = arith.muli %gather3A_235, %mul3A_292 : vector<16xi32>
    %add3A_294 = arith.addi %mul3A_293, %shift_right_arithmetic3A_209 : vector<16xi32>
    %mul3A_295 = arith.constant 80 : i32
    %mul3A_296 = vector.broadcast %mul3A_295 : i32 to vector<16xi32>
    %mul3A_297 = arith.muli %add3A_294, %mul3A_296 : vector<16xi32>
    %add3A_298 = arith.addi %mul3A_297, %min3A_290 : vector<16xi32>
    %mul3A_299 = arith.constant 80 : i32
    %mul3A_300 = vector.broadcast %mul3A_299 : i32 to vector<16xi32>
    %mul3A_301 = arith.muli %add3A_298, %mul3A_300 : vector<16xi32>
    %add3A_302 = arith.addi %mul3A_301, %min3A_283 : vector<16xi32>
    %swap3A_303 = arith.constant 32 : index
    %swap3A_304 = tpu.vector_load %arg11[%swap3A_303] {strides = array<i32>} : memref<48xi32, #tpu.memory_space<vmem>>, vector<16xi32>,
    tpu.vector_store %arg11[%swap3A_303], %add3A_302 {strides = array<i32>} : memref<48xi32, #tpu.memory_space<vmem>>, vector<16xi32>,
    %scan3A = arith.constant 0 : i32
    %scan3A_305 = arith.constant 0 : i32
    %scan3A_306 = arith.constant 48 : i32
    %scan3A_307 = arith.addi %scan3A_305, %scan3A_306 : i32
    %scan3A_308 = arith.constant 1 : i32
    %scan3A_309 = scf.for %scan3A_320 = %scan3A_305 to %scan3A_307 step %scan3A_308 iter_args(%scan3A_321 = %scan3A) -> (i32)  : i32 {
      %broadcast_in_dim3A = vector.broadcast %scan3A_320 : i32 to vector<16xi32>
      %gather3A_322 = tpu.vector_load_idx %arg11[%broadcast_in_dim3A] : memref<48xi32, #tpu.memory_space<vmem>>[vector<16xi32>], vector<16xi32>,
      %add3A_323 = arith.constant 0 : i32
      %add3A_324 = vector.broadcast %add3A_323 : i32 to vector<16xi32>
      %add3A_325 = arith.addi %add3A_324, %iota3A : vector<16xi32>
      %min3A_326 = arith.constant 84 : i32
      %min3A_327 = vector.broadcast %min3A_326 : i32 to vector<16xi32>
      %min3A_328 = arith.minsi %add3A_325, %min3A_327 : vector<16xi32>
      %mul3A_329 = arith.constant 307200 : i32
      %mul3A_330 = vector.broadcast %mul3A_329 : i32 to vector<16xi32>
      %mul3A_331 = arith.muli %min3A_328, %mul3A_330 : vector<16xi32>
      %add3A_332 = arith.addi %gather3A_322, %mul3A_331 : vector<16xi32>
      %mul3A_333 = arith.constant 96 : i32
      %mul3A_334 = arith.muli %scan3A_320, %mul3A_333 : i32
      %add3A_335 = arith.constant 0 : i32
      %add3A_336 = arith.addi %mul3A_334, %add3A_335 : i32
      %swap3A_337 = arith.index_cast %add3A_336 : i32 to index
      %swap3A_338 = tpu.vector_load %arg15[%swap3A_337] {strides = array<i32>} : memref<4608xi32, #tpu.memory_space<vmem>>, vector<16xi32>,
      tpu.vector_store %arg15[%swap3A_337], %add3A_332 {strides = array<i32>} : memref<4608xi32, #tpu.memory_space<vmem>>, vector<16xi32>,
      %add3A_339 = arith.constant 16 : i32
      %add3A_340 = vector.broadcast %add3A_339 : i32 to vector<16xi32>
      %add3A_341 = arith.addi %add3A_340, %iota3A : vector<16xi32>
      %min3A_342 = arith.constant 84 : i32
      %min3A_343 = vector.broadcast %min3A_342 : i32 to vector<16xi32>
      %min3A_344 = arith.minsi %add3A_341, %min3A_343 : vector<16xi32>
      %mul3A_345 = arith.constant 307200 : i32
      %mul3A_346 = vector.broadcast %mul3A_345 : i32 to vector<16xi32>
      %mul3A_347 = arith.muli %min3A_344, %mul3A_346 : vector<16xi32>
      %add3A_348 = arith.addi %gather3A_322, %mul3A_347 : vector<16xi32>
      %mul3A_349 = arith.constant 96 : i32
      %mul3A_350 = arith.muli %scan3A_320, %mul3A_349 : i32
      %add3A_351 = arith.constant 16 : i32
      %add3A_352 = arith.addi %mul3A_350, %add3A_351 : i32
      %swap3A_353 = arith.index_cast %add3A_352 : i32 to index
      %swap3A_354 = tpu.vector_load %arg15[%swap3A_353] {strides = array<i32>} : memref<4608xi32, #tpu.memory_space<vmem>>, vector<16xi32>,
      tpu.vector_store %arg15[%swap3A_353], %add3A_348 {strides = array<i32>} : memref<4608xi32, #tpu.memory_space<vmem>>, vector<16xi32>,
      %add3A_355 = arith.constant 32 : i32
      %add3A_356 = vector.broadcast %add3A_355 : i32 to vector<16xi32>
      %add3A_357 = arith.addi %add3A_356, %iota3A : vector<16xi32>
      %min3A_358 = arith.constant 84 : i32
      %min3A_359 = vector.broadcast %min3A_358 : i32 to vector<16xi32>
      %min3A_360 = arith.minsi %add3A_357, %min3A_359 : vector<16xi32>
      %mul3A_361 = arith.constant 307200 : i32
      %mul3A_362 = vector.broadcast %mul3A_361 : i32 to vector<16xi32>
      %mul3A_363 = arith.muli %min3A_360, %mul3A_362 : vector<16xi32>
      %add3A_364 = arith.addi %gather3A_322, %mul3A_363 : vector<16xi32>
      %mul3A_365 = arith.constant 96 : i32
      %mul3A_366 = arith.muli %scan3A_320, %mul3A_365 : i32
      %add3A_367 = arith.constant 32 : i32
      %add3A_368 = arith.addi %mul3A_366, %add3A_367 : i32
      %swap3A_369 = arith.index_cast %add3A_368 : i32 to index
      %swap3A_370 = tpu.vector_load %arg15[%swap3A_369] {strides = array<i32>} : memref<4608xi32, #tpu.memory_space<vmem>>, vector<16xi32>,
      tpu.vector_store %arg15[%swap3A_369], %add3A_364 {strides = array<i32>} : memref<4608xi32, #tpu.memory_space<vmem>>, vector<16xi32>,
      %add3A_371 = arith.constant 48 : i32
      %add3A_372 = vector.broadcast %add3A_371 : i32 to vector<16xi32>
      %add3A_373 = arith.addi %add3A_372, %iota3A : vector<16xi32>
      %min3A_374 = arith.constant 84 : i32
      %min3A_375 = vector.broadcast %min3A_374 : i32 to vector<16xi32>
      %min3A_376 = arith.minsi %add3A_373, %min3A_375 : vector<16xi32>
      %mul3A_377 = arith.constant 307200 : i32
      %mul3A_378 = vector.broadcast %mul3A_377 : i32 to vector<16xi32>
      %mul3A_379 = arith.muli %min3A_376, %mul3A_378 : vector<16xi32>
      %add3A_380 = arith.addi %gather3A_322, %mul3A_379 : vector<16xi32>
      %mul3A_381 = arith.constant 96 : i32
      %mul3A_382 = arith.muli %scan3A_320, %mul3A_381 : i32
      %add3A_383 = arith.constant 48 : i32
      %add3A_384 = arith.addi %mul3A_382, %add3A_383 : i32
      %swap3A_385 = arith.index_cast %add3A_384 : i32 to index
      %swap3A_386 = tpu.vector_load %arg15[%swap3A_385] {strides = array<i32>} : memref<4608xi32, #tpu.memory_space<vmem>>, vector<16xi32>,
      tpu.vector_store %arg15[%swap3A_385], %add3A_380 {strides = array<i32>} : memref<4608xi32, #tpu.memory_space<vmem>>, vector<16xi32>,
      %add3A_387 = arith.constant 64 : i32
      %add3A_388 = vector.broadcast %add3A_387 : i32 to vector<16xi32>
      %add3A_389 = arith.addi %add3A_388, %iota3A : vector<16xi32>
      %min3A_390 = arith.constant 84 : i32
      %min3A_391 = vector.broadcast %min3A_390 : i32 to vector<16xi32>
      %min3A_392 = arith.minsi %add3A_389, %min3A_391 : vector<16xi32>
      %mul3A_393 = arith.constant 307200 : i32
      %mul3A_394 = vector.broadcast %mul3A_393 : i32 to vector<16xi32>
      %mul3A_395 = arith.muli %min3A_392, %mul3A_394 : vector<16xi32>
      %add3A_396 = arith.addi %gather3A_322, %mul3A_395 : vector<16xi32>
      %mul3A_397 = arith.constant 96 : i32
      %mul3A_398 = arith.muli %scan3A_320, %mul3A_397 : i32
      %add3A_399 = arith.constant 64 : i32
      %add3A_400 = arith.addi %mul3A_398, %add3A_399 : i32
      %swap3A_401 = arith.index_cast %add3A_400 : i32 to index
      %swap3A_402 = tpu.vector_load %arg15[%swap3A_401] {strides = array<i32>} : memref<4608xi32, #tpu.memory_space<vmem>>, vector<16xi32>,
      tpu.vector_store %arg15[%swap3A_401], %add3A_396 {strides = array<i32>} : memref<4608xi32, #tpu.memory_space<vmem>>, vector<16xi32>,
      %add3A_403 = arith.constant 80 : i32
      %add3A_404 = vector.broadcast %add3A_403 : i32 to vector<16xi32>
      %add3A_405 = arith.addi %add3A_404, %iota3A : vector<16xi32>
      %min3A_406 = arith.constant 84 : i32
      %min3A_407 = vector.broadcast %min3A_406 : i32 to vector<16xi32>
      %min3A_408 = arith.minsi %add3A_405, %min3A_407 : vector<16xi32>
      %mul3A_409 = arith.constant 307200 : i32
      %mul3A_410 = vector.broadcast %mul3A_409 : i32 to vector<16xi32>
      %mul3A_411 = arith.muli %min3A_408, %mul3A_410 : vector<16xi32>
      %add3A_412 = arith.addi %gather3A_322, %mul3A_411 : vector<16xi32>
      %mul3A_413 = arith.constant 96 : i32
      %mul3A_414 = arith.muli %scan3A_320, %mul3A_413 : i32
      %add3A_415 = arith.constant 80 : i32
      %add3A_416 = arith.addi %mul3A_414, %add3A_415 : i32
      %swap3A_417 = arith.index_cast %add3A_416 : i32 to index
      %swap3A_418 = tpu.vector_load %arg15[%swap3A_417] {strides = array<i32>} : memref<4608xi32, #tpu.memory_space<vmem>>, vector<16xi32>,
      tpu.vector_store %arg15[%swap3A_417], %add3A_412 {strides = array<i32>} : memref<4608xi32, #tpu.memory_space<vmem>>, vector<16xi32>,
      %scan3A_419 = arith.constant 0 : i32
      scf.yield %scan3A_419 : i32
    }
    %scan3A_310 = arith.constant 48 : i32
    "tpu.region"() ({
      %run_scoped3A = tpu.sem_alloc : memref<!tpu.dma_semaphore, #tpu.memory_space<semaphore_mem>>
      %dma_start3A = arith.constant 0 : i32
      %dma_start3A_320 = tpu.memref_slice %arg2[%dma_start3A] : memref<26112000xf32, #tpu.memory_space<hbm>> -> memref<26112000xf32, #tpu.memory_space<hbm>>
      tpu.enqueue_indirect_dma source(%dma_start3A_320 : memref<26112000xf32, #tpu.memory_space<hbm>>) target(%arg16 : memref<4608xf32, #tpu.memory_space<vmem>>) offsets(%arg15 : memref<4608xi32, #tpu.memory_space<vmem>>) semaphore(%run_scoped3A : memref<!tpu.dma_semaphore, #tpu.memory_space<semaphore_mem>>)
      %dma_wait3A = arith.constant 0 : i32
      %dma_wait3A_321 = tpu.memref_slice %arg2[%dma_wait3A] : memref<26112000xf32, #tpu.memory_space<hbm>> -> memref<26112000xf32, #tpu.memory_space<hbm>>
      tpu.wait_indirect_dma semaphore(%run_scoped3A : memref<!tpu.dma_semaphore, #tpu.memory_space<semaphore_mem>>) src(%dma_wait3A_321 : memref<26112000xf32, #tpu.memory_space<hbm>>) dst(%arg16 : memref<4608xf32, #tpu.memory_space<vmem>>)
      tpu.yield
    }) : () -> ()
    %mul3A_311 = arith.constant 48 : i32
    %mul3A_312 = arith.muli %add3A, %mul3A_311 : i32
    %mul3A_313 = arith.constant 96 : i32
    %mul3A_314 = arith.muli %mul3A_312, %mul3A_313 : i32
    "tpu.region"() ({
      %run_scoped3A = tpu.sem_alloc : memref<!tpu.dma_semaphore, #tpu.memory_space<semaphore_mem>>
      %dma_start3A = tpu.memref_slice %arg6[%mul3A_314] : memref<147456xf32, #tpu.memory_space<hbm>> -> memref<4608xf32, #tpu.memory_space<hbm>>
      %dma_start3A_320 = tpu.memref_slice %arg6[%mul3A_314] : memref<147456xf32, #tpu.memory_space<hbm>> -> memref<4608xf32, #tpu.memory_space<hbm>>
      tpu.enqueue_dma source(%arg16 : memref<4608xf32, #tpu.memory_space<vmem>>) target(%dma_start3A_320 : memref<4608xf32, #tpu.memory_space<hbm>>) target_semaphore(%run_scoped3A : memref<!tpu.dma_semaphore, #tpu.memory_space<semaphore_mem>>)
      %dma_wait3A = tpu.memref_slice %arg6[%mul3A_314] : memref<147456xf32, #tpu.memory_space<hbm>> -> memref<4608xf32, #tpu.memory_space<hbm>>
      %dma_wait3A_321 = tpu.memref_slice %arg6[%mul3A_314] : memref<147456xf32, #tpu.memory_space<hbm>> -> memref<4608xf32, #tpu.memory_space<hbm>>
      tpu.wait_dma2 semaphore(%run_scoped3A : memref<!tpu.dma_semaphore, #tpu.memory_space<semaphore_mem>>) src(%arg16 : memref<4608xf32, #tpu.memory_space<vmem>>) dst(%dma_wait3A_321 : memref<4608xf32, #tpu.memory_space<hbm>>)
      tpu.yield
    }) : () -> ()
    %barrier3A = arith.constant 0 : index
    tpu.barrier barrier_id(%barrier3A)
    %eq3A_315 = arith.constant 0 : i32
    %eq3A_316 = arith.cmpi eq, %arg0, %eq3A_315 : i32
    %convert_element_type3A_317 = arith.extui %eq3A_316 : i1 to i32
    %cond3A_318 = arith.constant 0 : i32
    %cond3A_319 = arith.cmpi ne, %convert_element_type3A_317, %cond3A_318 : i32
    scf.if %cond3A_319 {
      "tpu.region"() ({
        %run_scoped3A = tpu.sem_alloc : memref<!tpu.dma_semaphore, #tpu.memory_space<semaphore_mem>>
        %dma_start3A = arith.constant 0 : i32
        %dma_start3A_322 = tpu.memref_slice %arg17[%dma_start3A] : memref<307216xi32, #tpu.memory_space<vmem_shared>> -> memref<307216xi32, #tpu.memory_space<vmem_shared>>
        tpu.enqueue_indirect_dma source(%dma_start3A_322 : memref<307216xi32, #tpu.memory_space<vmem_shared>>) target(%arg14 : memref<96xi32, #tpu.memory_space<vmem>>) offsets(%arg12 : memref<96xi32, #tpu.memory_space<vmem>>) semaphore(%run_scoped3A : memref<!tpu.dma_semaphore, #tpu.memory_space<semaphore_mem>>)
        %dma_wait3A = arith.constant 0 : i32
        %dma_wait3A_323 = tpu.memref_slice %arg17[%dma_wait3A] : memref<307216xi32, #tpu.memory_space<vmem_shared>> -> memref<307216xi32, #tpu.memory_space<vmem_shared>>
        tpu.wait_indirect_dma semaphore(%run_scoped3A : memref<!tpu.dma_semaphore, #tpu.memory_space<semaphore_mem>>) src(%dma_wait3A_323 : memref<307216xi32, #tpu.memory_space<vmem_shared>>) dst(%arg14 : memref<96xi32, #tpu.memory_space<vmem>>)
        tpu.yield
      }) : () -> ()
      %mul3A_320 = arith.constant 96 : i32
      %mul3A_321 = arith.muli %arg1, %mul3A_320 : i32
      "tpu.region"() ({
        %run_scoped3A = tpu.sem_alloc : memref<!tpu.dma_semaphore, #tpu.memory_space<semaphore_mem>>
        %dma_start3A = tpu.memref_slice %arg7[%mul3A_321] : memref<1536xi32, #tpu.memory_space<hbm>> -> memref<96xi32, #tpu.memory_space<hbm>>
        %dma_start3A_322 = tpu.memref_slice %arg7[%mul3A_321] : memref<1536xi32, #tpu.memory_space<hbm>> -> memref<96xi32, #tpu.memory_space<hbm>>
        tpu.enqueue_dma source(%arg14 : memref<96xi32, #tpu.memory_space<vmem>>) target(%dma_start3A_322 : memref<96xi32, #tpu.memory_space<hbm>>) target_semaphore(%run_scoped3A : memref<!tpu.dma_semaphore, #tpu.memory_space<semaphore_mem>>)
        %dma_wait3A = tpu.memref_slice %arg7[%mul3A_321] : memref<1536xi32, #tpu.memory_space<hbm>> -> memref<96xi32, #tpu.memory_space<hbm>>
        %dma_wait3A_323 = tpu.memref_slice %arg7[%mul3A_321] : memref<1536xi32, #tpu.memory_space<hbm>> -> memref<96xi32, #tpu.memory_space<hbm>>
        tpu.wait_dma2 semaphore(%run_scoped3A : memref<!tpu.dma_semaphore, #tpu.memory_space<semaphore_mem>>) src(%arg14 : memref<96xi32, #tpu.memory_space<vmem>>) dst(%dma_wait3A_323 : memref<96xi32, #tpu.memory_space<hbm>>)
        tpu.yield
      }) : () -> ()
    } else {
    }
    return
  }
}

#map = affine_map<(d0, d1) -> (0)>
module attributes {stable_mosaic.version = 14 : i64} {
  func.func @k(%arg0: i32, %arg1: i32, %arg2: memref<1740800xf32, #tpu.memory_space<hbm>>, %arg3: memref<18xf32, #tpu.memory_space<hbm>>, %arg4: memref<2000xf32, #tpu.memory_space<hbm>>, %arg5: memref<500xi32, #tpu.memory_space<hbm>>, %arg6: memref<147456xf32, #tpu.memory_space<hbm>>, %arg7: memref<1536xi32, #tpu.memory_space<hbm>>, %arg8: memref<2000xf32, #tpu.memory_space<vmem>>, %arg9: memref<500xi32, #tpu.memory_space<vmem>>, %arg10: memref<18xf32, #tpu.memory_space<vmem>>, %arg11: memref<48xi32, #tpu.memory_space<vmem>>, %arg12: memref<96xi32, #tpu.memory_space<vmem>>, %arg13: memref<96xi32, #tpu.memory_space<vmem>>, %arg14: memref<96xi32, #tpu.memory_space<vmem>>, %arg15: memref<4608xi32, #tpu.memory_space<vmem>>, %arg16: memref<4608xf32, #tpu.memory_space<vmem>>, %arg17: memref<19216xi32, #tpu.memory_space<vmem_shared>>) attributes {dimension_semantics = [#tpu.dimension_semantics<core_parallel>, #tpu.dimension_semantics<subcore_parallel>], iteration_bounds = array<i64: 2, 16>, scalar_prefetch = 0 : i64, scratch_operands = 10 : i64, tpu.core_type = #tpu.core_type<sc_vector_subcore>, window_params = [{transform_indices = #map}, {transform_indices = #map}, {transform_indices = #map}, {transform_indices = #map}, {transform_indices = #map}, {transform_indices = #map}]} {
    %mul3A = arith.constant 2 : i32
    %mul3A_0 = arith.muli %arg1, %mul3A : i32
    %add3A = arith.addi %mul3A_0, %arg0 : i32
    "tpu.region"() ({
      %run_scoped3A = tpu.sem_alloc : memref<!tpu.dma_semaphore, #tpu.memory_space<semaphore_mem>>
      tpu.enqueue_dma source(%arg4 : memref<2000xf32, #tpu.memory_space<hbm>>) target(%arg8 : memref<2000xf32, #tpu.memory_space<vmem>>) target_semaphore(%run_scoped3A : memref<!tpu.dma_semaphore, #tpu.memory_space<semaphore_mem>>)
      tpu.wait_dma2 semaphore(%run_scoped3A : memref<!tpu.dma_semaphore, #tpu.memory_space<semaphore_mem>>) src(%arg4 : memref<2000xf32, #tpu.memory_space<hbm>>) dst(%arg8 : memref<2000xf32, #tpu.memory_space<vmem>>)
      tpu.yield
    }) : () -> ()
    "tpu.region"() ({
      %run_scoped3A = tpu.sem_alloc : memref<!tpu.dma_semaphore, #tpu.memory_space<semaphore_mem>>
      tpu.enqueue_dma source(%arg5 : memref<500xi32, #tpu.memory_space<hbm>>) target(%arg9 : memref<500xi32, #tpu.memory_space<vmem>>) target_semaphore(%run_scoped3A : memref<!tpu.dma_semaphore, #tpu.memory_space<semaphore_mem>>)
      tpu.wait_dma2 semaphore(%run_scoped3A : memref<!tpu.dma_semaphore, #tpu.memory_space<semaphore_mem>>) src(%arg5 : memref<500xi32, #tpu.memory_space<hbm>>) dst(%arg9 : memref<500xi32, #tpu.memory_space<vmem>>)
      tpu.yield
    }) : () -> ()
    "tpu.region"() ({
      %run_scoped3A = tpu.sem_alloc : memref<!tpu.dma_semaphore, #tpu.memory_space<semaphore_mem>>
      tpu.enqueue_dma source(%arg3 : memref<18xf32, #tpu.memory_space<hbm>>) target(%arg10 : memref<18xf32, #tpu.memory_space<vmem>>) target_semaphore(%run_scoped3A : memref<!tpu.dma_semaphore, #tpu.memory_space<semaphore_mem>>)
      tpu.wait_dma2 semaphore(%run_scoped3A : memref<!tpu.dma_semaphore, #tpu.memory_space<semaphore_mem>>) src(%arg3 : memref<18xf32, #tpu.memory_space<hbm>>) dst(%arg10 : memref<18xf32, #tpu.memory_space<vmem>>)
      tpu.yield
    }) : () -> ()
    %iota3A = tpu.iota {dimensions = array<i32: 0>} : vector<16xi32>
    %eq3A = arith.constant 0 : i32
    %eq3A_1 = arith.cmpi eq, %arg0, %eq3A : i32
    %convert_element_type3A = arith.extui %eq3A_1 : i1 to i32
    %cond3A = arith.constant 0 : i32
    %cond3A_2 = arith.cmpi ne, %convert_element_type3A, %cond3A : i32
    scf.if %cond3A_2 {
      %mul3A_320 = arith.constant 96 : i32
      %mul3A_321 = arith.muli %arg1, %mul3A_320 : i32
      %add3A_322 = arith.constant 0 : i32
      %add3A_323 = arith.addi %mul3A_321, %add3A_322 : i32
      %add3A_324 = vector.broadcast %add3A_323 : i32 to vector<16xi32>
      %add3A_325 = arith.addi %add3A_324, %iota3A : vector<16xi32>
      %shift_right_arithmetic3A_326 = arith.constant 9 : i32
      %shift_right_arithmetic3A_327 = vector.broadcast %shift_right_arithmetic3A_326 : i32 to vector<16xi32>
      %shift_right_arithmetic3A_328 = arith.shrsi %add3A_325, %shift_right_arithmetic3A_327 : vector<16xi32>
      %and3A_329 = arith.constant 511 : i32
      %and3A_330 = vector.broadcast %and3A_329 : i32 to vector<16xi32>
      %and3A_331 = arith.andi %add3A_325, %and3A_330 : vector<16xi32>
      %lt3A_332 = arith.constant 500 : i32
      %lt3A_333 = vector.broadcast %lt3A_332 : i32 to vector<16xi32>
      %lt3A_334 = arith.cmpi slt, %and3A_331, %lt3A_333 : vector<16xi32>
      %min3A_335 = arith.constant 499 : i32
      %min3A_336 = vector.broadcast %min3A_335 : i32 to vector<16xi32>
      %min3A_337 = arith.minsi %and3A_331, %min3A_336 : vector<16xi32>
      %mul3A_338 = arith.constant 4 : i32
      %mul3A_339 = vector.broadcast %mul3A_338 : i32 to vector<16xi32>
      %mul3A_340 = arith.muli %min3A_337, %mul3A_339 : vector<16xi32>
      %gather3A_341 = tpu.vector_load_idx %arg8[%mul3A_340] : memref<2000xf32, #tpu.memory_space<vmem>>[vector<16xi32>], vector<16xf32>,
      %add3A_342 = arith.constant 1 : i32
      %add3A_343 = vector.broadcast %add3A_342 : i32 to vector<16xi32>
      %add3A_344 = arith.addi %mul3A_340, %add3A_343 : vector<16xi32>
      %gather3A_345 = tpu.vector_load_idx %arg8[%add3A_344] : memref<2000xf32, #tpu.memory_space<vmem>>[vector<16xi32>], vector<16xf32>,
      %add3A_346 = arith.constant 2 : i32
      %add3A_347 = vector.broadcast %add3A_346 : i32 to vector<16xi32>
      %add3A_348 = arith.addi %mul3A_340, %add3A_347 : vector<16xi32>
      %gather3A_349 = tpu.vector_load_idx %arg8[%add3A_348] : memref<2000xf32, #tpu.memory_space<vmem>>[vector<16xi32>], vector<16xf32>,
      %add3A_350 = arith.constant 3 : i32
      %add3A_351 = vector.broadcast %add3A_350 : i32 to vector<16xi32>
      %add3A_352 = arith.addi %mul3A_340, %add3A_351 : vector<16xi32>
      %gather3A_353 = tpu.vector_load_idx %arg8[%add3A_352] : memref<2000xf32, #tpu.memory_space<vmem>>[vector<16xi32>], vector<16xf32>,
      %gather3A_354 = tpu.vector_load_idx %arg9[%min3A_337] : memref<500xi32, #tpu.memory_space<vmem>>[vector<16xi32>], vector<16xi32>,
      %add3A_355 = arith.constant 6 : i32
      %add3A_356 = vector.broadcast %add3A_355 : i32 to vector<16xi32>
      %add3A_357 = arith.addi %add3A_356, %shift_right_arithmetic3A_328 : vector<16xi32>
      %mul3A_358 = arith.constant 2 : i32
      %mul3A_359 = vector.broadcast %mul3A_358 : i32 to vector<16xi32>
      %mul3A_360 = arith.muli %add3A_357, %mul3A_359 : vector<16xi32>
      %gather3A_361 = tpu.vector_load_idx %arg10[%mul3A_360] : memref<18xf32, #tpu.memory_space<vmem>>[vector<16xi32>], vector<16xf32>,
      %add3A_362 = arith.constant 1 : i32
      %add3A_363 = vector.broadcast %add3A_362 : i32 to vector<16xi32>
      %add3A_364 = arith.addi %mul3A_360, %add3A_363 : vector<16xi32>
      %gather3A_365 = tpu.vector_load_idx %arg10[%add3A_364] : memref<18xf32, #tpu.memory_space<vmem>>[vector<16xi32>], vector<16xf32>,
      %mul3A_366 = arith.constant 6.400000e+02 : f32
      %mul3A_367 = vector.broadcast %mul3A_366 : f32 to vector<16xf32>
      %mul3A_368 = arith.mulf %gather3A_349, %mul3A_367 : vector<16xf32>
      %div3A_369 = arith.divf %mul3A_368, %gather3A_361 : vector<16xf32>
      %mul3A_370 = arith.constant 6.400000e+02 : f32
      %mul3A_371 = vector.broadcast %mul3A_370 : f32 to vector<16xf32>
      %mul3A_372 = arith.mulf %gather3A_353, %mul3A_371 : vector<16xf32>
      %div3A_373 = arith.divf %mul3A_372, %gather3A_365 : vector<16xf32>
      %lt3A_374 = arith.constant 4.000000e+00 : f32
      %lt3A_375 = vector.broadcast %lt3A_374 : f32 to vector<16xf32>
      %lt3A_376 = arith.cmpf olt, %div3A_369, %lt3A_375 : vector<16xf32>
      %gt3A_377 = arith.constant 2.500000e-01 : f32
      %gt3A_378 = vector.broadcast %gt3A_377 : f32 to vector<16xf32>
      %gt3A_379 = arith.cmpf ogt, %div3A_369, %gt3A_378 : vector<16xf32>
      %and3A_380 = arith.andi %lt3A_376, %gt3A_379 : vector<16xi1>
      %lt3A_381 = arith.constant 4.000000e+00 : f32
      %lt3A_382 = vector.broadcast %lt3A_381 : f32 to vector<16xf32>
      %lt3A_383 = arith.cmpf olt, %div3A_373, %lt3A_382 : vector<16xf32>
      %and3A_384 = arith.andi %and3A_380, %lt3A_383 : vector<16xi1>
      %gt3A_385 = arith.constant 2.500000e-01 : f32
      %gt3A_386 = vector.broadcast %gt3A_385 : f32 to vector<16xf32>
      %gt3A_387 = arith.cmpf ogt, %div3A_373, %gt3A_386 : vector<16xf32>
      %and3A_388 = arith.andi %and3A_384, %gt3A_387 : vector<16xi1>
      %and3A_389 = arith.andi %and3A_388, %lt3A_334 : vector<16xi1>
      %mul3A_390 = arith.constant 2.000000e+01 : f32
      %mul3A_391 = vector.broadcast %mul3A_390 : f32 to vector<16xf32>
      %mul3A_392 = arith.mulf %gather3A_341, %mul3A_391 : vector<16xf32>
      %mul3A_393 = arith.constant 2.000000e+01 : f32
      %mul3A_394 = vector.broadcast %mul3A_393 : f32 to vector<16xf32>
      %mul3A_395 = arith.mulf %gather3A_345, %mul3A_394 : vector<16xf32>
      %convert_element_type3A_396 = arith.fptosi %mul3A_392 : vector<16xf32> to vector<16xi32>
      %jit3A_397 = arith.constant 0 : i32
      %jit3A_398 = arith.constant 19 : i32
      %max3A_399 = vector.broadcast %jit3A_397 : i32 to vector<16xi32>
      %max3A_400 = arith.maxsi %max3A_399, %convert_element_type3A_396 : vector<16xi32>
      %min3A_401 = vector.broadcast %jit3A_398 : i32 to vector<16xi32>
      %min3A_402 = arith.minsi %min3A_401, %max3A_400 : vector<16xi32>
      %convert_element_type3A_403 = arith.fptosi %mul3A_395 : vector<16xf32> to vector<16xi32>
      %jit3A_404 = arith.constant 0 : i32
      %jit3A_405 = arith.constant 19 : i32
      %max3A_406 = vector.broadcast %jit3A_404 : i32 to vector<16xi32>
      %max3A_407 = arith.maxsi %max3A_406, %convert_element_type3A_403 : vector<16xi32>
      %min3A_408 = vector.broadcast %jit3A_405 : i32 to vector<16xi32>
      %min3A_409 = arith.minsi %min3A_408, %max3A_407 : vector<16xi32>
      %mul3A_410 = arith.constant 3 : i32
      %mul3A_411 = vector.broadcast %mul3A_410 : i32 to vector<16xi32>
      %mul3A_412 = arith.muli %gather3A_354, %mul3A_411 : vector<16xi32>
      %add3A_413 = arith.addi %mul3A_412, %shift_right_arithmetic3A_328 : vector<16xi32>
      %mul3A_414 = arith.constant 20 : i32
      %mul3A_415 = vector.broadcast %mul3A_414 : i32 to vector<16xi32>
      %mul3A_416 = arith.muli %add3A_413, %mul3A_415 : vector<16xi32>
      %add3A_417 = arith.addi %mul3A_416, %min3A_409 : vector<16xi32>
      %mul3A_418 = arith.constant 20 : i32
      %mul3A_419 = vector.broadcast %mul3A_418 : i32 to vector<16xi32>
      %mul3A_420 = arith.muli %add3A_417, %mul3A_419 : vector<16xi32>
      %add3A_421 = arith.addi %mul3A_420, %min3A_402 : vector<16xi32>
      %jit3A_422 = arith.constant 19200 : i32
      %broadcast_in_dim3A = vector.broadcast %jit3A_422 : i32 to vector<16xi32>
      %select_n3A = arith.select %and3A_389, %add3A_421, %broadcast_in_dim3A : vector<16xi1>, vector<16xi32>
      %swap3A_423 = arith.constant 0 : index
      %swap3A_424 = tpu.vector_load %arg12[%swap3A_423] {strides = array<i32>} : memref<96xi32, #tpu.memory_space<vmem>>, vector<16xi32>,
      tpu.vector_store %arg12[%swap3A_423], %select_n3A {strides = array<i32>} : memref<96xi32, #tpu.memory_space<vmem>>, vector<16xi32>,
      %swap3A_425 = arith.constant 0 : index
      %swap3A_426 = tpu.vector_load %arg13[%swap3A_425] {strides = array<i32>} : memref<96xi32, #tpu.memory_space<vmem>>, vector<16xi32>,
      tpu.vector_store %arg13[%swap3A_425], %add3A_325 {strides = array<i32>} : memref<96xi32, #tpu.memory_space<vmem>>, vector<16xi32>,
      %mul3A_427 = arith.constant 96 : i32
      %mul3A_428 = arith.muli %arg1, %mul3A_427 : i32
      %add3A_429 = arith.constant 16 : i32
      %add3A_430 = arith.addi %mul3A_428, %add3A_429 : i32
      %add3A_431 = vector.broadcast %add3A_430 : i32 to vector<16xi32>
      %add3A_432 = arith.addi %add3A_431, %iota3A : vector<16xi32>
      %shift_right_arithmetic3A_433 = arith.constant 9 : i32
      %shift_right_arithmetic3A_434 = vector.broadcast %shift_right_arithmetic3A_433 : i32 to vector<16xi32>
      %shift_right_arithmetic3A_435 = arith.shrsi %add3A_432, %shift_right_arithmetic3A_434 : vector<16xi32>
      %and3A_436 = arith.constant 511 : i32
      %and3A_437 = vector.broadcast %and3A_436 : i32 to vector<16xi32>
      %and3A_438 = arith.andi %add3A_432, %and3A_437 : vector<16xi32>
      %lt3A_439 = arith.constant 500 : i32
      %lt3A_440 = vector.broadcast %lt3A_439 : i32 to vector<16xi32>
      %lt3A_441 = arith.cmpi slt, %and3A_438, %lt3A_440 : vector<16xi32>
      %min3A_442 = arith.constant 499 : i32
      %min3A_443 = vector.broadcast %min3A_442 : i32 to vector<16xi32>
      %min3A_444 = arith.minsi %and3A_438, %min3A_443 : vector<16xi32>
      %mul3A_445 = arith.constant 4 : i32
      %mul3A_446 = vector.broadcast %mul3A_445 : i32 to vector<16xi32>
      %mul3A_447 = arith.muli %min3A_444, %mul3A_446 : vector<16xi32>
      %gather3A_448 = tpu.vector_load_idx %arg8[%mul3A_447] : memref<2000xf32, #tpu.memory_space<vmem>>[vector<16xi32>], vector<16xf32>,
      %add3A_449 = arith.constant 1 : i32
      %add3A_450 = vector.broadcast %add3A_449 : i32 to vector<16xi32>
      %add3A_451 = arith.addi %mul3A_447, %add3A_450 : vector<16xi32>
      %gather3A_452 = tpu.vector_load_idx %arg8[%add3A_451] : memref<2000xf32, #tpu.memory_space<vmem>>[vector<16xi32>], vector<16xf32>,
      %add3A_453 = arith.constant 2 : i32
      %add3A_454 = vector.broadcast %add3A_453 : i32 to vector<16xi32>
      %add3A_455 = arith.addi %mul3A_447, %add3A_454 : vector<16xi32>
      %gather3A_456 = tpu.vector_load_idx %arg8[%add3A_455] : memref<2000xf32, #tpu.memory_space<vmem>>[vector<16xi32>], vector<16xf32>,
      %add3A_457 = arith.constant 3 : i32
      %add3A_458 = vector.broadcast %add3A_457 : i32 to vector<16xi32>
      %add3A_459 = arith.addi %mul3A_447, %add3A_458 : vector<16xi32>
      %gather3A_460 = tpu.vector_load_idx %arg8[%add3A_459] : memref<2000xf32, #tpu.memory_space<vmem>>[vector<16xi32>], vector<16xf32>,
      %gather3A_461 = tpu.vector_load_idx %arg9[%min3A_444] : memref<500xi32, #tpu.memory_space<vmem>>[vector<16xi32>], vector<16xi32>,
      %add3A_462 = arith.constant 6 : i32
      %add3A_463 = vector.broadcast %add3A_462 : i32 to vector<16xi32>
      %add3A_464 = arith.addi %add3A_463, %shift_right_arithmetic3A_435 : vector<16xi32>
      %mul3A_465 = arith.constant 2 : i32
      %mul3A_466 = vector.broadcast %mul3A_465 : i32 to vector<16xi32>
      %mul3A_467 = arith.muli %add3A_464, %mul3A_466 : vector<16xi32>
      %gather3A_468 = tpu.vector_load_idx %arg10[%mul3A_467] : memref<18xf32, #tpu.memory_space<vmem>>[vector<16xi32>], vector<16xf32>,
      %add3A_469 = arith.constant 1 : i32
      %add3A_470 = vector.broadcast %add3A_469 : i32 to vector<16xi32>
      %add3A_471 = arith.addi %mul3A_467, %add3A_470 : vector<16xi32>
      %gather3A_472 = tpu.vector_load_idx %arg10[%add3A_471] : memref<18xf32, #tpu.memory_space<vmem>>[vector<16xi32>], vector<16xf32>,
      %mul3A_473 = arith.constant 6.400000e+02 : f32
      %mul3A_474 = vector.broadcast %mul3A_473 : f32 to vector<16xf32>
      %mul3A_475 = arith.mulf %gather3A_456, %mul3A_474 : vector<16xf32>
      %div3A_476 = arith.divf %mul3A_475, %gather3A_468 : vector<16xf32>
      %mul3A_477 = arith.constant 6.400000e+02 : f32
      %mul3A_478 = vector.broadcast %mul3A_477 : f32 to vector<16xf32>
      %mul3A_479 = arith.mulf %gather3A_460, %mul3A_478 : vector<16xf32>
      %div3A_480 = arith.divf %mul3A_479, %gather3A_472 : vector<16xf32>
      %lt3A_481 = arith.constant 4.000000e+00 : f32
      %lt3A_482 = vector.broadcast %lt3A_481 : f32 to vector<16xf32>
      %lt3A_483 = arith.cmpf olt, %div3A_476, %lt3A_482 : vector<16xf32>
      %gt3A_484 = arith.constant 2.500000e-01 : f32
      %gt3A_485 = vector.broadcast %gt3A_484 : f32 to vector<16xf32>
      %gt3A_486 = arith.cmpf ogt, %div3A_476, %gt3A_485 : vector<16xf32>
      %and3A_487 = arith.andi %lt3A_483, %gt3A_486 : vector<16xi1>
      %lt3A_488 = arith.constant 4.000000e+00 : f32
      %lt3A_489 = vector.broadcast %lt3A_488 : f32 to vector<16xf32>
      %lt3A_490 = arith.cmpf olt, %div3A_480, %lt3A_489 : vector<16xf32>
      %and3A_491 = arith.andi %and3A_487, %lt3A_490 : vector<16xi1>
      %gt3A_492 = arith.constant 2.500000e-01 : f32
      %gt3A_493 = vector.broadcast %gt3A_492 : f32 to vector<16xf32>
      %gt3A_494 = arith.cmpf ogt, %div3A_480, %gt3A_493 : vector<16xf32>
      %and3A_495 = arith.andi %and3A_491, %gt3A_494 : vector<16xi1>
      %and3A_496 = arith.andi %and3A_495, %lt3A_441 : vector<16xi1>
      %mul3A_497 = arith.constant 2.000000e+01 : f32
      %mul3A_498 = vector.broadcast %mul3A_497 : f32 to vector<16xf32>
      %mul3A_499 = arith.mulf %gather3A_448, %mul3A_498 : vector<16xf32>
      %mul3A_500 = arith.constant 2.000000e+01 : f32
      %mul3A_501 = vector.broadcast %mul3A_500 : f32 to vector<16xf32>
      %mul3A_502 = arith.mulf %gather3A_452, %mul3A_501 : vector<16xf32>
      %convert_element_type3A_503 = arith.fptosi %mul3A_499 : vector<16xf32> to vector<16xi32>
      %jit3A_504 = arith.constant 0 : i32
      %jit3A_505 = arith.constant 19 : i32
      %max3A_506 = vector.broadcast %jit3A_504 : i32 to vector<16xi32>
      %max3A_507 = arith.maxsi %max3A_506, %convert_element_type3A_503 : vector<16xi32>
      %min3A_508 = vector.broadcast %jit3A_505 : i32 to vector<16xi32>
      %min3A_509 = arith.minsi %min3A_508, %max3A_507 : vector<16xi32>
      %convert_element_type3A_510 = arith.fptosi %mul3A_502 : vector<16xf32> to vector<16xi32>
      %jit3A_511 = arith.constant 0 : i32
      %jit3A_512 = arith.constant 19 : i32
      %max3A_513 = vector.broadcast %jit3A_511 : i32 to vector<16xi32>
      %max3A_514 = arith.maxsi %max3A_513, %convert_element_type3A_510 : vector<16xi32>
      %min3A_515 = vector.broadcast %jit3A_512 : i32 to vector<16xi32>
      %min3A_516 = arith.minsi %min3A_515, %max3A_514 : vector<16xi32>
      %mul3A_517 = arith.constant 3 : i32
      %mul3A_518 = vector.broadcast %mul3A_517 : i32 to vector<16xi32>
      %mul3A_519 = arith.muli %gather3A_461, %mul3A_518 : vector<16xi32>
      %add3A_520 = arith.addi %mul3A_519, %shift_right_arithmetic3A_435 : vector<16xi32>
      %mul3A_521 = arith.constant 20 : i32
      %mul3A_522 = vector.broadcast %mul3A_521 : i32 to vector<16xi32>
      %mul3A_523 = arith.muli %add3A_520, %mul3A_522 : vector<16xi32>
      %add3A_524 = arith.addi %mul3A_523, %min3A_516 : vector<16xi32>
      %mul3A_525 = arith.constant 20 : i32
      %mul3A_526 = vector.broadcast %mul3A_525 : i32 to vector<16xi32>
      %mul3A_527 = arith.muli %add3A_524, %mul3A_526 : vector<16xi32>
      %add3A_528 = arith.addi %mul3A_527, %min3A_509 : vector<16xi32>
      %jit3A_529 = arith.constant 19200 : i32
      %broadcast_in_dim3A_530 = vector.broadcast %jit3A_529 : i32 to vector<16xi32>
      %select_n3A_531 = arith.select %and3A_496, %add3A_528, %broadcast_in_dim3A_530 : vector<16xi1>, vector<16xi32>
      %swap3A_532 = arith.constant 16 : index
      %swap3A_533 = tpu.vector_load %arg12[%swap3A_532] {strides = array<i32>} : memref<96xi32, #tpu.memory_space<vmem>>, vector<16xi32>,
      tpu.vector_store %arg12[%swap3A_532], %select_n3A_531 {strides = array<i32>} : memref<96xi32, #tpu.memory_space<vmem>>, vector<16xi32>,
      %swap3A_534 = arith.constant 16 : index
      %swap3A_535 = tpu.vector_load %arg13[%swap3A_534] {strides = array<i32>} : memref<96xi32, #tpu.memory_space<vmem>>, vector<16xi32>,
      tpu.vector_store %arg13[%swap3A_534], %add3A_432 {strides = array<i32>} : memref<96xi32, #tpu.memory_space<vmem>>, vector<16xi32>,
      %mul3A_536 = arith.constant 96 : i32
      %mul3A_537 = arith.muli %arg1, %mul3A_536 : i32
      %add3A_538 = arith.constant 32 : i32
      %add3A_539 = arith.addi %mul3A_537, %add3A_538 : i32
      %add3A_540 = vector.broadcast %add3A_539 : i32 to vector<16xi32>
      %add3A_541 = arith.addi %add3A_540, %iota3A : vector<16xi32>
      %shift_right_arithmetic3A_542 = arith.constant 9 : i32
      %shift_right_arithmetic3A_543 = vector.broadcast %shift_right_arithmetic3A_542 : i32 to vector<16xi32>
      %shift_right_arithmetic3A_544 = arith.shrsi %add3A_541, %shift_right_arithmetic3A_543 : vector<16xi32>
      %and3A_545 = arith.constant 511 : i32
      %and3A_546 = vector.broadcast %and3A_545 : i32 to vector<16xi32>
      %and3A_547 = arith.andi %add3A_541, %and3A_546 : vector<16xi32>
      %lt3A_548 = arith.constant 500 : i32
      %lt3A_549 = vector.broadcast %lt3A_548 : i32 to vector<16xi32>
      %lt3A_550 = arith.cmpi slt, %and3A_547, %lt3A_549 : vector<16xi32>
      %min3A_551 = arith.constant 499 : i32
      %min3A_552 = vector.broadcast %min3A_551 : i32 to vector<16xi32>
      %min3A_553 = arith.minsi %and3A_547, %min3A_552 : vector<16xi32>
      %mul3A_554 = arith.constant 4 : i32
      %mul3A_555 = vector.broadcast %mul3A_554 : i32 to vector<16xi32>
      %mul3A_556 = arith.muli %min3A_553, %mul3A_555 : vector<16xi32>
      %gather3A_557 = tpu.vector_load_idx %arg8[%mul3A_556] : memref<2000xf32, #tpu.memory_space<vmem>>[vector<16xi32>], vector<16xf32>,
      %add3A_558 = arith.constant 1 : i32
      %add3A_559 = vector.broadcast %add3A_558 : i32 to vector<16xi32>
      %add3A_560 = arith.addi %mul3A_556, %add3A_559 : vector<16xi32>
      %gather3A_561 = tpu.vector_load_idx %arg8[%add3A_560] : memref<2000xf32, #tpu.memory_space<vmem>>[vector<16xi32>], vector<16xf32>,
      %add3A_562 = arith.constant 2 : i32
      %add3A_563 = vector.broadcast %add3A_562 : i32 to vector<16xi32>
      %add3A_564 = arith.addi %mul3A_556, %add3A_563 : vector<16xi32>
      %gather3A_565 = tpu.vector_load_idx %arg8[%add3A_564] : memref<2000xf32, #tpu.memory_space<vmem>>[vector<16xi32>], vector<16xf32>,
      %add3A_566 = arith.constant 3 : i32
      %add3A_567 = vector.broadcast %add3A_566 : i32 to vector<16xi32>
      %add3A_568 = arith.addi %mul3A_556, %add3A_567 : vector<16xi32>
      %gather3A_569 = tpu.vector_load_idx %arg8[%add3A_568] : memref<2000xf32, #tpu.memory_space<vmem>>[vector<16xi32>], vector<16xf32>,
      %gather3A_570 = tpu.vector_load_idx %arg9[%min3A_553] : memref<500xi32, #tpu.memory_space<vmem>>[vector<16xi32>], vector<16xi32>,
      %add3A_571 = arith.constant 6 : i32
      %add3A_572 = vector.broadcast %add3A_571 : i32 to vector<16xi32>
      %add3A_573 = arith.addi %add3A_572, %shift_right_arithmetic3A_544 : vector<16xi32>
      %mul3A_574 = arith.constant 2 : i32
      %mul3A_575 = vector.broadcast %mul3A_574 : i32 to vector<16xi32>
      %mul3A_576 = arith.muli %add3A_573, %mul3A_575 : vector<16xi32>
      %gather3A_577 = tpu.vector_load_idx %arg10[%mul3A_576] : memref<18xf32, #tpu.memory_space<vmem>>[vector<16xi32>], vector<16xf32>,
      %add3A_578 = arith.constant 1 : i32
      %add3A_579 = vector.broadcast %add3A_578 : i32 to vector<16xi32>
      %add3A_580 = arith.addi %mul3A_576, %add3A_579 : vector<16xi32>
      %gather3A_581 = tpu.vector_load_idx %arg10[%add3A_580] : memref<18xf32, #tpu.memory_space<vmem>>[vector<16xi32>], vector<16xf32>,
      %mul3A_582 = arith.constant 6.400000e+02 : f32
      %mul3A_583 = vector.broadcast %mul3A_582 : f32 to vector<16xf32>
      %mul3A_584 = arith.mulf %gather3A_565, %mul3A_583 : vector<16xf32>
      %div3A_585 = arith.divf %mul3A_584, %gather3A_577 : vector<16xf32>
      %mul3A_586 = arith.constant 6.400000e+02 : f32
      %mul3A_587 = vector.broadcast %mul3A_586 : f32 to vector<16xf32>
      %mul3A_588 = arith.mulf %gather3A_569, %mul3A_587 : vector<16xf32>
      %div3A_589 = arith.divf %mul3A_588, %gather3A_581 : vector<16xf32>
      %lt3A_590 = arith.constant 4.000000e+00 : f32
      %lt3A_591 = vector.broadcast %lt3A_590 : f32 to vector<16xf32>
      %lt3A_592 = arith.cmpf olt, %div3A_585, %lt3A_591 : vector<16xf32>
      %gt3A_593 = arith.constant 2.500000e-01 : f32
      %gt3A_594 = vector.broadcast %gt3A_593 : f32 to vector<16xf32>
      %gt3A_595 = arith.cmpf ogt, %div3A_585, %gt3A_594 : vector<16xf32>
      %and3A_596 = arith.andi %lt3A_592, %gt3A_595 : vector<16xi1>
      %lt3A_597 = arith.constant 4.000000e+00 : f32
      %lt3A_598 = vector.broadcast %lt3A_597 : f32 to vector<16xf32>
      %lt3A_599 = arith.cmpf olt, %div3A_589, %lt3A_598 : vector<16xf32>
      %and3A_600 = arith.andi %and3A_596, %lt3A_599 : vector<16xi1>
      %gt3A_601 = arith.constant 2.500000e-01 : f32
      %gt3A_602 = vector.broadcast %gt3A_601 : f32 to vector<16xf32>
      %gt3A_603 = arith.cmpf ogt, %div3A_589, %gt3A_602 : vector<16xf32>
      %and3A_604 = arith.andi %and3A_600, %gt3A_603 : vector<16xi1>
      %and3A_605 = arith.andi %and3A_604, %lt3A_550 : vector<16xi1>
      %mul3A_606 = arith.constant 2.000000e+01 : f32
      %mul3A_607 = vector.broadcast %mul3A_606 : f32 to vector<16xf32>
      %mul3A_608 = arith.mulf %gather3A_557, %mul3A_607 : vector<16xf32>
      %mul3A_609 = arith.constant 2.000000e+01 : f32
      %mul3A_610 = vector.broadcast %mul3A_609 : f32 to vector<16xf32>
      %mul3A_611 = arith.mulf %gather3A_561, %mul3A_610 : vector<16xf32>
      %convert_element_type3A_612 = arith.fptosi %mul3A_608 : vector<16xf32> to vector<16xi32>
      %jit3A_613 = arith.constant 0 : i32
      %jit3A_614 = arith.constant 19 : i32
      %max3A_615 = vector.broadcast %jit3A_613 : i32 to vector<16xi32>
      %max3A_616 = arith.maxsi %max3A_615, %convert_element_type3A_612 : vector<16xi32>
      %min3A_617 = vector.broadcast %jit3A_614 : i32 to vector<16xi32>
      %min3A_618 = arith.minsi %min3A_617, %max3A_616 : vector<16xi32>
      %convert_element_type3A_619 = arith.fptosi %mul3A_611 : vector<16xf32> to vector<16xi32>
      %jit3A_620 = arith.constant 0 : i32
      %jit3A_621 = arith.constant 19 : i32
      %max3A_622 = vector.broadcast %jit3A_620 : i32 to vector<16xi32>
      %max3A_623 = arith.maxsi %max3A_622, %convert_element_type3A_619 : vector<16xi32>
      %min3A_624 = vector.broadcast %jit3A_621 : i32 to vector<16xi32>
      %min3A_625 = arith.minsi %min3A_624, %max3A_623 : vector<16xi32>
      %mul3A_626 = arith.constant 3 : i32
      %mul3A_627 = vector.broadcast %mul3A_626 : i32 to vector<16xi32>
      %mul3A_628 = arith.muli %gather3A_570, %mul3A_627 : vector<16xi32>
      %add3A_629 = arith.addi %mul3A_628, %shift_right_arithmetic3A_544 : vector<16xi32>
      %mul3A_630 = arith.constant 20 : i32
      %mul3A_631 = vector.broadcast %mul3A_630 : i32 to vector<16xi32>
      %mul3A_632 = arith.muli %add3A_629, %mul3A_631 : vector<16xi32>
      %add3A_633 = arith.addi %mul3A_632, %min3A_625 : vector<16xi32>
      %mul3A_634 = arith.constant 20 : i32
      %mul3A_635 = vector.broadcast %mul3A_634 : i32 to vector<16xi32>
      %mul3A_636 = arith.muli %add3A_633, %mul3A_635 : vector<16xi32>
      %add3A_637 = arith.addi %mul3A_636, %min3A_618 : vector<16xi32>
      %jit3A_638 = arith.constant 19200 : i32
      %broadcast_in_dim3A_639 = vector.broadcast %jit3A_638 : i32 to vector<16xi32>
      %select_n3A_640 = arith.select %and3A_605, %add3A_637, %broadcast_in_dim3A_639 : vector<16xi1>, vector<16xi32>
      %swap3A_641 = arith.constant 32 : index
      %swap3A_642 = tpu.vector_load %arg12[%swap3A_641] {strides = array<i32>} : memref<96xi32, #tpu.memory_space<vmem>>, vector<16xi32>,
      tpu.vector_store %arg12[%swap3A_641], %select_n3A_640 {strides = array<i32>} : memref<96xi32, #tpu.memory_space<vmem>>, vector<16xi32>,
      %swap3A_643 = arith.constant 32 : index
      %swap3A_644 = tpu.vector_load %arg13[%swap3A_643] {strides = array<i32>} : memref<96xi32, #tpu.memory_space<vmem>>, vector<16xi32>,
      tpu.vector_store %arg13[%swap3A_643], %add3A_541 {strides = array<i32>} : memref<96xi32, #tpu.memory_space<vmem>>, vector<16xi32>,
      %mul3A_645 = arith.constant 96 : i32
      %mul3A_646 = arith.muli %arg1, %mul3A_645 : i32
      %add3A_647 = arith.constant 48 : i32
      %add3A_648 = arith.addi %mul3A_646, %add3A_647 : i32
      %add3A_649 = vector.broadcast %add3A_648 : i32 to vector<16xi32>
      %add3A_650 = arith.addi %add3A_649, %iota3A : vector<16xi32>
      %shift_right_arithmetic3A_651 = arith.constant 9 : i32
      %shift_right_arithmetic3A_652 = vector.broadcast %shift_right_arithmetic3A_651 : i32 to vector<16xi32>
      %shift_right_arithmetic3A_653 = arith.shrsi %add3A_650, %shift_right_arithmetic3A_652 : vector<16xi32>
      %and3A_654 = arith.constant 511 : i32
      %and3A_655 = vector.broadcast %and3A_654 : i32 to vector<16xi32>
      %and3A_656 = arith.andi %add3A_650, %and3A_655 : vector<16xi32>
      %lt3A_657 = arith.constant 500 : i32
      %lt3A_658 = vector.broadcast %lt3A_657 : i32 to vector<16xi32>
      %lt3A_659 = arith.cmpi slt, %and3A_656, %lt3A_658 : vector<16xi32>
      %min3A_660 = arith.constant 499 : i32
      %min3A_661 = vector.broadcast %min3A_660 : i32 to vector<16xi32>
      %min3A_662 = arith.minsi %and3A_656, %min3A_661 : vector<16xi32>
      %mul3A_663 = arith.constant 4 : i32
      %mul3A_664 = vector.broadcast %mul3A_663 : i32 to vector<16xi32>
      %mul3A_665 = arith.muli %min3A_662, %mul3A_664 : vector<16xi32>
      %gather3A_666 = tpu.vector_load_idx %arg8[%mul3A_665] : memref<2000xf32, #tpu.memory_space<vmem>>[vector<16xi32>], vector<16xf32>,
      %add3A_667 = arith.constant 1 : i32
      %add3A_668 = vector.broadcast %add3A_667 : i32 to vector<16xi32>
      %add3A_669 = arith.addi %mul3A_665, %add3A_668 : vector<16xi32>
      %gather3A_670 = tpu.vector_load_idx %arg8[%add3A_669] : memref<2000xf32, #tpu.memory_space<vmem>>[vector<16xi32>], vector<16xf32>,
      %add3A_671 = arith.constant 2 : i32
      %add3A_672 = vector.broadcast %add3A_671 : i32 to vector<16xi32>
      %add3A_673 = arith.addi %mul3A_665, %add3A_672 : vector<16xi32>
      %gather3A_674 = tpu.vector_load_idx %arg8[%add3A_673] : memref<2000xf32, #tpu.memory_space<vmem>>[vector<16xi32>], vector<16xf32>,
      %add3A_675 = arith.constant 3 : i32
      %add3A_676 = vector.broadcast %add3A_675 : i32 to vector<16xi32>
      %add3A_677 = arith.addi %mul3A_665, %add3A_676 : vector<16xi32>
      %gather3A_678 = tpu.vector_load_idx %arg8[%add3A_677] : memref<2000xf32, #tpu.memory_space<vmem>>[vector<16xi32>], vector<16xf32>,
      %gather3A_679 = tpu.vector_load_idx %arg9[%min3A_662] : memref<500xi32, #tpu.memory_space<vmem>>[vector<16xi32>], vector<16xi32>,
      %add3A_680 = arith.constant 6 : i32
      %add3A_681 = vector.broadcast %add3A_680 : i32 to vector<16xi32>
      %add3A_682 = arith.addi %add3A_681, %shift_right_arithmetic3A_653 : vector<16xi32>
      %mul3A_683 = arith.constant 2 : i32
      %mul3A_684 = vector.broadcast %mul3A_683 : i32 to vector<16xi32>
      %mul3A_685 = arith.muli %add3A_682, %mul3A_684 : vector<16xi32>
      %gather3A_686 = tpu.vector_load_idx %arg10[%mul3A_685] : memref<18xf32, #tpu.memory_space<vmem>>[vector<16xi32>], vector<16xf32>,
      %add3A_687 = arith.constant 1 : i32
      %add3A_688 = vector.broadcast %add3A_687 : i32 to vector<16xi32>
      %add3A_689 = arith.addi %mul3A_685, %add3A_688 : vector<16xi32>
      %gather3A_690 = tpu.vector_load_idx %arg10[%add3A_689] : memref<18xf32, #tpu.memory_space<vmem>>[vector<16xi32>], vector<16xf32>,
      %mul3A_691 = arith.constant 6.400000e+02 : f32
      %mul3A_692 = vector.broadcast %mul3A_691 : f32 to vector<16xf32>
      %mul3A_693 = arith.mulf %gather3A_674, %mul3A_692 : vector<16xf32>
      %div3A_694 = arith.divf %mul3A_693, %gather3A_686 : vector<16xf32>
      %mul3A_695 = arith.constant 6.400000e+02 : f32
      %mul3A_696 = vector.broadcast %mul3A_695 : f32 to vector<16xf32>
      %mul3A_697 = arith.mulf %gather3A_678, %mul3A_696 : vector<16xf32>
      %div3A_698 = arith.divf %mul3A_697, %gather3A_690 : vector<16xf32>
      %lt3A_699 = arith.constant 4.000000e+00 : f32
      %lt3A_700 = vector.broadcast %lt3A_699 : f32 to vector<16xf32>
      %lt3A_701 = arith.cmpf olt, %div3A_694, %lt3A_700 : vector<16xf32>
      %gt3A_702 = arith.constant 2.500000e-01 : f32
      %gt3A_703 = vector.broadcast %gt3A_702 : f32 to vector<16xf32>
      %gt3A_704 = arith.cmpf ogt, %div3A_694, %gt3A_703 : vector<16xf32>
      %and3A_705 = arith.andi %lt3A_701, %gt3A_704 : vector<16xi1>
      %lt3A_706 = arith.constant 4.000000e+00 : f32
      %lt3A_707 = vector.broadcast %lt3A_706 : f32 to vector<16xf32>
      %lt3A_708 = arith.cmpf olt, %div3A_698, %lt3A_707 : vector<16xf32>
      %and3A_709 = arith.andi %and3A_705, %lt3A_708 : vector<16xi1>
      %gt3A_710 = arith.constant 2.500000e-01 : f32
      %gt3A_711 = vector.broadcast %gt3A_710 : f32 to vector<16xf32>
      %gt3A_712 = arith.cmpf ogt, %div3A_698, %gt3A_711 : vector<16xf32>
      %and3A_713 = arith.andi %and3A_709, %gt3A_712 : vector<16xi1>
      %and3A_714 = arith.andi %and3A_713, %lt3A_659 : vector<16xi1>
      %mul3A_715 = arith.constant 2.000000e+01 : f32
      %mul3A_716 = vector.broadcast %mul3A_715 : f32 to vector<16xf32>
      %mul3A_717 = arith.mulf %gather3A_666, %mul3A_716 : vector<16xf32>
      %mul3A_718 = arith.constant 2.000000e+01 : f32
      %mul3A_719 = vector.broadcast %mul3A_718 : f32 to vector<16xf32>
      %mul3A_720 = arith.mulf %gather3A_670, %mul3A_719 : vector<16xf32>
      %convert_element_type3A_721 = arith.fptosi %mul3A_717 : vector<16xf32> to vector<16xi32>
      %jit3A_722 = arith.constant 0 : i32
      %jit3A_723 = arith.constant 19 : i32
      %max3A_724 = vector.broadcast %jit3A_722 : i32 to vector<16xi32>
      %max3A_725 = arith.maxsi %max3A_724, %convert_element_type3A_721 : vector<16xi32>
      %min3A_726 = vector.broadcast %jit3A_723 : i32 to vector<16xi32>
      %min3A_727 = arith.minsi %min3A_726, %max3A_725 : vector<16xi32>
      %convert_element_type3A_728 = arith.fptosi %mul3A_720 : vector<16xf32> to vector<16xi32>
      %jit3A_729 = arith.constant 0 : i32
      %jit3A_730 = arith.constant 19 : i32
      %max3A_731 = vector.broadcast %jit3A_729 : i32 to vector<16xi32>
      %max3A_732 = arith.maxsi %max3A_731, %convert_element_type3A_728 : vector<16xi32>
      %min3A_733 = vector.broadcast %jit3A_730 : i32 to vector<16xi32>
      %min3A_734 = arith.minsi %min3A_733, %max3A_732 : vector<16xi32>
      %mul3A_735 = arith.constant 3 : i32
      %mul3A_736 = vector.broadcast %mul3A_735 : i32 to vector<16xi32>
      %mul3A_737 = arith.muli %gather3A_679, %mul3A_736 : vector<16xi32>
      %add3A_738 = arith.addi %mul3A_737, %shift_right_arithmetic3A_653 : vector<16xi32>
      %mul3A_739 = arith.constant 20 : i32
      %mul3A_740 = vector.broadcast %mul3A_739 : i32 to vector<16xi32>
      %mul3A_741 = arith.muli %add3A_738, %mul3A_740 : vector<16xi32>
      %add3A_742 = arith.addi %mul3A_741, %min3A_734 : vector<16xi32>
      %mul3A_743 = arith.constant 20 : i32
      %mul3A_744 = vector.broadcast %mul3A_743 : i32 to vector<16xi32>
      %mul3A_745 = arith.muli %add3A_742, %mul3A_744 : vector<16xi32>
      %add3A_746 = arith.addi %mul3A_745, %min3A_727 : vector<16xi32>
      %jit3A_747 = arith.constant 19200 : i32
      %broadcast_in_dim3A_748 = vector.broadcast %jit3A_747 : i32 to vector<16xi32>
      %select_n3A_749 = arith.select %and3A_714, %add3A_746, %broadcast_in_dim3A_748 : vector<16xi1>, vector<16xi32>
      %swap3A_750 = arith.constant 48 : index
      %swap3A_751 = tpu.vector_load %arg12[%swap3A_750] {strides = array<i32>} : memref<96xi32, #tpu.memory_space<vmem>>, vector<16xi32>,
      tpu.vector_store %arg12[%swap3A_750], %select_n3A_749 {strides = array<i32>} : memref<96xi32, #tpu.memory_space<vmem>>, vector<16xi32>,
      %swap3A_752 = arith.constant 48 : index
      %swap3A_753 = tpu.vector_load %arg13[%swap3A_752] {strides = array<i32>} : memref<96xi32, #tpu.memory_space<vmem>>, vector<16xi32>,
      tpu.vector_store %arg13[%swap3A_752], %add3A_650 {strides = array<i32>} : memref<96xi32, #tpu.memory_space<vmem>>, vector<16xi32>,
      %mul3A_754 = arith.constant 96 : i32
      %mul3A_755 = arith.muli %arg1, %mul3A_754 : i32
      %add3A_756 = arith.constant 64 : i32
      %add3A_757 = arith.addi %mul3A_755, %add3A_756 : i32
      %add3A_758 = vector.broadcast %add3A_757 : i32 to vector<16xi32>
      %add3A_759 = arith.addi %add3A_758, %iota3A : vector<16xi32>
      %shift_right_arithmetic3A_760 = arith.constant 9 : i32
      %shift_right_arithmetic3A_761 = vector.broadcast %shift_right_arithmetic3A_760 : i32 to vector<16xi32>
      %shift_right_arithmetic3A_762 = arith.shrsi %add3A_759, %shift_right_arithmetic3A_761 : vector<16xi32>
      %and3A_763 = arith.constant 511 : i32
      %and3A_764 = vector.broadcast %and3A_763 : i32 to vector<16xi32>
      %and3A_765 = arith.andi %add3A_759, %and3A_764 : vector<16xi32>
      %lt3A_766 = arith.constant 500 : i32
      %lt3A_767 = vector.broadcast %lt3A_766 : i32 to vector<16xi32>
      %lt3A_768 = arith.cmpi slt, %and3A_765, %lt3A_767 : vector<16xi32>
      %min3A_769 = arith.constant 499 : i32
      %min3A_770 = vector.broadcast %min3A_769 : i32 to vector<16xi32>
      %min3A_771 = arith.minsi %and3A_765, %min3A_770 : vector<16xi32>
      %mul3A_772 = arith.constant 4 : i32
      %mul3A_773 = vector.broadcast %mul3A_772 : i32 to vector<16xi32>
      %mul3A_774 = arith.muli %min3A_771, %mul3A_773 : vector<16xi32>
      %gather3A_775 = tpu.vector_load_idx %arg8[%mul3A_774] : memref<2000xf32, #tpu.memory_space<vmem>>[vector<16xi32>], vector<16xf32>,
      %add3A_776 = arith.constant 1 : i32
      %add3A_777 = vector.broadcast %add3A_776 : i32 to vector<16xi32>
      %add3A_778 = arith.addi %mul3A_774, %add3A_777 : vector<16xi32>
      %gather3A_779 = tpu.vector_load_idx %arg8[%add3A_778] : memref<2000xf32, #tpu.memory_space<vmem>>[vector<16xi32>], vector<16xf32>,
      %add3A_780 = arith.constant 2 : i32
      %add3A_781 = vector.broadcast %add3A_780 : i32 to vector<16xi32>
      %add3A_782 = arith.addi %mul3A_774, %add3A_781 : vector<16xi32>
      %gather3A_783 = tpu.vector_load_idx %arg8[%add3A_782] : memref<2000xf32, #tpu.memory_space<vmem>>[vector<16xi32>], vector<16xf32>,
      %add3A_784 = arith.constant 3 : i32
      %add3A_785 = vector.broadcast %add3A_784 : i32 to vector<16xi32>
      %add3A_786 = arith.addi %mul3A_774, %add3A_785 : vector<16xi32>
      %gather3A_787 = tpu.vector_load_idx %arg8[%add3A_786] : memref<2000xf32, #tpu.memory_space<vmem>>[vector<16xi32>], vector<16xf32>,
      %gather3A_788 = tpu.vector_load_idx %arg9[%min3A_771] : memref<500xi32, #tpu.memory_space<vmem>>[vector<16xi32>], vector<16xi32>,
      %add3A_789 = arith.constant 6 : i32
      %add3A_790 = vector.broadcast %add3A_789 : i32 to vector<16xi32>
      %add3A_791 = arith.addi %add3A_790, %shift_right_arithmetic3A_762 : vector<16xi32>
      %mul3A_792 = arith.constant 2 : i32
      %mul3A_793 = vector.broadcast %mul3A_792 : i32 to vector<16xi32>
      %mul3A_794 = arith.muli %add3A_791, %mul3A_793 : vector<16xi32>
      %gather3A_795 = tpu.vector_load_idx %arg10[%mul3A_794] : memref<18xf32, #tpu.memory_space<vmem>>[vector<16xi32>], vector<16xf32>,
      %add3A_796 = arith.constant 1 : i32
      %add3A_797 = vector.broadcast %add3A_796 : i32 to vector<16xi32>
      %add3A_798 = arith.addi %mul3A_794, %add3A_797 : vector<16xi32>
      %gather3A_799 = tpu.vector_load_idx %arg10[%add3A_798] : memref<18xf32, #tpu.memory_space<vmem>>[vector<16xi32>], vector<16xf32>,
      %mul3A_800 = arith.constant 6.400000e+02 : f32
      %mul3A_801 = vector.broadcast %mul3A_800 : f32 to vector<16xf32>
      %mul3A_802 = arith.mulf %gather3A_783, %mul3A_801 : vector<16xf32>
      %div3A_803 = arith.divf %mul3A_802, %gather3A_795 : vector<16xf32>
      %mul3A_804 = arith.constant 6.400000e+02 : f32
      %mul3A_805 = vector.broadcast %mul3A_804 : f32 to vector<16xf32>
      %mul3A_806 = arith.mulf %gather3A_787, %mul3A_805 : vector<16xf32>
      %div3A_807 = arith.divf %mul3A_806, %gather3A_799 : vector<16xf32>
      %lt3A_808 = arith.constant 4.000000e+00 : f32
      %lt3A_809 = vector.broadcast %lt3A_808 : f32 to vector<16xf32>
      %lt3A_810 = arith.cmpf olt, %div3A_803, %lt3A_809 : vector<16xf32>
      %gt3A_811 = arith.constant 2.500000e-01 : f32
      %gt3A_812 = vector.broadcast %gt3A_811 : f32 to vector<16xf32>
      %gt3A_813 = arith.cmpf ogt, %div3A_803, %gt3A_812 : vector<16xf32>
      %and3A_814 = arith.andi %lt3A_810, %gt3A_813 : vector<16xi1>
      %lt3A_815 = arith.constant 4.000000e+00 : f32
      %lt3A_816 = vector.broadcast %lt3A_815 : f32 to vector<16xf32>
      %lt3A_817 = arith.cmpf olt, %div3A_807, %lt3A_816 : vector<16xf32>
      %and3A_818 = arith.andi %and3A_814, %lt3A_817 : vector<16xi1>
      %gt3A_819 = arith.constant 2.500000e-01 : f32
      %gt3A_820 = vector.broadcast %gt3A_819 : f32 to vector<16xf32>
      %gt3A_821 = arith.cmpf ogt, %div3A_807, %gt3A_820 : vector<16xf32>
      %and3A_822 = arith.andi %and3A_818, %gt3A_821 : vector<16xi1>
      %and3A_823 = arith.andi %and3A_822, %lt3A_768 : vector<16xi1>
      %mul3A_824 = arith.constant 2.000000e+01 : f32
      %mul3A_825 = vector.broadcast %mul3A_824 : f32 to vector<16xf32>
      %mul3A_826 = arith.mulf %gather3A_775, %mul3A_825 : vector<16xf32>
      %mul3A_827 = arith.constant 2.000000e+01 : f32
      %mul3A_828 = vector.broadcast %mul3A_827 : f32 to vector<16xf32>
      %mul3A_829 = arith.mulf %gather3A_779, %mul3A_828 : vector<16xf32>
      %convert_element_type3A_830 = arith.fptosi %mul3A_826 : vector<16xf32> to vector<16xi32>
      %jit3A_831 = arith.constant 0 : i32
      %jit3A_832 = arith.constant 19 : i32
      %max3A_833 = vector.broadcast %jit3A_831 : i32 to vector<16xi32>
      %max3A_834 = arith.maxsi %max3A_833, %convert_element_type3A_830 : vector<16xi32>
      %min3A_835 = vector.broadcast %jit3A_832 : i32 to vector<16xi32>
      %min3A_836 = arith.minsi %min3A_835, %max3A_834 : vector<16xi32>
      %convert_element_type3A_837 = arith.fptosi %mul3A_829 : vector<16xf32> to vector<16xi32>
      %jit3A_838 = arith.constant 0 : i32
      %jit3A_839 = arith.constant 19 : i32
      %max3A_840 = vector.broadcast %jit3A_838 : i32 to vector<16xi32>
      %max3A_841 = arith.maxsi %max3A_840, %convert_element_type3A_837 : vector<16xi32>
      %min3A_842 = vector.broadcast %jit3A_839 : i32 to vector<16xi32>
      %min3A_843 = arith.minsi %min3A_842, %max3A_841 : vector<16xi32>
      %mul3A_844 = arith.constant 3 : i32
      %mul3A_845 = vector.broadcast %mul3A_844 : i32 to vector<16xi32>
      %mul3A_846 = arith.muli %gather3A_788, %mul3A_845 : vector<16xi32>
      %add3A_847 = arith.addi %mul3A_846, %shift_right_arithmetic3A_762 : vector<16xi32>
      %mul3A_848 = arith.constant 20 : i32
      %mul3A_849 = vector.broadcast %mul3A_848 : i32 to vector<16xi32>
      %mul3A_850 = arith.muli %add3A_847, %mul3A_849 : vector<16xi32>
      %add3A_851 = arith.addi %mul3A_850, %min3A_843 : vector<16xi32>
      %mul3A_852 = arith.constant 20 : i32
      %mul3A_853 = vector.broadcast %mul3A_852 : i32 to vector<16xi32>
      %mul3A_854 = arith.muli %add3A_851, %mul3A_853 : vector<16xi32>
      %add3A_855 = arith.addi %mul3A_854, %min3A_836 : vector<16xi32>
      %jit3A_856 = arith.constant 19200 : i32
      %broadcast_in_dim3A_857 = vector.broadcast %jit3A_856 : i32 to vector<16xi32>
      %select_n3A_858 = arith.select %and3A_823, %add3A_855, %broadcast_in_dim3A_857 : vector<16xi1>, vector<16xi32>
      %swap3A_859 = arith.constant 64 : index
      %swap3A_860 = tpu.vector_load %arg12[%swap3A_859] {strides = array<i32>} : memref<96xi32, #tpu.memory_space<vmem>>, vector<16xi32>,
      tpu.vector_store %arg12[%swap3A_859], %select_n3A_858 {strides = array<i32>} : memref<96xi32, #tpu.memory_space<vmem>>, vector<16xi32>,
      %swap3A_861 = arith.constant 64 : index
      %swap3A_862 = tpu.vector_load %arg13[%swap3A_861] {strides = array<i32>} : memref<96xi32, #tpu.memory_space<vmem>>, vector<16xi32>,
      tpu.vector_store %arg13[%swap3A_861], %add3A_759 {strides = array<i32>} : memref<96xi32, #tpu.memory_space<vmem>>, vector<16xi32>,
      %mul3A_863 = arith.constant 96 : i32
      %mul3A_864 = arith.muli %arg1, %mul3A_863 : i32
      %add3A_865 = arith.constant 80 : i32
      %add3A_866 = arith.addi %mul3A_864, %add3A_865 : i32
      %add3A_867 = vector.broadcast %add3A_866 : i32 to vector<16xi32>
      %add3A_868 = arith.addi %add3A_867, %iota3A : vector<16xi32>
      %shift_right_arithmetic3A_869 = arith.constant 9 : i32
      %shift_right_arithmetic3A_870 = vector.broadcast %shift_right_arithmetic3A_869 : i32 to vector<16xi32>
      %shift_right_arithmetic3A_871 = arith.shrsi %add3A_868, %shift_right_arithmetic3A_870 : vector<16xi32>
      %and3A_872 = arith.constant 511 : i32
      %and3A_873 = vector.broadcast %and3A_872 : i32 to vector<16xi32>
      %and3A_874 = arith.andi %add3A_868, %and3A_873 : vector<16xi32>
      %lt3A_875 = arith.constant 500 : i32
      %lt3A_876 = vector.broadcast %lt3A_875 : i32 to vector<16xi32>
      %lt3A_877 = arith.cmpi slt, %and3A_874, %lt3A_876 : vector<16xi32>
      %min3A_878 = arith.constant 499 : i32
      %min3A_879 = vector.broadcast %min3A_878 : i32 to vector<16xi32>
      %min3A_880 = arith.minsi %and3A_874, %min3A_879 : vector<16xi32>
      %mul3A_881 = arith.constant 4 : i32
      %mul3A_882 = vector.broadcast %mul3A_881 : i32 to vector<16xi32>
      %mul3A_883 = arith.muli %min3A_880, %mul3A_882 : vector<16xi32>
      %gather3A_884 = tpu.vector_load_idx %arg8[%mul3A_883] : memref<2000xf32, #tpu.memory_space<vmem>>[vector<16xi32>], vector<16xf32>,
      %add3A_885 = arith.constant 1 : i32
      %add3A_886 = vector.broadcast %add3A_885 : i32 to vector<16xi32>
      %add3A_887 = arith.addi %mul3A_883, %add3A_886 : vector<16xi32>
      %gather3A_888 = tpu.vector_load_idx %arg8[%add3A_887] : memref<2000xf32, #tpu.memory_space<vmem>>[vector<16xi32>], vector<16xf32>,
      %add3A_889 = arith.constant 2 : i32
      %add3A_890 = vector.broadcast %add3A_889 : i32 to vector<16xi32>
      %add3A_891 = arith.addi %mul3A_883, %add3A_890 : vector<16xi32>
      %gather3A_892 = tpu.vector_load_idx %arg8[%add3A_891] : memref<2000xf32, #tpu.memory_space<vmem>>[vector<16xi32>], vector<16xf32>,
      %add3A_893 = arith.constant 3 : i32
      %add3A_894 = vector.broadcast %add3A_893 : i32 to vector<16xi32>
      %add3A_895 = arith.addi %mul3A_883, %add3A_894 : vector<16xi32>
      %gather3A_896 = tpu.vector_load_idx %arg8[%add3A_895] : memref<2000xf32, #tpu.memory_space<vmem>>[vector<16xi32>], vector<16xf32>,
      %gather3A_897 = tpu.vector_load_idx %arg9[%min3A_880] : memref<500xi32, #tpu.memory_space<vmem>>[vector<16xi32>], vector<16xi32>,
      %add3A_898 = arith.constant 6 : i32
      %add3A_899 = vector.broadcast %add3A_898 : i32 to vector<16xi32>
      %add3A_900 = arith.addi %add3A_899, %shift_right_arithmetic3A_871 : vector<16xi32>
      %mul3A_901 = arith.constant 2 : i32
      %mul3A_902 = vector.broadcast %mul3A_901 : i32 to vector<16xi32>
      %mul3A_903 = arith.muli %add3A_900, %mul3A_902 : vector<16xi32>
      %gather3A_904 = tpu.vector_load_idx %arg10[%mul3A_903] : memref<18xf32, #tpu.memory_space<vmem>>[vector<16xi32>], vector<16xf32>,
      %add3A_905 = arith.constant 1 : i32
      %add3A_906 = vector.broadcast %add3A_905 : i32 to vector<16xi32>
      %add3A_907 = arith.addi %mul3A_903, %add3A_906 : vector<16xi32>
      %gather3A_908 = tpu.vector_load_idx %arg10[%add3A_907] : memref<18xf32, #tpu.memory_space<vmem>>[vector<16xi32>], vector<16xf32>,
      %mul3A_909 = arith.constant 6.400000e+02 : f32
      %mul3A_910 = vector.broadcast %mul3A_909 : f32 to vector<16xf32>
      %mul3A_911 = arith.mulf %gather3A_892, %mul3A_910 : vector<16xf32>
      %div3A_912 = arith.divf %mul3A_911, %gather3A_904 : vector<16xf32>
      %mul3A_913 = arith.constant 6.400000e+02 : f32
      %mul3A_914 = vector.broadcast %mul3A_913 : f32 to vector<16xf32>
      %mul3A_915 = arith.mulf %gather3A_896, %mul3A_914 : vector<16xf32>
      %div3A_916 = arith.divf %mul3A_915, %gather3A_908 : vector<16xf32>
      %lt3A_917 = arith.constant 4.000000e+00 : f32
      %lt3A_918 = vector.broadcast %lt3A_917 : f32 to vector<16xf32>
      %lt3A_919 = arith.cmpf olt, %div3A_912, %lt3A_918 : vector<16xf32>
      %gt3A_920 = arith.constant 2.500000e-01 : f32
      %gt3A_921 = vector.broadcast %gt3A_920 : f32 to vector<16xf32>
      %gt3A_922 = arith.cmpf ogt, %div3A_912, %gt3A_921 : vector<16xf32>
      %and3A_923 = arith.andi %lt3A_919, %gt3A_922 : vector<16xi1>
      %lt3A_924 = arith.constant 4.000000e+00 : f32
      %lt3A_925 = vector.broadcast %lt3A_924 : f32 to vector<16xf32>
      %lt3A_926 = arith.cmpf olt, %div3A_916, %lt3A_925 : vector<16xf32>
      %and3A_927 = arith.andi %and3A_923, %lt3A_926 : vector<16xi1>
      %gt3A_928 = arith.constant 2.500000e-01 : f32
      %gt3A_929 = vector.broadcast %gt3A_928 : f32 to vector<16xf32>
      %gt3A_930 = arith.cmpf ogt, %div3A_916, %gt3A_929 : vector<16xf32>
      %and3A_931 = arith.andi %and3A_927, %gt3A_930 : vector<16xi1>
      %and3A_932 = arith.andi %and3A_931, %lt3A_877 : vector<16xi1>
      %mul3A_933 = arith.constant 2.000000e+01 : f32
      %mul3A_934 = vector.broadcast %mul3A_933 : f32 to vector<16xf32>
      %mul3A_935 = arith.mulf %gather3A_884, %mul3A_934 : vector<16xf32>
      %mul3A_936 = arith.constant 2.000000e+01 : f32
      %mul3A_937 = vector.broadcast %mul3A_936 : f32 to vector<16xf32>
      %mul3A_938 = arith.mulf %gather3A_888, %mul3A_937 : vector<16xf32>
      %convert_element_type3A_939 = arith.fptosi %mul3A_935 : vector<16xf32> to vector<16xi32>
      %jit3A_940 = arith.constant 0 : i32
      %jit3A_941 = arith.constant 19 : i32
      %max3A_942 = vector.broadcast %jit3A_940 : i32 to vector<16xi32>
      %max3A_943 = arith.maxsi %max3A_942, %convert_element_type3A_939 : vector<16xi32>
      %min3A_944 = vector.broadcast %jit3A_941 : i32 to vector<16xi32>
      %min3A_945 = arith.minsi %min3A_944, %max3A_943 : vector<16xi32>
      %convert_element_type3A_946 = arith.fptosi %mul3A_938 : vector<16xf32> to vector<16xi32>
      %jit3A_947 = arith.constant 0 : i32
      %jit3A_948 = arith.constant 19 : i32
      %max3A_949 = vector.broadcast %jit3A_947 : i32 to vector<16xi32>
      %max3A_950 = arith.maxsi %max3A_949, %convert_element_type3A_946 : vector<16xi32>
      %min3A_951 = vector.broadcast %jit3A_948 : i32 to vector<16xi32>
      %min3A_952 = arith.minsi %min3A_951, %max3A_950 : vector<16xi32>
      %mul3A_953 = arith.constant 3 : i32
      %mul3A_954 = vector.broadcast %mul3A_953 : i32 to vector<16xi32>
      %mul3A_955 = arith.muli %gather3A_897, %mul3A_954 : vector<16xi32>
      %add3A_956 = arith.addi %mul3A_955, %shift_right_arithmetic3A_871 : vector<16xi32>
      %mul3A_957 = arith.constant 20 : i32
      %mul3A_958 = vector.broadcast %mul3A_957 : i32 to vector<16xi32>
      %mul3A_959 = arith.muli %add3A_956, %mul3A_958 : vector<16xi32>
      %add3A_960 = arith.addi %mul3A_959, %min3A_952 : vector<16xi32>
      %mul3A_961 = arith.constant 20 : i32
      %mul3A_962 = vector.broadcast %mul3A_961 : i32 to vector<16xi32>
      %mul3A_963 = arith.muli %add3A_960, %mul3A_962 : vector<16xi32>
      %add3A_964 = arith.addi %mul3A_963, %min3A_945 : vector<16xi32>
      %jit3A_965 = arith.constant 19200 : i32
      %broadcast_in_dim3A_966 = vector.broadcast %jit3A_965 : i32 to vector<16xi32>
      %select_n3A_967 = arith.select %and3A_932, %add3A_964, %broadcast_in_dim3A_966 : vector<16xi1>, vector<16xi32>
      %swap3A_968 = arith.constant 80 : index
      %swap3A_969 = tpu.vector_load %arg12[%swap3A_968] {strides = array<i32>} : memref<96xi32, #tpu.memory_space<vmem>>, vector<16xi32>,
      tpu.vector_store %arg12[%swap3A_968], %select_n3A_967 {strides = array<i32>} : memref<96xi32, #tpu.memory_space<vmem>>, vector<16xi32>,
      %swap3A_970 = arith.constant 80 : index
      %swap3A_971 = tpu.vector_load %arg13[%swap3A_970] {strides = array<i32>} : memref<96xi32, #tpu.memory_space<vmem>>, vector<16xi32>,
      tpu.vector_store %arg13[%swap3A_970], %add3A_868 {strides = array<i32>} : memref<96xi32, #tpu.memory_space<vmem>>, vector<16xi32>,
      "tpu.region"() ({
        %run_scoped3A = tpu.sem_alloc : memref<!tpu.dma_semaphore, #tpu.memory_space<semaphore_mem>>
        %dma_start3A = arith.constant 0 : i32
        %dma_start3A_972 = tpu.memref_slice %arg17[%dma_start3A] : memref<19216xi32, #tpu.memory_space<vmem_shared>> -> memref<19216xi32, #tpu.memory_space<vmem_shared>>
        tpu.enqueue_indirect_dma source(%arg13 : memref<96xi32, #tpu.memory_space<vmem>>) target(%dma_start3A_972 : memref<19216xi32, #tpu.memory_space<vmem_shared>>) offsets(%arg12 : memref<96xi32, #tpu.memory_space<vmem>>) semaphore(%run_scoped3A : memref<!tpu.dma_semaphore, #tpu.memory_space<semaphore_mem>>)
        %dma_wait3A = arith.constant 0 : i32
        %dma_wait3A_973 = tpu.memref_slice %arg17[%dma_wait3A] : memref<19216xi32, #tpu.memory_space<vmem_shared>> -> memref<19216xi32, #tpu.memory_space<vmem_shared>>
        tpu.wait_indirect_dma semaphore(%run_scoped3A : memref<!tpu.dma_semaphore, #tpu.memory_space<semaphore_mem>>) src(%arg13 : memref<96xi32, #tpu.memory_space<vmem>>) dst(%dma_wait3A_973 : memref<19216xi32, #tpu.memory_space<vmem_shared>>)
        tpu.yield
      }) : () -> ()
    } else {
    }
    %mul3A_3 = arith.constant 48 : i32
    %mul3A_4 = arith.muli %add3A, %mul3A_3 : i32
    %add3A_5 = arith.constant 0 : i32
    %add3A_6 = arith.addi %mul3A_4, %add3A_5 : i32
    %add3A_7 = vector.broadcast %add3A_6 : i32 to vector<16xi32>
    %add3A_8 = arith.addi %add3A_7, %iota3A : vector<16xi32>
    %shift_right_arithmetic3A = arith.constant 9 : i32
    %shift_right_arithmetic3A_9 = vector.broadcast %shift_right_arithmetic3A : i32 to vector<16xi32>
    %shift_right_arithmetic3A_10 = arith.shrsi %add3A_8, %shift_right_arithmetic3A_9 : vector<16xi32>
    %and3A = arith.constant 511 : i32
    %and3A_11 = vector.broadcast %and3A : i32 to vector<16xi32>
    %and3A_12 = arith.andi %add3A_8, %and3A_11 : vector<16xi32>
    %lt3A = arith.constant 500 : i32
    %lt3A_13 = vector.broadcast %lt3A : i32 to vector<16xi32>
    %lt3A_14 = arith.cmpi slt, %and3A_12, %lt3A_13 : vector<16xi32>
    %min3A = arith.constant 499 : i32
    %min3A_15 = vector.broadcast %min3A : i32 to vector<16xi32>
    %min3A_16 = arith.minsi %and3A_12, %min3A_15 : vector<16xi32>
    %mul3A_17 = arith.constant 4 : i32
    %mul3A_18 = vector.broadcast %mul3A_17 : i32 to vector<16xi32>
    %mul3A_19 = arith.muli %min3A_16, %mul3A_18 : vector<16xi32>
    %gather3A = tpu.vector_load_idx %arg8[%mul3A_19] : memref<2000xf32, #tpu.memory_space<vmem>>[vector<16xi32>], vector<16xf32>,
    %add3A_20 = arith.constant 1 : i32
    %add3A_21 = vector.broadcast %add3A_20 : i32 to vector<16xi32>
    %add3A_22 = arith.addi %mul3A_19, %add3A_21 : vector<16xi32>
    %gather3A_23 = tpu.vector_load_idx %arg8[%add3A_22] : memref<2000xf32, #tpu.memory_space<vmem>>[vector<16xi32>], vector<16xf32>,
    %add3A_24 = arith.constant 2 : i32
    %add3A_25 = vector.broadcast %add3A_24 : i32 to vector<16xi32>
    %add3A_26 = arith.addi %mul3A_19, %add3A_25 : vector<16xi32>
    %gather3A_27 = tpu.vector_load_idx %arg8[%add3A_26] : memref<2000xf32, #tpu.memory_space<vmem>>[vector<16xi32>], vector<16xf32>,
    %add3A_28 = arith.constant 3 : i32
    %add3A_29 = vector.broadcast %add3A_28 : i32 to vector<16xi32>
    %add3A_30 = arith.addi %mul3A_19, %add3A_29 : vector<16xi32>
    %gather3A_31 = tpu.vector_load_idx %arg8[%add3A_30] : memref<2000xf32, #tpu.memory_space<vmem>>[vector<16xi32>], vector<16xf32>,
    %gather3A_32 = tpu.vector_load_idx %arg9[%min3A_16] : memref<500xi32, #tpu.memory_space<vmem>>[vector<16xi32>], vector<16xi32>,
    %add3A_33 = arith.constant 6 : i32
    %add3A_34 = vector.broadcast %add3A_33 : i32 to vector<16xi32>
    %add3A_35 = arith.addi %add3A_34, %shift_right_arithmetic3A_10 : vector<16xi32>
    %mul3A_36 = arith.constant 2 : i32
    %mul3A_37 = vector.broadcast %mul3A_36 : i32 to vector<16xi32>
    %mul3A_38 = arith.muli %add3A_35, %mul3A_37 : vector<16xi32>
    %gather3A_39 = tpu.vector_load_idx %arg10[%mul3A_38] : memref<18xf32, #tpu.memory_space<vmem>>[vector<16xi32>], vector<16xf32>,
    %add3A_40 = arith.constant 1 : i32
    %add3A_41 = vector.broadcast %add3A_40 : i32 to vector<16xi32>
    %add3A_42 = arith.addi %mul3A_38, %add3A_41 : vector<16xi32>
    %gather3A_43 = tpu.vector_load_idx %arg10[%add3A_42] : memref<18xf32, #tpu.memory_space<vmem>>[vector<16xi32>], vector<16xf32>,
    %mul3A_44 = arith.constant 6.400000e+02 : f32
    %mul3A_45 = vector.broadcast %mul3A_44 : f32 to vector<16xf32>
    %mul3A_46 = arith.mulf %gather3A_27, %mul3A_45 : vector<16xf32>
    %div3A = arith.divf %mul3A_46, %gather3A_39 : vector<16xf32>
    %mul3A_47 = arith.constant 6.400000e+02 : f32
    %mul3A_48 = vector.broadcast %mul3A_47 : f32 to vector<16xf32>
    %mul3A_49 = arith.mulf %gather3A_31, %mul3A_48 : vector<16xf32>
    %div3A_50 = arith.divf %mul3A_49, %gather3A_43 : vector<16xf32>
    %lt3A_51 = arith.constant 4.000000e+00 : f32
    %lt3A_52 = vector.broadcast %lt3A_51 : f32 to vector<16xf32>
    %lt3A_53 = arith.cmpf olt, %div3A, %lt3A_52 : vector<16xf32>
    %gt3A = arith.constant 2.500000e-01 : f32
    %gt3A_54 = vector.broadcast %gt3A : f32 to vector<16xf32>
    %gt3A_55 = arith.cmpf ogt, %div3A, %gt3A_54 : vector<16xf32>
    %and3A_56 = arith.andi %lt3A_53, %gt3A_55 : vector<16xi1>
    %lt3A_57 = arith.constant 4.000000e+00 : f32
    %lt3A_58 = vector.broadcast %lt3A_57 : f32 to vector<16xf32>
    %lt3A_59 = arith.cmpf olt, %div3A_50, %lt3A_58 : vector<16xf32>
    %and3A_60 = arith.andi %and3A_56, %lt3A_59 : vector<16xi1>
    %gt3A_61 = arith.constant 2.500000e-01 : f32
    %gt3A_62 = vector.broadcast %gt3A_61 : f32 to vector<16xf32>
    %gt3A_63 = arith.cmpf ogt, %div3A_50, %gt3A_62 : vector<16xf32>
    %and3A_64 = arith.andi %and3A_60, %gt3A_63 : vector<16xi1>
    %and3A_65 = arith.andi %and3A_64, %lt3A_14 : vector<16xi1>
    %mul3A_66 = arith.constant 2.000000e+01 : f32
    %mul3A_67 = vector.broadcast %mul3A_66 : f32 to vector<16xf32>
    %mul3A_68 = arith.mulf %gather3A, %mul3A_67 : vector<16xf32>
    %mul3A_69 = arith.constant 2.000000e+01 : f32
    %mul3A_70 = vector.broadcast %mul3A_69 : f32 to vector<16xf32>
    %mul3A_71 = arith.mulf %gather3A_23, %mul3A_70 : vector<16xf32>
    %convert_element_type3A_72 = arith.fptosi %mul3A_68 : vector<16xf32> to vector<16xi32>
    %jit3A = arith.constant 0 : i32
    %jit3A_73 = arith.constant 19 : i32
    %max3A = vector.broadcast %jit3A : i32 to vector<16xi32>
    %max3A_74 = arith.maxsi %max3A, %convert_element_type3A_72 : vector<16xi32>
    %min3A_75 = vector.broadcast %jit3A_73 : i32 to vector<16xi32>
    %min3A_76 = arith.minsi %min3A_75, %max3A_74 : vector<16xi32>
    %convert_element_type3A_77 = arith.fptosi %mul3A_71 : vector<16xf32> to vector<16xi32>
    %jit3A_78 = arith.constant 0 : i32
    %jit3A_79 = arith.constant 19 : i32
    %max3A_80 = vector.broadcast %jit3A_78 : i32 to vector<16xi32>
    %max3A_81 = arith.maxsi %max3A_80, %convert_element_type3A_77 : vector<16xi32>
    %min3A_82 = vector.broadcast %jit3A_79 : i32 to vector<16xi32>
    %min3A_83 = arith.minsi %min3A_82, %max3A_81 : vector<16xi32>
    %mul3A_84 = arith.constant 3 : i32
    %mul3A_85 = vector.broadcast %mul3A_84 : i32 to vector<16xi32>
    %mul3A_86 = arith.muli %gather3A_32, %mul3A_85 : vector<16xi32>
    %add3A_87 = arith.addi %mul3A_86, %shift_right_arithmetic3A_10 : vector<16xi32>
    %mul3A_88 = arith.constant 20 : i32
    %mul3A_89 = vector.broadcast %mul3A_88 : i32 to vector<16xi32>
    %mul3A_90 = arith.muli %add3A_87, %mul3A_89 : vector<16xi32>
    %add3A_91 = arith.addi %mul3A_90, %min3A_83 : vector<16xi32>
    %mul3A_92 = arith.constant 20 : i32
    %mul3A_93 = vector.broadcast %mul3A_92 : i32 to vector<16xi32>
    %mul3A_94 = arith.muli %add3A_91, %mul3A_93 : vector<16xi32>
    %add3A_95 = arith.addi %mul3A_94, %min3A_76 : vector<16xi32>
    %swap3A = arith.constant 0 : index
    %swap3A_96 = tpu.vector_load %arg11[%swap3A] {strides = array<i32>} : memref<48xi32, #tpu.memory_space<vmem>>, vector<16xi32>,
    tpu.vector_store %arg11[%swap3A], %add3A_95 {strides = array<i32>} : memref<48xi32, #tpu.memory_space<vmem>>, vector<16xi32>,
    %mul3A_97 = arith.constant 48 : i32
    %mul3A_98 = arith.muli %add3A, %mul3A_97 : i32
    %add3A_99 = arith.constant 16 : i32
    %add3A_100 = arith.addi %mul3A_98, %add3A_99 : i32
    %add3A_101 = vector.broadcast %add3A_100 : i32 to vector<16xi32>
    %add3A_102 = arith.addi %add3A_101, %iota3A : vector<16xi32>
    %shift_right_arithmetic3A_103 = arith.constant 9 : i32
    %shift_right_arithmetic3A_104 = vector.broadcast %shift_right_arithmetic3A_103 : i32 to vector<16xi32>
    %shift_right_arithmetic3A_105 = arith.shrsi %add3A_102, %shift_right_arithmetic3A_104 : vector<16xi32>
    %and3A_106 = arith.constant 511 : i32
    %and3A_107 = vector.broadcast %and3A_106 : i32 to vector<16xi32>
    %and3A_108 = arith.andi %add3A_102, %and3A_107 : vector<16xi32>
    %lt3A_109 = arith.constant 500 : i32
    %lt3A_110 = vector.broadcast %lt3A_109 : i32 to vector<16xi32>
    %lt3A_111 = arith.cmpi slt, %and3A_108, %lt3A_110 : vector<16xi32>
    %min3A_112 = arith.constant 499 : i32
    %min3A_113 = vector.broadcast %min3A_112 : i32 to vector<16xi32>
    %min3A_114 = arith.minsi %and3A_108, %min3A_113 : vector<16xi32>
    %mul3A_115 = arith.constant 4 : i32
    %mul3A_116 = vector.broadcast %mul3A_115 : i32 to vector<16xi32>
    %mul3A_117 = arith.muli %min3A_114, %mul3A_116 : vector<16xi32>
    %gather3A_118 = tpu.vector_load_idx %arg8[%mul3A_117] : memref<2000xf32, #tpu.memory_space<vmem>>[vector<16xi32>], vector<16xf32>,
    %add3A_119 = arith.constant 1 : i32
    %add3A_120 = vector.broadcast %add3A_119 : i32 to vector<16xi32>
    %add3A_121 = arith.addi %mul3A_117, %add3A_120 : vector<16xi32>
    %gather3A_122 = tpu.vector_load_idx %arg8[%add3A_121] : memref<2000xf32, #tpu.memory_space<vmem>>[vector<16xi32>], vector<16xf32>,
    %add3A_123 = arith.constant 2 : i32
    %add3A_124 = vector.broadcast %add3A_123 : i32 to vector<16xi32>
    %add3A_125 = arith.addi %mul3A_117, %add3A_124 : vector<16xi32>
    %gather3A_126 = tpu.vector_load_idx %arg8[%add3A_125] : memref<2000xf32, #tpu.memory_space<vmem>>[vector<16xi32>], vector<16xf32>,
    %add3A_127 = arith.constant 3 : i32
    %add3A_128 = vector.broadcast %add3A_127 : i32 to vector<16xi32>
    %add3A_129 = arith.addi %mul3A_117, %add3A_128 : vector<16xi32>
    %gather3A_130 = tpu.vector_load_idx %arg8[%add3A_129] : memref<2000xf32, #tpu.memory_space<vmem>>[vector<16xi32>], vector<16xf32>,
    %gather3A_131 = tpu.vector_load_idx %arg9[%min3A_114] : memref<500xi32, #tpu.memory_space<vmem>>[vector<16xi32>], vector<16xi32>,
    %add3A_132 = arith.constant 6 : i32
    %add3A_133 = vector.broadcast %add3A_132 : i32 to vector<16xi32>
    %add3A_134 = arith.addi %add3A_133, %shift_right_arithmetic3A_105 : vector<16xi32>
    %mul3A_135 = arith.constant 2 : i32
    %mul3A_136 = vector.broadcast %mul3A_135 : i32 to vector<16xi32>
    %mul3A_137 = arith.muli %add3A_134, %mul3A_136 : vector<16xi32>
    %gather3A_138 = tpu.vector_load_idx %arg10[%mul3A_137] : memref<18xf32, #tpu.memory_space<vmem>>[vector<16xi32>], vector<16xf32>,
    %add3A_139 = arith.constant 1 : i32
    %add3A_140 = vector.broadcast %add3A_139 : i32 to vector<16xi32>
    %add3A_141 = arith.addi %mul3A_137, %add3A_140 : vector<16xi32>
    %gather3A_142 = tpu.vector_load_idx %arg10[%add3A_141] : memref<18xf32, #tpu.memory_space<vmem>>[vector<16xi32>], vector<16xf32>,
    %mul3A_143 = arith.constant 6.400000e+02 : f32
    %mul3A_144 = vector.broadcast %mul3A_143 : f32 to vector<16xf32>
    %mul3A_145 = arith.mulf %gather3A_126, %mul3A_144 : vector<16xf32>
    %div3A_146 = arith.divf %mul3A_145, %gather3A_138 : vector<16xf32>
    %mul3A_147 = arith.constant 6.400000e+02 : f32
    %mul3A_148 = vector.broadcast %mul3A_147 : f32 to vector<16xf32>
    %mul3A_149 = arith.mulf %gather3A_130, %mul3A_148 : vector<16xf32>
    %div3A_150 = arith.divf %mul3A_149, %gather3A_142 : vector<16xf32>
    %lt3A_151 = arith.constant 4.000000e+00 : f32
    %lt3A_152 = vector.broadcast %lt3A_151 : f32 to vector<16xf32>
    %lt3A_153 = arith.cmpf olt, %div3A_146, %lt3A_152 : vector<16xf32>
    %gt3A_154 = arith.constant 2.500000e-01 : f32
    %gt3A_155 = vector.broadcast %gt3A_154 : f32 to vector<16xf32>
    %gt3A_156 = arith.cmpf ogt, %div3A_146, %gt3A_155 : vector<16xf32>
    %and3A_157 = arith.andi %lt3A_153, %gt3A_156 : vector<16xi1>
    %lt3A_158 = arith.constant 4.000000e+00 : f32
    %lt3A_159 = vector.broadcast %lt3A_158 : f32 to vector<16xf32>
    %lt3A_160 = arith.cmpf olt, %div3A_150, %lt3A_159 : vector<16xf32>
    %and3A_161 = arith.andi %and3A_157, %lt3A_160 : vector<16xi1>
    %gt3A_162 = arith.constant 2.500000e-01 : f32
    %gt3A_163 = vector.broadcast %gt3A_162 : f32 to vector<16xf32>
    %gt3A_164 = arith.cmpf ogt, %div3A_150, %gt3A_163 : vector<16xf32>
    %and3A_165 = arith.andi %and3A_161, %gt3A_164 : vector<16xi1>
    %and3A_166 = arith.andi %and3A_165, %lt3A_111 : vector<16xi1>
    %mul3A_167 = arith.constant 2.000000e+01 : f32
    %mul3A_168 = vector.broadcast %mul3A_167 : f32 to vector<16xf32>
    %mul3A_169 = arith.mulf %gather3A_118, %mul3A_168 : vector<16xf32>
    %mul3A_170 = arith.constant 2.000000e+01 : f32
    %mul3A_171 = vector.broadcast %mul3A_170 : f32 to vector<16xf32>
    %mul3A_172 = arith.mulf %gather3A_122, %mul3A_171 : vector<16xf32>
    %convert_element_type3A_173 = arith.fptosi %mul3A_169 : vector<16xf32> to vector<16xi32>
    %jit3A_174 = arith.constant 0 : i32
    %jit3A_175 = arith.constant 19 : i32
    %max3A_176 = vector.broadcast %jit3A_174 : i32 to vector<16xi32>
    %max3A_177 = arith.maxsi %max3A_176, %convert_element_type3A_173 : vector<16xi32>
    %min3A_178 = vector.broadcast %jit3A_175 : i32 to vector<16xi32>
    %min3A_179 = arith.minsi %min3A_178, %max3A_177 : vector<16xi32>
    %convert_element_type3A_180 = arith.fptosi %mul3A_172 : vector<16xf32> to vector<16xi32>
    %jit3A_181 = arith.constant 0 : i32
    %jit3A_182 = arith.constant 19 : i32
    %max3A_183 = vector.broadcast %jit3A_181 : i32 to vector<16xi32>
    %max3A_184 = arith.maxsi %max3A_183, %convert_element_type3A_180 : vector<16xi32>
    %min3A_185 = vector.broadcast %jit3A_182 : i32 to vector<16xi32>
    %min3A_186 = arith.minsi %min3A_185, %max3A_184 : vector<16xi32>
    %mul3A_187 = arith.constant 3 : i32
    %mul3A_188 = vector.broadcast %mul3A_187 : i32 to vector<16xi32>
    %mul3A_189 = arith.muli %gather3A_131, %mul3A_188 : vector<16xi32>
    %add3A_190 = arith.addi %mul3A_189, %shift_right_arithmetic3A_105 : vector<16xi32>
    %mul3A_191 = arith.constant 20 : i32
    %mul3A_192 = vector.broadcast %mul3A_191 : i32 to vector<16xi32>
    %mul3A_193 = arith.muli %add3A_190, %mul3A_192 : vector<16xi32>
    %add3A_194 = arith.addi %mul3A_193, %min3A_186 : vector<16xi32>
    %mul3A_195 = arith.constant 20 : i32
    %mul3A_196 = vector.broadcast %mul3A_195 : i32 to vector<16xi32>
    %mul3A_197 = arith.muli %add3A_194, %mul3A_196 : vector<16xi32>
    %add3A_198 = arith.addi %mul3A_197, %min3A_179 : vector<16xi32>
    %swap3A_199 = arith.constant 16 : index
    %swap3A_200 = tpu.vector_load %arg11[%swap3A_199] {strides = array<i32>} : memref<48xi32, #tpu.memory_space<vmem>>, vector<16xi32>,
    tpu.vector_store %arg11[%swap3A_199], %add3A_198 {strides = array<i32>} : memref<48xi32, #tpu.memory_space<vmem>>, vector<16xi32>,
    %mul3A_201 = arith.constant 48 : i32
    %mul3A_202 = arith.muli %add3A, %mul3A_201 : i32
    %add3A_203 = arith.constant 32 : i32
    %add3A_204 = arith.addi %mul3A_202, %add3A_203 : i32
    %add3A_205 = vector.broadcast %add3A_204 : i32 to vector<16xi32>
    %add3A_206 = arith.addi %add3A_205, %iota3A : vector<16xi32>
    %shift_right_arithmetic3A_207 = arith.constant 9 : i32
    %shift_right_arithmetic3A_208 = vector.broadcast %shift_right_arithmetic3A_207 : i32 to vector<16xi32>
    %shift_right_arithmetic3A_209 = arith.shrsi %add3A_206, %shift_right_arithmetic3A_208 : vector<16xi32>
    %and3A_210 = arith.constant 511 : i32
    %and3A_211 = vector.broadcast %and3A_210 : i32 to vector<16xi32>
    %and3A_212 = arith.andi %add3A_206, %and3A_211 : vector<16xi32>
    %lt3A_213 = arith.constant 500 : i32
    %lt3A_214 = vector.broadcast %lt3A_213 : i32 to vector<16xi32>
    %lt3A_215 = arith.cmpi slt, %and3A_212, %lt3A_214 : vector<16xi32>
    %min3A_216 = arith.constant 499 : i32
    %min3A_217 = vector.broadcast %min3A_216 : i32 to vector<16xi32>
    %min3A_218 = arith.minsi %and3A_212, %min3A_217 : vector<16xi32>
    %mul3A_219 = arith.constant 4 : i32
    %mul3A_220 = vector.broadcast %mul3A_219 : i32 to vector<16xi32>
    %mul3A_221 = arith.muli %min3A_218, %mul3A_220 : vector<16xi32>
    %gather3A_222 = tpu.vector_load_idx %arg8[%mul3A_221] : memref<2000xf32, #tpu.memory_space<vmem>>[vector<16xi32>], vector<16xf32>,
    %add3A_223 = arith.constant 1 : i32
    %add3A_224 = vector.broadcast %add3A_223 : i32 to vector<16xi32>
    %add3A_225 = arith.addi %mul3A_221, %add3A_224 : vector<16xi32>
    %gather3A_226 = tpu.vector_load_idx %arg8[%add3A_225] : memref<2000xf32, #tpu.memory_space<vmem>>[vector<16xi32>], vector<16xf32>,
    %add3A_227 = arith.constant 2 : i32
    %add3A_228 = vector.broadcast %add3A_227 : i32 to vector<16xi32>
    %add3A_229 = arith.addi %mul3A_221, %add3A_228 : vector<16xi32>
    %gather3A_230 = tpu.vector_load_idx %arg8[%add3A_229] : memref<2000xf32, #tpu.memory_space<vmem>>[vector<16xi32>], vector<16xf32>,
    %add3A_231 = arith.constant 3 : i32
    %add3A_232 = vector.broadcast %add3A_231 : i32 to vector<16xi32>
    %add3A_233 = arith.addi %mul3A_221, %add3A_232 : vector<16xi32>
    %gather3A_234 = tpu.vector_load_idx %arg8[%add3A_233] : memref<2000xf32, #tpu.memory_space<vmem>>[vector<16xi32>], vector<16xf32>,
    %gather3A_235 = tpu.vector_load_idx %arg9[%min3A_218] : memref<500xi32, #tpu.memory_space<vmem>>[vector<16xi32>], vector<16xi32>,
    %add3A_236 = arith.constant 6 : i32
    %add3A_237 = vector.broadcast %add3A_236 : i32 to vector<16xi32>
    %add3A_238 = arith.addi %add3A_237, %shift_right_arithmetic3A_209 : vector<16xi32>
    %mul3A_239 = arith.constant 2 : i32
    %mul3A_240 = vector.broadcast %mul3A_239 : i32 to vector<16xi32>
    %mul3A_241 = arith.muli %add3A_238, %mul3A_240 : vector<16xi32>
    %gather3A_242 = tpu.vector_load_idx %arg10[%mul3A_241] : memref<18xf32, #tpu.memory_space<vmem>>[vector<16xi32>], vector<16xf32>,
    %add3A_243 = arith.constant 1 : i32
    %add3A_244 = vector.broadcast %add3A_243 : i32 to vector<16xi32>
    %add3A_245 = arith.addi %mul3A_241, %add3A_244 : vector<16xi32>
    %gather3A_246 = tpu.vector_load_idx %arg10[%add3A_245] : memref<18xf32, #tpu.memory_space<vmem>>[vector<16xi32>], vector<16xf32>,
    %mul3A_247 = arith.constant 6.400000e+02 : f32
    %mul3A_248 = vector.broadcast %mul3A_247 : f32 to vector<16xf32>
    %mul3A_249 = arith.mulf %gather3A_230, %mul3A_248 : vector<16xf32>
    %div3A_250 = arith.divf %mul3A_249, %gather3A_242 : vector<16xf32>
    %mul3A_251 = arith.constant 6.400000e+02 : f32
    %mul3A_252 = vector.broadcast %mul3A_251 : f32 to vector<16xf32>
    %mul3A_253 = arith.mulf %gather3A_234, %mul3A_252 : vector<16xf32>
    %div3A_254 = arith.divf %mul3A_253, %gather3A_246 : vector<16xf32>
    %lt3A_255 = arith.constant 4.000000e+00 : f32
    %lt3A_256 = vector.broadcast %lt3A_255 : f32 to vector<16xf32>
    %lt3A_257 = arith.cmpf olt, %div3A_250, %lt3A_256 : vector<16xf32>
    %gt3A_258 = arith.constant 2.500000e-01 : f32
    %gt3A_259 = vector.broadcast %gt3A_258 : f32 to vector<16xf32>
    %gt3A_260 = arith.cmpf ogt, %div3A_250, %gt3A_259 : vector<16xf32>
    %and3A_261 = arith.andi %lt3A_257, %gt3A_260 : vector<16xi1>
    %lt3A_262 = arith.constant 4.000000e+00 : f32
    %lt3A_263 = vector.broadcast %lt3A_262 : f32 to vector<16xf32>
    %lt3A_264 = arith.cmpf olt, %div3A_254, %lt3A_263 : vector<16xf32>
    %and3A_265 = arith.andi %and3A_261, %lt3A_264 : vector<16xi1>
    %gt3A_266 = arith.constant 2.500000e-01 : f32
    %gt3A_267 = vector.broadcast %gt3A_266 : f32 to vector<16xf32>
    %gt3A_268 = arith.cmpf ogt, %div3A_254, %gt3A_267 : vector<16xf32>
    %and3A_269 = arith.andi %and3A_265, %gt3A_268 : vector<16xi1>
    %and3A_270 = arith.andi %and3A_269, %lt3A_215 : vector<16xi1>
    %mul3A_271 = arith.constant 2.000000e+01 : f32
    %mul3A_272 = vector.broadcast %mul3A_271 : f32 to vector<16xf32>
    %mul3A_273 = arith.mulf %gather3A_222, %mul3A_272 : vector<16xf32>
    %mul3A_274 = arith.constant 2.000000e+01 : f32
    %mul3A_275 = vector.broadcast %mul3A_274 : f32 to vector<16xf32>
    %mul3A_276 = arith.mulf %gather3A_226, %mul3A_275 : vector<16xf32>
    %convert_element_type3A_277 = arith.fptosi %mul3A_273 : vector<16xf32> to vector<16xi32>
    %jit3A_278 = arith.constant 0 : i32
    %jit3A_279 = arith.constant 19 : i32
    %max3A_280 = vector.broadcast %jit3A_278 : i32 to vector<16xi32>
    %max3A_281 = arith.maxsi %max3A_280, %convert_element_type3A_277 : vector<16xi32>
    %min3A_282 = vector.broadcast %jit3A_279 : i32 to vector<16xi32>
    %min3A_283 = arith.minsi %min3A_282, %max3A_281 : vector<16xi32>
    %convert_element_type3A_284 = arith.fptosi %mul3A_276 : vector<16xf32> to vector<16xi32>
    %jit3A_285 = arith.constant 0 : i32
    %jit3A_286 = arith.constant 19 : i32
    %max3A_287 = vector.broadcast %jit3A_285 : i32 to vector<16xi32>
    %max3A_288 = arith.maxsi %max3A_287, %convert_element_type3A_284 : vector<16xi32>
    %min3A_289 = vector.broadcast %jit3A_286 : i32 to vector<16xi32>
    %min3A_290 = arith.minsi %min3A_289, %max3A_288 : vector<16xi32>
    %mul3A_291 = arith.constant 3 : i32
    %mul3A_292 = vector.broadcast %mul3A_291 : i32 to vector<16xi32>
    %mul3A_293 = arith.muli %gather3A_235, %mul3A_292 : vector<16xi32>
    %add3A_294 = arith.addi %mul3A_293, %shift_right_arithmetic3A_209 : vector<16xi32>
    %mul3A_295 = arith.constant 20 : i32
    %mul3A_296 = vector.broadcast %mul3A_295 : i32 to vector<16xi32>
    %mul3A_297 = arith.muli %add3A_294, %mul3A_296 : vector<16xi32>
    %add3A_298 = arith.addi %mul3A_297, %min3A_290 : vector<16xi32>
    %mul3A_299 = arith.constant 20 : i32
    %mul3A_300 = vector.broadcast %mul3A_299 : i32 to vector<16xi32>
    %mul3A_301 = arith.muli %add3A_298, %mul3A_300 : vector<16xi32>
    %add3A_302 = arith.addi %mul3A_301, %min3A_283 : vector<16xi32>
    %swap3A_303 = arith.constant 32 : index
    %swap3A_304 = tpu.vector_load %arg11[%swap3A_303] {strides = array<i32>} : memref<48xi32, #tpu.memory_space<vmem>>, vector<16xi32>,
    tpu.vector_store %arg11[%swap3A_303], %add3A_302 {strides = array<i32>} : memref<48xi32, #tpu.memory_space<vmem>>, vector<16xi32>,
    %scan3A = arith.constant 0 : i32
    %scan3A_305 = arith.constant 0 : i32
    %scan3A_306 = arith.constant 48 : i32
    %scan3A_307 = arith.addi %scan3A_305, %scan3A_306 : i32
    %scan3A_308 = arith.constant 1 : i32
    %scan3A_309 = scf.for %scan3A_320 = %scan3A_305 to %scan3A_307 step %scan3A_308 iter_args(%scan3A_321 = %scan3A) -> (i32)  : i32 {
      %broadcast_in_dim3A = vector.broadcast %scan3A_320 : i32 to vector<16xi32>
      %gather3A_322 = tpu.vector_load_idx %arg11[%broadcast_in_dim3A] : memref<48xi32, #tpu.memory_space<vmem>>[vector<16xi32>], vector<16xi32>,
      %add3A_323 = arith.constant 0 : i32
      %add3A_324 = vector.broadcast %add3A_323 : i32 to vector<16xi32>
      %add3A_325 = arith.addi %add3A_324, %iota3A : vector<16xi32>
      %min3A_326 = arith.constant 84 : i32
      %min3A_327 = vector.broadcast %min3A_326 : i32 to vector<16xi32>
      %min3A_328 = arith.minsi %add3A_325, %min3A_327 : vector<16xi32>
      %mul3A_329 = arith.constant 20480 : i32
      %mul3A_330 = vector.broadcast %mul3A_329 : i32 to vector<16xi32>
      %mul3A_331 = arith.muli %min3A_328, %mul3A_330 : vector<16xi32>
      %add3A_332 = arith.addi %gather3A_322, %mul3A_331 : vector<16xi32>
      %mul3A_333 = arith.constant 96 : i32
      %mul3A_334 = arith.muli %scan3A_320, %mul3A_333 : i32
      %add3A_335 = arith.constant 0 : i32
      %add3A_336 = arith.addi %mul3A_334, %add3A_335 : i32
      %swap3A_337 = arith.index_cast %add3A_336 : i32 to index
      %swap3A_338 = tpu.vector_load %arg15[%swap3A_337] {strides = array<i32>} : memref<4608xi32, #tpu.memory_space<vmem>>, vector<16xi32>,
      tpu.vector_store %arg15[%swap3A_337], %add3A_332 {strides = array<i32>} : memref<4608xi32, #tpu.memory_space<vmem>>, vector<16xi32>,
      %add3A_339 = arith.constant 16 : i32
      %add3A_340 = vector.broadcast %add3A_339 : i32 to vector<16xi32>
      %add3A_341 = arith.addi %add3A_340, %iota3A : vector<16xi32>
      %min3A_342 = arith.constant 84 : i32
      %min3A_343 = vector.broadcast %min3A_342 : i32 to vector<16xi32>
      %min3A_344 = arith.minsi %add3A_341, %min3A_343 : vector<16xi32>
      %mul3A_345 = arith.constant 20480 : i32
      %mul3A_346 = vector.broadcast %mul3A_345 : i32 to vector<16xi32>
      %mul3A_347 = arith.muli %min3A_344, %mul3A_346 : vector<16xi32>
      %add3A_348 = arith.addi %gather3A_322, %mul3A_347 : vector<16xi32>
      %mul3A_349 = arith.constant 96 : i32
      %mul3A_350 = arith.muli %scan3A_320, %mul3A_349 : i32
      %add3A_351 = arith.constant 16 : i32
      %add3A_352 = arith.addi %mul3A_350, %add3A_351 : i32
      %swap3A_353 = arith.index_cast %add3A_352 : i32 to index
      %swap3A_354 = tpu.vector_load %arg15[%swap3A_353] {strides = array<i32>} : memref<4608xi32, #tpu.memory_space<vmem>>, vector<16xi32>,
      tpu.vector_store %arg15[%swap3A_353], %add3A_348 {strides = array<i32>} : memref<4608xi32, #tpu.memory_space<vmem>>, vector<16xi32>,
      %add3A_355 = arith.constant 32 : i32
      %add3A_356 = vector.broadcast %add3A_355 : i32 to vector<16xi32>
      %add3A_357 = arith.addi %add3A_356, %iota3A : vector<16xi32>
      %min3A_358 = arith.constant 84 : i32
      %min3A_359 = vector.broadcast %min3A_358 : i32 to vector<16xi32>
      %min3A_360 = arith.minsi %add3A_357, %min3A_359 : vector<16xi32>
      %mul3A_361 = arith.constant 20480 : i32
      %mul3A_362 = vector.broadcast %mul3A_361 : i32 to vector<16xi32>
      %mul3A_363 = arith.muli %min3A_360, %mul3A_362 : vector<16xi32>
      %add3A_364 = arith.addi %gather3A_322, %mul3A_363 : vector<16xi32>
      %mul3A_365 = arith.constant 96 : i32
      %mul3A_366 = arith.muli %scan3A_320, %mul3A_365 : i32
      %add3A_367 = arith.constant 32 : i32
      %add3A_368 = arith.addi %mul3A_366, %add3A_367 : i32
      %swap3A_369 = arith.index_cast %add3A_368 : i32 to index
      %swap3A_370 = tpu.vector_load %arg15[%swap3A_369] {strides = array<i32>} : memref<4608xi32, #tpu.memory_space<vmem>>, vector<16xi32>,
      tpu.vector_store %arg15[%swap3A_369], %add3A_364 {strides = array<i32>} : memref<4608xi32, #tpu.memory_space<vmem>>, vector<16xi32>,
      %add3A_371 = arith.constant 48 : i32
      %add3A_372 = vector.broadcast %add3A_371 : i32 to vector<16xi32>
      %add3A_373 = arith.addi %add3A_372, %iota3A : vector<16xi32>
      %min3A_374 = arith.constant 84 : i32
      %min3A_375 = vector.broadcast %min3A_374 : i32 to vector<16xi32>
      %min3A_376 = arith.minsi %add3A_373, %min3A_375 : vector<16xi32>
      %mul3A_377 = arith.constant 20480 : i32
      %mul3A_378 = vector.broadcast %mul3A_377 : i32 to vector<16xi32>
      %mul3A_379 = arith.muli %min3A_376, %mul3A_378 : vector<16xi32>
      %add3A_380 = arith.addi %gather3A_322, %mul3A_379 : vector<16xi32>
      %mul3A_381 = arith.constant 96 : i32
      %mul3A_382 = arith.muli %scan3A_320, %mul3A_381 : i32
      %add3A_383 = arith.constant 48 : i32
      %add3A_384 = arith.addi %mul3A_382, %add3A_383 : i32
      %swap3A_385 = arith.index_cast %add3A_384 : i32 to index
      %swap3A_386 = tpu.vector_load %arg15[%swap3A_385] {strides = array<i32>} : memref<4608xi32, #tpu.memory_space<vmem>>, vector<16xi32>,
      tpu.vector_store %arg15[%swap3A_385], %add3A_380 {strides = array<i32>} : memref<4608xi32, #tpu.memory_space<vmem>>, vector<16xi32>,
      %add3A_387 = arith.constant 64 : i32
      %add3A_388 = vector.broadcast %add3A_387 : i32 to vector<16xi32>
      %add3A_389 = arith.addi %add3A_388, %iota3A : vector<16xi32>
      %min3A_390 = arith.constant 84 : i32
      %min3A_391 = vector.broadcast %min3A_390 : i32 to vector<16xi32>
      %min3A_392 = arith.minsi %add3A_389, %min3A_391 : vector<16xi32>
      %mul3A_393 = arith.constant 20480 : i32
      %mul3A_394 = vector.broadcast %mul3A_393 : i32 to vector<16xi32>
      %mul3A_395 = arith.muli %min3A_392, %mul3A_394 : vector<16xi32>
      %add3A_396 = arith.addi %gather3A_322, %mul3A_395 : vector<16xi32>
      %mul3A_397 = arith.constant 96 : i32
      %mul3A_398 = arith.muli %scan3A_320, %mul3A_397 : i32
      %add3A_399 = arith.constant 64 : i32
      %add3A_400 = arith.addi %mul3A_398, %add3A_399 : i32
      %swap3A_401 = arith.index_cast %add3A_400 : i32 to index
      %swap3A_402 = tpu.vector_load %arg15[%swap3A_401] {strides = array<i32>} : memref<4608xi32, #tpu.memory_space<vmem>>, vector<16xi32>,
      tpu.vector_store %arg15[%swap3A_401], %add3A_396 {strides = array<i32>} : memref<4608xi32, #tpu.memory_space<vmem>>, vector<16xi32>,
      %add3A_403 = arith.constant 80 : i32
      %add3A_404 = vector.broadcast %add3A_403 : i32 to vector<16xi32>
      %add3A_405 = arith.addi %add3A_404, %iota3A : vector<16xi32>
      %min3A_406 = arith.constant 84 : i32
      %min3A_407 = vector.broadcast %min3A_406 : i32 to vector<16xi32>
      %min3A_408 = arith.minsi %add3A_405, %min3A_407 : vector<16xi32>
      %mul3A_409 = arith.constant 20480 : i32
      %mul3A_410 = vector.broadcast %mul3A_409 : i32 to vector<16xi32>
      %mul3A_411 = arith.muli %min3A_408, %mul3A_410 : vector<16xi32>
      %add3A_412 = arith.addi %gather3A_322, %mul3A_411 : vector<16xi32>
      %mul3A_413 = arith.constant 96 : i32
      %mul3A_414 = arith.muli %scan3A_320, %mul3A_413 : i32
      %add3A_415 = arith.constant 80 : i32
      %add3A_416 = arith.addi %mul3A_414, %add3A_415 : i32
      %swap3A_417 = arith.index_cast %add3A_416 : i32 to index
      %swap3A_418 = tpu.vector_load %arg15[%swap3A_417] {strides = array<i32>} : memref<4608xi32, #tpu.memory_space<vmem>>, vector<16xi32>,
      tpu.vector_store %arg15[%swap3A_417], %add3A_412 {strides = array<i32>} : memref<4608xi32, #tpu.memory_space<vmem>>, vector<16xi32>,
      %scan3A_419 = arith.constant 0 : i32
      scf.yield %scan3A_419 : i32
    }
    %scan3A_310 = arith.constant 48 : i32
    "tpu.region"() ({
      %run_scoped3A = tpu.sem_alloc : memref<!tpu.dma_semaphore, #tpu.memory_space<semaphore_mem>>
      %dma_start3A = arith.constant 0 : i32
      %dma_start3A_320 = tpu.memref_slice %arg2[%dma_start3A] : memref<1740800xf32, #tpu.memory_space<hbm>> -> memref<1740800xf32, #tpu.memory_space<hbm>>
      tpu.enqueue_indirect_dma source(%dma_start3A_320 : memref<1740800xf32, #tpu.memory_space<hbm>>) target(%arg16 : memref<4608xf32, #tpu.memory_space<vmem>>) offsets(%arg15 : memref<4608xi32, #tpu.memory_space<vmem>>) semaphore(%run_scoped3A : memref<!tpu.dma_semaphore, #tpu.memory_space<semaphore_mem>>)
      %dma_wait3A = arith.constant 0 : i32
      %dma_wait3A_321 = tpu.memref_slice %arg2[%dma_wait3A] : memref<1740800xf32, #tpu.memory_space<hbm>> -> memref<1740800xf32, #tpu.memory_space<hbm>>
      tpu.wait_indirect_dma semaphore(%run_scoped3A : memref<!tpu.dma_semaphore, #tpu.memory_space<semaphore_mem>>) src(%dma_wait3A_321 : memref<1740800xf32, #tpu.memory_space<hbm>>) dst(%arg16 : memref<4608xf32, #tpu.memory_space<vmem>>)
      tpu.yield
    }) : () -> ()
    %mul3A_311 = arith.constant 48 : i32
    %mul3A_312 = arith.muli %add3A, %mul3A_311 : i32
    %mul3A_313 = arith.constant 96 : i32
    %mul3A_314 = arith.muli %mul3A_312, %mul3A_313 : i32
    "tpu.region"() ({
      %run_scoped3A = tpu.sem_alloc : memref<!tpu.dma_semaphore, #tpu.memory_space<semaphore_mem>>
      %dma_start3A = tpu.memref_slice %arg6[%mul3A_314] : memref<147456xf32, #tpu.memory_space<hbm>> -> memref<4608xf32, #tpu.memory_space<hbm>>
      %dma_start3A_320 = tpu.memref_slice %arg6[%mul3A_314] : memref<147456xf32, #tpu.memory_space<hbm>> -> memref<4608xf32, #tpu.memory_space<hbm>>
      tpu.enqueue_dma source(%arg16 : memref<4608xf32, #tpu.memory_space<vmem>>) target(%dma_start3A_320 : memref<4608xf32, #tpu.memory_space<hbm>>) target_semaphore(%run_scoped3A : memref<!tpu.dma_semaphore, #tpu.memory_space<semaphore_mem>>)
      %dma_wait3A = tpu.memref_slice %arg6[%mul3A_314] : memref<147456xf32, #tpu.memory_space<hbm>> -> memref<4608xf32, #tpu.memory_space<hbm>>
      %dma_wait3A_321 = tpu.memref_slice %arg6[%mul3A_314] : memref<147456xf32, #tpu.memory_space<hbm>> -> memref<4608xf32, #tpu.memory_space<hbm>>
      tpu.wait_dma2 semaphore(%run_scoped3A : memref<!tpu.dma_semaphore, #tpu.memory_space<semaphore_mem>>) src(%arg16 : memref<4608xf32, #tpu.memory_space<vmem>>) dst(%dma_wait3A_321 : memref<4608xf32, #tpu.memory_space<hbm>>)
      tpu.yield
    }) : () -> ()
    %barrier3A = arith.constant 0 : index
    tpu.barrier barrier_id(%barrier3A)
    %eq3A_315 = arith.constant 0 : i32
    %eq3A_316 = arith.cmpi eq, %arg0, %eq3A_315 : i32
    %convert_element_type3A_317 = arith.extui %eq3A_316 : i1 to i32
    %cond3A_318 = arith.constant 0 : i32
    %cond3A_319 = arith.cmpi ne, %convert_element_type3A_317, %cond3A_318 : i32
    scf.if %cond3A_319 {
      "tpu.region"() ({
        %run_scoped3A = tpu.sem_alloc : memref<!tpu.dma_semaphore, #tpu.memory_space<semaphore_mem>>
        %dma_start3A = arith.constant 0 : i32
        %dma_start3A_322 = tpu.memref_slice %arg17[%dma_start3A] : memref<19216xi32, #tpu.memory_space<vmem_shared>> -> memref<19216xi32, #tpu.memory_space<vmem_shared>>
        tpu.enqueue_indirect_dma source(%dma_start3A_322 : memref<19216xi32, #tpu.memory_space<vmem_shared>>) target(%arg14 : memref<96xi32, #tpu.memory_space<vmem>>) offsets(%arg12 : memref<96xi32, #tpu.memory_space<vmem>>) semaphore(%run_scoped3A : memref<!tpu.dma_semaphore, #tpu.memory_space<semaphore_mem>>)
        %dma_wait3A = arith.constant 0 : i32
        %dma_wait3A_323 = tpu.memref_slice %arg17[%dma_wait3A] : memref<19216xi32, #tpu.memory_space<vmem_shared>> -> memref<19216xi32, #tpu.memory_space<vmem_shared>>
        tpu.wait_indirect_dma semaphore(%run_scoped3A : memref<!tpu.dma_semaphore, #tpu.memory_space<semaphore_mem>>) src(%dma_wait3A_323 : memref<19216xi32, #tpu.memory_space<vmem_shared>>) dst(%arg14 : memref<96xi32, #tpu.memory_space<vmem>>)
        tpu.yield
      }) : () -> ()
      %mul3A_320 = arith.constant 96 : i32
      %mul3A_321 = arith.muli %arg1, %mul3A_320 : i32
      "tpu.region"() ({
        %run_scoped3A = tpu.sem_alloc : memref<!tpu.dma_semaphore, #tpu.memory_space<semaphore_mem>>
        %dma_start3A = tpu.memref_slice %arg7[%mul3A_321] : memref<1536xi32, #tpu.memory_space<hbm>> -> memref<96xi32, #tpu.memory_space<hbm>>
        %dma_start3A_322 = tpu.memref_slice %arg7[%mul3A_321] : memref<1536xi32, #tpu.memory_space<hbm>> -> memref<96xi32, #tpu.memory_space<hbm>>
        tpu.enqueue_dma source(%arg14 : memref<96xi32, #tpu.memory_space<vmem>>) target(%dma_start3A_322 : memref<96xi32, #tpu.memory_space<hbm>>) target_semaphore(%run_scoped3A : memref<!tpu.dma_semaphore, #tpu.memory_space<semaphore_mem>>)
        %dma_wait3A = tpu.memref_slice %arg7[%mul3A_321] : memref<1536xi32, #tpu.memory_space<hbm>> -> memref<96xi32, #tpu.memory_space<hbm>>
        %dma_wait3A_323 = tpu.memref_slice %arg7[%mul3A_321] : memref<1536xi32, #tpu.memory_space<hbm>> -> memref<96xi32, #tpu.memory_space<hbm>>
        tpu.wait_dma2 semaphore(%run_scoped3A : memref<!tpu.dma_semaphore, #tpu.memory_space<semaphore_mem>>) src(%arg14 : memref<96xi32, #tpu.memory_space<vmem>>) dst(%dma_wait3A_323 : memref<96xi32, #tpu.memory_space<hbm>>)
        tpu.yield
      }) : () -> ()
    } else {
    }
    return
  }
}

#map = affine_map<(d0, d1) -> (0)>
module attributes {stable_mosaic.version = 14 : i64} {
  func.func @k(%arg0: i32, %arg1: i32, %arg2: memref<6615040xf32, #tpu.memory_space<hbm>>, %arg3: memref<18xf32, #tpu.memory_space<hbm>>, %arg4: memref<2000xf32, #tpu.memory_space<hbm>>, %arg5: memref<500xi32, #tpu.memory_space<hbm>>, %arg6: memref<147456xf32, #tpu.memory_space<hbm>>, %arg7: memref<1536xi32, #tpu.memory_space<hbm>>, %arg8: memref<2000xf32, #tpu.memory_space<vmem>>, %arg9: memref<500xi32, #tpu.memory_space<vmem>>, %arg10: memref<18xf32, #tpu.memory_space<vmem>>, %arg11: memref<48xi32, #tpu.memory_space<vmem>>, %arg12: memref<96xi32, #tpu.memory_space<vmem>>, %arg13: memref<96xi32, #tpu.memory_space<vmem>>, %arg14: memref<96xi32, #tpu.memory_space<vmem>>, %arg15: memref<4608xi32, #tpu.memory_space<vmem>>, %arg16: memref<4608xf32, #tpu.memory_space<vmem>>, %arg17: memref<76816xi32, #tpu.memory_space<vmem_shared>>) attributes {dimension_semantics = [#tpu.dimension_semantics<core_parallel>, #tpu.dimension_semantics<subcore_parallel>], iteration_bounds = array<i64: 2, 16>, scalar_prefetch = 0 : i64, scratch_operands = 10 : i64, tpu.core_type = #tpu.core_type<sc_vector_subcore>, window_params = [{transform_indices = #map}, {transform_indices = #map}, {transform_indices = #map}, {transform_indices = #map}, {transform_indices = #map}, {transform_indices = #map}]} {
    %mul3A = arith.constant 2 : i32
    %mul3A_0 = arith.muli %arg1, %mul3A : i32
    %add3A = arith.addi %mul3A_0, %arg0 : i32
    "tpu.region"() ({
      %run_scoped3A = tpu.sem_alloc : memref<!tpu.dma_semaphore, #tpu.memory_space<semaphore_mem>>
      tpu.enqueue_dma source(%arg4 : memref<2000xf32, #tpu.memory_space<hbm>>) target(%arg8 : memref<2000xf32, #tpu.memory_space<vmem>>) target_semaphore(%run_scoped3A : memref<!tpu.dma_semaphore, #tpu.memory_space<semaphore_mem>>)
      tpu.wait_dma2 semaphore(%run_scoped3A : memref<!tpu.dma_semaphore, #tpu.memory_space<semaphore_mem>>) src(%arg4 : memref<2000xf32, #tpu.memory_space<hbm>>) dst(%arg8 : memref<2000xf32, #tpu.memory_space<vmem>>)
      tpu.yield
    }) : () -> ()
    "tpu.region"() ({
      %run_scoped3A = tpu.sem_alloc : memref<!tpu.dma_semaphore, #tpu.memory_space<semaphore_mem>>
      tpu.enqueue_dma source(%arg5 : memref<500xi32, #tpu.memory_space<hbm>>) target(%arg9 : memref<500xi32, #tpu.memory_space<vmem>>) target_semaphore(%run_scoped3A : memref<!tpu.dma_semaphore, #tpu.memory_space<semaphore_mem>>)
      tpu.wait_dma2 semaphore(%run_scoped3A : memref<!tpu.dma_semaphore, #tpu.memory_space<semaphore_mem>>) src(%arg5 : memref<500xi32, #tpu.memory_space<hbm>>) dst(%arg9 : memref<500xi32, #tpu.memory_space<vmem>>)
      tpu.yield
    }) : () -> ()
    "tpu.region"() ({
      %run_scoped3A = tpu.sem_alloc : memref<!tpu.dma_semaphore, #tpu.memory_space<semaphore_mem>>
      tpu.enqueue_dma source(%arg3 : memref<18xf32, #tpu.memory_space<hbm>>) target(%arg10 : memref<18xf32, #tpu.memory_space<vmem>>) target_semaphore(%run_scoped3A : memref<!tpu.dma_semaphore, #tpu.memory_space<semaphore_mem>>)
      tpu.wait_dma2 semaphore(%run_scoped3A : memref<!tpu.dma_semaphore, #tpu.memory_space<semaphore_mem>>) src(%arg3 : memref<18xf32, #tpu.memory_space<hbm>>) dst(%arg10 : memref<18xf32, #tpu.memory_space<vmem>>)
      tpu.yield
    }) : () -> ()
    %iota3A = tpu.iota {dimensions = array<i32: 0>} : vector<16xi32>
    %eq3A = arith.constant 0 : i32
    %eq3A_1 = arith.cmpi eq, %arg0, %eq3A : i32
    %convert_element_type3A = arith.extui %eq3A_1 : i1 to i32
    %cond3A = arith.constant 0 : i32
    %cond3A_2 = arith.cmpi ne, %convert_element_type3A, %cond3A : i32
    scf.if %cond3A_2 {
      %mul3A_320 = arith.constant 96 : i32
      %mul3A_321 = arith.muli %arg1, %mul3A_320 : i32
      %add3A_322 = arith.constant 0 : i32
      %add3A_323 = arith.addi %mul3A_321, %add3A_322 : i32
      %add3A_324 = vector.broadcast %add3A_323 : i32 to vector<16xi32>
      %add3A_325 = arith.addi %add3A_324, %iota3A : vector<16xi32>
      %shift_right_arithmetic3A_326 = arith.constant 9 : i32
      %shift_right_arithmetic3A_327 = vector.broadcast %shift_right_arithmetic3A_326 : i32 to vector<16xi32>
      %shift_right_arithmetic3A_328 = arith.shrsi %add3A_325, %shift_right_arithmetic3A_327 : vector<16xi32>
      %and3A_329 = arith.constant 511 : i32
      %and3A_330 = vector.broadcast %and3A_329 : i32 to vector<16xi32>
      %and3A_331 = arith.andi %add3A_325, %and3A_330 : vector<16xi32>
      %lt3A_332 = arith.constant 500 : i32
      %lt3A_333 = vector.broadcast %lt3A_332 : i32 to vector<16xi32>
      %lt3A_334 = arith.cmpi slt, %and3A_331, %lt3A_333 : vector<16xi32>
      %min3A_335 = arith.constant 499 : i32
      %min3A_336 = vector.broadcast %min3A_335 : i32 to vector<16xi32>
      %min3A_337 = arith.minsi %and3A_331, %min3A_336 : vector<16xi32>
      %mul3A_338 = arith.constant 4 : i32
      %mul3A_339 = vector.broadcast %mul3A_338 : i32 to vector<16xi32>
      %mul3A_340 = arith.muli %min3A_337, %mul3A_339 : vector<16xi32>
      %gather3A_341 = tpu.vector_load_idx %arg8[%mul3A_340] : memref<2000xf32, #tpu.memory_space<vmem>>[vector<16xi32>], vector<16xf32>,
      %add3A_342 = arith.constant 1 : i32
      %add3A_343 = vector.broadcast %add3A_342 : i32 to vector<16xi32>
      %add3A_344 = arith.addi %mul3A_340, %add3A_343 : vector<16xi32>
      %gather3A_345 = tpu.vector_load_idx %arg8[%add3A_344] : memref<2000xf32, #tpu.memory_space<vmem>>[vector<16xi32>], vector<16xf32>,
      %add3A_346 = arith.constant 2 : i32
      %add3A_347 = vector.broadcast %add3A_346 : i32 to vector<16xi32>
      %add3A_348 = arith.addi %mul3A_340, %add3A_347 : vector<16xi32>
      %gather3A_349 = tpu.vector_load_idx %arg8[%add3A_348] : memref<2000xf32, #tpu.memory_space<vmem>>[vector<16xi32>], vector<16xf32>,
      %add3A_350 = arith.constant 3 : i32
      %add3A_351 = vector.broadcast %add3A_350 : i32 to vector<16xi32>
      %add3A_352 = arith.addi %mul3A_340, %add3A_351 : vector<16xi32>
      %gather3A_353 = tpu.vector_load_idx %arg8[%add3A_352] : memref<2000xf32, #tpu.memory_space<vmem>>[vector<16xi32>], vector<16xf32>,
      %gather3A_354 = tpu.vector_load_idx %arg9[%min3A_337] : memref<500xi32, #tpu.memory_space<vmem>>[vector<16xi32>], vector<16xi32>,
      %add3A_355 = arith.constant 3 : i32
      %add3A_356 = vector.broadcast %add3A_355 : i32 to vector<16xi32>
      %add3A_357 = arith.addi %add3A_356, %shift_right_arithmetic3A_328 : vector<16xi32>
      %mul3A_358 = arith.constant 2 : i32
      %mul3A_359 = vector.broadcast %mul3A_358 : i32 to vector<16xi32>
      %mul3A_360 = arith.muli %add3A_357, %mul3A_359 : vector<16xi32>
      %gather3A_361 = tpu.vector_load_idx %arg10[%mul3A_360] : memref<18xf32, #tpu.memory_space<vmem>>[vector<16xi32>], vector<16xf32>,
      %add3A_362 = arith.constant 1 : i32
      %add3A_363 = vector.broadcast %add3A_362 : i32 to vector<16xi32>
      %add3A_364 = arith.addi %mul3A_360, %add3A_363 : vector<16xi32>
      %gather3A_365 = tpu.vector_load_idx %arg10[%add3A_364] : memref<18xf32, #tpu.memory_space<vmem>>[vector<16xi32>], vector<16xf32>,
      %mul3A_366 = arith.constant 6.400000e+02 : f32
      %mul3A_367 = vector.broadcast %mul3A_366 : f32 to vector<16xf32>
      %mul3A_368 = arith.mulf %gather3A_349, %mul3A_367 : vector<16xf32>
      %div3A_369 = arith.divf %mul3A_368, %gather3A_361 : vector<16xf32>
      %mul3A_370 = arith.constant 6.400000e+02 : f32
      %mul3A_371 = vector.broadcast %mul3A_370 : f32 to vector<16xf32>
      %mul3A_372 = arith.mulf %gather3A_353, %mul3A_371 : vector<16xf32>
      %div3A_373 = arith.divf %mul3A_372, %gather3A_365 : vector<16xf32>
      %lt3A_374 = arith.constant 4.000000e+00 : f32
      %lt3A_375 = vector.broadcast %lt3A_374 : f32 to vector<16xf32>
      %lt3A_376 = arith.cmpf olt, %div3A_369, %lt3A_375 : vector<16xf32>
      %gt3A_377 = arith.constant 2.500000e-01 : f32
      %gt3A_378 = vector.broadcast %gt3A_377 : f32 to vector<16xf32>
      %gt3A_379 = arith.cmpf ogt, %div3A_369, %gt3A_378 : vector<16xf32>
      %and3A_380 = arith.andi %lt3A_376, %gt3A_379 : vector<16xi1>
      %lt3A_381 = arith.constant 4.000000e+00 : f32
      %lt3A_382 = vector.broadcast %lt3A_381 : f32 to vector<16xf32>
      %lt3A_383 = arith.cmpf olt, %div3A_373, %lt3A_382 : vector<16xf32>
      %and3A_384 = arith.andi %and3A_380, %lt3A_383 : vector<16xi1>
      %gt3A_385 = arith.constant 2.500000e-01 : f32
      %gt3A_386 = vector.broadcast %gt3A_385 : f32 to vector<16xf32>
      %gt3A_387 = arith.cmpf ogt, %div3A_373, %gt3A_386 : vector<16xf32>
      %and3A_388 = arith.andi %and3A_384, %gt3A_387 : vector<16xi1>
      %and3A_389 = arith.andi %and3A_388, %lt3A_334 : vector<16xi1>
      %mul3A_390 = arith.constant 4.000000e+01 : f32
      %mul3A_391 = vector.broadcast %mul3A_390 : f32 to vector<16xf32>
      %mul3A_392 = arith.mulf %gather3A_341, %mul3A_391 : vector<16xf32>
      %mul3A_393 = arith.constant 4.000000e+01 : f32
      %mul3A_394 = vector.broadcast %mul3A_393 : f32 to vector<16xf32>
      %mul3A_395 = arith.mulf %gather3A_345, %mul3A_394 : vector<16xf32>
      %convert_element_type3A_396 = arith.fptosi %mul3A_392 : vector<16xf32> to vector<16xi32>
      %jit3A_397 = arith.constant 0 : i32
      %jit3A_398 = arith.constant 39 : i32
      %max3A_399 = vector.broadcast %jit3A_397 : i32 to vector<16xi32>
      %max3A_400 = arith.maxsi %max3A_399, %convert_element_type3A_396 : vector<16xi32>
      %min3A_401 = vector.broadcast %jit3A_398 : i32 to vector<16xi32>
      %min3A_402 = arith.minsi %min3A_401, %max3A_400 : vector<16xi32>
      %convert_element_type3A_403 = arith.fptosi %mul3A_395 : vector<16xf32> to vector<16xi32>
      %jit3A_404 = arith.constant 0 : i32
      %jit3A_405 = arith.constant 39 : i32
      %max3A_406 = vector.broadcast %jit3A_404 : i32 to vector<16xi32>
      %max3A_407 = arith.maxsi %max3A_406, %convert_element_type3A_403 : vector<16xi32>
      %min3A_408 = vector.broadcast %jit3A_405 : i32 to vector<16xi32>
      %min3A_409 = arith.minsi %min3A_408, %max3A_407 : vector<16xi32>
      %mul3A_410 = arith.constant 3 : i32
      %mul3A_411 = vector.broadcast %mul3A_410 : i32 to vector<16xi32>
      %mul3A_412 = arith.muli %gather3A_354, %mul3A_411 : vector<16xi32>
      %add3A_413 = arith.addi %mul3A_412, %shift_right_arithmetic3A_328 : vector<16xi32>
      %mul3A_414 = arith.constant 40 : i32
      %mul3A_415 = vector.broadcast %mul3A_414 : i32 to vector<16xi32>
      %mul3A_416 = arith.muli %add3A_413, %mul3A_415 : vector<16xi32>
      %add3A_417 = arith.addi %mul3A_416, %min3A_409 : vector<16xi32>
      %mul3A_418 = arith.constant 40 : i32
      %mul3A_419 = vector.broadcast %mul3A_418 : i32 to vector<16xi32>
      %mul3A_420 = arith.muli %add3A_417, %mul3A_419 : vector<16xi32>
      %add3A_421 = arith.addi %mul3A_420, %min3A_402 : vector<16xi32>
      %jit3A_422 = arith.constant 76800 : i32
      %broadcast_in_dim3A = vector.broadcast %jit3A_422 : i32 to vector<16xi32>
      %select_n3A = arith.select %and3A_389, %add3A_421, %broadcast_in_dim3A : vector<16xi1>, vector<16xi32>
      %swap3A_423 = arith.constant 0 : index
      %swap3A_424 = tpu.vector_load %arg12[%swap3A_423] {strides = array<i32>} : memref<96xi32, #tpu.memory_space<vmem>>, vector<16xi32>,
      tpu.vector_store %arg12[%swap3A_423], %select_n3A {strides = array<i32>} : memref<96xi32, #tpu.memory_space<vmem>>, vector<16xi32>,
      %swap3A_425 = arith.constant 0 : index
      %swap3A_426 = tpu.vector_load %arg13[%swap3A_425] {strides = array<i32>} : memref<96xi32, #tpu.memory_space<vmem>>, vector<16xi32>,
      tpu.vector_store %arg13[%swap3A_425], %add3A_325 {strides = array<i32>} : memref<96xi32, #tpu.memory_space<vmem>>, vector<16xi32>,
      %mul3A_427 = arith.constant 96 : i32
      %mul3A_428 = arith.muli %arg1, %mul3A_427 : i32
      %add3A_429 = arith.constant 16 : i32
      %add3A_430 = arith.addi %mul3A_428, %add3A_429 : i32
      %add3A_431 = vector.broadcast %add3A_430 : i32 to vector<16xi32>
      %add3A_432 = arith.addi %add3A_431, %iota3A : vector<16xi32>
      %shift_right_arithmetic3A_433 = arith.constant 9 : i32
      %shift_right_arithmetic3A_434 = vector.broadcast %shift_right_arithmetic3A_433 : i32 to vector<16xi32>
      %shift_right_arithmetic3A_435 = arith.shrsi %add3A_432, %shift_right_arithmetic3A_434 : vector<16xi32>
      %and3A_436 = arith.constant 511 : i32
      %and3A_437 = vector.broadcast %and3A_436 : i32 to vector<16xi32>
      %and3A_438 = arith.andi %add3A_432, %and3A_437 : vector<16xi32>
      %lt3A_439 = arith.constant 500 : i32
      %lt3A_440 = vector.broadcast %lt3A_439 : i32 to vector<16xi32>
      %lt3A_441 = arith.cmpi slt, %and3A_438, %lt3A_440 : vector<16xi32>
      %min3A_442 = arith.constant 499 : i32
      %min3A_443 = vector.broadcast %min3A_442 : i32 to vector<16xi32>
      %min3A_444 = arith.minsi %and3A_438, %min3A_443 : vector<16xi32>
      %mul3A_445 = arith.constant 4 : i32
      %mul3A_446 = vector.broadcast %mul3A_445 : i32 to vector<16xi32>
      %mul3A_447 = arith.muli %min3A_444, %mul3A_446 : vector<16xi32>
      %gather3A_448 = tpu.vector_load_idx %arg8[%mul3A_447] : memref<2000xf32, #tpu.memory_space<vmem>>[vector<16xi32>], vector<16xf32>,
      %add3A_449 = arith.constant 1 : i32
      %add3A_450 = vector.broadcast %add3A_449 : i32 to vector<16xi32>
      %add3A_451 = arith.addi %mul3A_447, %add3A_450 : vector<16xi32>
      %gather3A_452 = tpu.vector_load_idx %arg8[%add3A_451] : memref<2000xf32, #tpu.memory_space<vmem>>[vector<16xi32>], vector<16xf32>,
      %add3A_453 = arith.constant 2 : i32
      %add3A_454 = vector.broadcast %add3A_453 : i32 to vector<16xi32>
      %add3A_455 = arith.addi %mul3A_447, %add3A_454 : vector<16xi32>
      %gather3A_456 = tpu.vector_load_idx %arg8[%add3A_455] : memref<2000xf32, #tpu.memory_space<vmem>>[vector<16xi32>], vector<16xf32>,
      %add3A_457 = arith.constant 3 : i32
      %add3A_458 = vector.broadcast %add3A_457 : i32 to vector<16xi32>
      %add3A_459 = arith.addi %mul3A_447, %add3A_458 : vector<16xi32>
      %gather3A_460 = tpu.vector_load_idx %arg8[%add3A_459] : memref<2000xf32, #tpu.memory_space<vmem>>[vector<16xi32>], vector<16xf32>,
      %gather3A_461 = tpu.vector_load_idx %arg9[%min3A_444] : memref<500xi32, #tpu.memory_space<vmem>>[vector<16xi32>], vector<16xi32>,
      %add3A_462 = arith.constant 3 : i32
      %add3A_463 = vector.broadcast %add3A_462 : i32 to vector<16xi32>
      %add3A_464 = arith.addi %add3A_463, %shift_right_arithmetic3A_435 : vector<16xi32>
      %mul3A_465 = arith.constant 2 : i32
      %mul3A_466 = vector.broadcast %mul3A_465 : i32 to vector<16xi32>
      %mul3A_467 = arith.muli %add3A_464, %mul3A_466 : vector<16xi32>
      %gather3A_468 = tpu.vector_load_idx %arg10[%mul3A_467] : memref<18xf32, #tpu.memory_space<vmem>>[vector<16xi32>], vector<16xf32>,
      %add3A_469 = arith.constant 1 : i32
      %add3A_470 = vector.broadcast %add3A_469 : i32 to vector<16xi32>
      %add3A_471 = arith.addi %mul3A_467, %add3A_470 : vector<16xi32>
      %gather3A_472 = tpu.vector_load_idx %arg10[%add3A_471] : memref<18xf32, #tpu.memory_space<vmem>>[vector<16xi32>], vector<16xf32>,
      %mul3A_473 = arith.constant 6.400000e+02 : f32
      %mul3A_474 = vector.broadcast %mul3A_473 : f32 to vector<16xf32>
      %mul3A_475 = arith.mulf %gather3A_456, %mul3A_474 : vector<16xf32>
      %div3A_476 = arith.divf %mul3A_475, %gather3A_468 : vector<16xf32>
      %mul3A_477 = arith.constant 6.400000e+02 : f32
      %mul3A_478 = vector.broadcast %mul3A_477 : f32 to vector<16xf32>
      %mul3A_479 = arith.mulf %gather3A_460, %mul3A_478 : vector<16xf32>
      %div3A_480 = arith.divf %mul3A_479, %gather3A_472 : vector<16xf32>
      %lt3A_481 = arith.constant 4.000000e+00 : f32
      %lt3A_482 = vector.broadcast %lt3A_481 : f32 to vector<16xf32>
      %lt3A_483 = arith.cmpf olt, %div3A_476, %lt3A_482 : vector<16xf32>
      %gt3A_484 = arith.constant 2.500000e-01 : f32
      %gt3A_485 = vector.broadcast %gt3A_484 : f32 to vector<16xf32>
      %gt3A_486 = arith.cmpf ogt, %div3A_476, %gt3A_485 : vector<16xf32>
      %and3A_487 = arith.andi %lt3A_483, %gt3A_486 : vector<16xi1>
      %lt3A_488 = arith.constant 4.000000e+00 : f32
      %lt3A_489 = vector.broadcast %lt3A_488 : f32 to vector<16xf32>
      %lt3A_490 = arith.cmpf olt, %div3A_480, %lt3A_489 : vector<16xf32>
      %and3A_491 = arith.andi %and3A_487, %lt3A_490 : vector<16xi1>
      %gt3A_492 = arith.constant 2.500000e-01 : f32
      %gt3A_493 = vector.broadcast %gt3A_492 : f32 to vector<16xf32>
      %gt3A_494 = arith.cmpf ogt, %div3A_480, %gt3A_493 : vector<16xf32>
      %and3A_495 = arith.andi %and3A_491, %gt3A_494 : vector<16xi1>
      %and3A_496 = arith.andi %and3A_495, %lt3A_441 : vector<16xi1>
      %mul3A_497 = arith.constant 4.000000e+01 : f32
      %mul3A_498 = vector.broadcast %mul3A_497 : f32 to vector<16xf32>
      %mul3A_499 = arith.mulf %gather3A_448, %mul3A_498 : vector<16xf32>
      %mul3A_500 = arith.constant 4.000000e+01 : f32
      %mul3A_501 = vector.broadcast %mul3A_500 : f32 to vector<16xf32>
      %mul3A_502 = arith.mulf %gather3A_452, %mul3A_501 : vector<16xf32>
      %convert_element_type3A_503 = arith.fptosi %mul3A_499 : vector<16xf32> to vector<16xi32>
      %jit3A_504 = arith.constant 0 : i32
      %jit3A_505 = arith.constant 39 : i32
      %max3A_506 = vector.broadcast %jit3A_504 : i32 to vector<16xi32>
      %max3A_507 = arith.maxsi %max3A_506, %convert_element_type3A_503 : vector<16xi32>
      %min3A_508 = vector.broadcast %jit3A_505 : i32 to vector<16xi32>
      %min3A_509 = arith.minsi %min3A_508, %max3A_507 : vector<16xi32>
      %convert_element_type3A_510 = arith.fptosi %mul3A_502 : vector<16xf32> to vector<16xi32>
      %jit3A_511 = arith.constant 0 : i32
      %jit3A_512 = arith.constant 39 : i32
      %max3A_513 = vector.broadcast %jit3A_511 : i32 to vector<16xi32>
      %max3A_514 = arith.maxsi %max3A_513, %convert_element_type3A_510 : vector<16xi32>
      %min3A_515 = vector.broadcast %jit3A_512 : i32 to vector<16xi32>
      %min3A_516 = arith.minsi %min3A_515, %max3A_514 : vector<16xi32>
      %mul3A_517 = arith.constant 3 : i32
      %mul3A_518 = vector.broadcast %mul3A_517 : i32 to vector<16xi32>
      %mul3A_519 = arith.muli %gather3A_461, %mul3A_518 : vector<16xi32>
      %add3A_520 = arith.addi %mul3A_519, %shift_right_arithmetic3A_435 : vector<16xi32>
      %mul3A_521 = arith.constant 40 : i32
      %mul3A_522 = vector.broadcast %mul3A_521 : i32 to vector<16xi32>
      %mul3A_523 = arith.muli %add3A_520, %mul3A_522 : vector<16xi32>
      %add3A_524 = arith.addi %mul3A_523, %min3A_516 : vector<16xi32>
      %mul3A_525 = arith.constant 40 : i32
      %mul3A_526 = vector.broadcast %mul3A_525 : i32 to vector<16xi32>
      %mul3A_527 = arith.muli %add3A_524, %mul3A_526 : vector<16xi32>
      %add3A_528 = arith.addi %mul3A_527, %min3A_509 : vector<16xi32>
      %jit3A_529 = arith.constant 76800 : i32
      %broadcast_in_dim3A_530 = vector.broadcast %jit3A_529 : i32 to vector<16xi32>
      %select_n3A_531 = arith.select %and3A_496, %add3A_528, %broadcast_in_dim3A_530 : vector<16xi1>, vector<16xi32>
      %swap3A_532 = arith.constant 16 : index
      %swap3A_533 = tpu.vector_load %arg12[%swap3A_532] {strides = array<i32>} : memref<96xi32, #tpu.memory_space<vmem>>, vector<16xi32>,
      tpu.vector_store %arg12[%swap3A_532], %select_n3A_531 {strides = array<i32>} : memref<96xi32, #tpu.memory_space<vmem>>, vector<16xi32>,
      %swap3A_534 = arith.constant 16 : index
      %swap3A_535 = tpu.vector_load %arg13[%swap3A_534] {strides = array<i32>} : memref<96xi32, #tpu.memory_space<vmem>>, vector<16xi32>,
      tpu.vector_store %arg13[%swap3A_534], %add3A_432 {strides = array<i32>} : memref<96xi32, #tpu.memory_space<vmem>>, vector<16xi32>,
      %mul3A_536 = arith.constant 96 : i32
      %mul3A_537 = arith.muli %arg1, %mul3A_536 : i32
      %add3A_538 = arith.constant 32 : i32
      %add3A_539 = arith.addi %mul3A_537, %add3A_538 : i32
      %add3A_540 = vector.broadcast %add3A_539 : i32 to vector<16xi32>
      %add3A_541 = arith.addi %add3A_540, %iota3A : vector<16xi32>
      %shift_right_arithmetic3A_542 = arith.constant 9 : i32
      %shift_right_arithmetic3A_543 = vector.broadcast %shift_right_arithmetic3A_542 : i32 to vector<16xi32>
      %shift_right_arithmetic3A_544 = arith.shrsi %add3A_541, %shift_right_arithmetic3A_543 : vector<16xi32>
      %and3A_545 = arith.constant 511 : i32
      %and3A_546 = vector.broadcast %and3A_545 : i32 to vector<16xi32>
      %and3A_547 = arith.andi %add3A_541, %and3A_546 : vector<16xi32>
      %lt3A_548 = arith.constant 500 : i32
      %lt3A_549 = vector.broadcast %lt3A_548 : i32 to vector<16xi32>
      %lt3A_550 = arith.cmpi slt, %and3A_547, %lt3A_549 : vector<16xi32>
      %min3A_551 = arith.constant 499 : i32
      %min3A_552 = vector.broadcast %min3A_551 : i32 to vector<16xi32>
      %min3A_553 = arith.minsi %and3A_547, %min3A_552 : vector<16xi32>
      %mul3A_554 = arith.constant 4 : i32
      %mul3A_555 = vector.broadcast %mul3A_554 : i32 to vector<16xi32>
      %mul3A_556 = arith.muli %min3A_553, %mul3A_555 : vector<16xi32>
      %gather3A_557 = tpu.vector_load_idx %arg8[%mul3A_556] : memref<2000xf32, #tpu.memory_space<vmem>>[vector<16xi32>], vector<16xf32>,
      %add3A_558 = arith.constant 1 : i32
      %add3A_559 = vector.broadcast %add3A_558 : i32 to vector<16xi32>
      %add3A_560 = arith.addi %mul3A_556, %add3A_559 : vector<16xi32>
      %gather3A_561 = tpu.vector_load_idx %arg8[%add3A_560] : memref<2000xf32, #tpu.memory_space<vmem>>[vector<16xi32>], vector<16xf32>,
      %add3A_562 = arith.constant 2 : i32
      %add3A_563 = vector.broadcast %add3A_562 : i32 to vector<16xi32>
      %add3A_564 = arith.addi %mul3A_556, %add3A_563 : vector<16xi32>
      %gather3A_565 = tpu.vector_load_idx %arg8[%add3A_564] : memref<2000xf32, #tpu.memory_space<vmem>>[vector<16xi32>], vector<16xf32>,
      %add3A_566 = arith.constant 3 : i32
      %add3A_567 = vector.broadcast %add3A_566 : i32 to vector<16xi32>
      %add3A_568 = arith.addi %mul3A_556, %add3A_567 : vector<16xi32>
      %gather3A_569 = tpu.vector_load_idx %arg8[%add3A_568] : memref<2000xf32, #tpu.memory_space<vmem>>[vector<16xi32>], vector<16xf32>,
      %gather3A_570 = tpu.vector_load_idx %arg9[%min3A_553] : memref<500xi32, #tpu.memory_space<vmem>>[vector<16xi32>], vector<16xi32>,
      %add3A_571 = arith.constant 3 : i32
      %add3A_572 = vector.broadcast %add3A_571 : i32 to vector<16xi32>
      %add3A_573 = arith.addi %add3A_572, %shift_right_arithmetic3A_544 : vector<16xi32>
      %mul3A_574 = arith.constant 2 : i32
      %mul3A_575 = vector.broadcast %mul3A_574 : i32 to vector<16xi32>
      %mul3A_576 = arith.muli %add3A_573, %mul3A_575 : vector<16xi32>
      %gather3A_577 = tpu.vector_load_idx %arg10[%mul3A_576] : memref<18xf32, #tpu.memory_space<vmem>>[vector<16xi32>], vector<16xf32>,
      %add3A_578 = arith.constant 1 : i32
      %add3A_579 = vector.broadcast %add3A_578 : i32 to vector<16xi32>
      %add3A_580 = arith.addi %mul3A_576, %add3A_579 : vector<16xi32>
      %gather3A_581 = tpu.vector_load_idx %arg10[%add3A_580] : memref<18xf32, #tpu.memory_space<vmem>>[vector<16xi32>], vector<16xf32>,
      %mul3A_582 = arith.constant 6.400000e+02 : f32
      %mul3A_583 = vector.broadcast %mul3A_582 : f32 to vector<16xf32>
      %mul3A_584 = arith.mulf %gather3A_565, %mul3A_583 : vector<16xf32>
      %div3A_585 = arith.divf %mul3A_584, %gather3A_577 : vector<16xf32>
      %mul3A_586 = arith.constant 6.400000e+02 : f32
      %mul3A_587 = vector.broadcast %mul3A_586 : f32 to vector<16xf32>
      %mul3A_588 = arith.mulf %gather3A_569, %mul3A_587 : vector<16xf32>
      %div3A_589 = arith.divf %mul3A_588, %gather3A_581 : vector<16xf32>
      %lt3A_590 = arith.constant 4.000000e+00 : f32
      %lt3A_591 = vector.broadcast %lt3A_590 : f32 to vector<16xf32>
      %lt3A_592 = arith.cmpf olt, %div3A_585, %lt3A_591 : vector<16xf32>
      %gt3A_593 = arith.constant 2.500000e-01 : f32
      %gt3A_594 = vector.broadcast %gt3A_593 : f32 to vector<16xf32>
      %gt3A_595 = arith.cmpf ogt, %div3A_585, %gt3A_594 : vector<16xf32>
      %and3A_596 = arith.andi %lt3A_592, %gt3A_595 : vector<16xi1>
      %lt3A_597 = arith.constant 4.000000e+00 : f32
      %lt3A_598 = vector.broadcast %lt3A_597 : f32 to vector<16xf32>
      %lt3A_599 = arith.cmpf olt, %div3A_589, %lt3A_598 : vector<16xf32>
      %and3A_600 = arith.andi %and3A_596, %lt3A_599 : vector<16xi1>
      %gt3A_601 = arith.constant 2.500000e-01 : f32
      %gt3A_602 = vector.broadcast %gt3A_601 : f32 to vector<16xf32>
      %gt3A_603 = arith.cmpf ogt, %div3A_589, %gt3A_602 : vector<16xf32>
      %and3A_604 = arith.andi %and3A_600, %gt3A_603 : vector<16xi1>
      %and3A_605 = arith.andi %and3A_604, %lt3A_550 : vector<16xi1>
      %mul3A_606 = arith.constant 4.000000e+01 : f32
      %mul3A_607 = vector.broadcast %mul3A_606 : f32 to vector<16xf32>
      %mul3A_608 = arith.mulf %gather3A_557, %mul3A_607 : vector<16xf32>
      %mul3A_609 = arith.constant 4.000000e+01 : f32
      %mul3A_610 = vector.broadcast %mul3A_609 : f32 to vector<16xf32>
      %mul3A_611 = arith.mulf %gather3A_561, %mul3A_610 : vector<16xf32>
      %convert_element_type3A_612 = arith.fptosi %mul3A_608 : vector<16xf32> to vector<16xi32>
      %jit3A_613 = arith.constant 0 : i32
      %jit3A_614 = arith.constant 39 : i32
      %max3A_615 = vector.broadcast %jit3A_613 : i32 to vector<16xi32>
      %max3A_616 = arith.maxsi %max3A_615, %convert_element_type3A_612 : vector<16xi32>
      %min3A_617 = vector.broadcast %jit3A_614 : i32 to vector<16xi32>
      %min3A_618 = arith.minsi %min3A_617, %max3A_616 : vector<16xi32>
      %convert_element_type3A_619 = arith.fptosi %mul3A_611 : vector<16xf32> to vector<16xi32>
      %jit3A_620 = arith.constant 0 : i32
      %jit3A_621 = arith.constant 39 : i32
      %max3A_622 = vector.broadcast %jit3A_620 : i32 to vector<16xi32>
      %max3A_623 = arith.maxsi %max3A_622, %convert_element_type3A_619 : vector<16xi32>
      %min3A_624 = vector.broadcast %jit3A_621 : i32 to vector<16xi32>
      %min3A_625 = arith.minsi %min3A_624, %max3A_623 : vector<16xi32>
      %mul3A_626 = arith.constant 3 : i32
      %mul3A_627 = vector.broadcast %mul3A_626 : i32 to vector<16xi32>
      %mul3A_628 = arith.muli %gather3A_570, %mul3A_627 : vector<16xi32>
      %add3A_629 = arith.addi %mul3A_628, %shift_right_arithmetic3A_544 : vector<16xi32>
      %mul3A_630 = arith.constant 40 : i32
      %mul3A_631 = vector.broadcast %mul3A_630 : i32 to vector<16xi32>
      %mul3A_632 = arith.muli %add3A_629, %mul3A_631 : vector<16xi32>
      %add3A_633 = arith.addi %mul3A_632, %min3A_625 : vector<16xi32>
      %mul3A_634 = arith.constant 40 : i32
      %mul3A_635 = vector.broadcast %mul3A_634 : i32 to vector<16xi32>
      %mul3A_636 = arith.muli %add3A_633, %mul3A_635 : vector<16xi32>
      %add3A_637 = arith.addi %mul3A_636, %min3A_618 : vector<16xi32>
      %jit3A_638 = arith.constant 76800 : i32
      %broadcast_in_dim3A_639 = vector.broadcast %jit3A_638 : i32 to vector<16xi32>
      %select_n3A_640 = arith.select %and3A_605, %add3A_637, %broadcast_in_dim3A_639 : vector<16xi1>, vector<16xi32>
      %swap3A_641 = arith.constant 32 : index
      %swap3A_642 = tpu.vector_load %arg12[%swap3A_641] {strides = array<i32>} : memref<96xi32, #tpu.memory_space<vmem>>, vector<16xi32>,
      tpu.vector_store %arg12[%swap3A_641], %select_n3A_640 {strides = array<i32>} : memref<96xi32, #tpu.memory_space<vmem>>, vector<16xi32>,
      %swap3A_643 = arith.constant 32 : index
      %swap3A_644 = tpu.vector_load %arg13[%swap3A_643] {strides = array<i32>} : memref<96xi32, #tpu.memory_space<vmem>>, vector<16xi32>,
      tpu.vector_store %arg13[%swap3A_643], %add3A_541 {strides = array<i32>} : memref<96xi32, #tpu.memory_space<vmem>>, vector<16xi32>,
      %mul3A_645 = arith.constant 96 : i32
      %mul3A_646 = arith.muli %arg1, %mul3A_645 : i32
      %add3A_647 = arith.constant 48 : i32
      %add3A_648 = arith.addi %mul3A_646, %add3A_647 : i32
      %add3A_649 = vector.broadcast %add3A_648 : i32 to vector<16xi32>
      %add3A_650 = arith.addi %add3A_649, %iota3A : vector<16xi32>
      %shift_right_arithmetic3A_651 = arith.constant 9 : i32
      %shift_right_arithmetic3A_652 = vector.broadcast %shift_right_arithmetic3A_651 : i32 to vector<16xi32>
      %shift_right_arithmetic3A_653 = arith.shrsi %add3A_650, %shift_right_arithmetic3A_652 : vector<16xi32>
      %and3A_654 = arith.constant 511 : i32
      %and3A_655 = vector.broadcast %and3A_654 : i32 to vector<16xi32>
      %and3A_656 = arith.andi %add3A_650, %and3A_655 : vector<16xi32>
      %lt3A_657 = arith.constant 500 : i32
      %lt3A_658 = vector.broadcast %lt3A_657 : i32 to vector<16xi32>
      %lt3A_659 = arith.cmpi slt, %and3A_656, %lt3A_658 : vector<16xi32>
      %min3A_660 = arith.constant 499 : i32
      %min3A_661 = vector.broadcast %min3A_660 : i32 to vector<16xi32>
      %min3A_662 = arith.minsi %and3A_656, %min3A_661 : vector<16xi32>
      %mul3A_663 = arith.constant 4 : i32
      %mul3A_664 = vector.broadcast %mul3A_663 : i32 to vector<16xi32>
      %mul3A_665 = arith.muli %min3A_662, %mul3A_664 : vector<16xi32>
      %gather3A_666 = tpu.vector_load_idx %arg8[%mul3A_665] : memref<2000xf32, #tpu.memory_space<vmem>>[vector<16xi32>], vector<16xf32>,
      %add3A_667 = arith.constant 1 : i32
      %add3A_668 = vector.broadcast %add3A_667 : i32 to vector<16xi32>
      %add3A_669 = arith.addi %mul3A_665, %add3A_668 : vector<16xi32>
      %gather3A_670 = tpu.vector_load_idx %arg8[%add3A_669] : memref<2000xf32, #tpu.memory_space<vmem>>[vector<16xi32>], vector<16xf32>,
      %add3A_671 = arith.constant 2 : i32
      %add3A_672 = vector.broadcast %add3A_671 : i32 to vector<16xi32>
      %add3A_673 = arith.addi %mul3A_665, %add3A_672 : vector<16xi32>
      %gather3A_674 = tpu.vector_load_idx %arg8[%add3A_673] : memref<2000xf32, #tpu.memory_space<vmem>>[vector<16xi32>], vector<16xf32>,
      %add3A_675 = arith.constant 3 : i32
      %add3A_676 = vector.broadcast %add3A_675 : i32 to vector<16xi32>
      %add3A_677 = arith.addi %mul3A_665, %add3A_676 : vector<16xi32>
      %gather3A_678 = tpu.vector_load_idx %arg8[%add3A_677] : memref<2000xf32, #tpu.memory_space<vmem>>[vector<16xi32>], vector<16xf32>,
      %gather3A_679 = tpu.vector_load_idx %arg9[%min3A_662] : memref<500xi32, #tpu.memory_space<vmem>>[vector<16xi32>], vector<16xi32>,
      %add3A_680 = arith.constant 3 : i32
      %add3A_681 = vector.broadcast %add3A_680 : i32 to vector<16xi32>
      %add3A_682 = arith.addi %add3A_681, %shift_right_arithmetic3A_653 : vector<16xi32>
      %mul3A_683 = arith.constant 2 : i32
      %mul3A_684 = vector.broadcast %mul3A_683 : i32 to vector<16xi32>
      %mul3A_685 = arith.muli %add3A_682, %mul3A_684 : vector<16xi32>
      %gather3A_686 = tpu.vector_load_idx %arg10[%mul3A_685] : memref<18xf32, #tpu.memory_space<vmem>>[vector<16xi32>], vector<16xf32>,
      %add3A_687 = arith.constant 1 : i32
      %add3A_688 = vector.broadcast %add3A_687 : i32 to vector<16xi32>
      %add3A_689 = arith.addi %mul3A_685, %add3A_688 : vector<16xi32>
      %gather3A_690 = tpu.vector_load_idx %arg10[%add3A_689] : memref<18xf32, #tpu.memory_space<vmem>>[vector<16xi32>], vector<16xf32>,
      %mul3A_691 = arith.constant 6.400000e+02 : f32
      %mul3A_692 = vector.broadcast %mul3A_691 : f32 to vector<16xf32>
      %mul3A_693 = arith.mulf %gather3A_674, %mul3A_692 : vector<16xf32>
      %div3A_694 = arith.divf %mul3A_693, %gather3A_686 : vector<16xf32>
      %mul3A_695 = arith.constant 6.400000e+02 : f32
      %mul3A_696 = vector.broadcast %mul3A_695 : f32 to vector<16xf32>
      %mul3A_697 = arith.mulf %gather3A_678, %mul3A_696 : vector<16xf32>
      %div3A_698 = arith.divf %mul3A_697, %gather3A_690 : vector<16xf32>
      %lt3A_699 = arith.constant 4.000000e+00 : f32
      %lt3A_700 = vector.broadcast %lt3A_699 : f32 to vector<16xf32>
      %lt3A_701 = arith.cmpf olt, %div3A_694, %lt3A_700 : vector<16xf32>
      %gt3A_702 = arith.constant 2.500000e-01 : f32
      %gt3A_703 = vector.broadcast %gt3A_702 : f32 to vector<16xf32>
      %gt3A_704 = arith.cmpf ogt, %div3A_694, %gt3A_703 : vector<16xf32>
      %and3A_705 = arith.andi %lt3A_701, %gt3A_704 : vector<16xi1>
      %lt3A_706 = arith.constant 4.000000e+00 : f32
      %lt3A_707 = vector.broadcast %lt3A_706 : f32 to vector<16xf32>
      %lt3A_708 = arith.cmpf olt, %div3A_698, %lt3A_707 : vector<16xf32>
      %and3A_709 = arith.andi %and3A_705, %lt3A_708 : vector<16xi1>
      %gt3A_710 = arith.constant 2.500000e-01 : f32
      %gt3A_711 = vector.broadcast %gt3A_710 : f32 to vector<16xf32>
      %gt3A_712 = arith.cmpf ogt, %div3A_698, %gt3A_711 : vector<16xf32>
      %and3A_713 = arith.andi %and3A_709, %gt3A_712 : vector<16xi1>
      %and3A_714 = arith.andi %and3A_713, %lt3A_659 : vector<16xi1>
      %mul3A_715 = arith.constant 4.000000e+01 : f32
      %mul3A_716 = vector.broadcast %mul3A_715 : f32 to vector<16xf32>
      %mul3A_717 = arith.mulf %gather3A_666, %mul3A_716 : vector<16xf32>
      %mul3A_718 = arith.constant 4.000000e+01 : f32
      %mul3A_719 = vector.broadcast %mul3A_718 : f32 to vector<16xf32>
      %mul3A_720 = arith.mulf %gather3A_670, %mul3A_719 : vector<16xf32>
      %convert_element_type3A_721 = arith.fptosi %mul3A_717 : vector<16xf32> to vector<16xi32>
      %jit3A_722 = arith.constant 0 : i32
      %jit3A_723 = arith.constant 39 : i32
      %max3A_724 = vector.broadcast %jit3A_722 : i32 to vector<16xi32>
      %max3A_725 = arith.maxsi %max3A_724, %convert_element_type3A_721 : vector<16xi32>
      %min3A_726 = vector.broadcast %jit3A_723 : i32 to vector<16xi32>
      %min3A_727 = arith.minsi %min3A_726, %max3A_725 : vector<16xi32>
      %convert_element_type3A_728 = arith.fptosi %mul3A_720 : vector<16xf32> to vector<16xi32>
      %jit3A_729 = arith.constant 0 : i32
      %jit3A_730 = arith.constant 39 : i32
      %max3A_731 = vector.broadcast %jit3A_729 : i32 to vector<16xi32>
      %max3A_732 = arith.maxsi %max3A_731, %convert_element_type3A_728 : vector<16xi32>
      %min3A_733 = vector.broadcast %jit3A_730 : i32 to vector<16xi32>
      %min3A_734 = arith.minsi %min3A_733, %max3A_732 : vector<16xi32>
      %mul3A_735 = arith.constant 3 : i32
      %mul3A_736 = vector.broadcast %mul3A_735 : i32 to vector<16xi32>
      %mul3A_737 = arith.muli %gather3A_679, %mul3A_736 : vector<16xi32>
      %add3A_738 = arith.addi %mul3A_737, %shift_right_arithmetic3A_653 : vector<16xi32>
      %mul3A_739 = arith.constant 40 : i32
      %mul3A_740 = vector.broadcast %mul3A_739 : i32 to vector<16xi32>
      %mul3A_741 = arith.muli %add3A_738, %mul3A_740 : vector<16xi32>
      %add3A_742 = arith.addi %mul3A_741, %min3A_734 : vector<16xi32>
      %mul3A_743 = arith.constant 40 : i32
      %mul3A_744 = vector.broadcast %mul3A_743 : i32 to vector<16xi32>
      %mul3A_745 = arith.muli %add3A_742, %mul3A_744 : vector<16xi32>
      %add3A_746 = arith.addi %mul3A_745, %min3A_727 : vector<16xi32>
      %jit3A_747 = arith.constant 76800 : i32
      %broadcast_in_dim3A_748 = vector.broadcast %jit3A_747 : i32 to vector<16xi32>
      %select_n3A_749 = arith.select %and3A_714, %add3A_746, %broadcast_in_dim3A_748 : vector<16xi1>, vector<16xi32>
      %swap3A_750 = arith.constant 48 : index
      %swap3A_751 = tpu.vector_load %arg12[%swap3A_750] {strides = array<i32>} : memref<96xi32, #tpu.memory_space<vmem>>, vector<16xi32>,
      tpu.vector_store %arg12[%swap3A_750], %select_n3A_749 {strides = array<i32>} : memref<96xi32, #tpu.memory_space<vmem>>, vector<16xi32>,
      %swap3A_752 = arith.constant 48 : index
      %swap3A_753 = tpu.vector_load %arg13[%swap3A_752] {strides = array<i32>} : memref<96xi32, #tpu.memory_space<vmem>>, vector<16xi32>,
      tpu.vector_store %arg13[%swap3A_752], %add3A_650 {strides = array<i32>} : memref<96xi32, #tpu.memory_space<vmem>>, vector<16xi32>,
      %mul3A_754 = arith.constant 96 : i32
      %mul3A_755 = arith.muli %arg1, %mul3A_754 : i32
      %add3A_756 = arith.constant 64 : i32
      %add3A_757 = arith.addi %mul3A_755, %add3A_756 : i32
      %add3A_758 = vector.broadcast %add3A_757 : i32 to vector<16xi32>
      %add3A_759 = arith.addi %add3A_758, %iota3A : vector<16xi32>
      %shift_right_arithmetic3A_760 = arith.constant 9 : i32
      %shift_right_arithmetic3A_761 = vector.broadcast %shift_right_arithmetic3A_760 : i32 to vector<16xi32>
      %shift_right_arithmetic3A_762 = arith.shrsi %add3A_759, %shift_right_arithmetic3A_761 : vector<16xi32>
      %and3A_763 = arith.constant 511 : i32
      %and3A_764 = vector.broadcast %and3A_763 : i32 to vector<16xi32>
      %and3A_765 = arith.andi %add3A_759, %and3A_764 : vector<16xi32>
      %lt3A_766 = arith.constant 500 : i32
      %lt3A_767 = vector.broadcast %lt3A_766 : i32 to vector<16xi32>
      %lt3A_768 = arith.cmpi slt, %and3A_765, %lt3A_767 : vector<16xi32>
      %min3A_769 = arith.constant 499 : i32
      %min3A_770 = vector.broadcast %min3A_769 : i32 to vector<16xi32>
      %min3A_771 = arith.minsi %and3A_765, %min3A_770 : vector<16xi32>
      %mul3A_772 = arith.constant 4 : i32
      %mul3A_773 = vector.broadcast %mul3A_772 : i32 to vector<16xi32>
      %mul3A_774 = arith.muli %min3A_771, %mul3A_773 : vector<16xi32>
      %gather3A_775 = tpu.vector_load_idx %arg8[%mul3A_774] : memref<2000xf32, #tpu.memory_space<vmem>>[vector<16xi32>], vector<16xf32>,
      %add3A_776 = arith.constant 1 : i32
      %add3A_777 = vector.broadcast %add3A_776 : i32 to vector<16xi32>
      %add3A_778 = arith.addi %mul3A_774, %add3A_777 : vector<16xi32>
      %gather3A_779 = tpu.vector_load_idx %arg8[%add3A_778] : memref<2000xf32, #tpu.memory_space<vmem>>[vector<16xi32>], vector<16xf32>,
      %add3A_780 = arith.constant 2 : i32
      %add3A_781 = vector.broadcast %add3A_780 : i32 to vector<16xi32>
      %add3A_782 = arith.addi %mul3A_774, %add3A_781 : vector<16xi32>
      %gather3A_783 = tpu.vector_load_idx %arg8[%add3A_782] : memref<2000xf32, #tpu.memory_space<vmem>>[vector<16xi32>], vector<16xf32>,
      %add3A_784 = arith.constant 3 : i32
      %add3A_785 = vector.broadcast %add3A_784 : i32 to vector<16xi32>
      %add3A_786 = arith.addi %mul3A_774, %add3A_785 : vector<16xi32>
      %gather3A_787 = tpu.vector_load_idx %arg8[%add3A_786] : memref<2000xf32, #tpu.memory_space<vmem>>[vector<16xi32>], vector<16xf32>,
      %gather3A_788 = tpu.vector_load_idx %arg9[%min3A_771] : memref<500xi32, #tpu.memory_space<vmem>>[vector<16xi32>], vector<16xi32>,
      %add3A_789 = arith.constant 3 : i32
      %add3A_790 = vector.broadcast %add3A_789 : i32 to vector<16xi32>
      %add3A_791 = arith.addi %add3A_790, %shift_right_arithmetic3A_762 : vector<16xi32>
      %mul3A_792 = arith.constant 2 : i32
      %mul3A_793 = vector.broadcast %mul3A_792 : i32 to vector<16xi32>
      %mul3A_794 = arith.muli %add3A_791, %mul3A_793 : vector<16xi32>
      %gather3A_795 = tpu.vector_load_idx %arg10[%mul3A_794] : memref<18xf32, #tpu.memory_space<vmem>>[vector<16xi32>], vector<16xf32>,
      %add3A_796 = arith.constant 1 : i32
      %add3A_797 = vector.broadcast %add3A_796 : i32 to vector<16xi32>
      %add3A_798 = arith.addi %mul3A_794, %add3A_797 : vector<16xi32>
      %gather3A_799 = tpu.vector_load_idx %arg10[%add3A_798] : memref<18xf32, #tpu.memory_space<vmem>>[vector<16xi32>], vector<16xf32>,
      %mul3A_800 = arith.constant 6.400000e+02 : f32
      %mul3A_801 = vector.broadcast %mul3A_800 : f32 to vector<16xf32>
      %mul3A_802 = arith.mulf %gather3A_783, %mul3A_801 : vector<16xf32>
      %div3A_803 = arith.divf %mul3A_802, %gather3A_795 : vector<16xf32>
      %mul3A_804 = arith.constant 6.400000e+02 : f32
      %mul3A_805 = vector.broadcast %mul3A_804 : f32 to vector<16xf32>
      %mul3A_806 = arith.mulf %gather3A_787, %mul3A_805 : vector<16xf32>
      %div3A_807 = arith.divf %mul3A_806, %gather3A_799 : vector<16xf32>
      %lt3A_808 = arith.constant 4.000000e+00 : f32
      %lt3A_809 = vector.broadcast %lt3A_808 : f32 to vector<16xf32>
      %lt3A_810 = arith.cmpf olt, %div3A_803, %lt3A_809 : vector<16xf32>
      %gt3A_811 = arith.constant 2.500000e-01 : f32
      %gt3A_812 = vector.broadcast %gt3A_811 : f32 to vector<16xf32>
      %gt3A_813 = arith.cmpf ogt, %div3A_803, %gt3A_812 : vector<16xf32>
      %and3A_814 = arith.andi %lt3A_810, %gt3A_813 : vector<16xi1>
      %lt3A_815 = arith.constant 4.000000e+00 : f32
      %lt3A_816 = vector.broadcast %lt3A_815 : f32 to vector<16xf32>
      %lt3A_817 = arith.cmpf olt, %div3A_807, %lt3A_816 : vector<16xf32>
      %and3A_818 = arith.andi %and3A_814, %lt3A_817 : vector<16xi1>
      %gt3A_819 = arith.constant 2.500000e-01 : f32
      %gt3A_820 = vector.broadcast %gt3A_819 : f32 to vector<16xf32>
      %gt3A_821 = arith.cmpf ogt, %div3A_807, %gt3A_820 : vector<16xf32>
      %and3A_822 = arith.andi %and3A_818, %gt3A_821 : vector<16xi1>
      %and3A_823 = arith.andi %and3A_822, %lt3A_768 : vector<16xi1>
      %mul3A_824 = arith.constant 4.000000e+01 : f32
      %mul3A_825 = vector.broadcast %mul3A_824 : f32 to vector<16xf32>
      %mul3A_826 = arith.mulf %gather3A_775, %mul3A_825 : vector<16xf32>
      %mul3A_827 = arith.constant 4.000000e+01 : f32
      %mul3A_828 = vector.broadcast %mul3A_827 : f32 to vector<16xf32>
      %mul3A_829 = arith.mulf %gather3A_779, %mul3A_828 : vector<16xf32>
      %convert_element_type3A_830 = arith.fptosi %mul3A_826 : vector<16xf32> to vector<16xi32>
      %jit3A_831 = arith.constant 0 : i32
      %jit3A_832 = arith.constant 39 : i32
      %max3A_833 = vector.broadcast %jit3A_831 : i32 to vector<16xi32>
      %max3A_834 = arith.maxsi %max3A_833, %convert_element_type3A_830 : vector<16xi32>
      %min3A_835 = vector.broadcast %jit3A_832 : i32 to vector<16xi32>
      %min3A_836 = arith.minsi %min3A_835, %max3A_834 : vector<16xi32>
      %convert_element_type3A_837 = arith.fptosi %mul3A_829 : vector<16xf32> to vector<16xi32>
      %jit3A_838 = arith.constant 0 : i32
      %jit3A_839 = arith.constant 39 : i32
      %max3A_840 = vector.broadcast %jit3A_838 : i32 to vector<16xi32>
      %max3A_841 = arith.maxsi %max3A_840, %convert_element_type3A_837 : vector<16xi32>
      %min3A_842 = vector.broadcast %jit3A_839 : i32 to vector<16xi32>
      %min3A_843 = arith.minsi %min3A_842, %max3A_841 : vector<16xi32>
      %mul3A_844 = arith.constant 3 : i32
      %mul3A_845 = vector.broadcast %mul3A_844 : i32 to vector<16xi32>
      %mul3A_846 = arith.muli %gather3A_788, %mul3A_845 : vector<16xi32>
      %add3A_847 = arith.addi %mul3A_846, %shift_right_arithmetic3A_762 : vector<16xi32>
      %mul3A_848 = arith.constant 40 : i32
      %mul3A_849 = vector.broadcast %mul3A_848 : i32 to vector<16xi32>
      %mul3A_850 = arith.muli %add3A_847, %mul3A_849 : vector<16xi32>
      %add3A_851 = arith.addi %mul3A_850, %min3A_843 : vector<16xi32>
      %mul3A_852 = arith.constant 40 : i32
      %mul3A_853 = vector.broadcast %mul3A_852 : i32 to vector<16xi32>
      %mul3A_854 = arith.muli %add3A_851, %mul3A_853 : vector<16xi32>
      %add3A_855 = arith.addi %mul3A_854, %min3A_836 : vector<16xi32>
      %jit3A_856 = arith.constant 76800 : i32
      %broadcast_in_dim3A_857 = vector.broadcast %jit3A_856 : i32 to vector<16xi32>
      %select_n3A_858 = arith.select %and3A_823, %add3A_855, %broadcast_in_dim3A_857 : vector<16xi1>, vector<16xi32>
      %swap3A_859 = arith.constant 64 : index
      %swap3A_860 = tpu.vector_load %arg12[%swap3A_859] {strides = array<i32>} : memref<96xi32, #tpu.memory_space<vmem>>, vector<16xi32>,
      tpu.vector_store %arg12[%swap3A_859], %select_n3A_858 {strides = array<i32>} : memref<96xi32, #tpu.memory_space<vmem>>, vector<16xi32>,
      %swap3A_861 = arith.constant 64 : index
      %swap3A_862 = tpu.vector_load %arg13[%swap3A_861] {strides = array<i32>} : memref<96xi32, #tpu.memory_space<vmem>>, vector<16xi32>,
      tpu.vector_store %arg13[%swap3A_861], %add3A_759 {strides = array<i32>} : memref<96xi32, #tpu.memory_space<vmem>>, vector<16xi32>,
      %mul3A_863 = arith.constant 96 : i32
      %mul3A_864 = arith.muli %arg1, %mul3A_863 : i32
      %add3A_865 = arith.constant 80 : i32
      %add3A_866 = arith.addi %mul3A_864, %add3A_865 : i32
      %add3A_867 = vector.broadcast %add3A_866 : i32 to vector<16xi32>
      %add3A_868 = arith.addi %add3A_867, %iota3A : vector<16xi32>
      %shift_right_arithmetic3A_869 = arith.constant 9 : i32
      %shift_right_arithmetic3A_870 = vector.broadcast %shift_right_arithmetic3A_869 : i32 to vector<16xi32>
      %shift_right_arithmetic3A_871 = arith.shrsi %add3A_868, %shift_right_arithmetic3A_870 : vector<16xi32>
      %and3A_872 = arith.constant 511 : i32
      %and3A_873 = vector.broadcast %and3A_872 : i32 to vector<16xi32>
      %and3A_874 = arith.andi %add3A_868, %and3A_873 : vector<16xi32>
      %lt3A_875 = arith.constant 500 : i32
      %lt3A_876 = vector.broadcast %lt3A_875 : i32 to vector<16xi32>
      %lt3A_877 = arith.cmpi slt, %and3A_874, %lt3A_876 : vector<16xi32>
      %min3A_878 = arith.constant 499 : i32
      %min3A_879 = vector.broadcast %min3A_878 : i32 to vector<16xi32>
      %min3A_880 = arith.minsi %and3A_874, %min3A_879 : vector<16xi32>
      %mul3A_881 = arith.constant 4 : i32
      %mul3A_882 = vector.broadcast %mul3A_881 : i32 to vector<16xi32>
      %mul3A_883 = arith.muli %min3A_880, %mul3A_882 : vector<16xi32>
      %gather3A_884 = tpu.vector_load_idx %arg8[%mul3A_883] : memref<2000xf32, #tpu.memory_space<vmem>>[vector<16xi32>], vector<16xf32>,
      %add3A_885 = arith.constant 1 : i32
      %add3A_886 = vector.broadcast %add3A_885 : i32 to vector<16xi32>
      %add3A_887 = arith.addi %mul3A_883, %add3A_886 : vector<16xi32>
      %gather3A_888 = tpu.vector_load_idx %arg8[%add3A_887] : memref<2000xf32, #tpu.memory_space<vmem>>[vector<16xi32>], vector<16xf32>,
      %add3A_889 = arith.constant 2 : i32
      %add3A_890 = vector.broadcast %add3A_889 : i32 to vector<16xi32>
      %add3A_891 = arith.addi %mul3A_883, %add3A_890 : vector<16xi32>
      %gather3A_892 = tpu.vector_load_idx %arg8[%add3A_891] : memref<2000xf32, #tpu.memory_space<vmem>>[vector<16xi32>], vector<16xf32>,
      %add3A_893 = arith.constant 3 : i32
      %add3A_894 = vector.broadcast %add3A_893 : i32 to vector<16xi32>
      %add3A_895 = arith.addi %mul3A_883, %add3A_894 : vector<16xi32>
      %gather3A_896 = tpu.vector_load_idx %arg8[%add3A_895] : memref<2000xf32, #tpu.memory_space<vmem>>[vector<16xi32>], vector<16xf32>,
      %gather3A_897 = tpu.vector_load_idx %arg9[%min3A_880] : memref<500xi32, #tpu.memory_space<vmem>>[vector<16xi32>], vector<16xi32>,
      %add3A_898 = arith.constant 3 : i32
      %add3A_899 = vector.broadcast %add3A_898 : i32 to vector<16xi32>
      %add3A_900 = arith.addi %add3A_899, %shift_right_arithmetic3A_871 : vector<16xi32>
      %mul3A_901 = arith.constant 2 : i32
      %mul3A_902 = vector.broadcast %mul3A_901 : i32 to vector<16xi32>
      %mul3A_903 = arith.muli %add3A_900, %mul3A_902 : vector<16xi32>
      %gather3A_904 = tpu.vector_load_idx %arg10[%mul3A_903] : memref<18xf32, #tpu.memory_space<vmem>>[vector<16xi32>], vector<16xf32>,
      %add3A_905 = arith.constant 1 : i32
      %add3A_906 = vector.broadcast %add3A_905 : i32 to vector<16xi32>
      %add3A_907 = arith.addi %mul3A_903, %add3A_906 : vector<16xi32>
      %gather3A_908 = tpu.vector_load_idx %arg10[%add3A_907] : memref<18xf32, #tpu.memory_space<vmem>>[vector<16xi32>], vector<16xf32>,
      %mul3A_909 = arith.constant 6.400000e+02 : f32
      %mul3A_910 = vector.broadcast %mul3A_909 : f32 to vector<16xf32>
      %mul3A_911 = arith.mulf %gather3A_892, %mul3A_910 : vector<16xf32>
      %div3A_912 = arith.divf %mul3A_911, %gather3A_904 : vector<16xf32>
      %mul3A_913 = arith.constant 6.400000e+02 : f32
      %mul3A_914 = vector.broadcast %mul3A_913 : f32 to vector<16xf32>
      %mul3A_915 = arith.mulf %gather3A_896, %mul3A_914 : vector<16xf32>
      %div3A_916 = arith.divf %mul3A_915, %gather3A_908 : vector<16xf32>
      %lt3A_917 = arith.constant 4.000000e+00 : f32
      %lt3A_918 = vector.broadcast %lt3A_917 : f32 to vector<16xf32>
      %lt3A_919 = arith.cmpf olt, %div3A_912, %lt3A_918 : vector<16xf32>
      %gt3A_920 = arith.constant 2.500000e-01 : f32
      %gt3A_921 = vector.broadcast %gt3A_920 : f32 to vector<16xf32>
      %gt3A_922 = arith.cmpf ogt, %div3A_912, %gt3A_921 : vector<16xf32>
      %and3A_923 = arith.andi %lt3A_919, %gt3A_922 : vector<16xi1>
      %lt3A_924 = arith.constant 4.000000e+00 : f32
      %lt3A_925 = vector.broadcast %lt3A_924 : f32 to vector<16xf32>
      %lt3A_926 = arith.cmpf olt, %div3A_916, %lt3A_925 : vector<16xf32>
      %and3A_927 = arith.andi %and3A_923, %lt3A_926 : vector<16xi1>
      %gt3A_928 = arith.constant 2.500000e-01 : f32
      %gt3A_929 = vector.broadcast %gt3A_928 : f32 to vector<16xf32>
      %gt3A_930 = arith.cmpf ogt, %div3A_916, %gt3A_929 : vector<16xf32>
      %and3A_931 = arith.andi %and3A_927, %gt3A_930 : vector<16xi1>
      %and3A_932 = arith.andi %and3A_931, %lt3A_877 : vector<16xi1>
      %mul3A_933 = arith.constant 4.000000e+01 : f32
      %mul3A_934 = vector.broadcast %mul3A_933 : f32 to vector<16xf32>
      %mul3A_935 = arith.mulf %gather3A_884, %mul3A_934 : vector<16xf32>
      %mul3A_936 = arith.constant 4.000000e+01 : f32
      %mul3A_937 = vector.broadcast %mul3A_936 : f32 to vector<16xf32>
      %mul3A_938 = arith.mulf %gather3A_888, %mul3A_937 : vector<16xf32>
      %convert_element_type3A_939 = arith.fptosi %mul3A_935 : vector<16xf32> to vector<16xi32>
      %jit3A_940 = arith.constant 0 : i32
      %jit3A_941 = arith.constant 39 : i32
      %max3A_942 = vector.broadcast %jit3A_940 : i32 to vector<16xi32>
      %max3A_943 = arith.maxsi %max3A_942, %convert_element_type3A_939 : vector<16xi32>
      %min3A_944 = vector.broadcast %jit3A_941 : i32 to vector<16xi32>
      %min3A_945 = arith.minsi %min3A_944, %max3A_943 : vector<16xi32>
      %convert_element_type3A_946 = arith.fptosi %mul3A_938 : vector<16xf32> to vector<16xi32>
      %jit3A_947 = arith.constant 0 : i32
      %jit3A_948 = arith.constant 39 : i32
      %max3A_949 = vector.broadcast %jit3A_947 : i32 to vector<16xi32>
      %max3A_950 = arith.maxsi %max3A_949, %convert_element_type3A_946 : vector<16xi32>
      %min3A_951 = vector.broadcast %jit3A_948 : i32 to vector<16xi32>
      %min3A_952 = arith.minsi %min3A_951, %max3A_950 : vector<16xi32>
      %mul3A_953 = arith.constant 3 : i32
      %mul3A_954 = vector.broadcast %mul3A_953 : i32 to vector<16xi32>
      %mul3A_955 = arith.muli %gather3A_897, %mul3A_954 : vector<16xi32>
      %add3A_956 = arith.addi %mul3A_955, %shift_right_arithmetic3A_871 : vector<16xi32>
      %mul3A_957 = arith.constant 40 : i32
      %mul3A_958 = vector.broadcast %mul3A_957 : i32 to vector<16xi32>
      %mul3A_959 = arith.muli %add3A_956, %mul3A_958 : vector<16xi32>
      %add3A_960 = arith.addi %mul3A_959, %min3A_952 : vector<16xi32>
      %mul3A_961 = arith.constant 40 : i32
      %mul3A_962 = vector.broadcast %mul3A_961 : i32 to vector<16xi32>
      %mul3A_963 = arith.muli %add3A_960, %mul3A_962 : vector<16xi32>
      %add3A_964 = arith.addi %mul3A_963, %min3A_945 : vector<16xi32>
      %jit3A_965 = arith.constant 76800 : i32
      %broadcast_in_dim3A_966 = vector.broadcast %jit3A_965 : i32 to vector<16xi32>
      %select_n3A_967 = arith.select %and3A_932, %add3A_964, %broadcast_in_dim3A_966 : vector<16xi1>, vector<16xi32>
      %swap3A_968 = arith.constant 80 : index
      %swap3A_969 = tpu.vector_load %arg12[%swap3A_968] {strides = array<i32>} : memref<96xi32, #tpu.memory_space<vmem>>, vector<16xi32>,
      tpu.vector_store %arg12[%swap3A_968], %select_n3A_967 {strides = array<i32>} : memref<96xi32, #tpu.memory_space<vmem>>, vector<16xi32>,
      %swap3A_970 = arith.constant 80 : index
      %swap3A_971 = tpu.vector_load %arg13[%swap3A_970] {strides = array<i32>} : memref<96xi32, #tpu.memory_space<vmem>>, vector<16xi32>,
      tpu.vector_store %arg13[%swap3A_970], %add3A_868 {strides = array<i32>} : memref<96xi32, #tpu.memory_space<vmem>>, vector<16xi32>,
      "tpu.region"() ({
        %run_scoped3A = tpu.sem_alloc : memref<!tpu.dma_semaphore, #tpu.memory_space<semaphore_mem>>
        %dma_start3A = arith.constant 0 : i32
        %dma_start3A_972 = tpu.memref_slice %arg17[%dma_start3A] : memref<76816xi32, #tpu.memory_space<vmem_shared>> -> memref<76816xi32, #tpu.memory_space<vmem_shared>>
        tpu.enqueue_indirect_dma source(%arg13 : memref<96xi32, #tpu.memory_space<vmem>>) target(%dma_start3A_972 : memref<76816xi32, #tpu.memory_space<vmem_shared>>) offsets(%arg12 : memref<96xi32, #tpu.memory_space<vmem>>) semaphore(%run_scoped3A : memref<!tpu.dma_semaphore, #tpu.memory_space<semaphore_mem>>)
        %dma_wait3A = arith.constant 0 : i32
        %dma_wait3A_973 = tpu.memref_slice %arg17[%dma_wait3A] : memref<76816xi32, #tpu.memory_space<vmem_shared>> -> memref<76816xi32, #tpu.memory_space<vmem_shared>>
        tpu.wait_indirect_dma semaphore(%run_scoped3A : memref<!tpu.dma_semaphore, #tpu.memory_space<semaphore_mem>>) src(%arg13 : memref<96xi32, #tpu.memory_space<vmem>>) dst(%dma_wait3A_973 : memref<76816xi32, #tpu.memory_space<vmem_shared>>)
        tpu.yield
      }) : () -> ()
    } else {
    }
    %mul3A_3 = arith.constant 48 : i32
    %mul3A_4 = arith.muli %add3A, %mul3A_3 : i32
    %add3A_5 = arith.constant 0 : i32
    %add3A_6 = arith.addi %mul3A_4, %add3A_5 : i32
    %add3A_7 = vector.broadcast %add3A_6 : i32 to vector<16xi32>
    %add3A_8 = arith.addi %add3A_7, %iota3A : vector<16xi32>
    %shift_right_arithmetic3A = arith.constant 9 : i32
    %shift_right_arithmetic3A_9 = vector.broadcast %shift_right_arithmetic3A : i32 to vector<16xi32>
    %shift_right_arithmetic3A_10 = arith.shrsi %add3A_8, %shift_right_arithmetic3A_9 : vector<16xi32>
    %and3A = arith.constant 511 : i32
    %and3A_11 = vector.broadcast %and3A : i32 to vector<16xi32>
    %and3A_12 = arith.andi %add3A_8, %and3A_11 : vector<16xi32>
    %lt3A = arith.constant 500 : i32
    %lt3A_13 = vector.broadcast %lt3A : i32 to vector<16xi32>
    %lt3A_14 = arith.cmpi slt, %and3A_12, %lt3A_13 : vector<16xi32>
    %min3A = arith.constant 499 : i32
    %min3A_15 = vector.broadcast %min3A : i32 to vector<16xi32>
    %min3A_16 = arith.minsi %and3A_12, %min3A_15 : vector<16xi32>
    %mul3A_17 = arith.constant 4 : i32
    %mul3A_18 = vector.broadcast %mul3A_17 : i32 to vector<16xi32>
    %mul3A_19 = arith.muli %min3A_16, %mul3A_18 : vector<16xi32>
    %gather3A = tpu.vector_load_idx %arg8[%mul3A_19] : memref<2000xf32, #tpu.memory_space<vmem>>[vector<16xi32>], vector<16xf32>,
    %add3A_20 = arith.constant 1 : i32
    %add3A_21 = vector.broadcast %add3A_20 : i32 to vector<16xi32>
    %add3A_22 = arith.addi %mul3A_19, %add3A_21 : vector<16xi32>
    %gather3A_23 = tpu.vector_load_idx %arg8[%add3A_22] : memref<2000xf32, #tpu.memory_space<vmem>>[vector<16xi32>], vector<16xf32>,
    %add3A_24 = arith.constant 2 : i32
    %add3A_25 = vector.broadcast %add3A_24 : i32 to vector<16xi32>
    %add3A_26 = arith.addi %mul3A_19, %add3A_25 : vector<16xi32>
    %gather3A_27 = tpu.vector_load_idx %arg8[%add3A_26] : memref<2000xf32, #tpu.memory_space<vmem>>[vector<16xi32>], vector<16xf32>,
    %add3A_28 = arith.constant 3 : i32
    %add3A_29 = vector.broadcast %add3A_28 : i32 to vector<16xi32>
    %add3A_30 = arith.addi %mul3A_19, %add3A_29 : vector<16xi32>
    %gather3A_31 = tpu.vector_load_idx %arg8[%add3A_30] : memref<2000xf32, #tpu.memory_space<vmem>>[vector<16xi32>], vector<16xf32>,
    %gather3A_32 = tpu.vector_load_idx %arg9[%min3A_16] : memref<500xi32, #tpu.memory_space<vmem>>[vector<16xi32>], vector<16xi32>,
    %add3A_33 = arith.constant 3 : i32
    %add3A_34 = vector.broadcast %add3A_33 : i32 to vector<16xi32>
    %add3A_35 = arith.addi %add3A_34, %shift_right_arithmetic3A_10 : vector<16xi32>
    %mul3A_36 = arith.constant 2 : i32
    %mul3A_37 = vector.broadcast %mul3A_36 : i32 to vector<16xi32>
    %mul3A_38 = arith.muli %add3A_35, %mul3A_37 : vector<16xi32>
    %gather3A_39 = tpu.vector_load_idx %arg10[%mul3A_38] : memref<18xf32, #tpu.memory_space<vmem>>[vector<16xi32>], vector<16xf32>,
    %add3A_40 = arith.constant 1 : i32
    %add3A_41 = vector.broadcast %add3A_40 : i32 to vector<16xi32>
    %add3A_42 = arith.addi %mul3A_38, %add3A_41 : vector<16xi32>
    %gather3A_43 = tpu.vector_load_idx %arg10[%add3A_42] : memref<18xf32, #tpu.memory_space<vmem>>[vector<16xi32>], vector<16xf32>,
    %mul3A_44 = arith.constant 6.400000e+02 : f32
    %mul3A_45 = vector.broadcast %mul3A_44 : f32 to vector<16xf32>
    %mul3A_46 = arith.mulf %gather3A_27, %mul3A_45 : vector<16xf32>
    %div3A = arith.divf %mul3A_46, %gather3A_39 : vector<16xf32>
    %mul3A_47 = arith.constant 6.400000e+02 : f32
    %mul3A_48 = vector.broadcast %mul3A_47 : f32 to vector<16xf32>
    %mul3A_49 = arith.mulf %gather3A_31, %mul3A_48 : vector<16xf32>
    %div3A_50 = arith.divf %mul3A_49, %gather3A_43 : vector<16xf32>
    %lt3A_51 = arith.constant 4.000000e+00 : f32
    %lt3A_52 = vector.broadcast %lt3A_51 : f32 to vector<16xf32>
    %lt3A_53 = arith.cmpf olt, %div3A, %lt3A_52 : vector<16xf32>
    %gt3A = arith.constant 2.500000e-01 : f32
    %gt3A_54 = vector.broadcast %gt3A : f32 to vector<16xf32>
    %gt3A_55 = arith.cmpf ogt, %div3A, %gt3A_54 : vector<16xf32>
    %and3A_56 = arith.andi %lt3A_53, %gt3A_55 : vector<16xi1>
    %lt3A_57 = arith.constant 4.000000e+00 : f32
    %lt3A_58 = vector.broadcast %lt3A_57 : f32 to vector<16xf32>
    %lt3A_59 = arith.cmpf olt, %div3A_50, %lt3A_58 : vector<16xf32>
    %and3A_60 = arith.andi %and3A_56, %lt3A_59 : vector<16xi1>
    %gt3A_61 = arith.constant 2.500000e-01 : f32
    %gt3A_62 = vector.broadcast %gt3A_61 : f32 to vector<16xf32>
    %gt3A_63 = arith.cmpf ogt, %div3A_50, %gt3A_62 : vector<16xf32>
    %and3A_64 = arith.andi %and3A_60, %gt3A_63 : vector<16xi1>
    %and3A_65 = arith.andi %and3A_64, %lt3A_14 : vector<16xi1>
    %mul3A_66 = arith.constant 4.000000e+01 : f32
    %mul3A_67 = vector.broadcast %mul3A_66 : f32 to vector<16xf32>
    %mul3A_68 = arith.mulf %gather3A, %mul3A_67 : vector<16xf32>
    %mul3A_69 = arith.constant 4.000000e+01 : f32
    %mul3A_70 = vector.broadcast %mul3A_69 : f32 to vector<16xf32>
    %mul3A_71 = arith.mulf %gather3A_23, %mul3A_70 : vector<16xf32>
    %convert_element_type3A_72 = arith.fptosi %mul3A_68 : vector<16xf32> to vector<16xi32>
    %jit3A = arith.constant 0 : i32
    %jit3A_73 = arith.constant 39 : i32
    %max3A = vector.broadcast %jit3A : i32 to vector<16xi32>
    %max3A_74 = arith.maxsi %max3A, %convert_element_type3A_72 : vector<16xi32>
    %min3A_75 = vector.broadcast %jit3A_73 : i32 to vector<16xi32>
    %min3A_76 = arith.minsi %min3A_75, %max3A_74 : vector<16xi32>
    %convert_element_type3A_77 = arith.fptosi %mul3A_71 : vector<16xf32> to vector<16xi32>
    %jit3A_78 = arith.constant 0 : i32
    %jit3A_79 = arith.constant 39 : i32
    %max3A_80 = vector.broadcast %jit3A_78 : i32 to vector<16xi32>
    %max3A_81 = arith.maxsi %max3A_80, %convert_element_type3A_77 : vector<16xi32>
    %min3A_82 = vector.broadcast %jit3A_79 : i32 to vector<16xi32>
    %min3A_83 = arith.minsi %min3A_82, %max3A_81 : vector<16xi32>
    %mul3A_84 = arith.constant 3 : i32
    %mul3A_85 = vector.broadcast %mul3A_84 : i32 to vector<16xi32>
    %mul3A_86 = arith.muli %gather3A_32, %mul3A_85 : vector<16xi32>
    %add3A_87 = arith.addi %mul3A_86, %shift_right_arithmetic3A_10 : vector<16xi32>
    %mul3A_88 = arith.constant 40 : i32
    %mul3A_89 = vector.broadcast %mul3A_88 : i32 to vector<16xi32>
    %mul3A_90 = arith.muli %add3A_87, %mul3A_89 : vector<16xi32>
    %add3A_91 = arith.addi %mul3A_90, %min3A_83 : vector<16xi32>
    %mul3A_92 = arith.constant 40 : i32
    %mul3A_93 = vector.broadcast %mul3A_92 : i32 to vector<16xi32>
    %mul3A_94 = arith.muli %add3A_91, %mul3A_93 : vector<16xi32>
    %add3A_95 = arith.addi %mul3A_94, %min3A_76 : vector<16xi32>
    %swap3A = arith.constant 0 : index
    %swap3A_96 = tpu.vector_load %arg11[%swap3A] {strides = array<i32>} : memref<48xi32, #tpu.memory_space<vmem>>, vector<16xi32>,
    tpu.vector_store %arg11[%swap3A], %add3A_95 {strides = array<i32>} : memref<48xi32, #tpu.memory_space<vmem>>, vector<16xi32>,
    %mul3A_97 = arith.constant 48 : i32
    %mul3A_98 = arith.muli %add3A, %mul3A_97 : i32
    %add3A_99 = arith.constant 16 : i32
    %add3A_100 = arith.addi %mul3A_98, %add3A_99 : i32
    %add3A_101 = vector.broadcast %add3A_100 : i32 to vector<16xi32>
    %add3A_102 = arith.addi %add3A_101, %iota3A : vector<16xi32>
    %shift_right_arithmetic3A_103 = arith.constant 9 : i32
    %shift_right_arithmetic3A_104 = vector.broadcast %shift_right_arithmetic3A_103 : i32 to vector<16xi32>
    %shift_right_arithmetic3A_105 = arith.shrsi %add3A_102, %shift_right_arithmetic3A_104 : vector<16xi32>
    %and3A_106 = arith.constant 511 : i32
    %and3A_107 = vector.broadcast %and3A_106 : i32 to vector<16xi32>
    %and3A_108 = arith.andi %add3A_102, %and3A_107 : vector<16xi32>
    %lt3A_109 = arith.constant 500 : i32
    %lt3A_110 = vector.broadcast %lt3A_109 : i32 to vector<16xi32>
    %lt3A_111 = arith.cmpi slt, %and3A_108, %lt3A_110 : vector<16xi32>
    %min3A_112 = arith.constant 499 : i32
    %min3A_113 = vector.broadcast %min3A_112 : i32 to vector<16xi32>
    %min3A_114 = arith.minsi %and3A_108, %min3A_113 : vector<16xi32>
    %mul3A_115 = arith.constant 4 : i32
    %mul3A_116 = vector.broadcast %mul3A_115 : i32 to vector<16xi32>
    %mul3A_117 = arith.muli %min3A_114, %mul3A_116 : vector<16xi32>
    %gather3A_118 = tpu.vector_load_idx %arg8[%mul3A_117] : memref<2000xf32, #tpu.memory_space<vmem>>[vector<16xi32>], vector<16xf32>,
    %add3A_119 = arith.constant 1 : i32
    %add3A_120 = vector.broadcast %add3A_119 : i32 to vector<16xi32>
    %add3A_121 = arith.addi %mul3A_117, %add3A_120 : vector<16xi32>
    %gather3A_122 = tpu.vector_load_idx %arg8[%add3A_121] : memref<2000xf32, #tpu.memory_space<vmem>>[vector<16xi32>], vector<16xf32>,
    %add3A_123 = arith.constant 2 : i32
    %add3A_124 = vector.broadcast %add3A_123 : i32 to vector<16xi32>
    %add3A_125 = arith.addi %mul3A_117, %add3A_124 : vector<16xi32>
    %gather3A_126 = tpu.vector_load_idx %arg8[%add3A_125] : memref<2000xf32, #tpu.memory_space<vmem>>[vector<16xi32>], vector<16xf32>,
    %add3A_127 = arith.constant 3 : i32
    %add3A_128 = vector.broadcast %add3A_127 : i32 to vector<16xi32>
    %add3A_129 = arith.addi %mul3A_117, %add3A_128 : vector<16xi32>
    %gather3A_130 = tpu.vector_load_idx %arg8[%add3A_129] : memref<2000xf32, #tpu.memory_space<vmem>>[vector<16xi32>], vector<16xf32>,
    %gather3A_131 = tpu.vector_load_idx %arg9[%min3A_114] : memref<500xi32, #tpu.memory_space<vmem>>[vector<16xi32>], vector<16xi32>,
    %add3A_132 = arith.constant 3 : i32
    %add3A_133 = vector.broadcast %add3A_132 : i32 to vector<16xi32>
    %add3A_134 = arith.addi %add3A_133, %shift_right_arithmetic3A_105 : vector<16xi32>
    %mul3A_135 = arith.constant 2 : i32
    %mul3A_136 = vector.broadcast %mul3A_135 : i32 to vector<16xi32>
    %mul3A_137 = arith.muli %add3A_134, %mul3A_136 : vector<16xi32>
    %gather3A_138 = tpu.vector_load_idx %arg10[%mul3A_137] : memref<18xf32, #tpu.memory_space<vmem>>[vector<16xi32>], vector<16xf32>,
    %add3A_139 = arith.constant 1 : i32
    %add3A_140 = vector.broadcast %add3A_139 : i32 to vector<16xi32>
    %add3A_141 = arith.addi %mul3A_137, %add3A_140 : vector<16xi32>
    %gather3A_142 = tpu.vector_load_idx %arg10[%add3A_141] : memref<18xf32, #tpu.memory_space<vmem>>[vector<16xi32>], vector<16xf32>,
    %mul3A_143 = arith.constant 6.400000e+02 : f32
    %mul3A_144 = vector.broadcast %mul3A_143 : f32 to vector<16xf32>
    %mul3A_145 = arith.mulf %gather3A_126, %mul3A_144 : vector<16xf32>
    %div3A_146 = arith.divf %mul3A_145, %gather3A_138 : vector<16xf32>
    %mul3A_147 = arith.constant 6.400000e+02 : f32
    %mul3A_148 = vector.broadcast %mul3A_147 : f32 to vector<16xf32>
    %mul3A_149 = arith.mulf %gather3A_130, %mul3A_148 : vector<16xf32>
    %div3A_150 = arith.divf %mul3A_149, %gather3A_142 : vector<16xf32>
    %lt3A_151 = arith.constant 4.000000e+00 : f32
    %lt3A_152 = vector.broadcast %lt3A_151 : f32 to vector<16xf32>
    %lt3A_153 = arith.cmpf olt, %div3A_146, %lt3A_152 : vector<16xf32>
    %gt3A_154 = arith.constant 2.500000e-01 : f32
    %gt3A_155 = vector.broadcast %gt3A_154 : f32 to vector<16xf32>
    %gt3A_156 = arith.cmpf ogt, %div3A_146, %gt3A_155 : vector<16xf32>
    %and3A_157 = arith.andi %lt3A_153, %gt3A_156 : vector<16xi1>
    %lt3A_158 = arith.constant 4.000000e+00 : f32
    %lt3A_159 = vector.broadcast %lt3A_158 : f32 to vector<16xf32>
    %lt3A_160 = arith.cmpf olt, %div3A_150, %lt3A_159 : vector<16xf32>
    %and3A_161 = arith.andi %and3A_157, %lt3A_160 : vector<16xi1>
    %gt3A_162 = arith.constant 2.500000e-01 : f32
    %gt3A_163 = vector.broadcast %gt3A_162 : f32 to vector<16xf32>
    %gt3A_164 = arith.cmpf ogt, %div3A_150, %gt3A_163 : vector<16xf32>
    %and3A_165 = arith.andi %and3A_161, %gt3A_164 : vector<16xi1>
    %and3A_166 = arith.andi %and3A_165, %lt3A_111 : vector<16xi1>
    %mul3A_167 = arith.constant 4.000000e+01 : f32
    %mul3A_168 = vector.broadcast %mul3A_167 : f32 to vector<16xf32>
    %mul3A_169 = arith.mulf %gather3A_118, %mul3A_168 : vector<16xf32>
    %mul3A_170 = arith.constant 4.000000e+01 : f32
    %mul3A_171 = vector.broadcast %mul3A_170 : f32 to vector<16xf32>
    %mul3A_172 = arith.mulf %gather3A_122, %mul3A_171 : vector<16xf32>
    %convert_element_type3A_173 = arith.fptosi %mul3A_169 : vector<16xf32> to vector<16xi32>
    %jit3A_174 = arith.constant 0 : i32
    %jit3A_175 = arith.constant 39 : i32
    %max3A_176 = vector.broadcast %jit3A_174 : i32 to vector<16xi32>
    %max3A_177 = arith.maxsi %max3A_176, %convert_element_type3A_173 : vector<16xi32>
    %min3A_178 = vector.broadcast %jit3A_175 : i32 to vector<16xi32>
    %min3A_179 = arith.minsi %min3A_178, %max3A_177 : vector<16xi32>
    %convert_element_type3A_180 = arith.fptosi %mul3A_172 : vector<16xf32> to vector<16xi32>
    %jit3A_181 = arith.constant 0 : i32
    %jit3A_182 = arith.constant 39 : i32
    %max3A_183 = vector.broadcast %jit3A_181 : i32 to vector<16xi32>
    %max3A_184 = arith.maxsi %max3A_183, %convert_element_type3A_180 : vector<16xi32>
    %min3A_185 = vector.broadcast %jit3A_182 : i32 to vector<16xi32>
    %min3A_186 = arith.minsi %min3A_185, %max3A_184 : vector<16xi32>
    %mul3A_187 = arith.constant 3 : i32
    %mul3A_188 = vector.broadcast %mul3A_187 : i32 to vector<16xi32>
    %mul3A_189 = arith.muli %gather3A_131, %mul3A_188 : vector<16xi32>
    %add3A_190 = arith.addi %mul3A_189, %shift_right_arithmetic3A_105 : vector<16xi32>
    %mul3A_191 = arith.constant 40 : i32
    %mul3A_192 = vector.broadcast %mul3A_191 : i32 to vector<16xi32>
    %mul3A_193 = arith.muli %add3A_190, %mul3A_192 : vector<16xi32>
    %add3A_194 = arith.addi %mul3A_193, %min3A_186 : vector<16xi32>
    %mul3A_195 = arith.constant 40 : i32
    %mul3A_196 = vector.broadcast %mul3A_195 : i32 to vector<16xi32>
    %mul3A_197 = arith.muli %add3A_194, %mul3A_196 : vector<16xi32>
    %add3A_198 = arith.addi %mul3A_197, %min3A_179 : vector<16xi32>
    %swap3A_199 = arith.constant 16 : index
    %swap3A_200 = tpu.vector_load %arg11[%swap3A_199] {strides = array<i32>} : memref<48xi32, #tpu.memory_space<vmem>>, vector<16xi32>,
    tpu.vector_store %arg11[%swap3A_199], %add3A_198 {strides = array<i32>} : memref<48xi32, #tpu.memory_space<vmem>>, vector<16xi32>,
    %mul3A_201 = arith.constant 48 : i32
    %mul3A_202 = arith.muli %add3A, %mul3A_201 : i32
    %add3A_203 = arith.constant 32 : i32
    %add3A_204 = arith.addi %mul3A_202, %add3A_203 : i32
    %add3A_205 = vector.broadcast %add3A_204 : i32 to vector<16xi32>
    %add3A_206 = arith.addi %add3A_205, %iota3A : vector<16xi32>
    %shift_right_arithmetic3A_207 = arith.constant 9 : i32
    %shift_right_arithmetic3A_208 = vector.broadcast %shift_right_arithmetic3A_207 : i32 to vector<16xi32>
    %shift_right_arithmetic3A_209 = arith.shrsi %add3A_206, %shift_right_arithmetic3A_208 : vector<16xi32>
    %and3A_210 = arith.constant 511 : i32
    %and3A_211 = vector.broadcast %and3A_210 : i32 to vector<16xi32>
    %and3A_212 = arith.andi %add3A_206, %and3A_211 : vector<16xi32>
    %lt3A_213 = arith.constant 500 : i32
    %lt3A_214 = vector.broadcast %lt3A_213 : i32 to vector<16xi32>
    %lt3A_215 = arith.cmpi slt, %and3A_212, %lt3A_214 : vector<16xi32>
    %min3A_216 = arith.constant 499 : i32
    %min3A_217 = vector.broadcast %min3A_216 : i32 to vector<16xi32>
    %min3A_218 = arith.minsi %and3A_212, %min3A_217 : vector<16xi32>
    %mul3A_219 = arith.constant 4 : i32
    %mul3A_220 = vector.broadcast %mul3A_219 : i32 to vector<16xi32>
    %mul3A_221 = arith.muli %min3A_218, %mul3A_220 : vector<16xi32>
    %gather3A_222 = tpu.vector_load_idx %arg8[%mul3A_221] : memref<2000xf32, #tpu.memory_space<vmem>>[vector<16xi32>], vector<16xf32>,
    %add3A_223 = arith.constant 1 : i32
    %add3A_224 = vector.broadcast %add3A_223 : i32 to vector<16xi32>
    %add3A_225 = arith.addi %mul3A_221, %add3A_224 : vector<16xi32>
    %gather3A_226 = tpu.vector_load_idx %arg8[%add3A_225] : memref<2000xf32, #tpu.memory_space<vmem>>[vector<16xi32>], vector<16xf32>,
    %add3A_227 = arith.constant 2 : i32
    %add3A_228 = vector.broadcast %add3A_227 : i32 to vector<16xi32>
    %add3A_229 = arith.addi %mul3A_221, %add3A_228 : vector<16xi32>
    %gather3A_230 = tpu.vector_load_idx %arg8[%add3A_229] : memref<2000xf32, #tpu.memory_space<vmem>>[vector<16xi32>], vector<16xf32>,
    %add3A_231 = arith.constant 3 : i32
    %add3A_232 = vector.broadcast %add3A_231 : i32 to vector<16xi32>
    %add3A_233 = arith.addi %mul3A_221, %add3A_232 : vector<16xi32>
    %gather3A_234 = tpu.vector_load_idx %arg8[%add3A_233] : memref<2000xf32, #tpu.memory_space<vmem>>[vector<16xi32>], vector<16xf32>,
    %gather3A_235 = tpu.vector_load_idx %arg9[%min3A_218] : memref<500xi32, #tpu.memory_space<vmem>>[vector<16xi32>], vector<16xi32>,
    %add3A_236 = arith.constant 3 : i32
    %add3A_237 = vector.broadcast %add3A_236 : i32 to vector<16xi32>
    %add3A_238 = arith.addi %add3A_237, %shift_right_arithmetic3A_209 : vector<16xi32>
    %mul3A_239 = arith.constant 2 : i32
    %mul3A_240 = vector.broadcast %mul3A_239 : i32 to vector<16xi32>
    %mul3A_241 = arith.muli %add3A_238, %mul3A_240 : vector<16xi32>
    %gather3A_242 = tpu.vector_load_idx %arg10[%mul3A_241] : memref<18xf32, #tpu.memory_space<vmem>>[vector<16xi32>], vector<16xf32>,
    %add3A_243 = arith.constant 1 : i32
    %add3A_244 = vector.broadcast %add3A_243 : i32 to vector<16xi32>
    %add3A_245 = arith.addi %mul3A_241, %add3A_244 : vector<16xi32>
    %gather3A_246 = tpu.vector_load_idx %arg10[%add3A_245] : memref<18xf32, #tpu.memory_space<vmem>>[vector<16xi32>], vector<16xf32>,
    %mul3A_247 = arith.constant 6.400000e+02 : f32
    %mul3A_248 = vector.broadcast %mul3A_247 : f32 to vector<16xf32>
    %mul3A_249 = arith.mulf %gather3A_230, %mul3A_248 : vector<16xf32>
    %div3A_250 = arith.divf %mul3A_249, %gather3A_242 : vector<16xf32>
    %mul3A_251 = arith.constant 6.400000e+02 : f32
    %mul3A_252 = vector.broadcast %mul3A_251 : f32 to vector<16xf32>
    %mul3A_253 = arith.mulf %gather3A_234, %mul3A_252 : vector<16xf32>
    %div3A_254 = arith.divf %mul3A_253, %gather3A_246 : vector<16xf32>
    %lt3A_255 = arith.constant 4.000000e+00 : f32
    %lt3A_256 = vector.broadcast %lt3A_255 : f32 to vector<16xf32>
    %lt3A_257 = arith.cmpf olt, %div3A_250, %lt3A_256 : vector<16xf32>
    %gt3A_258 = arith.constant 2.500000e-01 : f32
    %gt3A_259 = vector.broadcast %gt3A_258 : f32 to vector<16xf32>
    %gt3A_260 = arith.cmpf ogt, %div3A_250, %gt3A_259 : vector<16xf32>
    %and3A_261 = arith.andi %lt3A_257, %gt3A_260 : vector<16xi1>
    %lt3A_262 = arith.constant 4.000000e+00 : f32
    %lt3A_263 = vector.broadcast %lt3A_262 : f32 to vector<16xf32>
    %lt3A_264 = arith.cmpf olt, %div3A_254, %lt3A_263 : vector<16xf32>
    %and3A_265 = arith.andi %and3A_261, %lt3A_264 : vector<16xi1>
    %gt3A_266 = arith.constant 2.500000e-01 : f32
    %gt3A_267 = vector.broadcast %gt3A_266 : f32 to vector<16xf32>
    %gt3A_268 = arith.cmpf ogt, %div3A_254, %gt3A_267 : vector<16xf32>
    %and3A_269 = arith.andi %and3A_265, %gt3A_268 : vector<16xi1>
    %and3A_270 = arith.andi %and3A_269, %lt3A_215 : vector<16xi1>
    %mul3A_271 = arith.constant 4.000000e+01 : f32
    %mul3A_272 = vector.broadcast %mul3A_271 : f32 to vector<16xf32>
    %mul3A_273 = arith.mulf %gather3A_222, %mul3A_272 : vector<16xf32>
    %mul3A_274 = arith.constant 4.000000e+01 : f32
    %mul3A_275 = vector.broadcast %mul3A_274 : f32 to vector<16xf32>
    %mul3A_276 = arith.mulf %gather3A_226, %mul3A_275 : vector<16xf32>
    %convert_element_type3A_277 = arith.fptosi %mul3A_273 : vector<16xf32> to vector<16xi32>
    %jit3A_278 = arith.constant 0 : i32
    %jit3A_279 = arith.constant 39 : i32
    %max3A_280 = vector.broadcast %jit3A_278 : i32 to vector<16xi32>
    %max3A_281 = arith.maxsi %max3A_280, %convert_element_type3A_277 : vector<16xi32>
    %min3A_282 = vector.broadcast %jit3A_279 : i32 to vector<16xi32>
    %min3A_283 = arith.minsi %min3A_282, %max3A_281 : vector<16xi32>
    %convert_element_type3A_284 = arith.fptosi %mul3A_276 : vector<16xf32> to vector<16xi32>
    %jit3A_285 = arith.constant 0 : i32
    %jit3A_286 = arith.constant 39 : i32
    %max3A_287 = vector.broadcast %jit3A_285 : i32 to vector<16xi32>
    %max3A_288 = arith.maxsi %max3A_287, %convert_element_type3A_284 : vector<16xi32>
    %min3A_289 = vector.broadcast %jit3A_286 : i32 to vector<16xi32>
    %min3A_290 = arith.minsi %min3A_289, %max3A_288 : vector<16xi32>
    %mul3A_291 = arith.constant 3 : i32
    %mul3A_292 = vector.broadcast %mul3A_291 : i32 to vector<16xi32>
    %mul3A_293 = arith.muli %gather3A_235, %mul3A_292 : vector<16xi32>
    %add3A_294 = arith.addi %mul3A_293, %shift_right_arithmetic3A_209 : vector<16xi32>
    %mul3A_295 = arith.constant 40 : i32
    %mul3A_296 = vector.broadcast %mul3A_295 : i32 to vector<16xi32>
    %mul3A_297 = arith.muli %add3A_294, %mul3A_296 : vector<16xi32>
    %add3A_298 = arith.addi %mul3A_297, %min3A_290 : vector<16xi32>
    %mul3A_299 = arith.constant 40 : i32
    %mul3A_300 = vector.broadcast %mul3A_299 : i32 to vector<16xi32>
    %mul3A_301 = arith.muli %add3A_298, %mul3A_300 : vector<16xi32>
    %add3A_302 = arith.addi %mul3A_301, %min3A_283 : vector<16xi32>
    %swap3A_303 = arith.constant 32 : index
    %swap3A_304 = tpu.vector_load %arg11[%swap3A_303] {strides = array<i32>} : memref<48xi32, #tpu.memory_space<vmem>>, vector<16xi32>,
    tpu.vector_store %arg11[%swap3A_303], %add3A_302 {strides = array<i32>} : memref<48xi32, #tpu.memory_space<vmem>>, vector<16xi32>,
    %scan3A = arith.constant 0 : i32
    %scan3A_305 = arith.constant 0 : i32
    %scan3A_306 = arith.constant 48 : i32
    %scan3A_307 = arith.addi %scan3A_305, %scan3A_306 : i32
    %scan3A_308 = arith.constant 1 : i32
    %scan3A_309 = scf.for %scan3A_320 = %scan3A_305 to %scan3A_307 step %scan3A_308 iter_args(%scan3A_321 = %scan3A) -> (i32)  : i32 {
      %broadcast_in_dim3A = vector.broadcast %scan3A_320 : i32 to vector<16xi32>
      %gather3A_322 = tpu.vector_load_idx %arg11[%broadcast_in_dim3A] : memref<48xi32, #tpu.memory_space<vmem>>[vector<16xi32>], vector<16xi32>,
      %add3A_323 = arith.constant 0 : i32
      %add3A_324 = vector.broadcast %add3A_323 : i32 to vector<16xi32>
      %add3A_325 = arith.addi %add3A_324, %iota3A : vector<16xi32>
      %min3A_326 = arith.constant 84 : i32
      %min3A_327 = vector.broadcast %min3A_326 : i32 to vector<16xi32>
      %min3A_328 = arith.minsi %add3A_325, %min3A_327 : vector<16xi32>
      %mul3A_329 = arith.constant 77824 : i32
      %mul3A_330 = vector.broadcast %mul3A_329 : i32 to vector<16xi32>
      %mul3A_331 = arith.muli %min3A_328, %mul3A_330 : vector<16xi32>
      %add3A_332 = arith.addi %gather3A_322, %mul3A_331 : vector<16xi32>
      %mul3A_333 = arith.constant 96 : i32
      %mul3A_334 = arith.muli %scan3A_320, %mul3A_333 : i32
      %add3A_335 = arith.constant 0 : i32
      %add3A_336 = arith.addi %mul3A_334, %add3A_335 : i32
      %swap3A_337 = arith.index_cast %add3A_336 : i32 to index
      %swap3A_338 = tpu.vector_load %arg15[%swap3A_337] {strides = array<i32>} : memref<4608xi32, #tpu.memory_space<vmem>>, vector<16xi32>,
      tpu.vector_store %arg15[%swap3A_337], %add3A_332 {strides = array<i32>} : memref<4608xi32, #tpu.memory_space<vmem>>, vector<16xi32>,
      %add3A_339 = arith.constant 16 : i32
      %add3A_340 = vector.broadcast %add3A_339 : i32 to vector<16xi32>
      %add3A_341 = arith.addi %add3A_340, %iota3A : vector<16xi32>
      %min3A_342 = arith.constant 84 : i32
      %min3A_343 = vector.broadcast %min3A_342 : i32 to vector<16xi32>
      %min3A_344 = arith.minsi %add3A_341, %min3A_343 : vector<16xi32>
      %mul3A_345 = arith.constant 77824 : i32
      %mul3A_346 = vector.broadcast %mul3A_345 : i32 to vector<16xi32>
      %mul3A_347 = arith.muli %min3A_344, %mul3A_346 : vector<16xi32>
      %add3A_348 = arith.addi %gather3A_322, %mul3A_347 : vector<16xi32>
      %mul3A_349 = arith.constant 96 : i32
      %mul3A_350 = arith.muli %scan3A_320, %mul3A_349 : i32
      %add3A_351 = arith.constant 16 : i32
      %add3A_352 = arith.addi %mul3A_350, %add3A_351 : i32
      %swap3A_353 = arith.index_cast %add3A_352 : i32 to index
      %swap3A_354 = tpu.vector_load %arg15[%swap3A_353] {strides = array<i32>} : memref<4608xi32, #tpu.memory_space<vmem>>, vector<16xi32>,
      tpu.vector_store %arg15[%swap3A_353], %add3A_348 {strides = array<i32>} : memref<4608xi32, #tpu.memory_space<vmem>>, vector<16xi32>,
      %add3A_355 = arith.constant 32 : i32
      %add3A_356 = vector.broadcast %add3A_355 : i32 to vector<16xi32>
      %add3A_357 = arith.addi %add3A_356, %iota3A : vector<16xi32>
      %min3A_358 = arith.constant 84 : i32
      %min3A_359 = vector.broadcast %min3A_358 : i32 to vector<16xi32>
      %min3A_360 = arith.minsi %add3A_357, %min3A_359 : vector<16xi32>
      %mul3A_361 = arith.constant 77824 : i32
      %mul3A_362 = vector.broadcast %mul3A_361 : i32 to vector<16xi32>
      %mul3A_363 = arith.muli %min3A_360, %mul3A_362 : vector<16xi32>
      %add3A_364 = arith.addi %gather3A_322, %mul3A_363 : vector<16xi32>
      %mul3A_365 = arith.constant 96 : i32
      %mul3A_366 = arith.muli %scan3A_320, %mul3A_365 : i32
      %add3A_367 = arith.constant 32 : i32
      %add3A_368 = arith.addi %mul3A_366, %add3A_367 : i32
      %swap3A_369 = arith.index_cast %add3A_368 : i32 to index
      %swap3A_370 = tpu.vector_load %arg15[%swap3A_369] {strides = array<i32>} : memref<4608xi32, #tpu.memory_space<vmem>>, vector<16xi32>,
      tpu.vector_store %arg15[%swap3A_369], %add3A_364 {strides = array<i32>} : memref<4608xi32, #tpu.memory_space<vmem>>, vector<16xi32>,
      %add3A_371 = arith.constant 48 : i32
      %add3A_372 = vector.broadcast %add3A_371 : i32 to vector<16xi32>
      %add3A_373 = arith.addi %add3A_372, %iota3A : vector<16xi32>
      %min3A_374 = arith.constant 84 : i32
      %min3A_375 = vector.broadcast %min3A_374 : i32 to vector<16xi32>
      %min3A_376 = arith.minsi %add3A_373, %min3A_375 : vector<16xi32>
      %mul3A_377 = arith.constant 77824 : i32
      %mul3A_378 = vector.broadcast %mul3A_377 : i32 to vector<16xi32>
      %mul3A_379 = arith.muli %min3A_376, %mul3A_378 : vector<16xi32>
      %add3A_380 = arith.addi %gather3A_322, %mul3A_379 : vector<16xi32>
      %mul3A_381 = arith.constant 96 : i32
      %mul3A_382 = arith.muli %scan3A_320, %mul3A_381 : i32
      %add3A_383 = arith.constant 48 : i32
      %add3A_384 = arith.addi %mul3A_382, %add3A_383 : i32
      %swap3A_385 = arith.index_cast %add3A_384 : i32 to index
      %swap3A_386 = tpu.vector_load %arg15[%swap3A_385] {strides = array<i32>} : memref<4608xi32, #tpu.memory_space<vmem>>, vector<16xi32>,
      tpu.vector_store %arg15[%swap3A_385], %add3A_380 {strides = array<i32>} : memref<4608xi32, #tpu.memory_space<vmem>>, vector<16xi32>,
      %add3A_387 = arith.constant 64 : i32
      %add3A_388 = vector.broadcast %add3A_387 : i32 to vector<16xi32>
      %add3A_389 = arith.addi %add3A_388, %iota3A : vector<16xi32>
      %min3A_390 = arith.constant 84 : i32
      %min3A_391 = vector.broadcast %min3A_390 : i32 to vector<16xi32>
      %min3A_392 = arith.minsi %add3A_389, %min3A_391 : vector<16xi32>
      %mul3A_393 = arith.constant 77824 : i32
      %mul3A_394 = vector.broadcast %mul3A_393 : i32 to vector<16xi32>
      %mul3A_395 = arith.muli %min3A_392, %mul3A_394 : vector<16xi32>
      %add3A_396 = arith.addi %gather3A_322, %mul3A_395 : vector<16xi32>
      %mul3A_397 = arith.constant 96 : i32
      %mul3A_398 = arith.muli %scan3A_320, %mul3A_397 : i32
      %add3A_399 = arith.constant 64 : i32
      %add3A_400 = arith.addi %mul3A_398, %add3A_399 : i32
      %swap3A_401 = arith.index_cast %add3A_400 : i32 to index
      %swap3A_402 = tpu.vector_load %arg15[%swap3A_401] {strides = array<i32>} : memref<4608xi32, #tpu.memory_space<vmem>>, vector<16xi32>,
      tpu.vector_store %arg15[%swap3A_401], %add3A_396 {strides = array<i32>} : memref<4608xi32, #tpu.memory_space<vmem>>, vector<16xi32>,
      %add3A_403 = arith.constant 80 : i32
      %add3A_404 = vector.broadcast %add3A_403 : i32 to vector<16xi32>
      %add3A_405 = arith.addi %add3A_404, %iota3A : vector<16xi32>
      %min3A_406 = arith.constant 84 : i32
      %min3A_407 = vector.broadcast %min3A_406 : i32 to vector<16xi32>
      %min3A_408 = arith.minsi %add3A_405, %min3A_407 : vector<16xi32>
      %mul3A_409 = arith.constant 77824 : i32
      %mul3A_410 = vector.broadcast %mul3A_409 : i32 to vector<16xi32>
      %mul3A_411 = arith.muli %min3A_408, %mul3A_410 : vector<16xi32>
      %add3A_412 = arith.addi %gather3A_322, %mul3A_411 : vector<16xi32>
      %mul3A_413 = arith.constant 96 : i32
      %mul3A_414 = arith.muli %scan3A_320, %mul3A_413 : i32
      %add3A_415 = arith.constant 80 : i32
      %add3A_416 = arith.addi %mul3A_414, %add3A_415 : i32
      %swap3A_417 = arith.index_cast %add3A_416 : i32 to index
      %swap3A_418 = tpu.vector_load %arg15[%swap3A_417] {strides = array<i32>} : memref<4608xi32, #tpu.memory_space<vmem>>, vector<16xi32>,
      tpu.vector_store %arg15[%swap3A_417], %add3A_412 {strides = array<i32>} : memref<4608xi32, #tpu.memory_space<vmem>>, vector<16xi32>,
      %scan3A_419 = arith.constant 0 : i32
      scf.yield %scan3A_419 : i32
    }
    %scan3A_310 = arith.constant 48 : i32
    "tpu.region"() ({
      %run_scoped3A = tpu.sem_alloc : memref<!tpu.dma_semaphore, #tpu.memory_space<semaphore_mem>>
      %dma_start3A = arith.constant 0 : i32
      %dma_start3A_320 = tpu.memref_slice %arg2[%dma_start3A] : memref<6615040xf32, #tpu.memory_space<hbm>> -> memref<6615040xf32, #tpu.memory_space<hbm>>
      tpu.enqueue_indirect_dma source(%dma_start3A_320 : memref<6615040xf32, #tpu.memory_space<hbm>>) target(%arg16 : memref<4608xf32, #tpu.memory_space<vmem>>) offsets(%arg15 : memref<4608xi32, #tpu.memory_space<vmem>>) semaphore(%run_scoped3A : memref<!tpu.dma_semaphore, #tpu.memory_space<semaphore_mem>>)
      %dma_wait3A = arith.constant 0 : i32
      %dma_wait3A_321 = tpu.memref_slice %arg2[%dma_wait3A] : memref<6615040xf32, #tpu.memory_space<hbm>> -> memref<6615040xf32, #tpu.memory_space<hbm>>
      tpu.wait_indirect_dma semaphore(%run_scoped3A : memref<!tpu.dma_semaphore, #tpu.memory_space<semaphore_mem>>) src(%dma_wait3A_321 : memref<6615040xf32, #tpu.memory_space<hbm>>) dst(%arg16 : memref<4608xf32, #tpu.memory_space<vmem>>)
      tpu.yield
    }) : () -> ()
    %mul3A_311 = arith.constant 48 : i32
    %mul3A_312 = arith.muli %add3A, %mul3A_311 : i32
    %mul3A_313 = arith.constant 96 : i32
    %mul3A_314 = arith.muli %mul3A_312, %mul3A_313 : i32
    "tpu.region"() ({
      %run_scoped3A = tpu.sem_alloc : memref<!tpu.dma_semaphore, #tpu.memory_space<semaphore_mem>>
      %dma_start3A = tpu.memref_slice %arg6[%mul3A_314] : memref<147456xf32, #tpu.memory_space<hbm>> -> memref<4608xf32, #tpu.memory_space<hbm>>
      %dma_start3A_320 = tpu.memref_slice %arg6[%mul3A_314] : memref<147456xf32, #tpu.memory_space<hbm>> -> memref<4608xf32, #tpu.memory_space<hbm>>
      tpu.enqueue_dma source(%arg16 : memref<4608xf32, #tpu.memory_space<vmem>>) target(%dma_start3A_320 : memref<4608xf32, #tpu.memory_space<hbm>>) target_semaphore(%run_scoped3A : memref<!tpu.dma_semaphore, #tpu.memory_space<semaphore_mem>>)
      %dma_wait3A = tpu.memref_slice %arg6[%mul3A_314] : memref<147456xf32, #tpu.memory_space<hbm>> -> memref<4608xf32, #tpu.memory_space<hbm>>
      %dma_wait3A_321 = tpu.memref_slice %arg6[%mul3A_314] : memref<147456xf32, #tpu.memory_space<hbm>> -> memref<4608xf32, #tpu.memory_space<hbm>>
      tpu.wait_dma2 semaphore(%run_scoped3A : memref<!tpu.dma_semaphore, #tpu.memory_space<semaphore_mem>>) src(%arg16 : memref<4608xf32, #tpu.memory_space<vmem>>) dst(%dma_wait3A_321 : memref<4608xf32, #tpu.memory_space<hbm>>)
      tpu.yield
    }) : () -> ()
    %barrier3A = arith.constant 0 : index
    tpu.barrier barrier_id(%barrier3A)
    %eq3A_315 = arith.constant 0 : i32
    %eq3A_316 = arith.cmpi eq, %arg0, %eq3A_315 : i32
    %convert_element_type3A_317 = arith.extui %eq3A_316 : i1 to i32
    %cond3A_318 = arith.constant 0 : i32
    %cond3A_319 = arith.cmpi ne, %convert_element_type3A_317, %cond3A_318 : i32
    scf.if %cond3A_319 {
      "tpu.region"() ({
        %run_scoped3A = tpu.sem_alloc : memref<!tpu.dma_semaphore, #tpu.memory_space<semaphore_mem>>
        %dma_start3A = arith.constant 0 : i32
        %dma_start3A_322 = tpu.memref_slice %arg17[%dma_start3A] : memref<76816xi32, #tpu.memory_space<vmem_shared>> -> memref<76816xi32, #tpu.memory_space<vmem_shared>>
        tpu.enqueue_indirect_dma source(%dma_start3A_322 : memref<76816xi32, #tpu.memory_space<vmem_shared>>) target(%arg14 : memref<96xi32, #tpu.memory_space<vmem>>) offsets(%arg12 : memref<96xi32, #tpu.memory_space<vmem>>) semaphore(%run_scoped3A : memref<!tpu.dma_semaphore, #tpu.memory_space<semaphore_mem>>)
        %dma_wait3A = arith.constant 0 : i32
        %dma_wait3A_323 = tpu.memref_slice %arg17[%dma_wait3A] : memref<76816xi32, #tpu.memory_space<vmem_shared>> -> memref<76816xi32, #tpu.memory_space<vmem_shared>>
        tpu.wait_indirect_dma semaphore(%run_scoped3A : memref<!tpu.dma_semaphore, #tpu.memory_space<semaphore_mem>>) src(%dma_wait3A_323 : memref<76816xi32, #tpu.memory_space<vmem_shared>>) dst(%arg14 : memref<96xi32, #tpu.memory_space<vmem>>)
        tpu.yield
      }) : () -> ()
      %mul3A_320 = arith.constant 96 : i32
      %mul3A_321 = arith.muli %arg1, %mul3A_320 : i32
      "tpu.region"() ({
        %run_scoped3A = tpu.sem_alloc : memref<!tpu.dma_semaphore, #tpu.memory_space<semaphore_mem>>
        %dma_start3A = tpu.memref_slice %arg7[%mul3A_321] : memref<1536xi32, #tpu.memory_space<hbm>> -> memref<96xi32, #tpu.memory_space<hbm>>
        %dma_start3A_322 = tpu.memref_slice %arg7[%mul3A_321] : memref<1536xi32, #tpu.memory_space<hbm>> -> memref<96xi32, #tpu.memory_space<hbm>>
        tpu.enqueue_dma source(%arg14 : memref<96xi32, #tpu.memory_space<vmem>>) target(%dma_start3A_322 : memref<96xi32, #tpu.memory_space<hbm>>) target_semaphore(%run_scoped3A : memref<!tpu.dma_semaphore, #tpu.memory_space<semaphore_mem>>)
        %dma_wait3A = tpu.memref_slice %arg7[%mul3A_321] : memref<1536xi32, #tpu.memory_space<hbm>> -> memref<96xi32, #tpu.memory_space<hbm>>
        %dma_wait3A_323 = tpu.memref_slice %arg7[%mul3A_321] : memref<1536xi32, #tpu.memory_space<hbm>> -> memref<96xi32, #tpu.memory_space<hbm>>
        tpu.wait_dma2 semaphore(%run_scoped3A : memref<!tpu.dma_semaphore, #tpu.memory_space<semaphore_mem>>) src(%arg14 : memref<96xi32, #tpu.memory_space<vmem>>) dst(%dma_wait3A_323 : memref<96xi32, #tpu.memory_space<hbm>>)
        tpu.yield
      }) : () -> ()
    } else {
    }
    return
  }
}

module attributes {stable_mosaic.version = 14 : i64} {
  func.func @body(%arg0: memref<16x3x20x20x85xf32, #tpu.memory_space<vmem>>, %arg1: memref<85x160x128xf32, #tpu.memory_space<vmem>>) attributes {dimension_semantics = [], scalar_prefetch = 0 : i64, scratch_operands = 0 : i64, tpu.core_type = #tpu.core_type<tc>} {
    %get3A = arith.constant 0 : index
    %get3A_0 = arith.constant 0 : index
    %get3A_1 = arith.constant 0 : index
    %get3A_2 = arith.constant 0 : index
    %get3A_3 = arith.constant 0 : index
    %get3A_4 = vector.load %arg0[%get3A, %get3A_0, %get3A_1, %get3A_2, %get3A_3] : memref<16x3x20x20x85xf32, #tpu.memory_space<vmem>>, vector<16x3x20x20x85xf32>
    %reshape3A = vector.shape_cast %get3A_4 : vector<16x3x20x20x85xf32> to vector<19200x85xf32>
    %transpose3A = tpu.transpose %reshape3A, [1, 0] : vector<19200x85xf32> -> vector<85x19200xf32>
    %jit3A = arith.constant 0 : i32
    %convert_element_type3A = arith.sitofp %jit3A : i32 to f32
    %pad3A = vector.broadcast %convert_element_type3A : f32 to vector<85x1280xf32>
    %pad3A_5 = tpu.concatenate %transpose3A, %pad3A in 1 : vector<85x19200xf32>, vector<85x1280xf32> -> vector<85x20480xf32>
    %reshape3A_6 = vector.shape_cast %pad3A_5 : vector<85x20480xf32> to vector<85x160x128xf32>
    %swap3A = arith.constant 0 : index
    %swap3A_7 = arith.constant 0 : index
    %swap3A_8 = arith.constant 0 : index
    %swap3A_9 = vector.load %arg1[%swap3A, %swap3A_7, %swap3A_8] : memref<85x160x128xf32, #tpu.memory_space<vmem>>, vector<85x160x128xf32>
    tpu.vector_store %arg1[%swap3A, %swap3A_7, %swap3A_8], %reshape3A_6 {strides = array<i32>} : memref<85x160x128xf32, #tpu.memory_space<vmem>>, vector<85x160x128xf32>,
    return
  }
}

module attributes {stable_mosaic.version = 14 : i64} {
  func.func @body(%arg0: i32, %arg1: memref<15360x85xf32, #tpu.memory_space<vmem>>, %arg2: memref<85x120x128xf32, #tpu.memory_space<vmem>>) attributes {dimension_semantics = [#tpu.dimension_semantics<arbitrary>], iteration_bounds = array<i64: 5>, scalar_prefetch = 0 : i64, scratch_operands = 0 : i64, tpu.core_type = #tpu.core_type<tc>, window_params = [{transform_indices = @transform_0, window_bounds = array<i64: 15360, 85>}, {transform_indices = @transform_1, window_bounds = array<i64: 85, 120, 128>}]} {
    %get3A = arith.constant 0 : index
    %get3A_0 = arith.constant 0 : index
    %get3A_1 = vector.load %arg1[%get3A, %get3A_0] : memref<15360x85xf32, #tpu.memory_space<vmem>>, vector<15360x85xf32>
    %transpose3A = tpu.transpose %get3A_1, [1, 0] : vector<15360x85xf32> -> vector<85x15360xf32>
    %reshape3A = vector.shape_cast %transpose3A : vector<85x15360xf32> to vector<85x120x128xf32>
    %swap3A = arith.constant 0 : index
    %swap3A_2 = arith.constant 0 : index
    %swap3A_3 = arith.constant 0 : index
    %swap3A_4 = vector.load %arg2[%swap3A, %swap3A_2, %swap3A_3] : memref<85x120x128xf32, #tpu.memory_space<vmem>>, vector<85x120x128xf32>
    tpu.vector_store %arg2[%swap3A, %swap3A_2, %swap3A_3], %reshape3A {strides = array<i32>} : memref<85x120x128xf32, #tpu.memory_space<vmem>>, vector<85x120x128xf32>,
    return
  }
  func.func @transform_0(%arg0: i32) -> (i32, i32) {
    %c0_i32 = arith.constant 0 : i32
    %c0_i32_0 = arith.constant 0 : i32
    return %arg0, %c0_i32 : i32, i32
  }
  func.func @transform_1(%arg0: i32) -> (i32, i32, i32) {
    %c0_i32 = arith.constant 0 : i32
    %c0_i32_0 = arith.constant 0 : i32
    %c0_i32_1 = arith.constant 0 : i32
    return %c0_i32, %arg0, %c0_i32_0 : i32, i32, i32
  }
}

module attributes {stable_mosaic.version = 14 : i64} {
  func.func @body(%arg0: i32, %arg1: memref<12288x85xf32, #tpu.memory_space<vmem>>, %arg2: memref<85x96x128xf32, #tpu.memory_space<vmem>>) attributes {dimension_semantics = [#tpu.dimension_semantics<arbitrary>], iteration_bounds = array<i64: 25>, scalar_prefetch = 0 : i64, scratch_operands = 0 : i64, tpu.core_type = #tpu.core_type<tc>, window_params = [{transform_indices = @transform_0, window_bounds = array<i64: 12288, 85>}, {transform_indices = @transform_1, window_bounds = array<i64: 85, 96, 128>}]} {
    %get3A = arith.constant 0 : index
    %get3A_0 = arith.constant 0 : index
    %get3A_1 = vector.load %arg1[%get3A, %get3A_0] : memref<12288x85xf32, #tpu.memory_space<vmem>>, vector<12288x85xf32>
    %transpose3A = tpu.transpose %get3A_1, [1, 0] : vector<12288x85xf32> -> vector<85x12288xf32>
    %reshape3A = vector.shape_cast %transpose3A : vector<85x12288xf32> to vector<85x96x128xf32>
    %swap3A = arith.constant 0 : index
    %swap3A_2 = arith.constant 0 : index
    %swap3A_3 = arith.constant 0 : index
    %swap3A_4 = vector.load %arg2[%swap3A, %swap3A_2, %swap3A_3] : memref<85x96x128xf32, #tpu.memory_space<vmem>>, vector<85x96x128xf32>
    tpu.vector_store %arg2[%swap3A, %swap3A_2, %swap3A_3], %reshape3A {strides = array<i32>} : memref<85x96x128xf32, #tpu.memory_space<vmem>>, vector<85x96x128xf32>,
    return
  }
  func.func @transform_0(%arg0: i32) -> (i32, i32) {
    %c0_i32 = arith.constant 0 : i32
    %c0_i32_0 = arith.constant 0 : i32
    return %arg0, %c0_i32 : i32, i32
  }
  func.func @transform_1(%arg0: i32) -> (i32, i32, i32) {
    %c0_i32 = arith.constant 0 : i32
    %c0_i32_0 = arith.constant 0 : i32
    %c0_i32_1 = arith.constant 0 : i32
    return %c0_i32, %arg0, %c0_i32_0 : i32, i32, i32
  }
}

module attributes {stable_mosaic.version = 14 : i64} {
  func.func @body(%arg0: i32, %arg1: memref<5x12x128xf32, #tpu.memory_space<vmem>>, %arg2: memref<5x12x128xf32, #tpu.memory_space<vmem>>, %arg3: memref<5x12x128xf32, #tpu.memory_space<vmem>>, %arg4: memref<1536x80xf32, #tpu.memory_space<vmem>>, %arg5: memref<1536x80xf32, #tpu.memory_space<vmem>>, %arg6: memref<1536x80xf32, #tpu.memory_space<vmem>>, %arg7: memref<12x128xi32, #tpu.memory_space<vmem>>, %arg8: memref<12x128xi32, #tpu.memory_space<vmem>>, %arg9: memref<12x128xi32, #tpu.memory_space<vmem>>, %arg10: memref<1x2400x128xf32, #tpu.memory_space<vmem>>, %arg11: memref<1x608x128xf32, #tpu.memory_space<vmem>>, %arg12: memref<1x160x128xf32, #tpu.memory_space<vmem>>, %arg13: memref<4x12x128xf32, #tpu.memory_space<vmem>>, %arg14: memref<1536x2xf32, #tpu.memory_space<vmem>>, %arg15: memref<1536x1xi32, #tpu.memory_space<vmem>>, %arg16: memref<3x3x2xf32, #tpu.memory_space<smem>>, %arg17: memref<1x1xf32, #tpu.memory_space<vmem>>, %arg18: memref<1x1xf32, #tpu.memory_space<vmem>>, %arg19: memref<1x1xf32, #tpu.memory_space<vmem>>) attributes {dimension_semantics = [#tpu.dimension_semantics<arbitrary>], iteration_bounds = array<i64: 1>, scalar_prefetch = 0 : i64, scratch_operands = 0 : i64, tpu.core_type = #tpu.core_type<tc>, window_params = [{pipeline_mode = #tpu.pipeline_mode<synchronous>, transform_indices = @transform_0, window_bounds = array<i64: 5, 12, 128>}, {pipeline_mode = #tpu.pipeline_mode<synchronous>, transform_indices = @transform_1, window_bounds = array<i64: 5, 12, 128>}, {pipeline_mode = #tpu.pipeline_mode<synchronous>, transform_indices = @transform_2, window_bounds = array<i64: 5, 12, 128>}, {pipeline_mode = #tpu.pipeline_mode<synchronous>, transform_indices = @transform_3, window_bounds = array<i64: 1536, 80>}, {pipeline_mode = #tpu.pipeline_mode<synchronous>, transform_indices = @transform_4, window_bounds = array<i64: 1536, 80>}, {pipeline_mode = #tpu.pipeline_mode<synchronous>, transform_indices = @transform_5, window_bounds = array<i64: 1536, 80>}, {pipeline_mode = #tpu.pipeline_mode<synchronous>, transform_indices = @transform_6, window_bounds = array<i64: 12, 128>}, {pipeline_mode = #tpu.pipeline_mode<synchronous>, transform_indices = @transform_7, window_bounds = array<i64: 12, 128>}, {pipeline_mode = #tpu.pipeline_mode<synchronous>, transform_indices = @transform_8, window_bounds = array<i64: 12, 128>}, {transform_indices = @transform_9, window_bounds = array<i64: 1, 2400, 128>}, {transform_indices = @transform_10, window_bounds = array<i64: 1, 608, 128>}, {transform_indices = @transform_11, window_bounds = array<i64: 1, 160, 128>}, {pipeline_mode = #tpu.pipeline_mode<synchronous>, transform_indices = @transform_12, window_bounds = array<i64: 4, 12, 128>}, {pipeline_mode = #tpu.pipeline_mode<synchronous>, transform_indices = @transform_13, window_bounds = array<i64: 1536, 2>}, {pipeline_mode = #tpu.pipeline_mode<synchronous>, transform_indices = @transform_14, window_bounds = array<i64: 1536, 1>}, {transform_indices = @transform_15, window_bounds = array<i64: 3, 3, 2>}, {pipeline_mode = #tpu.pipeline_mode<synchronous>, transform_indices = @transform_16, window_bounds = array<i64: 1, 1>}, {pipeline_mode = #tpu.pipeline_mode<synchronous>, transform_indices = @transform_17, window_bounds = array<i64: 1, 1>}, {pipeline_mode = #tpu.pipeline_mode<synchronous>, transform_indices = @transform_18, window_bounds = array<i64: 1, 1>}]} {
    %iota3A = tpu.iota {dimensions = array<i32: 0>} : vector<12x128xi32>
    %iota3A_0 = tpu.iota {dimensions = array<i32: 1>} : vector<12x128xi32>
    %mul3A = arith.constant 128 : i32
    %mul3A_1 = vector.broadcast %mul3A : i32 to vector<12x128xi32>
    %mul3A_2 = arith.muli %iota3A, %mul3A_1 : vector<12x128xi32>
    %add3A = arith.addi %mul3A_2, %iota3A_0 : vector<12x128xi32>
    %shift_right_arithmetic3A = arith.constant 2 : i32
    %shift_right_arithmetic3A_3 = vector.broadcast %shift_right_arithmetic3A : i32 to vector<12x128xi32>
    %shift_right_arithmetic3A_4 = arith.shrsi %iota3A, %shift_right_arithmetic3A_3 : vector<12x128xi32>
    %and3A = arith.constant 511 : i32
    %and3A_5 = vector.broadcast %and3A : i32 to vector<12x128xi32>
    %and3A_6 = arith.andi %add3A, %and3A_5 : vector<12x128xi32>
    %lt3A = arith.constant 500 : i32
    %lt3A_7 = vector.broadcast %lt3A : i32 to vector<12x128xi32>
    %lt3A_8 = arith.cmpi slt, %and3A_6, %lt3A_7 : vector<12x128xi32>
    %iota3A_9 = tpu.iota {dimensions = array<i32: 0>} : vector<1536x1xi32>
    %shift_right_arithmetic3A_10 = arith.constant 9 : i32
    %shift_right_arithmetic3A_11 = vector.broadcast %shift_right_arithmetic3A_10 : i32 to vector<1536x1xi32>
    %shift_right_arithmetic3A_12 = arith.shrsi %iota3A_9, %shift_right_arithmetic3A_11 : vector<1536x1xi32>
    %and3A_13 = arith.constant 511 : i32
    %and3A_14 = vector.broadcast %and3A_13 : i32 to vector<1536x1xi32>
    %and3A_15 = arith.andi %iota3A_9, %and3A_14 : vector<1536x1xi32>
    %lt3A_16 = arith.constant 500 : i32
    %lt3A_17 = vector.broadcast %lt3A_16 : i32 to vector<1536x1xi32>
    %lt3A_18 = arith.cmpi slt, %and3A_15, %lt3A_17 : vector<1536x1xi32>
    %get3A = arith.constant 0 : index
    %get3A_19 = arith.constant 0 : index
    %get3A_20 = arith.constant 0 : index
    %get3A_21 = vector.load %arg13[%get3A, %get3A_19, %get3A_20] : memref<4x12x128xf32, #tpu.memory_space<vmem>>, vector<1x12x128xf32>
    %get3A_22 = vector.shape_cast %get3A_21 : vector<1x12x128xf32> to vector<12x128xf32>
    %get3A_23 = arith.constant 1 : index
    %get3A_24 = arith.constant 0 : index
    %get3A_25 = arith.constant 0 : index
    %get3A_26 = vector.load %arg13[%get3A_23, %get3A_24, %get3A_25] : memref<4x12x128xf32, #tpu.memory_space<vmem>>, vector<1x12x128xf32>
    %get3A_27 = vector.shape_cast %get3A_26 : vector<1x12x128xf32> to vector<12x128xf32>
    %get3A_28 = arith.constant 2 : index
    %get3A_29 = arith.constant 0 : index
    %get3A_30 = arith.constant 0 : index
    %get3A_31 = vector.load %arg13[%get3A_28, %get3A_29, %get3A_30] : memref<4x12x128xf32, #tpu.memory_space<vmem>>, vector<1x12x128xf32>
    %get3A_32 = vector.shape_cast %get3A_31 : vector<1x12x128xf32> to vector<12x128xf32>
    %get3A_33 = arith.constant 3 : index
    %get3A_34 = arith.constant 0 : index
    %get3A_35 = arith.constant 0 : index
    %get3A_36 = vector.load %arg13[%get3A_33, %get3A_34, %get3A_35] : memref<4x12x128xf32, #tpu.memory_space<vmem>>, vector<1x12x128xf32>
    %get3A_37 = vector.shape_cast %get3A_36 : vector<1x12x128xf32> to vector<12x128xf32>
    %get3A_38 = arith.constant 0 : index
    %get3A_39 = arith.constant 0 : index
    %get3A_40 = vector.load %arg14[%get3A_38, %get3A_39] : memref<1536x2xf32, #tpu.memory_space<vmem>>, vector<1536x1xf32>
    %get3A_41 = arith.constant 0 : index
    %get3A_42 = arith.constant 1 : index
    %get3A_43 = vector.load %arg14[%get3A_41, %get3A_42] : memref<1536x2xf32, #tpu.memory_space<vmem>>, vector<1536x1xf32>
    %get3A_44 = arith.constant 0 : index
    %get3A_45 = arith.constant 0 : index
    %get3A_46 = vector.load %arg15[%get3A_44, %get3A_45] : memref<1536x1xi32, #tpu.memory_space<vmem>>, vector<1536x1xi32>
    %get3A_47 = arith.constant 0 : index
    %get3A_48 = arith.constant 0 : index
    %get3A_49 = arith.constant 0 : index
    %get3A_50 = memref.load %arg16[%get3A_47, %get3A_48, %get3A_49] : memref<3x3x2xf32, #tpu.memory_space<smem>>
    %get3A_51 = arith.constant 0 : index
    %get3A_52 = arith.constant 1 : index
    %get3A_53 = arith.constant 0 : index
    %get3A_54 = memref.load %arg16[%get3A_51, %get3A_52, %get3A_53] : memref<3x3x2xf32, #tpu.memory_space<smem>>
    %get3A_55 = arith.constant 0 : index
    %get3A_56 = arith.constant 2 : index
    %get3A_57 = arith.constant 0 : index
    %get3A_58 = memref.load %arg16[%get3A_55, %get3A_56, %get3A_57] : memref<3x3x2xf32, #tpu.memory_space<smem>>
    %eq3A = arith.constant 0 : i32
    %eq3A_59 = vector.broadcast %eq3A : i32 to vector<12x128xi32>
    %eq3A_60 = arith.cmpi eq, %shift_right_arithmetic3A_4, %eq3A_59 : vector<12x128xi32>
    %eq3A_61 = arith.constant 1 : i32
    %eq3A_62 = vector.broadcast %eq3A_61 : i32 to vector<12x128xi32>
    %eq3A_63 = arith.cmpi eq, %shift_right_arithmetic3A_4, %eq3A_62 : vector<12x128xi32>
    %broadcast_in_dim3A = vector.broadcast %get3A_54 : f32 to vector<12x128xf32>
    %broadcast_in_dim3A_64 = vector.broadcast %get3A_58 : f32 to vector<12x128xf32>
    %select_n3A = arith.select %eq3A_63, %broadcast_in_dim3A, %broadcast_in_dim3A_64 : vector<12x128xi1>, vector<12x128xf32>
    %broadcast_in_dim3A_65 = vector.broadcast %get3A_50 : f32 to vector<12x128xf32>
    %select_n3A_66 = arith.select %eq3A_60, %broadcast_in_dim3A_65, %select_n3A : vector<12x128xi1>, vector<12x128xf32>
    %get3A_67 = arith.constant 0 : index
    %get3A_68 = arith.constant 0 : index
    %get3A_69 = arith.constant 1 : index
    %get3A_70 = memref.load %arg16[%get3A_67, %get3A_68, %get3A_69] : memref<3x3x2xf32, #tpu.memory_space<smem>>
    %get3A_71 = arith.constant 0 : index
    %get3A_72 = arith.constant 1 : index
    %get3A_73 = arith.constant 1 : index
    %get3A_74 = memref.load %arg16[%get3A_71, %get3A_72, %get3A_73] : memref<3x3x2xf32, #tpu.memory_space<smem>>
    %get3A_75 = arith.constant 0 : index
    %get3A_76 = arith.constant 2 : index
    %get3A_77 = arith.constant 1 : index
    %get3A_78 = memref.load %arg16[%get3A_75, %get3A_76, %get3A_77] : memref<3x3x2xf32, #tpu.memory_space<smem>>
    %eq3A_79 = arith.constant 0 : i32
    %eq3A_80 = vector.broadcast %eq3A_79 : i32 to vector<12x128xi32>
    %eq3A_81 = arith.cmpi eq, %shift_right_arithmetic3A_4, %eq3A_80 : vector<12x128xi32>
    %eq3A_82 = arith.constant 1 : i32
    %eq3A_83 = vector.broadcast %eq3A_82 : i32 to vector<12x128xi32>
    %eq3A_84 = arith.cmpi eq, %shift_right_arithmetic3A_4, %eq3A_83 : vector<12x128xi32>
    %broadcast_in_dim3A_85 = vector.broadcast %get3A_74 : f32 to vector<12x128xf32>
    %broadcast_in_dim3A_86 = vector.broadcast %get3A_78 : f32 to vector<12x128xf32>
    %select_n3A_87 = arith.select %eq3A_84, %broadcast_in_dim3A_85, %broadcast_in_dim3A_86 : vector<12x128xi1>, vector<12x128xf32>
    %broadcast_in_dim3A_88 = vector.broadcast %get3A_70 : f32 to vector<12x128xf32>
    %select_n3A_89 = arith.select %eq3A_81, %broadcast_in_dim3A_88, %select_n3A_87 : vector<12x128xi1>, vector<12x128xf32>
    %get3A_90 = arith.constant 0 : index
    %get3A_91 = arith.constant 0 : index
    %get3A_92 = arith.constant 0 : index
    %get3A_93 = memref.load %arg16[%get3A_90, %get3A_91, %get3A_92] : memref<3x3x2xf32, #tpu.memory_space<smem>>
    %get3A_94 = arith.constant 0 : index
    %get3A_95 = arith.constant 1 : index
    %get3A_96 = arith.constant 0 : index
    %get3A_97 = memref.load %arg16[%get3A_94, %get3A_95, %get3A_96] : memref<3x3x2xf32, #tpu.memory_space<smem>>
    %get3A_98 = arith.constant 0 : index
    %get3A_99 = arith.constant 2 : index
    %get3A_100 = arith.constant 0 : index
    %get3A_101 = memref.load %arg16[%get3A_98, %get3A_99, %get3A_100] : memref<3x3x2xf32, #tpu.memory_space<smem>>
    %eq3A_102 = arith.constant 0 : i32
    %eq3A_103 = vector.broadcast %eq3A_102 : i32 to vector<1536x1xi32>
    %eq3A_104 = arith.cmpi eq, %shift_right_arithmetic3A_12, %eq3A_103 : vector<1536x1xi32>
    %eq3A_105 = arith.constant 1 : i32
    %eq3A_106 = vector.broadcast %eq3A_105 : i32 to vector<1536x1xi32>
    %eq3A_107 = arith.cmpi eq, %shift_right_arithmetic3A_12, %eq3A_106 : vector<1536x1xi32>
    %broadcast_in_dim3A_108 = vector.broadcast %get3A_97 : f32 to vector<1536x1xf32>
    %broadcast_in_dim3A_109 = vector.broadcast %get3A_101 : f32 to vector<1536x1xf32>
    %select_n3A_110 = arith.select %eq3A_107, %broadcast_in_dim3A_108, %broadcast_in_dim3A_109 : vector<1536x1xi1>, vector<1536x1xf32>
    %broadcast_in_dim3A_111 = vector.broadcast %get3A_93 : f32 to vector<1536x1xf32>
    %select_n3A_112 = arith.select %eq3A_104, %broadcast_in_dim3A_111, %select_n3A_110 : vector<1536x1xi1>, vector<1536x1xf32>
    %get3A_113 = arith.constant 0 : index
    %get3A_114 = arith.constant 0 : index
    %get3A_115 = arith.constant 1 : index
    %get3A_116 = memref.load %arg16[%get3A_113, %get3A_114, %get3A_115] : memref<3x3x2xf32, #tpu.memory_space<smem>>
    %get3A_117 = arith.constant 0 : index
    %get3A_118 = arith.constant 1 : index
    %get3A_119 = arith.constant 1 : index
    %get3A_120 = memref.load %arg16[%get3A_117, %get3A_118, %get3A_119] : memref<3x3x2xf32, #tpu.memory_space<smem>>
    %get3A_121 = arith.constant 0 : index
    %get3A_122 = arith.constant 2 : index
    %get3A_123 = arith.constant 1 : index
    %get3A_124 = memref.load %arg16[%get3A_121, %get3A_122, %get3A_123] : memref<3x3x2xf32, #tpu.memory_space<smem>>
    %eq3A_125 = arith.constant 0 : i32
    %eq3A_126 = vector.broadcast %eq3A_125 : i32 to vector<1536x1xi32>
    %eq3A_127 = arith.cmpi eq, %shift_right_arithmetic3A_12, %eq3A_126 : vector<1536x1xi32>
    %eq3A_128 = arith.constant 1 : i32
    %eq3A_129 = vector.broadcast %eq3A_128 : i32 to vector<1536x1xi32>
    %eq3A_130 = arith.cmpi eq, %shift_right_arithmetic3A_12, %eq3A_129 : vector<1536x1xi32>
    %broadcast_in_dim3A_131 = vector.broadcast %get3A_120 : f32 to vector<1536x1xf32>
    %broadcast_in_dim3A_132 = vector.broadcast %get3A_124 : f32 to vector<1536x1xf32>
    %select_n3A_133 = arith.select %eq3A_130, %broadcast_in_dim3A_131, %broadcast_in_dim3A_132 : vector<1536x1xi1>, vector<1536x1xf32>
    %broadcast_in_dim3A_134 = vector.broadcast %get3A_116 : f32 to vector<1536x1xf32>
    %select_n3A_135 = arith.select %eq3A_127, %broadcast_in_dim3A_134, %select_n3A_133 : vector<1536x1xi1>, vector<1536x1xf32>
    %mul3A_136 = arith.constant 6.400000e+02 : f32
    %mul3A_137 = vector.broadcast %mul3A_136 : f32 to vector<12x128xf32>
    %mul3A_138 = arith.mulf %get3A_32, %mul3A_137 : vector<12x128xf32>
    %div3A = arith.divf %mul3A_138, %select_n3A_66 : vector<12x128xf32>
    %mul3A_139 = arith.constant 6.400000e+02 : f32
    %mul3A_140 = vector.broadcast %mul3A_139 : f32 to vector<12x128xf32>
    %mul3A_141 = arith.mulf %get3A_37, %mul3A_140 : vector<12x128xf32>
    %div3A_142 = arith.divf %mul3A_141, %select_n3A_89 : vector<12x128xf32>
    %lt3A_143 = arith.constant 4.000000e+00 : f32
    %lt3A_144 = vector.broadcast %lt3A_143 : f32 to vector<12x128xf32>
    %lt3A_145 = arith.cmpf olt, %div3A, %lt3A_144 : vector<12x128xf32>
    %gt3A = arith.constant 2.500000e-01 : f32
    %gt3A_146 = vector.broadcast %gt3A : f32 to vector<12x128xf32>
    %gt3A_147 = arith.cmpf ogt, %div3A, %gt3A_146 : vector<12x128xf32>
    %and3A_148 = arith.andi %lt3A_145, %gt3A_147 : vector<12x128xi1>
    %lt3A_149 = arith.constant 4.000000e+00 : f32
    %lt3A_150 = vector.broadcast %lt3A_149 : f32 to vector<12x128xf32>
    %lt3A_151 = arith.cmpf olt, %div3A_142, %lt3A_150 : vector<12x128xf32>
    %and3A_152 = arith.andi %and3A_148, %lt3A_151 : vector<12x128xi1>
    %gt3A_153 = arith.constant 2.500000e-01 : f32
    %gt3A_154 = vector.broadcast %gt3A_153 : f32 to vector<12x128xf32>
    %gt3A_155 = arith.cmpf ogt, %div3A_142, %gt3A_154 : vector<12x128xf32>
    %and3A_156 = arith.andi %and3A_152, %gt3A_155 : vector<12x128xi1>
    %and3A_157 = arith.andi %and3A_156, %lt3A_8 : vector<12x128xi1>
    %mul3A_158 = arith.constant 6.400000e+02 : f32
    %mul3A_159 = vector.broadcast %mul3A_158 : f32 to vector<1536x1xf32>
    %mul3A_160 = arith.mulf %get3A_40, %mul3A_159 : vector<1536x1xf32>
    %div3A_161 = arith.divf %mul3A_160, %select_n3A_112 : vector<1536x1xf32>
    %mul3A_162 = arith.constant 6.400000e+02 : f32
    %mul3A_163 = vector.broadcast %mul3A_162 : f32 to vector<1536x1xf32>
    %mul3A_164 = arith.mulf %get3A_43, %mul3A_163 : vector<1536x1xf32>
    %div3A_165 = arith.divf %mul3A_164, %select_n3A_135 : vector<1536x1xf32>
    %lt3A_166 = arith.constant 4.000000e+00 : f32
    %lt3A_167 = vector.broadcast %lt3A_166 : f32 to vector<1536x1xf32>
    %lt3A_168 = arith.cmpf olt, %div3A_161, %lt3A_167 : vector<1536x1xf32>
    %gt3A_169 = arith.constant 2.500000e-01 : f32
    %gt3A_170 = vector.broadcast %gt3A_169 : f32 to vector<1536x1xf32>
    %gt3A_171 = arith.cmpf ogt, %div3A_161, %gt3A_170 : vector<1536x1xf32>
    %and3A_172 = arith.andi %lt3A_168, %gt3A_171 : vector<1536x1xi1>
    %lt3A_173 = arith.constant 4.000000e+00 : f32
    %lt3A_174 = vector.broadcast %lt3A_173 : f32 to vector<1536x1xf32>
    %lt3A_175 = arith.cmpf olt, %div3A_165, %lt3A_174 : vector<1536x1xf32>
    %and3A_176 = arith.andi %and3A_172, %lt3A_175 : vector<1536x1xi1>
    %gt3A_177 = arith.constant 2.500000e-01 : f32
    %gt3A_178 = vector.broadcast %gt3A_177 : f32 to vector<1536x1xf32>
    %gt3A_179 = arith.cmpf ogt, %div3A_165, %gt3A_178 : vector<1536x1xf32>
    %and3A_180 = arith.andi %and3A_176, %gt3A_179 : vector<1536x1xi1>
    %and3A_181 = arith.andi %and3A_180, %lt3A_18 : vector<1536x1xi1>
    %jit3A = arith.constant 1.000000e+00 : f32
    %jit3A_182 = arith.constant 0.000000e+00 : f32
    %broadcast_in_dim3A_183 = vector.broadcast %jit3A : f32 to vector<12x128xf32>
    %broadcast_in_dim3A_184 = vector.broadcast %jit3A_182 : f32 to vector<12x128xf32>
    %select_n3A_185 = arith.select %and3A_157, %broadcast_in_dim3A_183, %broadcast_in_dim3A_184 : vector<12x128xi1>, vector<12x128xf32>
    %reduce_sum3A = vector.shape_cast %select_n3A_185 : vector<12x128xf32> to vector<1x12x128xf32>
    %reduce_sum3A_186 = arith.constant dense<0.000000e+00> : vector<1xf32>
    %reduce_sum3A_187 = vector.multi_reduction <add>, %reduce_sum3A, %reduce_sum3A_186 [1, 2] : vector<1x12x128xf32> to vector<1xf32>
    %reduce_sum3A_188 = vector.shape_cast %reduce_sum3A_187 : vector<1xf32> to vector<1x1x1xf32>
    %reduce_sum3A_189 = vector.extract %reduce_sum3A_188[0, 0, 0] : f32 from vector<1x1x1xf32>
    %max3A = arith.constant 1.000000e+00 : f32
    %max3A_190 = arith.maximumf %reduce_sum3A_189, %max3A : f32
    %get3A_191 = arith.constant 0 : index
    %get3A_192 = arith.constant 0 : index
    %get3A_193 = arith.constant 0 : index
    %get3A_194 = vector.load %arg1[%get3A_191, %get3A_192, %get3A_193] : memref<5x12x128xf32, #tpu.memory_space<vmem>>, vector<1x12x128xf32>
    %get3A_195 = vector.shape_cast %get3A_194 : vector<1x12x128xf32> to vector<12x128xf32>
    %get3A_196 = arith.constant 1 : index
    %get3A_197 = arith.constant 0 : index
    %get3A_198 = arith.constant 0 : index
    %get3A_199 = vector.load %arg1[%get3A_196, %get3A_197, %get3A_198] : memref<5x12x128xf32, #tpu.memory_space<vmem>>, vector<1x12x128xf32>
    %get3A_200 = vector.shape_cast %get3A_199 : vector<1x12x128xf32> to vector<12x128xf32>
    %get3A_201 = arith.constant 2 : index
    %get3A_202 = arith.constant 0 : index
    %get3A_203 = arith.constant 0 : index
    %get3A_204 = vector.load %arg1[%get3A_201, %get3A_202, %get3A_203] : memref<5x12x128xf32, #tpu.memory_space<vmem>>, vector<1x12x128xf32>
    %get3A_205 = vector.shape_cast %get3A_204 : vector<1x12x128xf32> to vector<12x128xf32>
    %get3A_206 = arith.constant 3 : index
    %get3A_207 = arith.constant 0 : index
    %get3A_208 = arith.constant 0 : index
    %get3A_209 = vector.load %arg1[%get3A_206, %get3A_207, %get3A_208] : memref<5x12x128xf32, #tpu.memory_space<vmem>>, vector<1x12x128xf32>
    %get3A_210 = vector.shape_cast %get3A_209 : vector<1x12x128xf32> to vector<12x128xf32>
    %get3A_211 = arith.constant 4 : index
    %get3A_212 = arith.constant 0 : index
    %get3A_213 = arith.constant 0 : index
    %get3A_214 = vector.load %arg1[%get3A_211, %get3A_212, %get3A_213] : memref<5x12x128xf32, #tpu.memory_space<vmem>>, vector<1x12x128xf32>
    %get3A_215 = vector.shape_cast %get3A_214 : vector<1x12x128xf32> to vector<12x128xf32>
    %neg3A = arith.constant 0.000000e+00 : f32
    %neg3A_216 = vector.broadcast %neg3A : f32 to vector<12x128xf32>
    %neg3A_217 = arith.subf %neg3A_216, %get3A_195 : vector<12x128xf32>
    %exp3A = math.exp %neg3A_217 : vector<12x128xf32>
    %add3A_218 = arith.constant 1.000000e+00 : f32
    %add3A_219 = vector.broadcast %add3A_218 : f32 to vector<12x128xf32>
    %add3A_220 = arith.addf %add3A_219, %exp3A : vector<12x128xf32>
    %div3A_221 = arith.constant 1.000000e+00 : f32
    %div3A_222 = vector.broadcast %div3A_221 : f32 to vector<12x128xf32>
    %div3A_223 = arith.divf %div3A_222, %add3A_220 : vector<12x128xf32>
    %neg3A_224 = arith.constant 0.000000e+00 : f32
    %neg3A_225 = vector.broadcast %neg3A_224 : f32 to vector<12x128xf32>
    %neg3A_226 = arith.subf %neg3A_225, %get3A_200 : vector<12x128xf32>
    %exp3A_227 = math.exp %neg3A_226 : vector<12x128xf32>
    %add3A_228 = arith.constant 1.000000e+00 : f32
    %add3A_229 = vector.broadcast %add3A_228 : f32 to vector<12x128xf32>
    %add3A_230 = arith.addf %add3A_229, %exp3A_227 : vector<12x128xf32>
    %div3A_231 = arith.constant 1.000000e+00 : f32
    %div3A_232 = vector.broadcast %div3A_231 : f32 to vector<12x128xf32>
    %div3A_233 = arith.divf %div3A_232, %add3A_230 : vector<12x128xf32>
    %neg3A_234 = arith.constant 0.000000e+00 : f32
    %neg3A_235 = vector.broadcast %neg3A_234 : f32 to vector<12x128xf32>
    %neg3A_236 = arith.subf %neg3A_235, %get3A_205 : vector<12x128xf32>
    %exp3A_237 = math.exp %neg3A_236 : vector<12x128xf32>
    %add3A_238 = arith.constant 1.000000e+00 : f32
    %add3A_239 = vector.broadcast %add3A_238 : f32 to vector<12x128xf32>
    %add3A_240 = arith.addf %add3A_239, %exp3A_237 : vector<12x128xf32>
    %div3A_241 = arith.constant 1.000000e+00 : f32
    %div3A_242 = vector.broadcast %div3A_241 : f32 to vector<12x128xf32>
    %div3A_243 = arith.divf %div3A_242, %add3A_240 : vector<12x128xf32>
    %neg3A_244 = arith.constant 0.000000e+00 : f32
    %neg3A_245 = vector.broadcast %neg3A_244 : f32 to vector<12x128xf32>
    %neg3A_246 = arith.subf %neg3A_245, %get3A_210 : vector<12x128xf32>
    %exp3A_247 = math.exp %neg3A_246 : vector<12x128xf32>
    %add3A_248 = arith.constant 1.000000e+00 : f32
    %add3A_249 = vector.broadcast %add3A_248 : f32 to vector<12x128xf32>
    %add3A_250 = arith.addf %add3A_249, %exp3A_247 : vector<12x128xf32>
    %div3A_251 = arith.constant 1.000000e+00 : f32
    %div3A_252 = vector.broadcast %div3A_251 : f32 to vector<12x128xf32>
    %div3A_253 = arith.divf %div3A_252, %add3A_250 : vector<12x128xf32>
    %mul3A_254 = arith.constant 2.000000e+00 : f32
    %mul3A_255 = vector.broadcast %mul3A_254 : f32 to vector<12x128xf32>
    %mul3A_256 = arith.mulf %div3A_223, %mul3A_255 : vector<12x128xf32>
    %sub3A = arith.constant 5.000000e-01 : f32
    %sub3A_257 = vector.broadcast %sub3A : f32 to vector<12x128xf32>
    %sub3A_258 = arith.subf %mul3A_256, %sub3A_257 : vector<12x128xf32>
    %mul3A_259 = arith.constant 2.000000e+00 : f32
    %mul3A_260 = vector.broadcast %mul3A_259 : f32 to vector<12x128xf32>
    %mul3A_261 = arith.mulf %div3A_233, %mul3A_260 : vector<12x128xf32>
    %sub3A_262 = arith.constant 5.000000e-01 : f32
    %sub3A_263 = vector.broadcast %sub3A_262 : f32 to vector<12x128xf32>
    %sub3A_264 = arith.subf %mul3A_261, %sub3A_263 : vector<12x128xf32>
    %mul3A_265 = arith.constant 2.000000e+00 : f32
    %mul3A_266 = vector.broadcast %mul3A_265 : f32 to vector<12x128xf32>
    %mul3A_267 = arith.mulf %div3A_243, %mul3A_266 : vector<12x128xf32>
    %integer_pow3A = arith.mulf %mul3A_267, %mul3A_267 : vector<12x128xf32>
    %mul3A_268 = arith.mulf %integer_pow3A, %select_n3A_66 : vector<12x128xf32>
    %mul3A_269 = arith.constant 2.000000e+00 : f32
    %mul3A_270 = vector.broadcast %mul3A_269 : f32 to vector<12x128xf32>
    %mul3A_271 = arith.mulf %div3A_253, %mul3A_270 : vector<12x128xf32>
    %integer_pow3A_272 = arith.mulf %mul3A_271, %mul3A_271 : vector<12x128xf32>
    %mul3A_273 = arith.mulf %integer_pow3A_272, %select_n3A_89 : vector<12x128xf32>
    %mul3A_274 = arith.constant 8.000000e+01 : f32
    %mul3A_275 = vector.broadcast %mul3A_274 : f32 to vector<12x128xf32>
    %mul3A_276 = arith.mulf %get3A_22, %mul3A_275 : vector<12x128xf32>
    %mul3A_277 = arith.constant 8.000000e+01 : f32
    %mul3A_278 = vector.broadcast %mul3A_277 : f32 to vector<12x128xf32>
    %mul3A_279 = arith.mulf %get3A_27, %mul3A_278 : vector<12x128xf32>
    %convert_element_type3A = arith.fptosi %mul3A_276 : vector<12x128xf32> to vector<12x128xi32>
    %convert_element_type3A_280 = arith.sitofp %convert_element_type3A : vector<12x128xi32> to vector<12x128xf32>
    %sub3A_281 = arith.subf %mul3A_276, %convert_element_type3A_280 : vector<12x128xf32>
    %convert_element_type3A_282 = arith.fptosi %mul3A_279 : vector<12x128xf32> to vector<12x128xi32>
    %convert_element_type3A_283 = arith.sitofp %convert_element_type3A_282 : vector<12x128xi32> to vector<12x128xf32>
    %sub3A_284 = arith.subf %mul3A_279, %convert_element_type3A_283 : vector<12x128xf32>
    %mul3A_285 = arith.constant 8.000000e+01 : f32
    %mul3A_286 = vector.broadcast %mul3A_285 : f32 to vector<12x128xf32>
    %mul3A_287 = arith.mulf %get3A_32, %mul3A_286 : vector<12x128xf32>
    %mul3A_288 = arith.constant 8.000000e+01 : f32
    %mul3A_289 = vector.broadcast %mul3A_288 : f32 to vector<12x128xf32>
    %mul3A_290 = arith.mulf %get3A_37, %mul3A_289 : vector<12x128xf32>
    %mul3A_291 = arith.constant 5.000000e-01 : f32
    %mul3A_292 = vector.broadcast %mul3A_291 : f32 to vector<12x128xf32>
    %mul3A_293 = arith.mulf %mul3A_268, %mul3A_292 : vector<12x128xf32>
    %sub3A_294 = arith.subf %sub3A_258, %mul3A_293 : vector<12x128xf32>
    %mul3A_295 = arith.constant 5.000000e-01 : f32
    %mul3A_296 = vector.broadcast %mul3A_295 : f32 to vector<12x128xf32>
    %mul3A_297 = arith.mulf %mul3A_268, %mul3A_296 : vector<12x128xf32>
    %add3A_298 = arith.addf %sub3A_258, %mul3A_297 : vector<12x128xf32>
    %mul3A_299 = arith.constant 5.000000e-01 : f32
    %mul3A_300 = vector.broadcast %mul3A_299 : f32 to vector<12x128xf32>
    %mul3A_301 = arith.mulf %mul3A_273, %mul3A_300 : vector<12x128xf32>
    %sub3A_302 = arith.subf %sub3A_264, %mul3A_301 : vector<12x128xf32>
    %mul3A_303 = arith.constant 5.000000e-01 : f32
    %mul3A_304 = vector.broadcast %mul3A_303 : f32 to vector<12x128xf32>
    %mul3A_305 = arith.mulf %mul3A_273, %mul3A_304 : vector<12x128xf32>
    %add3A_306 = arith.addf %sub3A_264, %mul3A_305 : vector<12x128xf32>
    %mul3A_307 = arith.constant 5.000000e-01 : f32
    %mul3A_308 = vector.broadcast %mul3A_307 : f32 to vector<12x128xf32>
    %mul3A_309 = arith.mulf %mul3A_287, %mul3A_308 : vector<12x128xf32>
    %sub3A_310 = arith.subf %sub3A_281, %mul3A_309 : vector<12x128xf32>
    %mul3A_311 = arith.constant 5.000000e-01 : f32
    %mul3A_312 = vector.broadcast %mul3A_311 : f32 to vector<12x128xf32>
    %mul3A_313 = arith.mulf %mul3A_287, %mul3A_312 : vector<12x128xf32>
    %add3A_314 = arith.addf %sub3A_281, %mul3A_313 : vector<12x128xf32>
    %mul3A_315 = arith.constant 5.000000e-01 : f32
    %mul3A_316 = vector.broadcast %mul3A_315 : f32 to vector<12x128xf32>
    %mul3A_317 = arith.mulf %mul3A_290, %mul3A_316 : vector<12x128xf32>
    %sub3A_318 = arith.subf %sub3A_284, %mul3A_317 : vector<12x128xf32>
    %mul3A_319 = arith.constant 5.000000e-01 : f32
    %mul3A_320 = vector.broadcast %mul3A_319 : f32 to vector<12x128xf32>
    %mul3A_321 = arith.mulf %mul3A_290, %mul3A_320 : vector<12x128xf32>
    %add3A_322 = arith.addf %sub3A_284, %mul3A_321 : vector<12x128xf32>
    %min3A = arith.minimumf %add3A_298, %add3A_314 : vector<12x128xf32>
    %max3A_323 = arith.maximumf %sub3A_294, %sub3A_310 : vector<12x128xf32>
    %sub3A_324 = arith.subf %min3A, %max3A_323 : vector<12x128xf32>
    %max3A_325 = arith.constant 0.000000e+00 : f32
    %max3A_326 = vector.broadcast %max3A_325 : f32 to vector<12x128xf32>
    %max3A_327 = arith.maximumf %sub3A_324, %max3A_326 : vector<12x128xf32>
    %min3A_328 = arith.minimumf %add3A_306, %add3A_322 : vector<12x128xf32>
    %max3A_329 = arith.maximumf %sub3A_302, %sub3A_318 : vector<12x128xf32>
    %sub3A_330 = arith.subf %min3A_328, %max3A_329 : vector<12x128xf32>
    %max3A_331 = arith.constant 0.000000e+00 : f32
    %max3A_332 = vector.broadcast %max3A_331 : f32 to vector<12x128xf32>
    %max3A_333 = arith.maximumf %sub3A_330, %max3A_332 : vector<12x128xf32>
    %mul3A_334 = arith.mulf %max3A_327, %max3A_333 : vector<12x128xf32>
    %mul3A_335 = arith.mulf %mul3A_268, %mul3A_273 : vector<12x128xf32>
    %mul3A_336 = arith.mulf %mul3A_287, %mul3A_290 : vector<12x128xf32>
    %add3A_337 = arith.addf %mul3A_335, %mul3A_336 : vector<12x128xf32>
    %sub3A_338 = arith.subf %add3A_337, %mul3A_334 : vector<12x128xf32>
    %add3A_339 = arith.constant 1.000000e-07 : f32
    %add3A_340 = vector.broadcast %add3A_339 : f32 to vector<12x128xf32>
    %add3A_341 = arith.addf %sub3A_338, %add3A_340 : vector<12x128xf32>
    %div3A_342 = arith.divf %mul3A_334, %add3A_341 : vector<12x128xf32>
    %max3A_343 = arith.maximumf %add3A_298, %add3A_314 : vector<12x128xf32>
    %min3A_344 = arith.minimumf %sub3A_294, %sub3A_310 : vector<12x128xf32>
    %sub3A_345 = arith.subf %max3A_343, %min3A_344 : vector<12x128xf32>
    %max3A_346 = arith.maximumf %add3A_306, %add3A_322 : vector<12x128xf32>
    %min3A_347 = arith.minimumf %sub3A_302, %sub3A_318 : vector<12x128xf32>
    %sub3A_348 = arith.subf %max3A_346, %min3A_347 : vector<12x128xf32>
    %mul3A_349 = arith.mulf %sub3A_345, %sub3A_345 : vector<12x128xf32>
    %mul3A_350 = arith.mulf %sub3A_348, %sub3A_348 : vector<12x128xf32>
    %add3A_351 = arith.addf %mul3A_349, %mul3A_350 : vector<12x128xf32>
    %add3A_352 = arith.constant 1.000000e-07 : f32
    %add3A_353 = vector.broadcast %add3A_352 : f32 to vector<12x128xf32>
    %add3A_354 = arith.addf %add3A_351, %add3A_353 : vector<12x128xf32>
    %add3A_355 = arith.addf %sub3A_310, %add3A_314 : vector<12x128xf32>
    %sub3A_356 = arith.subf %add3A_355, %sub3A_294 : vector<12x128xf32>
    %sub3A_357 = arith.subf %sub3A_356, %add3A_298 : vector<12x128xf32>
    %integer_pow3A_358 = arith.mulf %sub3A_357, %sub3A_357 : vector<12x128xf32>
    %add3A_359 = arith.addf %sub3A_318, %add3A_322 : vector<12x128xf32>
    %sub3A_360 = arith.subf %add3A_359, %sub3A_302 : vector<12x128xf32>
    %sub3A_361 = arith.subf %sub3A_360, %add3A_306 : vector<12x128xf32>
    %integer_pow3A_362 = arith.mulf %sub3A_361, %sub3A_361 : vector<12x128xf32>
    %add3A_363 = arith.addf %integer_pow3A_358, %integer_pow3A_362 : vector<12x128xf32>
    %mul3A_364 = arith.constant 2.500000e-01 : f32
    %mul3A_365 = vector.broadcast %mul3A_364 : f32 to vector<12x128xf32>
    %mul3A_366 = arith.mulf %add3A_363, %mul3A_365 : vector<12x128xf32>
    %add3A_367 = arith.constant 1.000000e-07 : f32
    %add3A_368 = vector.broadcast %add3A_367 : f32 to vector<12x128xf32>
    %add3A_369 = arith.addf %mul3A_290, %add3A_368 : vector<12x128xf32>
    %div3A_370 = arith.divf %mul3A_287, %add3A_369 : vector<12x128xf32>
    %gt3A_371 = arith.constant 1.000000e+00 : f32
    %gt3A_372 = vector.broadcast %gt3A_371 : f32 to vector<12x128xf32>
    %gt3A_373 = arith.cmpf ogt, %div3A_370, %gt3A_372 : vector<12x128xf32>
    %max3A_374 = arith.constant 1.000000e-30 : f32
    %max3A_375 = vector.broadcast %max3A_374 : f32 to vector<12x128xf32>
    %max3A_376 = arith.maximumf %div3A_370, %max3A_375 : vector<12x128xf32>
    %div3A_377 = arith.constant 1.000000e+00 : f32
    %div3A_378 = vector.broadcast %div3A_377 : f32 to vector<12x128xf32>
    %div3A_379 = arith.divf %div3A_378, %max3A_376 : vector<12x128xf32>
    %select_n3A_380 = arith.select %gt3A_373, %div3A_379, %div3A_370 : vector<12x128xi1>, vector<12x128xf32>
    %mul3A_381 = arith.mulf %select_n3A_380, %select_n3A_380 : vector<12x128xf32>
    %mul3A_382 = arith.constant -1.172120e-02 : f32
    %mul3A_383 = vector.broadcast %mul3A_382 : f32 to vector<12x128xf32>
    %mul3A_384 = arith.mulf %mul3A_383, %mul3A_381 : vector<12x128xf32>
    %add3A_385 = arith.constant 0.0526533201 : f32
    %add3A_386 = vector.broadcast %add3A_385 : f32 to vector<12x128xf32>
    %add3A_387 = arith.addf %mul3A_384, %add3A_386 : vector<12x128xf32>
    %mul3A_388 = arith.mulf %add3A_387, %mul3A_381 : vector<12x128xf32>
    %sub3A_389 = arith.constant 0.116432868 : f32
    %sub3A_390 = vector.broadcast %sub3A_389 : f32 to vector<12x128xf32>
    %sub3A_391 = arith.subf %mul3A_388, %sub3A_390 : vector<12x128xf32>
    %mul3A_392 = arith.mulf %sub3A_391, %mul3A_381 : vector<12x128xf32>
    %add3A_393 = arith.constant 0.193543464 : f32
    %add3A_394 = vector.broadcast %add3A_393 : f32 to vector<12x128xf32>
    %add3A_395 = arith.addf %mul3A_392, %add3A_394 : vector<12x128xf32>
    %mul3A_396 = arith.mulf %add3A_395, %mul3A_381 : vector<12x128xf32>
    %sub3A_397 = arith.constant 0.332623482 : f32
    %sub3A_398 = vector.broadcast %sub3A_397 : f32 to vector<12x128xf32>
    %sub3A_399 = arith.subf %mul3A_396, %sub3A_398 : vector<12x128xf32>
    %mul3A_400 = arith.mulf %sub3A_399, %mul3A_381 : vector<12x128xf32>
    %add3A_401 = arith.constant 0.999977231 : f32
    %add3A_402 = vector.broadcast %add3A_401 : f32 to vector<12x128xf32>
    %add3A_403 = arith.addf %mul3A_400, %add3A_402 : vector<12x128xf32>
    %mul3A_404 = arith.mulf %select_n3A_380, %add3A_403 : vector<12x128xf32>
    %sub3A_405 = arith.constant 1.57079637 : f32
    %sub3A_406 = vector.broadcast %sub3A_405 : f32 to vector<12x128xf32>
    %sub3A_407 = arith.subf %sub3A_406, %mul3A_404 : vector<12x128xf32>
    %select_n3A_408 = arith.select %gt3A_373, %sub3A_407, %mul3A_404 : vector<12x128xi1>, vector<12x128xf32>
    %add3A_409 = arith.constant 1.000000e-07 : f32
    %add3A_410 = vector.broadcast %add3A_409 : f32 to vector<12x128xf32>
    %add3A_411 = arith.addf %mul3A_273, %add3A_410 : vector<12x128xf32>
    %div3A_412 = arith.divf %mul3A_268, %add3A_411 : vector<12x128xf32>
    %gt3A_413 = arith.constant 1.000000e+00 : f32
    %gt3A_414 = vector.broadcast %gt3A_413 : f32 to vector<12x128xf32>
    %gt3A_415 = arith.cmpf ogt, %div3A_412, %gt3A_414 : vector<12x128xf32>
    %max3A_416 = arith.constant 1.000000e-30 : f32
    %max3A_417 = vector.broadcast %max3A_416 : f32 to vector<12x128xf32>
    %max3A_418 = arith.maximumf %div3A_412, %max3A_417 : vector<12x128xf32>
    %div3A_419 = arith.constant 1.000000e+00 : f32
    %div3A_420 = vector.broadcast %div3A_419 : f32 to vector<12x128xf32>
    %div3A_421 = arith.divf %div3A_420, %max3A_418 : vector<12x128xf32>
    %select_n3A_422 = arith.select %gt3A_415, %div3A_421, %div3A_412 : vector<12x128xi1>, vector<12x128xf32>
    %mul3A_423 = arith.mulf %select_n3A_422, %select_n3A_422 : vector<12x128xf32>
    %mul3A_424 = arith.constant -1.172120e-02 : f32
    %mul3A_425 = vector.broadcast %mul3A_424 : f32 to vector<12x128xf32>
    %mul3A_426 = arith.mulf %mul3A_425, %mul3A_423 : vector<12x128xf32>
    %add3A_427 = arith.constant 0.0526533201 : f32
    %add3A_428 = vector.broadcast %add3A_427 : f32 to vector<12x128xf32>
    %add3A_429 = arith.addf %mul3A_426, %add3A_428 : vector<12x128xf32>
    %mul3A_430 = arith.mulf %add3A_429, %mul3A_423 : vector<12x128xf32>
    %sub3A_431 = arith.constant 0.116432868 : f32
    %sub3A_432 = vector.broadcast %sub3A_431 : f32 to vector<12x128xf32>
    %sub3A_433 = arith.subf %mul3A_430, %sub3A_432 : vector<12x128xf32>
    %mul3A_434 = arith.mulf %sub3A_433, %mul3A_423 : vector<12x128xf32>
    %add3A_435 = arith.constant 0.193543464 : f32
    %add3A_436 = vector.broadcast %add3A_435 : f32 to vector<12x128xf32>
    %add3A_437 = arith.addf %mul3A_434, %add3A_436 : vector<12x128xf32>
    %mul3A_438 = arith.mulf %add3A_437, %mul3A_423 : vector<12x128xf32>
    %sub3A_439 = arith.constant 0.332623482 : f32
    %sub3A_440 = vector.broadcast %sub3A_439 : f32 to vector<12x128xf32>
    %sub3A_441 = arith.subf %mul3A_438, %sub3A_440 : vector<12x128xf32>
    %mul3A_442 = arith.mulf %sub3A_441, %mul3A_423 : vector<12x128xf32>
    %add3A_443 = arith.constant 0.999977231 : f32
    %add3A_444 = vector.broadcast %add3A_443 : f32 to vector<12x128xf32>
    %add3A_445 = arith.addf %mul3A_442, %add3A_444 : vector<12x128xf32>
    %mul3A_446 = arith.mulf %select_n3A_422, %add3A_445 : vector<12x128xf32>
    %sub3A_447 = arith.constant 1.57079637 : f32
    %sub3A_448 = vector.broadcast %sub3A_447 : f32 to vector<12x128xf32>
    %sub3A_449 = arith.subf %sub3A_448, %mul3A_446 : vector<12x128xf32>
    %select_n3A_450 = arith.select %gt3A_415, %sub3A_449, %mul3A_446 : vector<12x128xi1>, vector<12x128xf32>
    %sub3A_451 = arith.subf %select_n3A_408, %select_n3A_450 : vector<12x128xf32>
    %mul3A_452 = arith.constant 0.405284733 : f32
    %mul3A_453 = vector.broadcast %mul3A_452 : f32 to vector<12x128xf32>
    %mul3A_454 = arith.mulf %mul3A_453, %sub3A_451 : vector<12x128xf32>
    %mul3A_455 = arith.mulf %mul3A_454, %sub3A_451 : vector<12x128xf32>
    %sub3A_456 = arith.subf %mul3A_455, %div3A_342 : vector<12x128xf32>
    %add3A_457 = arith.constant 1.00000012 : f32
    %add3A_458 = vector.broadcast %add3A_457 : f32 to vector<12x128xf32>
    %add3A_459 = arith.addf %sub3A_456, %add3A_458 : vector<12x128xf32>
    %div3A_460 = arith.divf %mul3A_455, %add3A_459 : vector<12x128xf32>
    %div3A_461 = arith.divf %mul3A_366, %add3A_354 : vector<12x128xf32>
    %mul3A_462 = arith.mulf %mul3A_455, %div3A_460 : vector<12x128xf32>
    %add3A_463 = arith.addf %div3A_461, %mul3A_462 : vector<12x128xf32>
    %sub3A_464 = arith.subf %div3A_342, %add3A_463 : vector<12x128xf32>
    %sub3A_465 = arith.constant 1.000000e+00 : f32
    %sub3A_466 = vector.broadcast %sub3A_465 : f32 to vector<12x128xf32>
    %sub3A_467 = arith.subf %sub3A_466, %sub3A_464 : vector<12x128xf32>
    %jit3A_468 = arith.constant 0.000000e+00 : f32
    %broadcast_in_dim3A_469 = vector.broadcast %jit3A_468 : f32 to vector<12x128xf32>
    %select_n3A_470 = arith.select %and3A_157, %sub3A_467, %broadcast_in_dim3A_469 : vector<12x128xi1>, vector<12x128xf32>
    %reduce_sum3A_471 = vector.shape_cast %select_n3A_470 : vector<12x128xf32> to vector<1x12x128xf32>
    %reduce_sum3A_472 = arith.constant dense<0.000000e+00> : vector<1xf32>
    %reduce_sum3A_473 = vector.multi_reduction <add>, %reduce_sum3A_471, %reduce_sum3A_472 [1, 2] : vector<1x12x128xf32> to vector<1xf32>
    %reduce_sum3A_474 = vector.shape_cast %reduce_sum3A_473 : vector<1xf32> to vector<1x1x1xf32>
    %reduce_sum3A_475 = vector.extract %reduce_sum3A_474[0, 0, 0] : f32 from vector<1x1x1xf32>
    %gt3A_476 = arith.constant 0.000000e+00 : f32
    %gt3A_477 = arith.cmpf ogt, %reduce_sum3A_189, %gt3A_476 : f32
    %div3A_478 = arith.divf %reduce_sum3A_475, %max3A_190 : f32
    %jit3A_479 = arith.constant 0.000000e+00 : f32
    %select_n3A_480 = arith.select %gt3A_477, %div3A_478, %jit3A_479 : f32
    %add3A_481 = arith.constant 0.000000e+00 : f32
    %add3A_482 = arith.addf %add3A_481, %select_n3A_480 : f32
    %get3A_483 = arith.constant 0 : index
    %get3A_484 = arith.constant 0 : index
    %get3A_485 = vector.load %arg7[%get3A_483, %get3A_484] : memref<12x128xi32, #tpu.memory_space<vmem>>, vector<12x128xi32>
    %eq3A_486 = arith.cmpi eq, %get3A_485, %add3A : vector<12x128xi32>
    %and3A_487 = arith.andi %and3A_157, %eq3A_486 : vector<12x128xi1>
    %max3A_488 = arith.constant 0.000000e+00 : f32
    %max3A_489 = vector.broadcast %max3A_488 : f32 to vector<12x128xf32>
    %max3A_490 = arith.maximumf %sub3A_464, %max3A_489 : vector<12x128xf32>
    %mul3A_491 = arith.mulf %get3A_215, %max3A_490 : vector<12x128xf32>
    %jit3A_492 = arith.constant 0.000000e+00 : f32
    %broadcast_in_dim3A_493 = vector.broadcast %jit3A_492 : f32 to vector<12x128xf32>
    %select_n3A_494 = arith.select %and3A_487, %mul3A_491, %broadcast_in_dim3A_493 : vector<12x128xi1>, vector<12x128xf32>
    %reduce_sum3A_495 = vector.shape_cast %select_n3A_494 : vector<12x128xf32> to vector<1x12x128xf32>
    %reduce_sum3A_496 = arith.constant dense<0.000000e+00> : vector<1xf32>
    %reduce_sum3A_497 = vector.multi_reduction <add>, %reduce_sum3A_495, %reduce_sum3A_496 [1, 2] : vector<1x12x128xf32> to vector<1xf32>
    %reduce_sum3A_498 = vector.shape_cast %reduce_sum3A_497 : vector<1xf32> to vector<1x1x1xf32>
    %reduce_sum3A_499 = vector.extract %reduce_sum3A_498[0, 0, 0] : f32 from vector<1x1x1xf32>
    %get3A_500 = arith.constant 0 : index
    %get3A_501 = arith.constant 0 : index
    %get3A_502 = arith.constant 0 : index
    %get3A_503 = vector.load %arg10[%get3A_500, %get3A_501, %get3A_502] : memref<1x2400x128xf32, #tpu.memory_space<vmem>>, vector<1x2400x128xf32>
    %get3A_504 = vector.shape_cast %get3A_503 : vector<1x2400x128xf32> to vector<2400x128xf32>
    %max3A_505 = arith.constant 0.000000e+00 : f32
    %max3A_506 = vector.broadcast %max3A_505 : f32 to vector<2400x128xf32>
    %max3A_507 = arith.maximumf %get3A_504, %max3A_506 : vector<2400x128xf32>
    %abs3A = math.absf %get3A_504 : vector<2400x128xf32>
    %neg3A_508 = arith.constant 0.000000e+00 : f32
    %neg3A_509 = vector.broadcast %neg3A_508 : f32 to vector<2400x128xf32>
    %neg3A_510 = arith.subf %neg3A_509, %abs3A : vector<2400x128xf32>
    %exp3A_511 = math.exp %neg3A_510 : vector<2400x128xf32>
    %add3A_512 = arith.constant 1.000000e+00 : f32
    %add3A_513 = vector.broadcast %add3A_512 : f32 to vector<2400x128xf32>
    %add3A_514 = arith.addf %add3A_513, %exp3A_511 : vector<2400x128xf32>
    %log3A = math.log %add3A_514 : vector<2400x128xf32>
    %add3A_515 = arith.addf %max3A_507, %log3A : vector<2400x128xf32>
    %reduce_sum3A_516 = vector.shape_cast %add3A_515 : vector<2400x128xf32> to vector<1x2400x128xf32>
    %reduce_sum3A_517 = arith.constant dense<0.000000e+00> : vector<1xf32>
    %reduce_sum3A_518 = vector.multi_reduction <add>, %reduce_sum3A_516, %reduce_sum3A_517 [1, 2] : vector<1x2400x128xf32> to vector<1xf32>
    %reduce_sum3A_519 = vector.shape_cast %reduce_sum3A_518 : vector<1xf32> to vector<1x1x1xf32>
    %reduce_sum3A_520 = vector.extract %reduce_sum3A_519[0, 0, 0] : f32 from vector<1x1x1xf32>
    %sub3A_521 = arith.subf %reduce_sum3A_520, %reduce_sum3A_499 : f32
    %div3A_522 = arith.constant 3.072000e+05 : f32
    %div3A_523 = arith.divf %sub3A_521, %div3A_522 : f32
    %add3A_524 = arith.constant 0.000000e+00 : f32
    %add3A_525 = arith.addf %add3A_524, %div3A_523 : f32
    %get3A_526 = arith.constant 0 : index
    %get3A_527 = arith.constant 0 : index
    %get3A_528 = vector.load %arg4[%get3A_526, %get3A_527] : memref<1536x80xf32, #tpu.memory_space<vmem>>, vector<1536x80xf32>
    %iota3A_529 = tpu.iota {dimensions = array<i32: 1>} : vector<1536x80xi32>
    %eq3A_530 = vector.broadcast %get3A_46 : vector<1536x1xi32> to vector<1536x80xi32>
    %eq3A_531 = arith.cmpi eq, %iota3A_529, %eq3A_530 : vector<1536x80xi32>
    %max3A_532 = arith.constant 0.000000e+00 : f32
    %max3A_533 = vector.broadcast %max3A_532 : f32 to vector<1536x80xf32>
    %max3A_534 = arith.maximumf %get3A_528, %max3A_533 : vector<1536x80xf32>
    %jit3A_535 = arith.constant 0.000000e+00 : f32
    %broadcast_in_dim3A_536 = vector.broadcast %jit3A_535 : f32 to vector<1536x80xf32>
    %select_n3A_537 = arith.select %eq3A_531, %get3A_528, %broadcast_in_dim3A_536 : vector<1536x80xi1>, vector<1536x80xf32>
    %sub3A_538 = arith.subf %max3A_534, %select_n3A_537 : vector<1536x80xf32>
    %abs3A_539 = math.absf %get3A_528 : vector<1536x80xf32>
    %neg3A_540 = arith.constant 0.000000e+00 : f32
    %neg3A_541 = vector.broadcast %neg3A_540 : f32 to vector<1536x80xf32>
    %neg3A_542 = arith.subf %neg3A_541, %abs3A_539 : vector<1536x80xf32>
    %exp3A_543 = math.exp %neg3A_542 : vector<1536x80xf32>
    %add3A_544 = arith.constant 1.000000e+00 : f32
    %add3A_545 = vector.broadcast %add3A_544 : f32 to vector<1536x80xf32>
    %add3A_546 = arith.addf %add3A_545, %exp3A_543 : vector<1536x80xf32>
    %log3A_547 = math.log %add3A_546 : vector<1536x80xf32>
    %add3A_548 = arith.addf %sub3A_538, %log3A_547 : vector<1536x80xf32>
    %jit3A_549 = arith.constant 0.000000e+00 : f32
    %broadcast_in_dim3A_550 = vector.shape_cast %and3A_181 : vector<1536x1xi1> to vector<1536x1xi1>
    %broadcast_in_dim3A_551 = vector.broadcast %broadcast_in_dim3A_550 : vector<1536x1xi1> to vector<1536x80xi1>
    %broadcast_in_dim3A_552 = vector.broadcast %jit3A_549 : f32 to vector<1536x80xf32>
    %select_n3A_553 = arith.select %broadcast_in_dim3A_551, %add3A_548, %broadcast_in_dim3A_552 : vector<1536x80xi1>, vector<1536x80xf32>
    %reduce_sum3A_554 = vector.shape_cast %select_n3A_553 : vector<1536x80xf32> to vector<1x1536x80xf32>
    %reduce_sum3A_555 = arith.constant dense<0.000000e+00> : vector<1xf32>
    %reduce_sum3A_556 = vector.multi_reduction <add>, %reduce_sum3A_554, %reduce_sum3A_555 [1, 2] : vector<1x1536x80xf32> to vector<1xf32>
    %reduce_sum3A_557 = vector.shape_cast %reduce_sum3A_556 : vector<1xf32> to vector<1x1x1xf32>
    %reduce_sum3A_558 = vector.extract %reduce_sum3A_557[0, 0, 0] : f32 from vector<1x1x1xf32>
    %gt3A_559 = arith.constant 0.000000e+00 : f32
    %gt3A_560 = arith.cmpf ogt, %reduce_sum3A_189, %gt3A_559 : f32
    %mul3A_561 = arith.constant 8.000000e+01 : f32
    %mul3A_562 = arith.mulf %max3A_190, %mul3A_561 : f32
    %div3A_563 = arith.divf %reduce_sum3A_558, %mul3A_562 : f32
    %jit3A_564 = arith.constant 0.000000e+00 : f32
    %select_n3A_565 = arith.select %gt3A_560, %div3A_563, %jit3A_564 : f32
    %add3A_566 = arith.constant 0.000000e+00 : f32
    %add3A_567 = arith.addf %add3A_566, %select_n3A_565 : f32
    %get3A_568 = arith.constant 1 : index
    %get3A_569 = arith.constant 0 : index
    %get3A_570 = arith.constant 0 : index
    %get3A_571 = memref.load %arg16[%get3A_568, %get3A_569, %get3A_570] : memref<3x3x2xf32, #tpu.memory_space<smem>>
    %get3A_572 = arith.constant 1 : index
    %get3A_573 = arith.constant 1 : index
    %get3A_574 = arith.constant 0 : index
    %get3A_575 = memref.load %arg16[%get3A_572, %get3A_573, %get3A_574] : memref<3x3x2xf32, #tpu.memory_space<smem>>
    %get3A_576 = arith.constant 1 : index
    %get3A_577 = arith.constant 2 : index
    %get3A_578 = arith.constant 0 : index
    %get3A_579 = memref.load %arg16[%get3A_576, %get3A_577, %get3A_578] : memref<3x3x2xf32, #tpu.memory_space<smem>>
    %eq3A_580 = arith.constant 0 : i32
    %eq3A_581 = vector.broadcast %eq3A_580 : i32 to vector<12x128xi32>
    %eq3A_582 = arith.cmpi eq, %shift_right_arithmetic3A_4, %eq3A_581 : vector<12x128xi32>
    %eq3A_583 = arith.constant 1 : i32
    %eq3A_584 = vector.broadcast %eq3A_583 : i32 to vector<12x128xi32>
    %eq3A_585 = arith.cmpi eq, %shift_right_arithmetic3A_4, %eq3A_584 : vector<12x128xi32>
    %broadcast_in_dim3A_586 = vector.broadcast %get3A_575 : f32 to vector<12x128xf32>
    %broadcast_in_dim3A_587 = vector.broadcast %get3A_579 : f32 to vector<12x128xf32>
    %select_n3A_588 = arith.select %eq3A_585, %broadcast_in_dim3A_586, %broadcast_in_dim3A_587 : vector<12x128xi1>, vector<12x128xf32>
    %broadcast_in_dim3A_589 = vector.broadcast %get3A_571 : f32 to vector<12x128xf32>
    %select_n3A_590 = arith.select %eq3A_582, %broadcast_in_dim3A_589, %select_n3A_588 : vector<12x128xi1>, vector<12x128xf32>
    %get3A_591 = arith.constant 1 : index
    %get3A_592 = arith.constant 0 : index
    %get3A_593 = arith.constant 1 : index
    %get3A_594 = memref.load %arg16[%get3A_591, %get3A_592, %get3A_593] : memref<3x3x2xf32, #tpu.memory_space<smem>>
    %get3A_595 = arith.constant 1 : index
    %get3A_596 = arith.constant 1 : index
    %get3A_597 = arith.constant 1 : index
    %get3A_598 = memref.load %arg16[%get3A_595, %get3A_596, %get3A_597] : memref<3x3x2xf32, #tpu.memory_space<smem>>
    %get3A_599 = arith.constant 1 : index
    %get3A_600 = arith.constant 2 : index
    %get3A_601 = arith.constant 1 : index
    %get3A_602 = memref.load %arg16[%get3A_599, %get3A_600, %get3A_601] : memref<3x3x2xf32, #tpu.memory_space<smem>>
    %eq3A_603 = arith.constant 0 : i32
    %eq3A_604 = vector.broadcast %eq3A_603 : i32 to vector<12x128xi32>
    %eq3A_605 = arith.cmpi eq, %shift_right_arithmetic3A_4, %eq3A_604 : vector<12x128xi32>
    %eq3A_606 = arith.constant 1 : i32
    %eq3A_607 = vector.broadcast %eq3A_606 : i32 to vector<12x128xi32>
    %eq3A_608 = arith.cmpi eq, %shift_right_arithmetic3A_4, %eq3A_607 : vector<12x128xi32>
    %broadcast_in_dim3A_609 = vector.broadcast %get3A_598 : f32 to vector<12x128xf32>
    %broadcast_in_dim3A_610 = vector.broadcast %get3A_602 : f32 to vector<12x128xf32>
    %select_n3A_611 = arith.select %eq3A_608, %broadcast_in_dim3A_609, %broadcast_in_dim3A_610 : vector<12x128xi1>, vector<12x128xf32>
    %broadcast_in_dim3A_612 = vector.broadcast %get3A_594 : f32 to vector<12x128xf32>
    %select_n3A_613 = arith.select %eq3A_605, %broadcast_in_dim3A_612, %select_n3A_611 : vector<12x128xi1>, vector<12x128xf32>
    %get3A_614 = arith.constant 1 : index
    %get3A_615 = arith.constant 0 : index
    %get3A_616 = arith.constant 0 : index
    %get3A_617 = memref.load %arg16[%get3A_614, %get3A_615, %get3A_616] : memref<3x3x2xf32, #tpu.memory_space<smem>>
    %get3A_618 = arith.constant 1 : index
    %get3A_619 = arith.constant 1 : index
    %get3A_620 = arith.constant 0 : index
    %get3A_621 = memref.load %arg16[%get3A_618, %get3A_619, %get3A_620] : memref<3x3x2xf32, #tpu.memory_space<smem>>
    %get3A_622 = arith.constant 1 : index
    %get3A_623 = arith.constant 2 : index
    %get3A_624 = arith.constant 0 : index
    %get3A_625 = memref.load %arg16[%get3A_622, %get3A_623, %get3A_624] : memref<3x3x2xf32, #tpu.memory_space<smem>>
    %eq3A_626 = arith.constant 0 : i32
    %eq3A_627 = vector.broadcast %eq3A_626 : i32 to vector<1536x1xi32>
    %eq3A_628 = arith.cmpi eq, %shift_right_arithmetic3A_12, %eq3A_627 : vector<1536x1xi32>
    %eq3A_629 = arith.constant 1 : i32
    %eq3A_630 = vector.broadcast %eq3A_629 : i32 to vector<1536x1xi32>
    %eq3A_631 = arith.cmpi eq, %shift_right_arithmetic3A_12, %eq3A_630 : vector<1536x1xi32>
    %broadcast_in_dim3A_632 = vector.broadcast %get3A_621 : f32 to vector<1536x1xf32>
    %broadcast_in_dim3A_633 = vector.broadcast %get3A_625 : f32 to vector<1536x1xf32>
    %select_n3A_634 = arith.select %eq3A_631, %broadcast_in_dim3A_632, %broadcast_in_dim3A_633 : vector<1536x1xi1>, vector<1536x1xf32>
    %broadcast_in_dim3A_635 = vector.broadcast %get3A_617 : f32 to vector<1536x1xf32>
    %select_n3A_636 = arith.select %eq3A_628, %broadcast_in_dim3A_635, %select_n3A_634 : vector<1536x1xi1>, vector<1536x1xf32>
    %get3A_637 = arith.constant 1 : index
    %get3A_638 = arith.constant 0 : index
    %get3A_639 = arith.constant 1 : index
    %get3A_640 = memref.load %arg16[%get3A_637, %get3A_638, %get3A_639] : memref<3x3x2xf32, #tpu.memory_space<smem>>
    %get3A_641 = arith.constant 1 : index
    %get3A_642 = arith.constant 1 : index
    %get3A_643 = arith.constant 1 : index
    %get3A_644 = memref.load %arg16[%get3A_641, %get3A_642, %get3A_643] : memref<3x3x2xf32, #tpu.memory_space<smem>>
    %get3A_645 = arith.constant 1 : index
    %get3A_646 = arith.constant 2 : index
    %get3A_647 = arith.constant 1 : index
    %get3A_648 = memref.load %arg16[%get3A_645, %get3A_646, %get3A_647] : memref<3x3x2xf32, #tpu.memory_space<smem>>
    %eq3A_649 = arith.constant 0 : i32
    %eq3A_650 = vector.broadcast %eq3A_649 : i32 to vector<1536x1xi32>
    %eq3A_651 = arith.cmpi eq, %shift_right_arithmetic3A_12, %eq3A_650 : vector<1536x1xi32>
    %eq3A_652 = arith.constant 1 : i32
    %eq3A_653 = vector.broadcast %eq3A_652 : i32 to vector<1536x1xi32>
    %eq3A_654 = arith.cmpi eq, %shift_right_arithmetic3A_12, %eq3A_653 : vector<1536x1xi32>
    %broadcast_in_dim3A_655 = vector.broadcast %get3A_644 : f32 to vector<1536x1xf32>
    %broadcast_in_dim3A_656 = vector.broadcast %get3A_648 : f32 to vector<1536x1xf32>
    %select_n3A_657 = arith.select %eq3A_654, %broadcast_in_dim3A_655, %broadcast_in_dim3A_656 : vector<1536x1xi1>, vector<1536x1xf32>
    %broadcast_in_dim3A_658 = vector.broadcast %get3A_640 : f32 to vector<1536x1xf32>
    %select_n3A_659 = arith.select %eq3A_651, %broadcast_in_dim3A_658, %select_n3A_657 : vector<1536x1xi1>, vector<1536x1xf32>
    %mul3A_660 = arith.constant 6.400000e+02 : f32
    %mul3A_661 = vector.broadcast %mul3A_660 : f32 to vector<12x128xf32>
    %mul3A_662 = arith.mulf %get3A_32, %mul3A_661 : vector<12x128xf32>
    %div3A_663 = arith.divf %mul3A_662, %select_n3A_590 : vector<12x128xf32>
    %mul3A_664 = arith.constant 6.400000e+02 : f32
    %mul3A_665 = vector.broadcast %mul3A_664 : f32 to vector<12x128xf32>
    %mul3A_666 = arith.mulf %get3A_37, %mul3A_665 : vector<12x128xf32>
    %div3A_667 = arith.divf %mul3A_666, %select_n3A_613 : vector<12x128xf32>
    %lt3A_668 = arith.constant 4.000000e+00 : f32
    %lt3A_669 = vector.broadcast %lt3A_668 : f32 to vector<12x128xf32>
    %lt3A_670 = arith.cmpf olt, %div3A_663, %lt3A_669 : vector<12x128xf32>
    %gt3A_671 = arith.constant 2.500000e-01 : f32
    %gt3A_672 = vector.broadcast %gt3A_671 : f32 to vector<12x128xf32>
    %gt3A_673 = arith.cmpf ogt, %div3A_663, %gt3A_672 : vector<12x128xf32>
    %and3A_674 = arith.andi %lt3A_670, %gt3A_673 : vector<12x128xi1>
    %lt3A_675 = arith.constant 4.000000e+00 : f32
    %lt3A_676 = vector.broadcast %lt3A_675 : f32 to vector<12x128xf32>
    %lt3A_677 = arith.cmpf olt, %div3A_667, %lt3A_676 : vector<12x128xf32>
    %and3A_678 = arith.andi %and3A_674, %lt3A_677 : vector<12x128xi1>
    %gt3A_679 = arith.constant 2.500000e-01 : f32
    %gt3A_680 = vector.broadcast %gt3A_679 : f32 to vector<12x128xf32>
    %gt3A_681 = arith.cmpf ogt, %div3A_667, %gt3A_680 : vector<12x128xf32>
    %and3A_682 = arith.andi %and3A_678, %gt3A_681 : vector<12x128xi1>
    %and3A_683 = arith.andi %and3A_682, %lt3A_8 : vector<12x128xi1>
    %mul3A_684 = arith.constant 6.400000e+02 : f32
    %mul3A_685 = vector.broadcast %mul3A_684 : f32 to vector<1536x1xf32>
    %mul3A_686 = arith.mulf %get3A_40, %mul3A_685 : vector<1536x1xf32>
    %div3A_687 = arith.divf %mul3A_686, %select_n3A_636 : vector<1536x1xf32>
    %mul3A_688 = arith.constant 6.400000e+02 : f32
    %mul3A_689 = vector.broadcast %mul3A_688 : f32 to vector<1536x1xf32>
    %mul3A_690 = arith.mulf %get3A_43, %mul3A_689 : vector<1536x1xf32>
    %div3A_691 = arith.divf %mul3A_690, %select_n3A_659 : vector<1536x1xf32>
    %lt3A_692 = arith.constant 4.000000e+00 : f32
    %lt3A_693 = vector.broadcast %lt3A_692 : f32 to vector<1536x1xf32>
    %lt3A_694 = arith.cmpf olt, %div3A_687, %lt3A_693 : vector<1536x1xf32>
    %gt3A_695 = arith.constant 2.500000e-01 : f32
    %gt3A_696 = vector.broadcast %gt3A_695 : f32 to vector<1536x1xf32>
    %gt3A_697 = arith.cmpf ogt, %div3A_687, %gt3A_696 : vector<1536x1xf32>
    %and3A_698 = arith.andi %lt3A_694, %gt3A_697 : vector<1536x1xi1>
    %lt3A_699 = arith.constant 4.000000e+00 : f32
    %lt3A_700 = vector.broadcast %lt3A_699 : f32 to vector<1536x1xf32>
    %lt3A_701 = arith.cmpf olt, %div3A_691, %lt3A_700 : vector<1536x1xf32>
    %and3A_702 = arith.andi %and3A_698, %lt3A_701 : vector<1536x1xi1>
    %gt3A_703 = arith.constant 2.500000e-01 : f32
    %gt3A_704 = vector.broadcast %gt3A_703 : f32 to vector<1536x1xf32>
    %gt3A_705 = arith.cmpf ogt, %div3A_691, %gt3A_704 : vector<1536x1xf32>
    %and3A_706 = arith.andi %and3A_702, %gt3A_705 : vector<1536x1xi1>
    %and3A_707 = arith.andi %and3A_706, %lt3A_18 : vector<1536x1xi1>
    %jit3A_708 = arith.constant 1.000000e+00 : f32
    %jit3A_709 = arith.constant 0.000000e+00 : f32
    %broadcast_in_dim3A_710 = vector.broadcast %jit3A_708 : f32 to vector<12x128xf32>
    %broadcast_in_dim3A_711 = vector.broadcast %jit3A_709 : f32 to vector<12x128xf32>
    %select_n3A_712 = arith.select %and3A_683, %broadcast_in_dim3A_710, %broadcast_in_dim3A_711 : vector<12x128xi1>, vector<12x128xf32>
    %reduce_sum3A_713 = vector.shape_cast %select_n3A_712 : vector<12x128xf32> to vector<1x12x128xf32>
    %reduce_sum3A_714 = arith.constant dense<0.000000e+00> : vector<1xf32>
    %reduce_sum3A_715 = vector.multi_reduction <add>, %reduce_sum3A_713, %reduce_sum3A_714 [1, 2] : vector<1x12x128xf32> to vector<1xf32>
    %reduce_sum3A_716 = vector.shape_cast %reduce_sum3A_715 : vector<1xf32> to vector<1x1x1xf32>
    %reduce_sum3A_717 = vector.extract %reduce_sum3A_716[0, 0, 0] : f32 from vector<1x1x1xf32>
    %max3A_718 = arith.constant 1.000000e+00 : f32
    %max3A_719 = arith.maximumf %reduce_sum3A_717, %max3A_718 : f32
    %get3A_720 = arith.constant 0 : index
    %get3A_721 = arith.constant 0 : index
    %get3A_722 = arith.constant 0 : index
    %get3A_723 = vector.load %arg2[%get3A_720, %get3A_721, %get3A_722] : memref<5x12x128xf32, #tpu.memory_space<vmem>>, vector<1x12x128xf32>
    %get3A_724 = vector.shape_cast %get3A_723 : vector<1x12x128xf32> to vector<12x128xf32>
    %get3A_725 = arith.constant 1 : index
    %get3A_726 = arith.constant 0 : index
    %get3A_727 = arith.constant 0 : index
    %get3A_728 = vector.load %arg2[%get3A_725, %get3A_726, %get3A_727] : memref<5x12x128xf32, #tpu.memory_space<vmem>>, vector<1x12x128xf32>
    %get3A_729 = vector.shape_cast %get3A_728 : vector<1x12x128xf32> to vector<12x128xf32>
    %get3A_730 = arith.constant 2 : index
    %get3A_731 = arith.constant 0 : index
    %get3A_732 = arith.constant 0 : index
    %get3A_733 = vector.load %arg2[%get3A_730, %get3A_731, %get3A_732] : memref<5x12x128xf32, #tpu.memory_space<vmem>>, vector<1x12x128xf32>
    %get3A_734 = vector.shape_cast %get3A_733 : vector<1x12x128xf32> to vector<12x128xf32>
    %get3A_735 = arith.constant 3 : index
    %get3A_736 = arith.constant 0 : index
    %get3A_737 = arith.constant 0 : index
    %get3A_738 = vector.load %arg2[%get3A_735, %get3A_736, %get3A_737] : memref<5x12x128xf32, #tpu.memory_space<vmem>>, vector<1x12x128xf32>
    %get3A_739 = vector.shape_cast %get3A_738 : vector<1x12x128xf32> to vector<12x128xf32>
    %get3A_740 = arith.constant 4 : index
    %get3A_741 = arith.constant 0 : index
    %get3A_742 = arith.constant 0 : index
    %get3A_743 = vector.load %arg2[%get3A_740, %get3A_741, %get3A_742] : memref<5x12x128xf32, #tpu.memory_space<vmem>>, vector<1x12x128xf32>
    %get3A_744 = vector.shape_cast %get3A_743 : vector<1x12x128xf32> to vector<12x128xf32>
    %neg3A_745 = arith.constant 0.000000e+00 : f32
    %neg3A_746 = vector.broadcast %neg3A_745 : f32 to vector<12x128xf32>
    %neg3A_747 = arith.subf %neg3A_746, %get3A_724 : vector<12x128xf32>
    %exp3A_748 = math.exp %neg3A_747 : vector<12x128xf32>
    %add3A_749 = arith.constant 1.000000e+00 : f32
    %add3A_750 = vector.broadcast %add3A_749 : f32 to vector<12x128xf32>
    %add3A_751 = arith.addf %add3A_750, %exp3A_748 : vector<12x128xf32>
    %div3A_752 = arith.constant 1.000000e+00 : f32
    %div3A_753 = vector.broadcast %div3A_752 : f32 to vector<12x128xf32>
    %div3A_754 = arith.divf %div3A_753, %add3A_751 : vector<12x128xf32>
    %neg3A_755 = arith.constant 0.000000e+00 : f32
    %neg3A_756 = vector.broadcast %neg3A_755 : f32 to vector<12x128xf32>
    %neg3A_757 = arith.subf %neg3A_756, %get3A_729 : vector<12x128xf32>
    %exp3A_758 = math.exp %neg3A_757 : vector<12x128xf32>
    %add3A_759 = arith.constant 1.000000e+00 : f32
    %add3A_760 = vector.broadcast %add3A_759 : f32 to vector<12x128xf32>
    %add3A_761 = arith.addf %add3A_760, %exp3A_758 : vector<12x128xf32>
    %div3A_762 = arith.constant 1.000000e+00 : f32
    %div3A_763 = vector.broadcast %div3A_762 : f32 to vector<12x128xf32>
    %div3A_764 = arith.divf %div3A_763, %add3A_761 : vector<12x128xf32>
    %neg3A_765 = arith.constant 0.000000e+00 : f32
    %neg3A_766 = vector.broadcast %neg3A_765 : f32 to vector<12x128xf32>
    %neg3A_767 = arith.subf %neg3A_766, %get3A_734 : vector<12x128xf32>
    %exp3A_768 = math.exp %neg3A_767 : vector<12x128xf32>
    %add3A_769 = arith.constant 1.000000e+00 : f32
    %add3A_770 = vector.broadcast %add3A_769 : f32 to vector<12x128xf32>
    %add3A_771 = arith.addf %add3A_770, %exp3A_768 : vector<12x128xf32>
    %div3A_772 = arith.constant 1.000000e+00 : f32
    %div3A_773 = vector.broadcast %div3A_772 : f32 to vector<12x128xf32>
    %div3A_774 = arith.divf %div3A_773, %add3A_771 : vector<12x128xf32>
    %neg3A_775 = arith.constant 0.000000e+00 : f32
    %neg3A_776 = vector.broadcast %neg3A_775 : f32 to vector<12x128xf32>
    %neg3A_777 = arith.subf %neg3A_776, %get3A_739 : vector<12x128xf32>
    %exp3A_778 = math.exp %neg3A_777 : vector<12x128xf32>
    %add3A_779 = arith.constant 1.000000e+00 : f32
    %add3A_780 = vector.broadcast %add3A_779 : f32 to vector<12x128xf32>
    %add3A_781 = arith.addf %add3A_780, %exp3A_778 : vector<12x128xf32>
    %div3A_782 = arith.constant 1.000000e+00 : f32
    %div3A_783 = vector.broadcast %div3A_782 : f32 to vector<12x128xf32>
    %div3A_784 = arith.divf %div3A_783, %add3A_781 : vector<12x128xf32>
    %mul3A_785 = arith.constant 2.000000e+00 : f32
    %mul3A_786 = vector.broadcast %mul3A_785 : f32 to vector<12x128xf32>
    %mul3A_787 = arith.mulf %div3A_754, %mul3A_786 : vector<12x128xf32>
    %sub3A_788 = arith.constant 5.000000e-01 : f32
    %sub3A_789 = vector.broadcast %sub3A_788 : f32 to vector<12x128xf32>
    %sub3A_790 = arith.subf %mul3A_787, %sub3A_789 : vector<12x128xf32>
    %mul3A_791 = arith.constant 2.000000e+00 : f32
    %mul3A_792 = vector.broadcast %mul3A_791 : f32 to vector<12x128xf32>
    %mul3A_793 = arith.mulf %div3A_764, %mul3A_792 : vector<12x128xf32>
    %sub3A_794 = arith.constant 5.000000e-01 : f32
    %sub3A_795 = vector.broadcast %sub3A_794 : f32 to vector<12x128xf32>
    %sub3A_796 = arith.subf %mul3A_793, %sub3A_795 : vector<12x128xf32>
    %mul3A_797 = arith.constant 2.000000e+00 : f32
    %mul3A_798 = vector.broadcast %mul3A_797 : f32 to vector<12x128xf32>
    %mul3A_799 = arith.mulf %div3A_774, %mul3A_798 : vector<12x128xf32>
    %integer_pow3A_800 = arith.mulf %mul3A_799, %mul3A_799 : vector<12x128xf32>
    %mul3A_801 = arith.mulf %integer_pow3A_800, %select_n3A_590 : vector<12x128xf32>
    %mul3A_802 = arith.constant 2.000000e+00 : f32
    %mul3A_803 = vector.broadcast %mul3A_802 : f32 to vector<12x128xf32>
    %mul3A_804 = arith.mulf %div3A_784, %mul3A_803 : vector<12x128xf32>
    %integer_pow3A_805 = arith.mulf %mul3A_804, %mul3A_804 : vector<12x128xf32>
    %mul3A_806 = arith.mulf %integer_pow3A_805, %select_n3A_613 : vector<12x128xf32>
    %mul3A_807 = arith.constant 4.000000e+01 : f32
    %mul3A_808 = vector.broadcast %mul3A_807 : f32 to vector<12x128xf32>
    %mul3A_809 = arith.mulf %get3A_22, %mul3A_808 : vector<12x128xf32>
    %mul3A_810 = arith.constant 4.000000e+01 : f32
    %mul3A_811 = vector.broadcast %mul3A_810 : f32 to vector<12x128xf32>
    %mul3A_812 = arith.mulf %get3A_27, %mul3A_811 : vector<12x128xf32>
    %convert_element_type3A_813 = arith.fptosi %mul3A_809 : vector<12x128xf32> to vector<12x128xi32>
    %convert_element_type3A_814 = arith.sitofp %convert_element_type3A_813 : vector<12x128xi32> to vector<12x128xf32>
    %sub3A_815 = arith.subf %mul3A_809, %convert_element_type3A_814 : vector<12x128xf32>
    %convert_element_type3A_816 = arith.fptosi %mul3A_812 : vector<12x128xf32> to vector<12x128xi32>
    %convert_element_type3A_817 = arith.sitofp %convert_element_type3A_816 : vector<12x128xi32> to vector<12x128xf32>
    %sub3A_818 = arith.subf %mul3A_812, %convert_element_type3A_817 : vector<12x128xf32>
    %mul3A_819 = arith.constant 4.000000e+01 : f32
    %mul3A_820 = vector.broadcast %mul3A_819 : f32 to vector<12x128xf32>
    %mul3A_821 = arith.mulf %get3A_32, %mul3A_820 : vector<12x128xf32>
    %mul3A_822 = arith.constant 4.000000e+01 : f32
    %mul3A_823 = vector.broadcast %mul3A_822 : f32 to vector<12x128xf32>
    %mul3A_824 = arith.mulf %get3A_37, %mul3A_823 : vector<12x128xf32>
    %mul3A_825 = arith.constant 5.000000e-01 : f32
    %mul3A_826 = vector.broadcast %mul3A_825 : f32 to vector<12x128xf32>
    %mul3A_827 = arith.mulf %mul3A_801, %mul3A_826 : vector<12x128xf32>
    %sub3A_828 = arith.subf %sub3A_790, %mul3A_827 : vector<12x128xf32>
    %mul3A_829 = arith.constant 5.000000e-01 : f32
    %mul3A_830 = vector.broadcast %mul3A_829 : f32 to vector<12x128xf32>
    %mul3A_831 = arith.mulf %mul3A_801, %mul3A_830 : vector<12x128xf32>
    %add3A_832 = arith.addf %sub3A_790, %mul3A_831 : vector<12x128xf32>
    %mul3A_833 = arith.constant 5.000000e-01 : f32
    %mul3A_834 = vector.broadcast %mul3A_833 : f32 to vector<12x128xf32>
    %mul3A_835 = arith.mulf %mul3A_806, %mul3A_834 : vector<12x128xf32>
    %sub3A_836 = arith.subf %sub3A_796, %mul3A_835 : vector<12x128xf32>
    %mul3A_837 = arith.constant 5.000000e-01 : f32
    %mul3A_838 = vector.broadcast %mul3A_837 : f32 to vector<12x128xf32>
    %mul3A_839 = arith.mulf %mul3A_806, %mul3A_838 : vector<12x128xf32>
    %add3A_840 = arith.addf %sub3A_796, %mul3A_839 : vector<12x128xf32>
    %mul3A_841 = arith.constant 5.000000e-01 : f32
    %mul3A_842 = vector.broadcast %mul3A_841 : f32 to vector<12x128xf32>
    %mul3A_843 = arith.mulf %mul3A_821, %mul3A_842 : vector<12x128xf32>
    %sub3A_844 = arith.subf %sub3A_815, %mul3A_843 : vector<12x128xf32>
    %mul3A_845 = arith.constant 5.000000e-01 : f32
    %mul3A_846 = vector.broadcast %mul3A_845 : f32 to vector<12x128xf32>
    %mul3A_847 = arith.mulf %mul3A_821, %mul3A_846 : vector<12x128xf32>
    %add3A_848 = arith.addf %sub3A_815, %mul3A_847 : vector<12x128xf32>
    %mul3A_849 = arith.constant 5.000000e-01 : f32
    %mul3A_850 = vector.broadcast %mul3A_849 : f32 to vector<12x128xf32>
    %mul3A_851 = arith.mulf %mul3A_824, %mul3A_850 : vector<12x128xf32>
    %sub3A_852 = arith.subf %sub3A_818, %mul3A_851 : vector<12x128xf32>
    %mul3A_853 = arith.constant 5.000000e-01 : f32
    %mul3A_854 = vector.broadcast %mul3A_853 : f32 to vector<12x128xf32>
    %mul3A_855 = arith.mulf %mul3A_824, %mul3A_854 : vector<12x128xf32>
    %add3A_856 = arith.addf %sub3A_818, %mul3A_855 : vector<12x128xf32>
    %min3A_857 = arith.minimumf %add3A_832, %add3A_848 : vector<12x128xf32>
    %max3A_858 = arith.maximumf %sub3A_828, %sub3A_844 : vector<12x128xf32>
    %sub3A_859 = arith.subf %min3A_857, %max3A_858 : vector<12x128xf32>
    %max3A_860 = arith.constant 0.000000e+00 : f32
    %max3A_861 = vector.broadcast %max3A_860 : f32 to vector<12x128xf32>
    %max3A_862 = arith.maximumf %sub3A_859, %max3A_861 : vector<12x128xf32>
    %min3A_863 = arith.minimumf %add3A_840, %add3A_856 : vector<12x128xf32>
    %max3A_864 = arith.maximumf %sub3A_836, %sub3A_852 : vector<12x128xf32>
    %sub3A_865 = arith.subf %min3A_863, %max3A_864 : vector<12x128xf32>
    %max3A_866 = arith.constant 0.000000e+00 : f32
    %max3A_867 = vector.broadcast %max3A_866 : f32 to vector<12x128xf32>
    %max3A_868 = arith.maximumf %sub3A_865, %max3A_867 : vector<12x128xf32>
    %mul3A_869 = arith.mulf %max3A_862, %max3A_868 : vector<12x128xf32>
    %mul3A_870 = arith.mulf %mul3A_801, %mul3A_806 : vector<12x128xf32>
    %mul3A_871 = arith.mulf %mul3A_821, %mul3A_824 : vector<12x128xf32>
    %add3A_872 = arith.addf %mul3A_870, %mul3A_871 : vector<12x128xf32>
    %sub3A_873 = arith.subf %add3A_872, %mul3A_869 : vector<12x128xf32>
    %add3A_874 = arith.constant 1.000000e-07 : f32
    %add3A_875 = vector.broadcast %add3A_874 : f32 to vector<12x128xf32>
    %add3A_876 = arith.addf %sub3A_873, %add3A_875 : vector<12x128xf32>
    %div3A_877 = arith.divf %mul3A_869, %add3A_876 : vector<12x128xf32>
    %max3A_878 = arith.maximumf %add3A_832, %add3A_848 : vector<12x128xf32>
    %min3A_879 = arith.minimumf %sub3A_828, %sub3A_844 : vector<12x128xf32>
    %sub3A_880 = arith.subf %max3A_878, %min3A_879 : vector<12x128xf32>
    %max3A_881 = arith.maximumf %add3A_840, %add3A_856 : vector<12x128xf32>
    %min3A_882 = arith.minimumf %sub3A_836, %sub3A_852 : vector<12x128xf32>
    %sub3A_883 = arith.subf %max3A_881, %min3A_882 : vector<12x128xf32>
    %mul3A_884 = arith.mulf %sub3A_880, %sub3A_880 : vector<12x128xf32>
    %mul3A_885 = arith.mulf %sub3A_883, %sub3A_883 : vector<12x128xf32>
    %add3A_886 = arith.addf %mul3A_884, %mul3A_885 : vector<12x128xf32>
    %add3A_887 = arith.constant 1.000000e-07 : f32
    %add3A_888 = vector.broadcast %add3A_887 : f32 to vector<12x128xf32>
    %add3A_889 = arith.addf %add3A_886, %add3A_888 : vector<12x128xf32>
    %add3A_890 = arith.addf %sub3A_844, %add3A_848 : vector<12x128xf32>
    %sub3A_891 = arith.subf %add3A_890, %sub3A_828 : vector<12x128xf32>
    %sub3A_892 = arith.subf %sub3A_891, %add3A_832 : vector<12x128xf32>
    %integer_pow3A_893 = arith.mulf %sub3A_892, %sub3A_892 : vector<12x128xf32>
    %add3A_894 = arith.addf %sub3A_852, %add3A_856 : vector<12x128xf32>
    %sub3A_895 = arith.subf %add3A_894, %sub3A_836 : vector<12x128xf32>
    %sub3A_896 = arith.subf %sub3A_895, %add3A_840 : vector<12x128xf32>
    %integer_pow3A_897 = arith.mulf %sub3A_896, %sub3A_896 : vector<12x128xf32>
    %add3A_898 = arith.addf %integer_pow3A_893, %integer_pow3A_897 : vector<12x128xf32>
    %mul3A_899 = arith.constant 2.500000e-01 : f32
    %mul3A_900 = vector.broadcast %mul3A_899 : f32 to vector<12x128xf32>
    %mul3A_901 = arith.mulf %add3A_898, %mul3A_900 : vector<12x128xf32>
    %add3A_902 = arith.constant 1.000000e-07 : f32
    %add3A_903 = vector.broadcast %add3A_902 : f32 to vector<12x128xf32>
    %add3A_904 = arith.addf %mul3A_824, %add3A_903 : vector<12x128xf32>
    %div3A_905 = arith.divf %mul3A_821, %add3A_904 : vector<12x128xf32>
    %gt3A_906 = arith.constant 1.000000e+00 : f32
    %gt3A_907 = vector.broadcast %gt3A_906 : f32 to vector<12x128xf32>
    %gt3A_908 = arith.cmpf ogt, %div3A_905, %gt3A_907 : vector<12x128xf32>
    %max3A_909 = arith.constant 1.000000e-30 : f32
    %max3A_910 = vector.broadcast %max3A_909 : f32 to vector<12x128xf32>
    %max3A_911 = arith.maximumf %div3A_905, %max3A_910 : vector<12x128xf32>
    %div3A_912 = arith.constant 1.000000e+00 : f32
    %div3A_913 = vector.broadcast %div3A_912 : f32 to vector<12x128xf32>
    %div3A_914 = arith.divf %div3A_913, %max3A_911 : vector<12x128xf32>
    %select_n3A_915 = arith.select %gt3A_908, %div3A_914, %div3A_905 : vector<12x128xi1>, vector<12x128xf32>
    %mul3A_916 = arith.mulf %select_n3A_915, %select_n3A_915 : vector<12x128xf32>
    %mul3A_917 = arith.constant -1.172120e-02 : f32
    %mul3A_918 = vector.broadcast %mul3A_917 : f32 to vector<12x128xf32>
    %mul3A_919 = arith.mulf %mul3A_918, %mul3A_916 : vector<12x128xf32>
    %add3A_920 = arith.constant 0.0526533201 : f32
    %add3A_921 = vector.broadcast %add3A_920 : f32 to vector<12x128xf32>
    %add3A_922 = arith.addf %mul3A_919, %add3A_921 : vector<12x128xf32>
    %mul3A_923 = arith.mulf %add3A_922, %mul3A_916 : vector<12x128xf32>
    %sub3A_924 = arith.constant 0.116432868 : f32
    %sub3A_925 = vector.broadcast %sub3A_924 : f32 to vector<12x128xf32>
    %sub3A_926 = arith.subf %mul3A_923, %sub3A_925 : vector<12x128xf32>
    %mul3A_927 = arith.mulf %sub3A_926, %mul3A_916 : vector<12x128xf32>
    %add3A_928 = arith.constant 0.193543464 : f32
    %add3A_929 = vector.broadcast %add3A_928 : f32 to vector<12x128xf32>
    %add3A_930 = arith.addf %mul3A_927, %add3A_929 : vector<12x128xf32>
    %mul3A_931 = arith.mulf %add3A_930, %mul3A_916 : vector<12x128xf32>
    %sub3A_932 = arith.constant 0.332623482 : f32
    %sub3A_933 = vector.broadcast %sub3A_932 : f32 to vector<12x128xf32>
    %sub3A_934 = arith.subf %mul3A_931, %sub3A_933 : vector<12x128xf32>
    %mul3A_935 = arith.mulf %sub3A_934, %mul3A_916 : vector<12x128xf32>
    %add3A_936 = arith.constant 0.999977231 : f32
    %add3A_937 = vector.broadcast %add3A_936 : f32 to vector<12x128xf32>
    %add3A_938 = arith.addf %mul3A_935, %add3A_937 : vector<12x128xf32>
    %mul3A_939 = arith.mulf %select_n3A_915, %add3A_938 : vector<12x128xf32>
    %sub3A_940 = arith.constant 1.57079637 : f32
    %sub3A_941 = vector.broadcast %sub3A_940 : f32 to vector<12x128xf32>
    %sub3A_942 = arith.subf %sub3A_941, %mul3A_939 : vector<12x128xf32>
    %select_n3A_943 = arith.select %gt3A_908, %sub3A_942, %mul3A_939 : vector<12x128xi1>, vector<12x128xf32>
    %add3A_944 = arith.constant 1.000000e-07 : f32
    %add3A_945 = vector.broadcast %add3A_944 : f32 to vector<12x128xf32>
    %add3A_946 = arith.addf %mul3A_806, %add3A_945 : vector<12x128xf32>
    %div3A_947 = arith.divf %mul3A_801, %add3A_946 : vector<12x128xf32>
    %gt3A_948 = arith.constant 1.000000e+00 : f32
    %gt3A_949 = vector.broadcast %gt3A_948 : f32 to vector<12x128xf32>
    %gt3A_950 = arith.cmpf ogt, %div3A_947, %gt3A_949 : vector<12x128xf32>
    %max3A_951 = arith.constant 1.000000e-30 : f32
    %max3A_952 = vector.broadcast %max3A_951 : f32 to vector<12x128xf32>
    %max3A_953 = arith.maximumf %div3A_947, %max3A_952 : vector<12x128xf32>
    %div3A_954 = arith.constant 1.000000e+00 : f32
    %div3A_955 = vector.broadcast %div3A_954 : f32 to vector<12x128xf32>
    %div3A_956 = arith.divf %div3A_955, %max3A_953 : vector<12x128xf32>
    %select_n3A_957 = arith.select %gt3A_950, %div3A_956, %div3A_947 : vector<12x128xi1>, vector<12x128xf32>
    %mul3A_958 = arith.mulf %select_n3A_957, %select_n3A_957 : vector<12x128xf32>
    %mul3A_959 = arith.constant -1.172120e-02 : f32
    %mul3A_960 = vector.broadcast %mul3A_959 : f32 to vector<12x128xf32>
    %mul3A_961 = arith.mulf %mul3A_960, %mul3A_958 : vector<12x128xf32>
    %add3A_962 = arith.constant 0.0526533201 : f32
    %add3A_963 = vector.broadcast %add3A_962 : f32 to vector<12x128xf32>
    %add3A_964 = arith.addf %mul3A_961, %add3A_963 : vector<12x128xf32>
    %mul3A_965 = arith.mulf %add3A_964, %mul3A_958 : vector<12x128xf32>
    %sub3A_966 = arith.constant 0.116432868 : f32
    %sub3A_967 = vector.broadcast %sub3A_966 : f32 to vector<12x128xf32>
    %sub3A_968 = arith.subf %mul3A_965, %sub3A_967 : vector<12x128xf32>
    %mul3A_969 = arith.mulf %sub3A_968, %mul3A_958 : vector<12x128xf32>
    %add3A_970 = arith.constant 0.193543464 : f32
    %add3A_971 = vector.broadcast %add3A_970 : f32 to vector<12x128xf32>
    %add3A_972 = arith.addf %mul3A_969, %add3A_971 : vector<12x128xf32>
    %mul3A_973 = arith.mulf %add3A_972, %mul3A_958 : vector<12x128xf32>
    %sub3A_974 = arith.constant 0.332623482 : f32
    %sub3A_975 = vector.broadcast %sub3A_974 : f32 to vector<12x128xf32>
    %sub3A_976 = arith.subf %mul3A_973, %sub3A_975 : vector<12x128xf32>
    %mul3A_977 = arith.mulf %sub3A_976, %mul3A_958 : vector<12x128xf32>
    %add3A_978 = arith.constant 0.999977231 : f32
    %add3A_979 = vector.broadcast %add3A_978 : f32 to vector<12x128xf32>
    %add3A_980 = arith.addf %mul3A_977, %add3A_979 : vector<12x128xf32>
    %mul3A_981 = arith.mulf %select_n3A_957, %add3A_980 : vector<12x128xf32>
    %sub3A_982 = arith.constant 1.57079637 : f32
    %sub3A_983 = vector.broadcast %sub3A_982 : f32 to vector<12x128xf32>
    %sub3A_984 = arith.subf %sub3A_983, %mul3A_981 : vector<12x128xf32>
    %select_n3A_985 = arith.select %gt3A_950, %sub3A_984, %mul3A_981 : vector<12x128xi1>, vector<12x128xf32>
    %sub3A_986 = arith.subf %select_n3A_943, %select_n3A_985 : vector<12x128xf32>
    %mul3A_987 = arith.constant 0.405284733 : f32
    %mul3A_988 = vector.broadcast %mul3A_987 : f32 to vector<12x128xf32>
    %mul3A_989 = arith.mulf %mul3A_988, %sub3A_986 : vector<12x128xf32>
    %mul3A_990 = arith.mulf %mul3A_989, %sub3A_986 : vector<12x128xf32>
    %sub3A_991 = arith.subf %mul3A_990, %div3A_877 : vector<12x128xf32>
    %add3A_992 = arith.constant 1.00000012 : f32
    %add3A_993 = vector.broadcast %add3A_992 : f32 to vector<12x128xf32>
    %add3A_994 = arith.addf %sub3A_991, %add3A_993 : vector<12x128xf32>
    %div3A_995 = arith.divf %mul3A_990, %add3A_994 : vector<12x128xf32>
    %div3A_996 = arith.divf %mul3A_901, %add3A_889 : vector<12x128xf32>
    %mul3A_997 = arith.mulf %mul3A_990, %div3A_995 : vector<12x128xf32>
    %add3A_998 = arith.addf %div3A_996, %mul3A_997 : vector<12x128xf32>
    %sub3A_999 = arith.subf %div3A_877, %add3A_998 : vector<12x128xf32>
    %sub3A_1000 = arith.constant 1.000000e+00 : f32
    %sub3A_1001 = vector.broadcast %sub3A_1000 : f32 to vector<12x128xf32>
    %sub3A_1002 = arith.subf %sub3A_1001, %sub3A_999 : vector<12x128xf32>
    %jit3A_1003 = arith.constant 0.000000e+00 : f32
    %broadcast_in_dim3A_1004 = vector.broadcast %jit3A_1003 : f32 to vector<12x128xf32>
    %select_n3A_1005 = arith.select %and3A_683, %sub3A_1002, %broadcast_in_dim3A_1004 : vector<12x128xi1>, vector<12x128xf32>
    %reduce_sum3A_1006 = vector.shape_cast %select_n3A_1005 : vector<12x128xf32> to vector<1x12x128xf32>
    %reduce_sum3A_1007 = arith.constant dense<0.000000e+00> : vector<1xf32>
    %reduce_sum3A_1008 = vector.multi_reduction <add>, %reduce_sum3A_1006, %reduce_sum3A_1007 [1, 2] : vector<1x12x128xf32> to vector<1xf32>
    %reduce_sum3A_1009 = vector.shape_cast %reduce_sum3A_1008 : vector<1xf32> to vector<1x1x1xf32>
    %reduce_sum3A_1010 = vector.extract %reduce_sum3A_1009[0, 0, 0] : f32 from vector<1x1x1xf32>
    %gt3A_1011 = arith.constant 0.000000e+00 : f32
    %gt3A_1012 = arith.cmpf ogt, %reduce_sum3A_717, %gt3A_1011 : f32
    %div3A_1013 = arith.divf %reduce_sum3A_1010, %max3A_719 : f32
    %jit3A_1014 = arith.constant 0.000000e+00 : f32
    %select_n3A_1015 = arith.select %gt3A_1012, %div3A_1013, %jit3A_1014 : f32
    %add3A_1016 = arith.addf %add3A_482, %select_n3A_1015 : f32
    %get3A_1017 = arith.constant 0 : index
    %get3A_1018 = arith.constant 0 : index
    %get3A_1019 = vector.load %arg8[%get3A_1017, %get3A_1018] : memref<12x128xi32, #tpu.memory_space<vmem>>, vector<12x128xi32>
    %eq3A_1020 = arith.cmpi eq, %get3A_1019, %add3A : vector<12x128xi32>
    %and3A_1021 = arith.andi %and3A_683, %eq3A_1020 : vector<12x128xi1>
    %max3A_1022 = arith.constant 0.000000e+00 : f32
    %max3A_1023 = vector.broadcast %max3A_1022 : f32 to vector<12x128xf32>
    %max3A_1024 = arith.maximumf %sub3A_999, %max3A_1023 : vector<12x128xf32>
    %mul3A_1025 = arith.mulf %get3A_744, %max3A_1024 : vector<12x128xf32>
    %jit3A_1026 = arith.constant 0.000000e+00 : f32
    %broadcast_in_dim3A_1027 = vector.broadcast %jit3A_1026 : f32 to vector<12x128xf32>
    %select_n3A_1028 = arith.select %and3A_1021, %mul3A_1025, %broadcast_in_dim3A_1027 : vector<12x128xi1>, vector<12x128xf32>
    %reduce_sum3A_1029 = vector.shape_cast %select_n3A_1028 : vector<12x128xf32> to vector<1x12x128xf32>
    %reduce_sum3A_1030 = arith.constant dense<0.000000e+00> : vector<1xf32>
    %reduce_sum3A_1031 = vector.multi_reduction <add>, %reduce_sum3A_1029, %reduce_sum3A_1030 [1, 2] : vector<1x12x128xf32> to vector<1xf32>
    %reduce_sum3A_1032 = vector.shape_cast %reduce_sum3A_1031 : vector<1xf32> to vector<1x1x1xf32>
    %reduce_sum3A_1033 = vector.extract %reduce_sum3A_1032[0, 0, 0] : f32 from vector<1x1x1xf32>
    %get3A_1034 = arith.constant 0 : index
    %get3A_1035 = arith.constant 0 : index
    %get3A_1036 = arith.constant 0 : index
    %get3A_1037 = vector.load %arg11[%get3A_1034, %get3A_1035, %get3A_1036] : memref<1x608x128xf32, #tpu.memory_space<vmem>>, vector<1x608x128xf32>
    %get3A_1038 = vector.shape_cast %get3A_1037 : vector<1x608x128xf32> to vector<608x128xf32>
    %max3A_1039 = arith.constant 0.000000e+00 : f32
    %max3A_1040 = vector.broadcast %max3A_1039 : f32 to vector<608x128xf32>
    %max3A_1041 = arith.maximumf %get3A_1038, %max3A_1040 : vector<608x128xf32>
    %abs3A_1042 = math.absf %get3A_1038 : vector<608x128xf32>
    %neg3A_1043 = arith.constant 0.000000e+00 : f32
    %neg3A_1044 = vector.broadcast %neg3A_1043 : f32 to vector<608x128xf32>
    %neg3A_1045 = arith.subf %neg3A_1044, %abs3A_1042 : vector<608x128xf32>
    %exp3A_1046 = math.exp %neg3A_1045 : vector<608x128xf32>
    %add3A_1047 = arith.constant 1.000000e+00 : f32
    %add3A_1048 = vector.broadcast %add3A_1047 : f32 to vector<608x128xf32>
    %add3A_1049 = arith.addf %add3A_1048, %exp3A_1046 : vector<608x128xf32>
    %log3A_1050 = math.log %add3A_1049 : vector<608x128xf32>
    %add3A_1051 = arith.addf %max3A_1041, %log3A_1050 : vector<608x128xf32>
    %iota3A_1052 = tpu.iota {dimensions = array<i32: 0>} : vector<608x128xi32>
    %ge3A = arith.constant 600 : i32
    %ge3A_1053 = vector.broadcast %ge3A : i32 to vector<608x128xi32>
    %ge3A_1054 = arith.cmpi sge, %iota3A_1052, %ge3A_1053 : vector<608x128xi32>
    %jit3A_1055 = arith.constant 0.000000e+00 : f32
    %broadcast_in_dim3A_1056 = vector.broadcast %jit3A_1055 : f32 to vector<608x128xf32>
    %select_n3A_1057 = arith.select %ge3A_1054, %broadcast_in_dim3A_1056, %add3A_1051 : vector<608x128xi1>, vector<608x128xf32>
    %reduce_sum3A_1058 = vector.shape_cast %select_n3A_1057 : vector<608x128xf32> to vector<1x608x128xf32>
    %reduce_sum3A_1059 = arith.constant dense<0.000000e+00> : vector<1xf32>
    %reduce_sum3A_1060 = vector.multi_reduction <add>, %reduce_sum3A_1058, %reduce_sum3A_1059 [1, 2] : vector<1x608x128xf32> to vector<1xf32>
    %reduce_sum3A_1061 = vector.shape_cast %reduce_sum3A_1060 : vector<1xf32> to vector<1x1x1xf32>
    %reduce_sum3A_1062 = vector.extract %reduce_sum3A_1061[0, 0, 0] : f32 from vector<1x1x1xf32>
    %sub3A_1063 = arith.subf %reduce_sum3A_1062, %reduce_sum3A_1033 : f32
    %div3A_1064 = arith.constant 7.680000e+04 : f32
    %div3A_1065 = arith.divf %sub3A_1063, %div3A_1064 : f32
    %add3A_1066 = arith.addf %add3A_525, %div3A_1065 : f32
    %get3A_1067 = arith.constant 0 : index
    %get3A_1068 = arith.constant 0 : index
    %get3A_1069 = vector.load %arg5[%get3A_1067, %get3A_1068] : memref<1536x80xf32, #tpu.memory_space<vmem>>, vector<1536x80xf32>
    %iota3A_1070 = tpu.iota {dimensions = array<i32: 1>} : vector<1536x80xi32>
    %eq3A_1071 = vector.broadcast %get3A_46 : vector<1536x1xi32> to vector<1536x80xi32>
    %eq3A_1072 = arith.cmpi eq, %iota3A_1070, %eq3A_1071 : vector<1536x80xi32>
    %max3A_1073 = arith.constant 0.000000e+00 : f32
    %max3A_1074 = vector.broadcast %max3A_1073 : f32 to vector<1536x80xf32>
    %max3A_1075 = arith.maximumf %get3A_1069, %max3A_1074 : vector<1536x80xf32>
    %jit3A_1076 = arith.constant 0.000000e+00 : f32
    %broadcast_in_dim3A_1077 = vector.broadcast %jit3A_1076 : f32 to vector<1536x80xf32>
    %select_n3A_1078 = arith.select %eq3A_1072, %get3A_1069, %broadcast_in_dim3A_1077 : vector<1536x80xi1>, vector<1536x80xf32>
    %sub3A_1079 = arith.subf %max3A_1075, %select_n3A_1078 : vector<1536x80xf32>
    %abs3A_1080 = math.absf %get3A_1069 : vector<1536x80xf32>
    %neg3A_1081 = arith.constant 0.000000e+00 : f32
    %neg3A_1082 = vector.broadcast %neg3A_1081 : f32 to vector<1536x80xf32>
    %neg3A_1083 = arith.subf %neg3A_1082, %abs3A_1080 : vector<1536x80xf32>
    %exp3A_1084 = math.exp %neg3A_1083 : vector<1536x80xf32>
    %add3A_1085 = arith.constant 1.000000e+00 : f32
    %add3A_1086 = vector.broadcast %add3A_1085 : f32 to vector<1536x80xf32>
    %add3A_1087 = arith.addf %add3A_1086, %exp3A_1084 : vector<1536x80xf32>
    %log3A_1088 = math.log %add3A_1087 : vector<1536x80xf32>
    %add3A_1089 = arith.addf %sub3A_1079, %log3A_1088 : vector<1536x80xf32>
    %jit3A_1090 = arith.constant 0.000000e+00 : f32
    %broadcast_in_dim3A_1091 = vector.shape_cast %and3A_707 : vector<1536x1xi1> to vector<1536x1xi1>
    %broadcast_in_dim3A_1092 = vector.broadcast %broadcast_in_dim3A_1091 : vector<1536x1xi1> to vector<1536x80xi1>
    %broadcast_in_dim3A_1093 = vector.broadcast %jit3A_1090 : f32 to vector<1536x80xf32>
    %select_n3A_1094 = arith.select %broadcast_in_dim3A_1092, %add3A_1089, %broadcast_in_dim3A_1093 : vector<1536x80xi1>, vector<1536x80xf32>
    %reduce_sum3A_1095 = vector.shape_cast %select_n3A_1094 : vector<1536x80xf32> to vector<1x1536x80xf32>
    %reduce_sum3A_1096 = arith.constant dense<0.000000e+00> : vector<1xf32>
    %reduce_sum3A_1097 = vector.multi_reduction <add>, %reduce_sum3A_1095, %reduce_sum3A_1096 [1, 2] : vector<1x1536x80xf32> to vector<1xf32>
    %reduce_sum3A_1098 = vector.shape_cast %reduce_sum3A_1097 : vector<1xf32> to vector<1x1x1xf32>
    %reduce_sum3A_1099 = vector.extract %reduce_sum3A_1098[0, 0, 0] : f32 from vector<1x1x1xf32>
    %gt3A_1100 = arith.constant 0.000000e+00 : f32
    %gt3A_1101 = arith.cmpf ogt, %reduce_sum3A_717, %gt3A_1100 : f32
    %mul3A_1102 = arith.constant 8.000000e+01 : f32
    %mul3A_1103 = arith.mulf %max3A_719, %mul3A_1102 : f32
    %div3A_1104 = arith.divf %reduce_sum3A_1099, %mul3A_1103 : f32
    %jit3A_1105 = arith.constant 0.000000e+00 : f32
    %select_n3A_1106 = arith.select %gt3A_1101, %div3A_1104, %jit3A_1105 : f32
    %add3A_1107 = arith.addf %add3A_567, %select_n3A_1106 : f32
    %get3A_1108 = arith.constant 2 : index
    %get3A_1109 = arith.constant 0 : index
    %get3A_1110 = arith.constant 0 : index
    %get3A_1111 = memref.load %arg16[%get3A_1108, %get3A_1109, %get3A_1110] : memref<3x3x2xf32, #tpu.memory_space<smem>>
    %get3A_1112 = arith.constant 2 : index
    %get3A_1113 = arith.constant 1 : index
    %get3A_1114 = arith.constant 0 : index
    %get3A_1115 = memref.load %arg16[%get3A_1112, %get3A_1113, %get3A_1114] : memref<3x3x2xf32, #tpu.memory_space<smem>>
    %get3A_1116 = arith.constant 2 : index
    %get3A_1117 = arith.constant 2 : index
    %get3A_1118 = arith.constant 0 : index
    %get3A_1119 = memref.load %arg16[%get3A_1116, %get3A_1117, %get3A_1118] : memref<3x3x2xf32, #tpu.memory_space<smem>>
    %eq3A_1120 = arith.constant 0 : i32
    %eq3A_1121 = vector.broadcast %eq3A_1120 : i32 to vector<12x128xi32>
    %eq3A_1122 = arith.cmpi eq, %shift_right_arithmetic3A_4, %eq3A_1121 : vector<12x128xi32>
    %eq3A_1123 = arith.constant 1 : i32
    %eq3A_1124 = vector.broadcast %eq3A_1123 : i32 to vector<12x128xi32>
    %eq3A_1125 = arith.cmpi eq, %shift_right_arithmetic3A_4, %eq3A_1124 : vector<12x128xi32>
    %broadcast_in_dim3A_1126 = vector.broadcast %get3A_1115 : f32 to vector<12x128xf32>
    %broadcast_in_dim3A_1127 = vector.broadcast %get3A_1119 : f32 to vector<12x128xf32>
    %select_n3A_1128 = arith.select %eq3A_1125, %broadcast_in_dim3A_1126, %broadcast_in_dim3A_1127 : vector<12x128xi1>, vector<12x128xf32>
    %broadcast_in_dim3A_1129 = vector.broadcast %get3A_1111 : f32 to vector<12x128xf32>
    %select_n3A_1130 = arith.select %eq3A_1122, %broadcast_in_dim3A_1129, %select_n3A_1128 : vector<12x128xi1>, vector<12x128xf32>
    %get3A_1131 = arith.constant 2 : index
    %get3A_1132 = arith.constant 0 : index
    %get3A_1133 = arith.constant 1 : index
    %get3A_1134 = memref.load %arg16[%get3A_1131, %get3A_1132, %get3A_1133] : memref<3x3x2xf32, #tpu.memory_space<smem>>
    %get3A_1135 = arith.constant 2 : index
    %get3A_1136 = arith.constant 1 : index
    %get3A_1137 = arith.constant 1 : index
    %get3A_1138 = memref.load %arg16[%get3A_1135, %get3A_1136, %get3A_1137] : memref<3x3x2xf32, #tpu.memory_space<smem>>
    %get3A_1139 = arith.constant 2 : index
    %get3A_1140 = arith.constant 2 : index
    %get3A_1141 = arith.constant 1 : index
    %get3A_1142 = memref.load %arg16[%get3A_1139, %get3A_1140, %get3A_1141] : memref<3x3x2xf32, #tpu.memory_space<smem>>
    %eq3A_1143 = arith.constant 0 : i32
    %eq3A_1144 = vector.broadcast %eq3A_1143 : i32 to vector<12x128xi32>
    %eq3A_1145 = arith.cmpi eq, %shift_right_arithmetic3A_4, %eq3A_1144 : vector<12x128xi32>
    %eq3A_1146 = arith.constant 1 : i32
    %eq3A_1147 = vector.broadcast %eq3A_1146 : i32 to vector<12x128xi32>
    %eq3A_1148 = arith.cmpi eq, %shift_right_arithmetic3A_4, %eq3A_1147 : vector<12x128xi32>
    %broadcast_in_dim3A_1149 = vector.broadcast %get3A_1138 : f32 to vector<12x128xf32>
    %broadcast_in_dim3A_1150 = vector.broadcast %get3A_1142 : f32 to vector<12x128xf32>
    %select_n3A_1151 = arith.select %eq3A_1148, %broadcast_in_dim3A_1149, %broadcast_in_dim3A_1150 : vector<12x128xi1>, vector<12x128xf32>
    %broadcast_in_dim3A_1152 = vector.broadcast %get3A_1134 : f32 to vector<12x128xf32>
    %select_n3A_1153 = arith.select %eq3A_1145, %broadcast_in_dim3A_1152, %select_n3A_1151 : vector<12x128xi1>, vector<12x128xf32>
    %get3A_1154 = arith.constant 2 : index
    %get3A_1155 = arith.constant 0 : index
    %get3A_1156 = arith.constant 0 : index
    %get3A_1157 = memref.load %arg16[%get3A_1154, %get3A_1155, %get3A_1156] : memref<3x3x2xf32, #tpu.memory_space<smem>>
    %get3A_1158 = arith.constant 2 : index
    %get3A_1159 = arith.constant 1 : index
    %get3A_1160 = arith.constant 0 : index
    %get3A_1161 = memref.load %arg16[%get3A_1158, %get3A_1159, %get3A_1160] : memref<3x3x2xf32, #tpu.memory_space<smem>>
    %get3A_1162 = arith.constant 2 : index
    %get3A_1163 = arith.constant 2 : index
    %get3A_1164 = arith.constant 0 : index
    %get3A_1165 = memref.load %arg16[%get3A_1162, %get3A_1163, %get3A_1164] : memref<3x3x2xf32, #tpu.memory_space<smem>>
    %eq3A_1166 = arith.constant 0 : i32
    %eq3A_1167 = vector.broadcast %eq3A_1166 : i32 to vector<1536x1xi32>
    %eq3A_1168 = arith.cmpi eq, %shift_right_arithmetic3A_12, %eq3A_1167 : vector<1536x1xi32>
    %eq3A_1169 = arith.constant 1 : i32
    %eq3A_1170 = vector.broadcast %eq3A_1169 : i32 to vector<1536x1xi32>
    %eq3A_1171 = arith.cmpi eq, %shift_right_arithmetic3A_12, %eq3A_1170 : vector<1536x1xi32>
    %broadcast_in_dim3A_1172 = vector.broadcast %get3A_1161 : f32 to vector<1536x1xf32>
    %broadcast_in_dim3A_1173 = vector.broadcast %get3A_1165 : f32 to vector<1536x1xf32>
    %select_n3A_1174 = arith.select %eq3A_1171, %broadcast_in_dim3A_1172, %broadcast_in_dim3A_1173 : vector<1536x1xi1>, vector<1536x1xf32>
    %broadcast_in_dim3A_1175 = vector.broadcast %get3A_1157 : f32 to vector<1536x1xf32>
    %select_n3A_1176 = arith.select %eq3A_1168, %broadcast_in_dim3A_1175, %select_n3A_1174 : vector<1536x1xi1>, vector<1536x1xf32>
    %get3A_1177 = arith.constant 2 : index
    %get3A_1178 = arith.constant 0 : index
    %get3A_1179 = arith.constant 1 : index
    %get3A_1180 = memref.load %arg16[%get3A_1177, %get3A_1178, %get3A_1179] : memref<3x3x2xf32, #tpu.memory_space<smem>>
    %get3A_1181 = arith.constant 2 : index
    %get3A_1182 = arith.constant 1 : index
    %get3A_1183 = arith.constant 1 : index
    %get3A_1184 = memref.load %arg16[%get3A_1181, %get3A_1182, %get3A_1183] : memref<3x3x2xf32, #tpu.memory_space<smem>>
    %get3A_1185 = arith.constant 2 : index
    %get3A_1186 = arith.constant 2 : index
    %get3A_1187 = arith.constant 1 : index
    %get3A_1188 = memref.load %arg16[%get3A_1185, %get3A_1186, %get3A_1187] : memref<3x3x2xf32, #tpu.memory_space<smem>>
    %eq3A_1189 = arith.constant 0 : i32
    %eq3A_1190 = vector.broadcast %eq3A_1189 : i32 to vector<1536x1xi32>
    %eq3A_1191 = arith.cmpi eq, %shift_right_arithmetic3A_12, %eq3A_1190 : vector<1536x1xi32>
    %eq3A_1192 = arith.constant 1 : i32
    %eq3A_1193 = vector.broadcast %eq3A_1192 : i32 to vector<1536x1xi32>
    %eq3A_1194 = arith.cmpi eq, %shift_right_arithmetic3A_12, %eq3A_1193 : vector<1536x1xi32>
    %broadcast_in_dim3A_1195 = vector.broadcast %get3A_1184 : f32 to vector<1536x1xf32>
    %broadcast_in_dim3A_1196 = vector.broadcast %get3A_1188 : f32 to vector<1536x1xf32>
    %select_n3A_1197 = arith.select %eq3A_1194, %broadcast_in_dim3A_1195, %broadcast_in_dim3A_1196 : vector<1536x1xi1>, vector<1536x1xf32>
    %broadcast_in_dim3A_1198 = vector.broadcast %get3A_1180 : f32 to vector<1536x1xf32>
    %select_n3A_1199 = arith.select %eq3A_1191, %broadcast_in_dim3A_1198, %select_n3A_1197 : vector<1536x1xi1>, vector<1536x1xf32>
    %mul3A_1200 = arith.constant 6.400000e+02 : f32
    %mul3A_1201 = vector.broadcast %mul3A_1200 : f32 to vector<12x128xf32>
    %mul3A_1202 = arith.mulf %get3A_32, %mul3A_1201 : vector<12x128xf32>
    %div3A_1203 = arith.divf %mul3A_1202, %select_n3A_1130 : vector<12x128xf32>
    %mul3A_1204 = arith.constant 6.400000e+02 : f32
    %mul3A_1205 = vector.broadcast %mul3A_1204 : f32 to vector<12x128xf32>
    %mul3A_1206 = arith.mulf %get3A_37, %mul3A_1205 : vector<12x128xf32>
    %div3A_1207 = arith.divf %mul3A_1206, %select_n3A_1153 : vector<12x128xf32>
    %lt3A_1208 = arith.constant 4.000000e+00 : f32
    %lt3A_1209 = vector.broadcast %lt3A_1208 : f32 to vector<12x128xf32>
    %lt3A_1210 = arith.cmpf olt, %div3A_1203, %lt3A_1209 : vector<12x128xf32>
    %gt3A_1211 = arith.constant 2.500000e-01 : f32
    %gt3A_1212 = vector.broadcast %gt3A_1211 : f32 to vector<12x128xf32>
    %gt3A_1213 = arith.cmpf ogt, %div3A_1203, %gt3A_1212 : vector<12x128xf32>
    %and3A_1214 = arith.andi %lt3A_1210, %gt3A_1213 : vector<12x128xi1>
    %lt3A_1215 = arith.constant 4.000000e+00 : f32
    %lt3A_1216 = vector.broadcast %lt3A_1215 : f32 to vector<12x128xf32>
    %lt3A_1217 = arith.cmpf olt, %div3A_1207, %lt3A_1216 : vector<12x128xf32>
    %and3A_1218 = arith.andi %and3A_1214, %lt3A_1217 : vector<12x128xi1>
    %gt3A_1219 = arith.constant 2.500000e-01 : f32
    %gt3A_1220 = vector.broadcast %gt3A_1219 : f32 to vector<12x128xf32>
    %gt3A_1221 = arith.cmpf ogt, %div3A_1207, %gt3A_1220 : vector<12x128xf32>
    %and3A_1222 = arith.andi %and3A_1218, %gt3A_1221 : vector<12x128xi1>
    %and3A_1223 = arith.andi %and3A_1222, %lt3A_8 : vector<12x128xi1>
    %mul3A_1224 = arith.constant 6.400000e+02 : f32
    %mul3A_1225 = vector.broadcast %mul3A_1224 : f32 to vector<1536x1xf32>
    %mul3A_1226 = arith.mulf %get3A_40, %mul3A_1225 : vector<1536x1xf32>
    %div3A_1227 = arith.divf %mul3A_1226, %select_n3A_1176 : vector<1536x1xf32>
    %mul3A_1228 = arith.constant 6.400000e+02 : f32
    %mul3A_1229 = vector.broadcast %mul3A_1228 : f32 to vector<1536x1xf32>
    %mul3A_1230 = arith.mulf %get3A_43, %mul3A_1229 : vector<1536x1xf32>
    %div3A_1231 = arith.divf %mul3A_1230, %select_n3A_1199 : vector<1536x1xf32>
    %lt3A_1232 = arith.constant 4.000000e+00 : f32
    %lt3A_1233 = vector.broadcast %lt3A_1232 : f32 to vector<1536x1xf32>
    %lt3A_1234 = arith.cmpf olt, %div3A_1227, %lt3A_1233 : vector<1536x1xf32>
    %gt3A_1235 = arith.constant 2.500000e-01 : f32
    %gt3A_1236 = vector.broadcast %gt3A_1235 : f32 to vector<1536x1xf32>
    %gt3A_1237 = arith.cmpf ogt, %div3A_1227, %gt3A_1236 : vector<1536x1xf32>
    %and3A_1238 = arith.andi %lt3A_1234, %gt3A_1237 : vector<1536x1xi1>
    %lt3A_1239 = arith.constant 4.000000e+00 : f32
    %lt3A_1240 = vector.broadcast %lt3A_1239 : f32 to vector<1536x1xf32>
    %lt3A_1241 = arith.cmpf olt, %div3A_1231, %lt3A_1240 : vector<1536x1xf32>
    %and3A_1242 = arith.andi %and3A_1238, %lt3A_1241 : vector<1536x1xi1>
    %gt3A_1243 = arith.constant 2.500000e-01 : f32
    %gt3A_1244 = vector.broadcast %gt3A_1243 : f32 to vector<1536x1xf32>
    %gt3A_1245 = arith.cmpf ogt, %div3A_1231, %gt3A_1244 : vector<1536x1xf32>
    %and3A_1246 = arith.andi %and3A_1242, %gt3A_1245 : vector<1536x1xi1>
    %and3A_1247 = arith.andi %and3A_1246, %lt3A_18 : vector<1536x1xi1>
    %jit3A_1248 = arith.constant 1.000000e+00 : f32
    %jit3A_1249 = arith.constant 0.000000e+00 : f32
    %broadcast_in_dim3A_1250 = vector.broadcast %jit3A_1248 : f32 to vector<12x128xf32>
    %broadcast_in_dim3A_1251 = vector.broadcast %jit3A_1249 : f32 to vector<12x128xf32>
    %select_n3A_1252 = arith.select %and3A_1223, %broadcast_in_dim3A_1250, %broadcast_in_dim3A_1251 : vector<12x128xi1>, vector<12x128xf32>
    %reduce_sum3A_1253 = vector.shape_cast %select_n3A_1252 : vector<12x128xf32> to vector<1x12x128xf32>
    %reduce_sum3A_1254 = arith.constant dense<0.000000e+00> : vector<1xf32>
    %reduce_sum3A_1255 = vector.multi_reduction <add>, %reduce_sum3A_1253, %reduce_sum3A_1254 [1, 2] : vector<1x12x128xf32> to vector<1xf32>
    %reduce_sum3A_1256 = vector.shape_cast %reduce_sum3A_1255 : vector<1xf32> to vector<1x1x1xf32>
    %reduce_sum3A_1257 = vector.extract %reduce_sum3A_1256[0, 0, 0] : f32 from vector<1x1x1xf32>
    %max3A_1258 = arith.constant 1.000000e+00 : f32
    %max3A_1259 = arith.maximumf %reduce_sum3A_1257, %max3A_1258 : f32
    %get3A_1260 = arith.constant 0 : index
    %get3A_1261 = arith.constant 0 : index
    %get3A_1262 = arith.constant 0 : index
    %get3A_1263 = vector.load %arg3[%get3A_1260, %get3A_1261, %get3A_1262] : memref<5x12x128xf32, #tpu.memory_space<vmem>>, vector<1x12x128xf32>
    %get3A_1264 = vector.shape_cast %get3A_1263 : vector<1x12x128xf32> to vector<12x128xf32>
    %get3A_1265 = arith.constant 1 : index
    %get3A_1266 = arith.constant 0 : index
    %get3A_1267 = arith.constant 0 : index
    %get3A_1268 = vector.load %arg3[%get3A_1265, %get3A_1266, %get3A_1267] : memref<5x12x128xf32, #tpu.memory_space<vmem>>, vector<1x12x128xf32>
    %get3A_1269 = vector.shape_cast %get3A_1268 : vector<1x12x128xf32> to vector<12x128xf32>
    %get3A_1270 = arith.constant 2 : index
    %get3A_1271 = arith.constant 0 : index
    %get3A_1272 = arith.constant 0 : index
    %get3A_1273 = vector.load %arg3[%get3A_1270, %get3A_1271, %get3A_1272] : memref<5x12x128xf32, #tpu.memory_space<vmem>>, vector<1x12x128xf32>
    %get3A_1274 = vector.shape_cast %get3A_1273 : vector<1x12x128xf32> to vector<12x128xf32>
    %get3A_1275 = arith.constant 3 : index
    %get3A_1276 = arith.constant 0 : index
    %get3A_1277 = arith.constant 0 : index
    %get3A_1278 = vector.load %arg3[%get3A_1275, %get3A_1276, %get3A_1277] : memref<5x12x128xf32, #tpu.memory_space<vmem>>, vector<1x12x128xf32>
    %get3A_1279 = vector.shape_cast %get3A_1278 : vector<1x12x128xf32> to vector<12x128xf32>
    %get3A_1280 = arith.constant 4 : index
    %get3A_1281 = arith.constant 0 : index
    %get3A_1282 = arith.constant 0 : index
    %get3A_1283 = vector.load %arg3[%get3A_1280, %get3A_1281, %get3A_1282] : memref<5x12x128xf32, #tpu.memory_space<vmem>>, vector<1x12x128xf32>
    %get3A_1284 = vector.shape_cast %get3A_1283 : vector<1x12x128xf32> to vector<12x128xf32>
    %neg3A_1285 = arith.constant 0.000000e+00 : f32
    %neg3A_1286 = vector.broadcast %neg3A_1285 : f32 to vector<12x128xf32>
    %neg3A_1287 = arith.subf %neg3A_1286, %get3A_1264 : vector<12x128xf32>
    %exp3A_1288 = math.exp %neg3A_1287 : vector<12x128xf32>
    %add3A_1289 = arith.constant 1.000000e+00 : f32
    %add3A_1290 = vector.broadcast %add3A_1289 : f32 to vector<12x128xf32>
    %add3A_1291 = arith.addf %add3A_1290, %exp3A_1288 : vector<12x128xf32>
    %div3A_1292 = arith.constant 1.000000e+00 : f32
    %div3A_1293 = vector.broadcast %div3A_1292 : f32 to vector<12x128xf32>
    %div3A_1294 = arith.divf %div3A_1293, %add3A_1291 : vector<12x128xf32>
    %neg3A_1295 = arith.constant 0.000000e+00 : f32
    %neg3A_1296 = vector.broadcast %neg3A_1295 : f32 to vector<12x128xf32>
    %neg3A_1297 = arith.subf %neg3A_1296, %get3A_1269 : vector<12x128xf32>
    %exp3A_1298 = math.exp %neg3A_1297 : vector<12x128xf32>
    %add3A_1299 = arith.constant 1.000000e+00 : f32
    %add3A_1300 = vector.broadcast %add3A_1299 : f32 to vector<12x128xf32>
    %add3A_1301 = arith.addf %add3A_1300, %exp3A_1298 : vector<12x128xf32>
    %div3A_1302 = arith.constant 1.000000e+00 : f32
    %div3A_1303 = vector.broadcast %div3A_1302 : f32 to vector<12x128xf32>
    %div3A_1304 = arith.divf %div3A_1303, %add3A_1301 : vector<12x128xf32>
    %neg3A_1305 = arith.constant 0.000000e+00 : f32
    %neg3A_1306 = vector.broadcast %neg3A_1305 : f32 to vector<12x128xf32>
    %neg3A_1307 = arith.subf %neg3A_1306, %get3A_1274 : vector<12x128xf32>
    %exp3A_1308 = math.exp %neg3A_1307 : vector<12x128xf32>
    %add3A_1309 = arith.constant 1.000000e+00 : f32
    %add3A_1310 = vector.broadcast %add3A_1309 : f32 to vector<12x128xf32>
    %add3A_1311 = arith.addf %add3A_1310, %exp3A_1308 : vector<12x128xf32>
    %div3A_1312 = arith.constant 1.000000e+00 : f32
    %div3A_1313 = vector.broadcast %div3A_1312 : f32 to vector<12x128xf32>
    %div3A_1314 = arith.divf %div3A_1313, %add3A_1311 : vector<12x128xf32>
    %neg3A_1315 = arith.constant 0.000000e+00 : f32
    %neg3A_1316 = vector.broadcast %neg3A_1315 : f32 to vector<12x128xf32>
    %neg3A_1317 = arith.subf %neg3A_1316, %get3A_1279 : vector<12x128xf32>
    %exp3A_1318 = math.exp %neg3A_1317 : vector<12x128xf32>
    %add3A_1319 = arith.constant 1.000000e+00 : f32
    %add3A_1320 = vector.broadcast %add3A_1319 : f32 to vector<12x128xf32>
    %add3A_1321 = arith.addf %add3A_1320, %exp3A_1318 : vector<12x128xf32>
    %div3A_1322 = arith.constant 1.000000e+00 : f32
    %div3A_1323 = vector.broadcast %div3A_1322 : f32 to vector<12x128xf32>
    %div3A_1324 = arith.divf %div3A_1323, %add3A_1321 : vector<12x128xf32>
    %mul3A_1325 = arith.constant 2.000000e+00 : f32
    %mul3A_1326 = vector.broadcast %mul3A_1325 : f32 to vector<12x128xf32>
    %mul3A_1327 = arith.mulf %div3A_1294, %mul3A_1326 : vector<12x128xf32>
    %sub3A_1328 = arith.constant 5.000000e-01 : f32
    %sub3A_1329 = vector.broadcast %sub3A_1328 : f32 to vector<12x128xf32>
    %sub3A_1330 = arith.subf %mul3A_1327, %sub3A_1329 : vector<12x128xf32>
    %mul3A_1331 = arith.constant 2.000000e+00 : f32
    %mul3A_1332 = vector.broadcast %mul3A_1331 : f32 to vector<12x128xf32>
    %mul3A_1333 = arith.mulf %div3A_1304, %mul3A_1332 : vector<12x128xf32>
    %sub3A_1334 = arith.constant 5.000000e-01 : f32
    %sub3A_1335 = vector.broadcast %sub3A_1334 : f32 to vector<12x128xf32>
    %sub3A_1336 = arith.subf %mul3A_1333, %sub3A_1335 : vector<12x128xf32>
    %mul3A_1337 = arith.constant 2.000000e+00 : f32
    %mul3A_1338 = vector.broadcast %mul3A_1337 : f32 to vector<12x128xf32>
    %mul3A_1339 = arith.mulf %div3A_1314, %mul3A_1338 : vector<12x128xf32>
    %integer_pow3A_1340 = arith.mulf %mul3A_1339, %mul3A_1339 : vector<12x128xf32>
    %mul3A_1341 = arith.mulf %integer_pow3A_1340, %select_n3A_1130 : vector<12x128xf32>
    %mul3A_1342 = arith.constant 2.000000e+00 : f32
    %mul3A_1343 = vector.broadcast %mul3A_1342 : f32 to vector<12x128xf32>
    %mul3A_1344 = arith.mulf %div3A_1324, %mul3A_1343 : vector<12x128xf32>
    %integer_pow3A_1345 = arith.mulf %mul3A_1344, %mul3A_1344 : vector<12x128xf32>
    %mul3A_1346 = arith.mulf %integer_pow3A_1345, %select_n3A_1153 : vector<12x128xf32>
    %mul3A_1347 = arith.constant 2.000000e+01 : f32
    %mul3A_1348 = vector.broadcast %mul3A_1347 : f32 to vector<12x128xf32>
    %mul3A_1349 = arith.mulf %get3A_22, %mul3A_1348 : vector<12x128xf32>
    %mul3A_1350 = arith.constant 2.000000e+01 : f32
    %mul3A_1351 = vector.broadcast %mul3A_1350 : f32 to vector<12x128xf32>
    %mul3A_1352 = arith.mulf %get3A_27, %mul3A_1351 : vector<12x128xf32>
    %convert_element_type3A_1353 = arith.fptosi %mul3A_1349 : vector<12x128xf32> to vector<12x128xi32>
    %convert_element_type3A_1354 = arith.sitofp %convert_element_type3A_1353 : vector<12x128xi32> to vector<12x128xf32>
    %sub3A_1355 = arith.subf %mul3A_1349, %convert_element_type3A_1354 : vector<12x128xf32>
    %convert_element_type3A_1356 = arith.fptosi %mul3A_1352 : vector<12x128xf32> to vector<12x128xi32>
    %convert_element_type3A_1357 = arith.sitofp %convert_element_type3A_1356 : vector<12x128xi32> to vector<12x128xf32>
    %sub3A_1358 = arith.subf %mul3A_1352, %convert_element_type3A_1357 : vector<12x128xf32>
    %mul3A_1359 = arith.constant 2.000000e+01 : f32
    %mul3A_1360 = vector.broadcast %mul3A_1359 : f32 to vector<12x128xf32>
    %mul3A_1361 = arith.mulf %get3A_32, %mul3A_1360 : vector<12x128xf32>
    %mul3A_1362 = arith.constant 2.000000e+01 : f32
    %mul3A_1363 = vector.broadcast %mul3A_1362 : f32 to vector<12x128xf32>
    %mul3A_1364 = arith.mulf %get3A_37, %mul3A_1363 : vector<12x128xf32>
    %mul3A_1365 = arith.constant 5.000000e-01 : f32
    %mul3A_1366 = vector.broadcast %mul3A_1365 : f32 to vector<12x128xf32>
    %mul3A_1367 = arith.mulf %mul3A_1341, %mul3A_1366 : vector<12x128xf32>
    %sub3A_1368 = arith.subf %sub3A_1330, %mul3A_1367 : vector<12x128xf32>
    %mul3A_1369 = arith.constant 5.000000e-01 : f32
    %mul3A_1370 = vector.broadcast %mul3A_1369 : f32 to vector<12x128xf32>
    %mul3A_1371 = arith.mulf %mul3A_1341, %mul3A_1370 : vector<12x128xf32>
    %add3A_1372 = arith.addf %sub3A_1330, %mul3A_1371 : vector<12x128xf32>
    %mul3A_1373 = arith.constant 5.000000e-01 : f32
    %mul3A_1374 = vector.broadcast %mul3A_1373 : f32 to vector<12x128xf32>
    %mul3A_1375 = arith.mulf %mul3A_1346, %mul3A_1374 : vector<12x128xf32>
    %sub3A_1376 = arith.subf %sub3A_1336, %mul3A_1375 : vector<12x128xf32>
    %mul3A_1377 = arith.constant 5.000000e-01 : f32
    %mul3A_1378 = vector.broadcast %mul3A_1377 : f32 to vector<12x128xf32>
    %mul3A_1379 = arith.mulf %mul3A_1346, %mul3A_1378 : vector<12x128xf32>
    %add3A_1380 = arith.addf %sub3A_1336, %mul3A_1379 : vector<12x128xf32>
    %mul3A_1381 = arith.constant 5.000000e-01 : f32
    %mul3A_1382 = vector.broadcast %mul3A_1381 : f32 to vector<12x128xf32>
    %mul3A_1383 = arith.mulf %mul3A_1361, %mul3A_1382 : vector<12x128xf32>
    %sub3A_1384 = arith.subf %sub3A_1355, %mul3A_1383 : vector<12x128xf32>
    %mul3A_1385 = arith.constant 5.000000e-01 : f32
    %mul3A_1386 = vector.broadcast %mul3A_1385 : f32 to vector<12x128xf32>
    %mul3A_1387 = arith.mulf %mul3A_1361, %mul3A_1386 : vector<12x128xf32>
    %add3A_1388 = arith.addf %sub3A_1355, %mul3A_1387 : vector<12x128xf32>
    %mul3A_1389 = arith.constant 5.000000e-01 : f32
    %mul3A_1390 = vector.broadcast %mul3A_1389 : f32 to vector<12x128xf32>
    %mul3A_1391 = arith.mulf %mul3A_1364, %mul3A_1390 : vector<12x128xf32>
    %sub3A_1392 = arith.subf %sub3A_1358, %mul3A_1391 : vector<12x128xf32>
    %mul3A_1393 = arith.constant 5.000000e-01 : f32
    %mul3A_1394 = vector.broadcast %mul3A_1393 : f32 to vector<12x128xf32>
    %mul3A_1395 = arith.mulf %mul3A_1364, %mul3A_1394 : vector<12x128xf32>
    %add3A_1396 = arith.addf %sub3A_1358, %mul3A_1395 : vector<12x128xf32>
    %min3A_1397 = arith.minimumf %add3A_1372, %add3A_1388 : vector<12x128xf32>
    %max3A_1398 = arith.maximumf %sub3A_1368, %sub3A_1384 : vector<12x128xf32>
    %sub3A_1399 = arith.subf %min3A_1397, %max3A_1398 : vector<12x128xf32>
    %max3A_1400 = arith.constant 0.000000e+00 : f32
    %max3A_1401 = vector.broadcast %max3A_1400 : f32 to vector<12x128xf32>
    %max3A_1402 = arith.maximumf %sub3A_1399, %max3A_1401 : vector<12x128xf32>
    %min3A_1403 = arith.minimumf %add3A_1380, %add3A_1396 : vector<12x128xf32>
    %max3A_1404 = arith.maximumf %sub3A_1376, %sub3A_1392 : vector<12x128xf32>
    %sub3A_1405 = arith.subf %min3A_1403, %max3A_1404 : vector<12x128xf32>
    %max3A_1406 = arith.constant 0.000000e+00 : f32
    %max3A_1407 = vector.broadcast %max3A_1406 : f32 to vector<12x128xf32>
    %max3A_1408 = arith.maximumf %sub3A_1405, %max3A_1407 : vector<12x128xf32>
    %mul3A_1409 = arith.mulf %max3A_1402, %max3A_1408 : vector<12x128xf32>
    %mul3A_1410 = arith.mulf %mul3A_1341, %mul3A_1346 : vector<12x128xf32>
    %mul3A_1411 = arith.mulf %mul3A_1361, %mul3A_1364 : vector<12x128xf32>
    %add3A_1412 = arith.addf %mul3A_1410, %mul3A_1411 : vector<12x128xf32>
    %sub3A_1413 = arith.subf %add3A_1412, %mul3A_1409 : vector<12x128xf32>
    %add3A_1414 = arith.constant 1.000000e-07 : f32
    %add3A_1415 = vector.broadcast %add3A_1414 : f32 to vector<12x128xf32>
    %add3A_1416 = arith.addf %sub3A_1413, %add3A_1415 : vector<12x128xf32>
    %div3A_1417 = arith.divf %mul3A_1409, %add3A_1416 : vector<12x128xf32>
    %max3A_1418 = arith.maximumf %add3A_1372, %add3A_1388 : vector<12x128xf32>
    %min3A_1419 = arith.minimumf %sub3A_1368, %sub3A_1384 : vector<12x128xf32>
    %sub3A_1420 = arith.subf %max3A_1418, %min3A_1419 : vector<12x128xf32>
    %max3A_1421 = arith.maximumf %add3A_1380, %add3A_1396 : vector<12x128xf32>
    %min3A_1422 = arith.minimumf %sub3A_1376, %sub3A_1392 : vector<12x128xf32>
    %sub3A_1423 = arith.subf %max3A_1421, %min3A_1422 : vector<12x128xf32>
    %mul3A_1424 = arith.mulf %sub3A_1420, %sub3A_1420 : vector<12x128xf32>
    %mul3A_1425 = arith.mulf %sub3A_1423, %sub3A_1423 : vector<12x128xf32>
    %add3A_1426 = arith.addf %mul3A_1424, %mul3A_1425 : vector<12x128xf32>
    %add3A_1427 = arith.constant 1.000000e-07 : f32
    %add3A_1428 = vector.broadcast %add3A_1427 : f32 to vector<12x128xf32>
    %add3A_1429 = arith.addf %add3A_1426, %add3A_1428 : vector<12x128xf32>
    %add3A_1430 = arith.addf %sub3A_1384, %add3A_1388 : vector<12x128xf32>
    %sub3A_1431 = arith.subf %add3A_1430, %sub3A_1368 : vector<12x128xf32>
    %sub3A_1432 = arith.subf %sub3A_1431, %add3A_1372 : vector<12x128xf32>
    %integer_pow3A_1433 = arith.mulf %sub3A_1432, %sub3A_1432 : vector<12x128xf32>
    %add3A_1434 = arith.addf %sub3A_1392, %add3A_1396 : vector<12x128xf32>
    %sub3A_1435 = arith.subf %add3A_1434, %sub3A_1376 : vector<12x128xf32>
    %sub3A_1436 = arith.subf %sub3A_1435, %add3A_1380 : vector<12x128xf32>
    %integer_pow3A_1437 = arith.mulf %sub3A_1436, %sub3A_1436 : vector<12x128xf32>
    %add3A_1438 = arith.addf %integer_pow3A_1433, %integer_pow3A_1437 : vector<12x128xf32>
    %mul3A_1439 = arith.constant 2.500000e-01 : f32
    %mul3A_1440 = vector.broadcast %mul3A_1439 : f32 to vector<12x128xf32>
    %mul3A_1441 = arith.mulf %add3A_1438, %mul3A_1440 : vector<12x128xf32>
    %add3A_1442 = arith.constant 1.000000e-07 : f32
    %add3A_1443 = vector.broadcast %add3A_1442 : f32 to vector<12x128xf32>
    %add3A_1444 = arith.addf %mul3A_1364, %add3A_1443 : vector<12x128xf32>
    %div3A_1445 = arith.divf %mul3A_1361, %add3A_1444 : vector<12x128xf32>
    %gt3A_1446 = arith.constant 1.000000e+00 : f32
    %gt3A_1447 = vector.broadcast %gt3A_1446 : f32 to vector<12x128xf32>
    %gt3A_1448 = arith.cmpf ogt, %div3A_1445, %gt3A_1447 : vector<12x128xf32>
    %max3A_1449 = arith.constant 1.000000e-30 : f32
    %max3A_1450 = vector.broadcast %max3A_1449 : f32 to vector<12x128xf32>
    %max3A_1451 = arith.maximumf %div3A_1445, %max3A_1450 : vector<12x128xf32>
    %div3A_1452 = arith.constant 1.000000e+00 : f32
    %div3A_1453 = vector.broadcast %div3A_1452 : f32 to vector<12x128xf32>
    %div3A_1454 = arith.divf %div3A_1453, %max3A_1451 : vector<12x128xf32>
    %select_n3A_1455 = arith.select %gt3A_1448, %div3A_1454, %div3A_1445 : vector<12x128xi1>, vector<12x128xf32>
    %mul3A_1456 = arith.mulf %select_n3A_1455, %select_n3A_1455 : vector<12x128xf32>
    %mul3A_1457 = arith.constant -1.172120e-02 : f32
    %mul3A_1458 = vector.broadcast %mul3A_1457 : f32 to vector<12x128xf32>
    %mul3A_1459 = arith.mulf %mul3A_1458, %mul3A_1456 : vector<12x128xf32>
    %add3A_1460 = arith.constant 0.0526533201 : f32
    %add3A_1461 = vector.broadcast %add3A_1460 : f32 to vector<12x128xf32>
    %add3A_1462 = arith.addf %mul3A_1459, %add3A_1461 : vector<12x128xf32>
    %mul3A_1463 = arith.mulf %add3A_1462, %mul3A_1456 : vector<12x128xf32>
    %sub3A_1464 = arith.constant 0.116432868 : f32
    %sub3A_1465 = vector.broadcast %sub3A_1464 : f32 to vector<12x128xf32>
    %sub3A_1466 = arith.subf %mul3A_1463, %sub3A_1465 : vector<12x128xf32>
    %mul3A_1467 = arith.mulf %sub3A_1466, %mul3A_1456 : vector<12x128xf32>
    %add3A_1468 = arith.constant 0.193543464 : f32
    %add3A_1469 = vector.broadcast %add3A_1468 : f32 to vector<12x128xf32>
    %add3A_1470 = arith.addf %mul3A_1467, %add3A_1469 : vector<12x128xf32>
    %mul3A_1471 = arith.mulf %add3A_1470, %mul3A_1456 : vector<12x128xf32>
    %sub3A_1472 = arith.constant 0.332623482 : f32
    %sub3A_1473 = vector.broadcast %sub3A_1472 : f32 to vector<12x128xf32>
    %sub3A_1474 = arith.subf %mul3A_1471, %sub3A_1473 : vector<12x128xf32>
    %mul3A_1475 = arith.mulf %sub3A_1474, %mul3A_1456 : vector<12x128xf32>
    %add3A_1476 = arith.constant 0.999977231 : f32
    %add3A_1477 = vector.broadcast %add3A_1476 : f32 to vector<12x128xf32>
    %add3A_1478 = arith.addf %mul3A_1475, %add3A_1477 : vector<12x128xf32>
    %mul3A_1479 = arith.mulf %select_n3A_1455, %add3A_1478 : vector<12x128xf32>
    %sub3A_1480 = arith.constant 1.57079637 : f32
    %sub3A_1481 = vector.broadcast %sub3A_1480 : f32 to vector<12x128xf32>
    %sub3A_1482 = arith.subf %sub3A_1481, %mul3A_1479 : vector<12x128xf32>
    %select_n3A_1483 = arith.select %gt3A_1448, %sub3A_1482, %mul3A_1479 : vector<12x128xi1>, vector<12x128xf32>
    %add3A_1484 = arith.constant 1.000000e-07 : f32
    %add3A_1485 = vector.broadcast %add3A_1484 : f32 to vector<12x128xf32>
    %add3A_1486 = arith.addf %mul3A_1346, %add3A_1485 : vector<12x128xf32>
    %div3A_1487 = arith.divf %mul3A_1341, %add3A_1486 : vector<12x128xf32>
    %gt3A_1488 = arith.constant 1.000000e+00 : f32
    %gt3A_1489 = vector.broadcast %gt3A_1488 : f32 to vector<12x128xf32>
    %gt3A_1490 = arith.cmpf ogt, %div3A_1487, %gt3A_1489 : vector<12x128xf32>
    %max3A_1491 = arith.constant 1.000000e-30 : f32
    %max3A_1492 = vector.broadcast %max3A_1491 : f32 to vector<12x128xf32>
    %max3A_1493 = arith.maximumf %div3A_1487, %max3A_1492 : vector<12x128xf32>
    %div3A_1494 = arith.constant 1.000000e+00 : f32
    %div3A_1495 = vector.broadcast %div3A_1494 : f32 to vector<12x128xf32>
    %div3A_1496 = arith.divf %div3A_1495, %max3A_1493 : vector<12x128xf32>
    %select_n3A_1497 = arith.select %gt3A_1490, %div3A_1496, %div3A_1487 : vector<12x128xi1>, vector<12x128xf32>
    %mul3A_1498 = arith.mulf %select_n3A_1497, %select_n3A_1497 : vector<12x128xf32>
    %mul3A_1499 = arith.constant -1.172120e-02 : f32
    %mul3A_1500 = vector.broadcast %mul3A_1499 : f32 to vector<12x128xf32>
    %mul3A_1501 = arith.mulf %mul3A_1500, %mul3A_1498 : vector<12x128xf32>
    %add3A_1502 = arith.constant 0.0526533201 : f32
    %add3A_1503 = vector.broadcast %add3A_1502 : f32 to vector<12x128xf32>
    %add3A_1504 = arith.addf %mul3A_1501, %add3A_1503 : vector<12x128xf32>
    %mul3A_1505 = arith.mulf %add3A_1504, %mul3A_1498 : vector<12x128xf32>
    %sub3A_1506 = arith.constant 0.116432868 : f32
    %sub3A_1507 = vector.broadcast %sub3A_1506 : f32 to vector<12x128xf32>
    %sub3A_1508 = arith.subf %mul3A_1505, %sub3A_1507 : vector<12x128xf32>
    %mul3A_1509 = arith.mulf %sub3A_1508, %mul3A_1498 : vector<12x128xf32>
    %add3A_1510 = arith.constant 0.193543464 : f32
    %add3A_1511 = vector.broadcast %add3A_1510 : f32 to vector<12x128xf32>
    %add3A_1512 = arith.addf %mul3A_1509, %add3A_1511 : vector<12x128xf32>
    %mul3A_1513 = arith.mulf %add3A_1512, %mul3A_1498 : vector<12x128xf32>
    %sub3A_1514 = arith.constant 0.332623482 : f32
    %sub3A_1515 = vector.broadcast %sub3A_1514 : f32 to vector<12x128xf32>
    %sub3A_1516 = arith.subf %mul3A_1513, %sub3A_1515 : vector<12x128xf32>
    %mul3A_1517 = arith.mulf %sub3A_1516, %mul3A_1498 : vector<12x128xf32>
    %add3A_1518 = arith.constant 0.999977231 : f32
    %add3A_1519 = vector.broadcast %add3A_1518 : f32 to vector<12x128xf32>
    %add3A_1520 = arith.addf %mul3A_1517, %add3A_1519 : vector<12x128xf32>
    %mul3A_1521 = arith.mulf %select_n3A_1497, %add3A_1520 : vector<12x128xf32>
    %sub3A_1522 = arith.constant 1.57079637 : f32
    %sub3A_1523 = vector.broadcast %sub3A_1522 : f32 to vector<12x128xf32>
    %sub3A_1524 = arith.subf %sub3A_1523, %mul3A_1521 : vector<12x128xf32>
    %select_n3A_1525 = arith.select %gt3A_1490, %sub3A_1524, %mul3A_1521 : vector<12x128xi1>, vector<12x128xf32>
    %sub3A_1526 = arith.subf %select_n3A_1483, %select_n3A_1525 : vector<12x128xf32>
    %mul3A_1527 = arith.constant 0.405284733 : f32
    %mul3A_1528 = vector.broadcast %mul3A_1527 : f32 to vector<12x128xf32>
    %mul3A_1529 = arith.mulf %mul3A_1528, %sub3A_1526 : vector<12x128xf32>
    %mul3A_1530 = arith.mulf %mul3A_1529, %sub3A_1526 : vector<12x128xf32>
    %sub3A_1531 = arith.subf %mul3A_1530, %div3A_1417 : vector<12x128xf32>
    %add3A_1532 = arith.constant 1.00000012 : f32
    %add3A_1533 = vector.broadcast %add3A_1532 : f32 to vector<12x128xf32>
    %add3A_1534 = arith.addf %sub3A_1531, %add3A_1533 : vector<12x128xf32>
    %div3A_1535 = arith.divf %mul3A_1530, %add3A_1534 : vector<12x128xf32>
    %div3A_1536 = arith.divf %mul3A_1441, %add3A_1429 : vector<12x128xf32>
    %mul3A_1537 = arith.mulf %mul3A_1530, %div3A_1535 : vector<12x128xf32>
    %add3A_1538 = arith.addf %div3A_1536, %mul3A_1537 : vector<12x128xf32>
    %sub3A_1539 = arith.subf %div3A_1417, %add3A_1538 : vector<12x128xf32>
    %sub3A_1540 = arith.constant 1.000000e+00 : f32
    %sub3A_1541 = vector.broadcast %sub3A_1540 : f32 to vector<12x128xf32>
    %sub3A_1542 = arith.subf %sub3A_1541, %sub3A_1539 : vector<12x128xf32>
    %jit3A_1543 = arith.constant 0.000000e+00 : f32
    %broadcast_in_dim3A_1544 = vector.broadcast %jit3A_1543 : f32 to vector<12x128xf32>
    %select_n3A_1545 = arith.select %and3A_1223, %sub3A_1542, %broadcast_in_dim3A_1544 : vector<12x128xi1>, vector<12x128xf32>
    %reduce_sum3A_1546 = vector.shape_cast %select_n3A_1545 : vector<12x128xf32> to vector<1x12x128xf32>
    %reduce_sum3A_1547 = arith.constant dense<0.000000e+00> : vector<1xf32>
    %reduce_sum3A_1548 = vector.multi_reduction <add>, %reduce_sum3A_1546, %reduce_sum3A_1547 [1, 2] : vector<1x12x128xf32> to vector<1xf32>
    %reduce_sum3A_1549 = vector.shape_cast %reduce_sum3A_1548 : vector<1xf32> to vector<1x1x1xf32>
    %reduce_sum3A_1550 = vector.extract %reduce_sum3A_1549[0, 0, 0] : f32 from vector<1x1x1xf32>
    %gt3A_1551 = arith.constant 0.000000e+00 : f32
    %gt3A_1552 = arith.cmpf ogt, %reduce_sum3A_1257, %gt3A_1551 : f32
    %div3A_1553 = arith.divf %reduce_sum3A_1550, %max3A_1259 : f32
    %jit3A_1554 = arith.constant 0.000000e+00 : f32
    %select_n3A_1555 = arith.select %gt3A_1552, %div3A_1553, %jit3A_1554 : f32
    %add3A_1556 = arith.addf %add3A_1016, %select_n3A_1555 : f32
    %get3A_1557 = arith.constant 0 : index
    %get3A_1558 = arith.constant 0 : index
    %get3A_1559 = vector.load %arg9[%get3A_1557, %get3A_1558] : memref<12x128xi32, #tpu.memory_space<vmem>>, vector<12x128xi32>
    %eq3A_1560 = arith.cmpi eq, %get3A_1559, %add3A : vector<12x128xi32>
    %and3A_1561 = arith.andi %and3A_1223, %eq3A_1560 : vector<12x128xi1>
    %max3A_1562 = arith.constant 0.000000e+00 : f32
    %max3A_1563 = vector.broadcast %max3A_1562 : f32 to vector<12x128xf32>
    %max3A_1564 = arith.maximumf %sub3A_1539, %max3A_1563 : vector<12x128xf32>
    %mul3A_1565 = arith.mulf %get3A_1284, %max3A_1564 : vector<12x128xf32>
    %jit3A_1566 = arith.constant 0.000000e+00 : f32
    %broadcast_in_dim3A_1567 = vector.broadcast %jit3A_1566 : f32 to vector<12x128xf32>
    %select_n3A_1568 = arith.select %and3A_1561, %mul3A_1565, %broadcast_in_dim3A_1567 : vector<12x128xi1>, vector<12x128xf32>
    %reduce_sum3A_1569 = vector.shape_cast %select_n3A_1568 : vector<12x128xf32> to vector<1x12x128xf32>
    %reduce_sum3A_1570 = arith.constant dense<0.000000e+00> : vector<1xf32>
    %reduce_sum3A_1571 = vector.multi_reduction <add>, %reduce_sum3A_1569, %reduce_sum3A_1570 [1, 2] : vector<1x12x128xf32> to vector<1xf32>
    %reduce_sum3A_1572 = vector.shape_cast %reduce_sum3A_1571 : vector<1xf32> to vector<1x1x1xf32>
    %reduce_sum3A_1573 = vector.extract %reduce_sum3A_1572[0, 0, 0] : f32 from vector<1x1x1xf32>
    %get3A_1574 = arith.constant 0 : index
    %get3A_1575 = arith.constant 0 : index
    %get3A_1576 = arith.constant 0 : index
    %get3A_1577 = vector.load %arg12[%get3A_1574, %get3A_1575, %get3A_1576] : memref<1x160x128xf32, #tpu.memory_space<vmem>>, vector<1x160x128xf32>
    %get3A_1578 = vector.shape_cast %get3A_1577 : vector<1x160x128xf32> to vector<160x128xf32>
    %max3A_1579 = arith.constant 0.000000e+00 : f32
    %max3A_1580 = vector.broadcast %max3A_1579 : f32 to vector<160x128xf32>
    %max3A_1581 = arith.maximumf %get3A_1578, %max3A_1580 : vector<160x128xf32>
    %abs3A_1582 = math.absf %get3A_1578 : vector<160x128xf32>
    %neg3A_1583 = arith.constant 0.000000e+00 : f32
    %neg3A_1584 = vector.broadcast %neg3A_1583 : f32 to vector<160x128xf32>
    %neg3A_1585 = arith.subf %neg3A_1584, %abs3A_1582 : vector<160x128xf32>
    %exp3A_1586 = math.exp %neg3A_1585 : vector<160x128xf32>
    %add3A_1587 = arith.constant 1.000000e+00 : f32
    %add3A_1588 = vector.broadcast %add3A_1587 : f32 to vector<160x128xf32>
    %add3A_1589 = arith.addf %add3A_1588, %exp3A_1586 : vector<160x128xf32>
    %log3A_1590 = math.log %add3A_1589 : vector<160x128xf32>
    %add3A_1591 = arith.addf %max3A_1581, %log3A_1590 : vector<160x128xf32>
    %iota3A_1592 = tpu.iota {dimensions = array<i32: 0>} : vector<160x128xi32>
    %ge3A_1593 = arith.constant 150 : i32
    %ge3A_1594 = vector.broadcast %ge3A_1593 : i32 to vector<160x128xi32>
    %ge3A_1595 = arith.cmpi sge, %iota3A_1592, %ge3A_1594 : vector<160x128xi32>
    %jit3A_1596 = arith.constant 0.000000e+00 : f32
    %broadcast_in_dim3A_1597 = vector.broadcast %jit3A_1596 : f32 to vector<160x128xf32>
    %select_n3A_1598 = arith.select %ge3A_1595, %broadcast_in_dim3A_1597, %add3A_1591 : vector<160x128xi1>, vector<160x128xf32>
    %reduce_sum3A_1599 = vector.shape_cast %select_n3A_1598 : vector<160x128xf32> to vector<1x160x128xf32>
    %reduce_sum3A_1600 = arith.constant dense<0.000000e+00> : vector<1xf32>
    %reduce_sum3A_1601 = vector.multi_reduction <add>, %reduce_sum3A_1599, %reduce_sum3A_1600 [1, 2] : vector<1x160x128xf32> to vector<1xf32>
    %reduce_sum3A_1602 = vector.shape_cast %reduce_sum3A_1601 : vector<1xf32> to vector<1x1x1xf32>
    %reduce_sum3A_1603 = vector.extract %reduce_sum3A_1602[0, 0, 0] : f32 from vector<1x1x1xf32>
    %sub3A_1604 = arith.subf %reduce_sum3A_1603, %reduce_sum3A_1573 : f32
    %div3A_1605 = arith.constant 1.920000e+04 : f32
    %div3A_1606 = arith.divf %sub3A_1604, %div3A_1605 : f32
    %add3A_1607 = arith.addf %add3A_1066, %div3A_1606 : f32
    %get3A_1608 = arith.constant 0 : index
    %get3A_1609 = arith.constant 0 : index
    %get3A_1610 = vector.load %arg6[%get3A_1608, %get3A_1609] : memref<1536x80xf32, #tpu.memory_space<vmem>>, vector<1536x80xf32>
    %iota3A_1611 = tpu.iota {dimensions = array<i32: 1>} : vector<1536x80xi32>
    %eq3A_1612 = vector.broadcast %get3A_46 : vector<1536x1xi32> to vector<1536x80xi32>
    %eq3A_1613 = arith.cmpi eq, %iota3A_1611, %eq3A_1612 : vector<1536x80xi32>
    %max3A_1614 = arith.constant 0.000000e+00 : f32
    %max3A_1615 = vector.broadcast %max3A_1614 : f32 to vector<1536x80xf32>
    %max3A_1616 = arith.maximumf %get3A_1610, %max3A_1615 : vector<1536x80xf32>
    %jit3A_1617 = arith.constant 0.000000e+00 : f32
    %broadcast_in_dim3A_1618 = vector.broadcast %jit3A_1617 : f32 to vector<1536x80xf32>
    %select_n3A_1619 = arith.select %eq3A_1613, %get3A_1610, %broadcast_in_dim3A_1618 : vector<1536x80xi1>, vector<1536x80xf32>
    %sub3A_1620 = arith.subf %max3A_1616, %select_n3A_1619 : vector<1536x80xf32>
    %abs3A_1621 = math.absf %get3A_1610 : vector<1536x80xf32>
    %neg3A_1622 = arith.constant 0.000000e+00 : f32
    %neg3A_1623 = vector.broadcast %neg3A_1622 : f32 to vector<1536x80xf32>
    %neg3A_1624 = arith.subf %neg3A_1623, %abs3A_1621 : vector<1536x80xf32>
    %exp3A_1625 = math.exp %neg3A_1624 : vector<1536x80xf32>
    %add3A_1626 = arith.constant 1.000000e+00 : f32
    %add3A_1627 = vector.broadcast %add3A_1626 : f32 to vector<1536x80xf32>
    %add3A_1628 = arith.addf %add3A_1627, %exp3A_1625 : vector<1536x80xf32>
    %log3A_1629 = math.log %add3A_1628 : vector<1536x80xf32>
    %add3A_1630 = arith.addf %sub3A_1620, %log3A_1629 : vector<1536x80xf32>
    %jit3A_1631 = arith.constant 0.000000e+00 : f32
    %broadcast_in_dim3A_1632 = vector.shape_cast %and3A_1247 : vector<1536x1xi1> to vector<1536x1xi1>
    %broadcast_in_dim3A_1633 = vector.broadcast %broadcast_in_dim3A_1632 : vector<1536x1xi1> to vector<1536x80xi1>
    %broadcast_in_dim3A_1634 = vector.broadcast %jit3A_1631 : f32 to vector<1536x80xf32>
    %select_n3A_1635 = arith.select %broadcast_in_dim3A_1633, %add3A_1630, %broadcast_in_dim3A_1634 : vector<1536x80xi1>, vector<1536x80xf32>
    %reduce_sum3A_1636 = vector.shape_cast %select_n3A_1635 : vector<1536x80xf32> to vector<1x1536x80xf32>
    %reduce_sum3A_1637 = arith.constant dense<0.000000e+00> : vector<1xf32>
    %reduce_sum3A_1638 = vector.multi_reduction <add>, %reduce_sum3A_1636, %reduce_sum3A_1637 [1, 2] : vector<1x1536x80xf32> to vector<1xf32>
    %reduce_sum3A_1639 = vector.shape_cast %reduce_sum3A_1638 : vector<1xf32> to vector<1x1x1xf32>
    %reduce_sum3A_1640 = vector.extract %reduce_sum3A_1639[0, 0, 0] : f32 from vector<1x1x1xf32>
    %gt3A_1641 = arith.constant 0.000000e+00 : f32
    %gt3A_1642 = arith.cmpf ogt, %reduce_sum3A_1257, %gt3A_1641 : f32
    %mul3A_1643 = arith.constant 8.000000e+01 : f32
    %mul3A_1644 = arith.mulf %max3A_1259, %mul3A_1643 : f32
    %div3A_1645 = arith.divf %reduce_sum3A_1640, %mul3A_1644 : f32
    %jit3A_1646 = arith.constant 0.000000e+00 : f32
    %select_n3A_1647 = arith.select %gt3A_1642, %div3A_1645, %jit3A_1646 : f32
    %add3A_1648 = arith.addf %add3A_1107, %select_n3A_1647 : f32
    %mul3A_1649 = arith.constant 8.000000e-01 : f32
    %mul3A_1650 = arith.mulf %add3A_1556, %mul3A_1649 : f32
    %broadcast_in_dim3A_1651 = vector.broadcast %mul3A_1650 : f32 to vector<1x1xf32>
    %swap3A = arith.constant 0 : index
    %swap3A_1652 = arith.constant 0 : index
    %swap3A_1653 = vector.load %arg17[%swap3A, %swap3A_1652] : memref<1x1xf32, #tpu.memory_space<vmem>>, vector<1x1xf32>
    tpu.vector_store %arg17[%swap3A, %swap3A_1652], %broadcast_in_dim3A_1651 {strides = array<i32>} : memref<1x1xf32, #tpu.memory_space<vmem>>, vector<1x1xf32>,
    %mul3A_1654 = arith.constant 8.000000e+00 : f32
    %mul3A_1655 = arith.mulf %add3A_1648, %mul3A_1654 : f32
    %broadcast_in_dim3A_1656 = vector.broadcast %mul3A_1655 : f32 to vector<1x1xf32>
    %swap3A_1657 = arith.constant 0 : index
    %swap3A_1658 = arith.constant 0 : index
    %swap3A_1659 = vector.load %arg18[%swap3A_1657, %swap3A_1658] : memref<1x1xf32, #tpu.memory_space<vmem>>, vector<1x1xf32>
    tpu.vector_store %arg18[%swap3A_1657, %swap3A_1658], %broadcast_in_dim3A_1656 {strides = array<i32>} : memref<1x1xf32, #tpu.memory_space<vmem>>, vector<1x1xf32>,
    %mul3A_1660 = arith.constant 5.000000e-02 : f32
    %mul3A_1661 = arith.mulf %add3A_1556, %mul3A_1660 : f32
    %mul3A_1662 = arith.constant 5.000000e-01 : f32
    %mul3A_1663 = arith.mulf %add3A_1648, %mul3A_1662 : f32
    %add3A_1664 = arith.addf %mul3A_1661, %mul3A_1663 : f32
    %add3A_1665 = arith.addf %add3A_1664, %add3A_1607 : f32
    %mul3A_1666 = arith.constant 1.600000e+01 : f32
    %mul3A_1667 = arith.mulf %add3A_1665, %mul3A_1666 : f32
    %broadcast_in_dim3A_1668 = vector.broadcast %mul3A_1667 : f32 to vector<1x1xf32>
    %swap3A_1669 = arith.constant 0 : index
    %swap3A_1670 = arith.constant 0 : index
    %swap3A_1671 = vector.load %arg19[%swap3A_1669, %swap3A_1670] : memref<1x1xf32, #tpu.memory_space<vmem>>, vector<1x1xf32>
    tpu.vector_store %arg19[%swap3A_1669, %swap3A_1670], %broadcast_in_dim3A_1668 {strides = array<i32>} : memref<1x1xf32, #tpu.memory_space<vmem>>, vector<1x1xf32>,
    return
  }
  func.func @transform_0(%arg0: i32) -> (i32, i32, i32) {
    %c0_i32 = arith.constant 0 : i32
    %c0_i32_0 = arith.constant 0 : i32
    %c0_i32_1 = arith.constant 0 : i32
    %c0_i32_2 = arith.constant 0 : i32
    return %c0_i32, %c0_i32_0, %c0_i32_1 : i32, i32, i32
  }
  func.func @transform_1(%arg0: i32) -> (i32, i32, i32) {
    %c0_i32 = arith.constant 0 : i32
    %c0_i32_0 = arith.constant 0 : i32
    %c0_i32_1 = arith.constant 0 : i32
    %c0_i32_2 = arith.constant 0 : i32
    return %c0_i32, %c0_i32_0, %c0_i32_1 : i32, i32, i32
  }
  func.func @transform_2(%arg0: i32) -> (i32, i32, i32) {
    %c0_i32 = arith.constant 0 : i32
    %c0_i32_0 = arith.constant 0 : i32
    %c0_i32_1 = arith.constant 0 : i32
    %c0_i32_2 = arith.constant 0 : i32
    return %c0_i32, %c0_i32_0, %c0_i32_1 : i32, i32, i32
  }
  func.func @transform_3(%arg0: i32) -> (i32, i32) {
    %c0_i32 = arith.constant 0 : i32
    %c0_i32_0 = arith.constant 0 : i32
    %c0_i32_1 = arith.constant 0 : i32
    return %c0_i32, %c0_i32_0 : i32, i32
  }
  func.func @transform_4(%arg0: i32) -> (i32, i32) {
    %c0_i32 = arith.constant 0 : i32
    %c0_i32_0 = arith.constant 0 : i32
    %c0_i32_1 = arith.constant 0 : i32
    return %c0_i32, %c0_i32_0 : i32, i32
  }
  func.func @transform_5(%arg0: i32) -> (i32, i32) {
    %c0_i32 = arith.constant 0 : i32
    %c0_i32_0 = arith.constant 0 : i32
    %c0_i32_1 = arith.constant 0 : i32
    return %c0_i32, %c0_i32_0 : i32, i32
  }
  func.func @transform_6(%arg0: i32) -> (i32, i32) {
    %c0_i32 = arith.constant 0 : i32
    %c0_i32_0 = arith.constant 0 : i32
    %c0_i32_1 = arith.constant 0 : i32
    return %c0_i32, %c0_i32_0 : i32, i32
  }
  func.func @transform_7(%arg0: i32) -> (i32, i32) {
    %c0_i32 = arith.constant 0 : i32
    %c0_i32_0 = arith.constant 0 : i32
    %c0_i32_1 = arith.constant 0 : i32
    return %c0_i32, %c0_i32_0 : i32, i32
  }
  func.func @transform_8(%arg0: i32) -> (i32, i32) {
    %c0_i32 = arith.constant 0 : i32
    %c0_i32_0 = arith.constant 0 : i32
    %c0_i32_1 = arith.constant 0 : i32
    return %c0_i32, %c0_i32_0 : i32, i32
  }
  func.func @transform_9(%arg0: i32) -> (i32, i32, i32) {
    %c4_i32 = arith.constant 4 : i32
    %c0_i32 = arith.constant 0 : i32
    %c0_i32_0 = arith.constant 0 : i32
    %c0_i32_1 = arith.constant 0 : i32
    return %c4_i32, %c0_i32, %c0_i32_0 : i32, i32, i32
  }
  func.func @transform_10(%arg0: i32) -> (i32, i32, i32) {
    %c4_i32 = arith.constant 4 : i32
    %c0_i32 = arith.constant 0 : i32
    %c0_i32_0 = arith.constant 0 : i32
    %c0_i32_1 = arith.constant 0 : i32
    return %c4_i32, %c0_i32, %c0_i32_0 : i32, i32, i32
  }
  func.func @transform_11(%arg0: i32) -> (i32, i32, i32) {
    %c4_i32 = arith.constant 4 : i32
    %c0_i32 = arith.constant 0 : i32
    %c0_i32_0 = arith.constant 0 : i32
    %c0_i32_1 = arith.constant 0 : i32
    return %c4_i32, %c0_i32, %c0_i32_0 : i32, i32, i32
  }
  func.func @transform_12(%arg0: i32) -> (i32, i32, i32) {
    %c0_i32 = arith.constant 0 : i32
    %c0_i32_0 = arith.constant 0 : i32
    %c0_i32_1 = arith.constant 0 : i32
    %c0_i32_2 = arith.constant 0 : i32
    return %c0_i32, %c0_i32_0, %c0_i32_1 : i32, i32, i32
  }
  func.func @transform_13(%arg0: i32) -> (i32, i32) {
    %c0_i32 = arith.constant 0 : i32
    %c0_i32_0 = arith.constant 0 : i32
    %c0_i32_1 = arith.constant 0 : i32
    return %c0_i32, %c0_i32_0 : i32, i32
  }
  func.func @transform_14(%arg0: i32) -> (i32, i32) {
    %c0_i32 = arith.constant 0 : i32
    %c0_i32_0 = arith.constant 0 : i32
    %c0_i32_1 = arith.constant 0 : i32
    return %c0_i32, %c0_i32_0 : i32, i32
  }
  func.func @transform_15(%arg0: i32) -> (i32, i32, i32) {
    %c0_i32 = arith.constant 0 : i32
    %c0_i32_0 = arith.constant 0 : i32
    %c0_i32_1 = arith.constant 0 : i32
    %c0_i32_2 = arith.constant 0 : i32
    return %c0_i32, %c0_i32_0, %c0_i32_1 : i32, i32, i32
  }
  func.func @transform_16(%arg0: i32) -> (i32, i32) {
    %c0_i32 = arith.constant 0 : i32
    %c0_i32_0 = arith.constant 0 : i32
    %c0_i32_1 = arith.constant 0 : i32
    return %c0_i32, %c0_i32_0 : i32, i32
  }
  func.func @transform_17(%arg0: i32) -> (i32, i32) {
    %c0_i32 = arith.constant 0 : i32
    %c0_i32_0 = arith.constant 0 : i32
    %c0_i32_1 = arith.constant 0 : i32
    return %c0_i32, %c0_i32_0 : i32, i32
  }
  func.func @transform_18(%arg0: i32) -> (i32, i32) {
    %c0_i32 = arith.constant 0 : i32
    %c0_i32_0 = arith.constant 0 : i32
    %c0_i32_1 = arith.constant 0 : i32
    return %c0_i32, %c0_i32_0 : i32, i32
  }
}

</mosaic_0001>

<sc_bundles>
// kernel: kernel.12.cloned.1.call-start
scs
__scs_entry_jumppad:
0x0: {  	(pc) =	sbr.rel $0x88, $3  }
0x1: {  	(tag) =	ssettag $0x0;
	lr =	simm.s32 $0x1  }
0x2: {  	[smem:$0x3F9A] =	sst lr;
	_ =	strace $0xD0000000  }
0x3: {  	_ = 	snop  }
0x4: {  	_ = 	snop  }
0x5: {  	_ = 	snop  }
0x6: {  	_ = 	snop  }
0x7: {  	_ = 	snop  }
__scs_overlays_trampoline_lowered:
0x8: {  	[smem:$0x3FA9] =	sst s0  }
0x9: {  	[smem:$0x3FAA] =	sst s1  }
0xa: {  	[smem:$0x3FAB] =	sst s2  }
0xb: {  	[smem:$0x3FAC] =	sst s3  }
0xc: {  	[smem:$0x3FAD] =	sst s4  }
0xd: {  	[smem:$0x3FAE] =	sst s5  }
0xe: {  	[smem:$0x3FAF] =	sst s6  }
0xf: {  	[smem:$0x3FB0] =	sst s7  }
0x10: {  	[smem:$0x3FB1] =	sst s8  }
0x11: {  	[smem:$0x3FB2] =	sst s9;
	s0 =	simm.s32 @!p0 $0x0  }
0x12: {  	s1 =	sld [smem:$0x3F98];
	s0 =	simm.s32 @p0 $0x1  }
0x13: {  	[smem:$0x3FB3] =	sst s0;
	s0 =	simm.s32 @!p1 $0x0  }
0x14: {  	s2 =	sld [smem:$0x3F97];
	s0 =	simm.s32 @p1 $0x1  }
0x15: {  	[smem:$0x3FB4] =	sst s0;
	s0 =	simm.s32 @!p2 $0x0  }
0x16: {  	s3 =	sld [smem:$0x3FDB];
	s0 =	simm.s32 @p2 $0x1  }
0x17: {  	s4 =	simm.s32 $0x1BF5;
	[smem:$0x3FB6] =	sst s0  }
0x18: {  	s0 =	sld [smem:$0x3F99];
	_ =	swait.ge [sflag:s4], $0x0  }
0x19: {  	s7 =	sld [smem:$0x3F9A]  }
0x1a: {  	s8 =	sadd.s32 $0xFFFFE003, lr  }
0x1b: {  	s9 =	sadd.s32 $0xFFFFFEF7, lr;
	s5 =	simm.s32 $0xFFFFFFFF;
	p2 =	slt.u32 s8, $0xFFFFF086  }
0x1c: {  	p1 =	slt.u32 s9, $0xF7A;
	s5 =	simm.s32 @!p2 $0x0  }
0x1d: {  	s5 =	simm.s32 @p1 $0x1;
	p0 =	seq.s32 s7, s2  }
0x1e: {  	s7 =	smul.u32 @!p0 $0xF7A, s2;
	p2 =	seq.s32 @!p0 s5, $0x0  }
0x1f: {  	s9 =	smul.u32 $0xF7A, s1;
	s8 =	simm.s32 @!p0 $0x1BF5;
	p2 =	por !p2, p0  }
0x20: {  	[sflag:s8] =	ssyncset.s32 @!p0 $0xFFFFF086;
	s6 =	sadd.s32 @!p0 s3, s7;
	s7 =	simm.s32 @!p0 $0x108  }
0x21: {  	s3 =	sadd.s32 s3, s9;
	s6 =	sadd.s32 @!p0 $0x88, s6;
	s7 =	simm.s32 @p2 $0x1082  }
0x22: {  	[simem:s7], [sflag:s8] =	dma.local @!p0 [hbm:s6], $0xF7A  }
0x23: {  	s9 =	sor.u32 $0xD0000000, s2;
	s6 =	simm.s32 $0x108;
	_ =	swait.ge @!p0 [sflag:s8], $0x0  }
0x24: {  	s3 =	sadd.s32 $0x88, s3;
	s6 =	simm.s32 @!p1 $0x1082;
	[sflag:s4] =	ssyncset.s32 $0xFFFFF086  }
0x25: {  	[simem:s6], [sflag:s4] =	dma.local [hbm:s3], $0xF7A  }
0x26: {  	[smem:$0x3F9A] =	sst s1;
	(tag) =	ssettag s2;
	_ =	strace s9  }
0x27: {  	s1 =	sld [smem:$0x3FAA]  }
0x28: {  	s2 =	sld [smem:$0x3FAB]  }
0x29: {  	s4 =	sld [smem:$0x3FAD]  }
0x2a: {  	p0 =	seq.s32 s5, $0x0;
	s5 =	sld [smem:$0x3FAE]  }
0x2b: {  	s6 =	sld [smem:$0x3FAF]  }
0x2c: {  	s7 =	sld [smem:$0x3FB0]  }
0x2d: {  	s3 =	simm.s32 $0x108;
	s8 =	sld [smem:$0x3FB1]  }
0x2e: {  	s3 =	simm.s32 @!p0 $0x1082;
	s9 =	sld [smem:$0x3FB2]  }
0x2f: {  	lr =	sadd.s32 s0, s3;
	s0 =	sld [smem:$0x3FA9]  }
0x30: {  	s3 =	sld [smem:$0x3FAC]  }
0x31: {  	[smem:$0x3FB5] =	sst s10  }
0x32: {  	s10 =	sld [smem:$0x3FB3];
	_ =	sdelay $0x3  }
0x33: {  	p0 =	seq.s32 s10, $0x1;
	s10 =	sld [smem:$0x3FB5];
	_ =	sdelay $0x3  }
0x34: {  	[smem:$0x3FB5] =	sst s10  }
0x35: {  	s10 =	sld [smem:$0x3FB4];
	_ =	sdelay $0x3  }
0x36: {  	p1 =	seq.s32 s10, $0x1;
	s10 =	sld [smem:$0x3FB5];
	_ =	sdelay $0x3  }
0x37: {  	[smem:$0x3FB5] =	sst s10  }
0x38: {  	s10 =	sld [smem:$0x3FB6]  }
0x39: {  	_ = 	snop;
	(pc) =	sbr.ind lr, $3  }
0x3a: {  	_ = 	snop  }
0x3b: {  	_ = 	snop  }
0x3c: {  	p2 =	seq.s32 s10, $0x1;
	s10 =	sld [smem:$0x3FB5]  }
0x3d: {  	_ =	shalt  }
0x3e: {  	_ =	shalt  }
0x3f: {  	_ =	shalt  }
0x40: {  	_ =	shalt  }
0x41: {  	_ =	shalt  }
0x42: {  	_ =	shalt  }
0x43: {  	_ =	shalt  }
0x44: {  	_ =	shalt  }
0x45: {  	_ =	shalt  }
0x46: {  	_ =	shalt  }
0x47: {  	_ =	shalt  }
0x48: {  	_ =	shalt  }
0x49: {  	_ =	shalt  }
0x4a: {  	_ =	shalt  }
0x4b: {  	_ =	shalt  }
0x4c: {  	_ =	shalt  }
0x4d: {  	_ =	shalt  }
0x4e: {  	_ =	shalt  }
0x4f: {  	_ =	shalt  }
0x50: {  	_ =	shalt  }
0x51: {  	_ =	shalt  }
0x52: {  	_ =	shalt  }
0x53: {  	_ =	shalt  }
0x54: {  	_ =	shalt  }
0x55: {  	_ =	shalt  }
0x56: {  	_ =	shalt  }
0x57: {  	_ =	shalt  }
0x58: {  	_ =	shalt  }
0x59: {  	_ =	shalt  }
0x5a: {  	_ =	shalt  }
0x5b: {  	_ =	shalt  }
0x5c: {  	_ =	shalt  }
0x5d: {  	_ =	shalt  }
0x5e: {  	_ =	shalt  }
0x5f: {  	_ =	shalt  }
0x60: {  	_ =	shalt  }
0x61: {  	_ =	shalt  }
0x62: {  	_ =	shalt  }
0x63: {  	_ =	shalt  }
0x64: {  	_ =	shalt  }
0x65: {  	_ =	shalt  }
0x66: {  	_ =	shalt  }
0x67: {  	_ =	shalt  }
0x68: {  	_ =	shalt  }
0x69: {  	_ =	shalt  }
0x6a: {  	_ =	shalt  }
0x6b: {  	_ =	shalt  }
0x6c: {  	_ =	shalt  }
0x6d: {  	_ =	shalt  }
0x6e: {  	_ =	shalt  }
0x6f: {  	_ =	shalt  }
0x70: {  	_ =	shalt  }
0x71: {  	_ =	shalt  }
0x72: {  	_ =	shalt  }
0x73: {  	_ =	shalt  }
0x74: {  	_ =	shalt  }
0x75: {  	_ =	shalt  }
0x76: {  	_ =	shalt  }
0x77: {  	_ =	shalt  }
0x78: {  	_ =	shalt  }
0x79: {  	_ =	shalt  }
0x7a: {  	_ =	shalt  }
0x7b: {  	_ =	shalt  }
0x7c: {  	_ =	shalt  }
0x7d: {  	_ =	shalt  }
0x7e: {  	_ =	shalt  }
0x7f: {  	_ =	shalt  }
0x80: {  	_ =	shalt  }
0x81: {  	_ =	shalt  }
0x82: {  	_ =	shalt  }
0x83: {  	_ =	shalt  }
0x84: {  	_ =	shalt  }
0x85: {  	_ =	shalt  }
0x86: {  	_ =	shalt  }
0x87: {  	_ =	shalt  }
.Lfunc_end0:
.L_simem_size_0:
called_computation.1_lowered:
.L_overlay_start_0:
0x88: {  	s2 =	sld [smem:$0x3FD9]  }
0x89: {  	s3 =	sld [smem:$0x3FFE];
	_ =	sdelay $0x1  }
0x8a: {  	s1 =	srdreg.scid  }
0x8b: {  	s0 =	sand.u32 $0x1, s1  }
0x8c: {  	s15 =	sshll.u32 s0, $0xA;
	s2 =	sadd.s32 s3, s2  }
0x8d: {  	s2 =	sadd.s32 s2, s15  }
0x8e: {  	[smem:$0x3FC1] =	sst s2  }
0x8f: {  	_ = 	snop  }
0x90: {  	s16 =	sld [smem:$0x3FD0];
	_ =	sdelay $0x2  }
0x91: {  	s4 =	simm.s32 $0xC;
	s5 =	simm.s32 $0x10;
	s2 =	sld [smem:$0x3FC4]  }
0x92: {  	[smem:s5], [sflag:s4] =	dma.local [hbm:s16], $0x1  }
0x93: {  	_ =	swait.eq [sflag:s4], $0x1  }
0x94: {  	[sflag:s4] =	ssyncset.done $0x0  }
0x95: {  	[sflag:s4] =	ssyncadd.s32 $0xFFFFFFFF  }
0x96: {  	s17 =	sld [smem:$0x12];
	(tm) =	ssettm $0x1  }
0x97: {  	s18 =	sld [smem:$0x3FFB];
	_ =	sdelay $0x3  }
0x98: {  	_ =	strace s18  }
0x99: {  	s3 =	sld [smem:$0x3FFC];
	_ =	sdelay $0x3  }
0x9a: {  	_ =	strace s3  }
0x9b: {  	s3 =	sld [smem:$0x3FFD];
	_ =	sdelay $0x3  }
0x9c: {  	_ =	strace s3  }
0x9d: {  	_ =	strace $0x8FFFFFFF  }
0x9e: {  	s19 =	sld [smem:$0x3FDB];
	_ =	sdelay $0x1  }
0x9f: {  	s20 =	simm.s32 $_scs_section_size  }
0xa0: {  	s6 =	simm.s32 $_size__tile_overlayer_lowered;
	s7 =	simm.s32 $_tile_overlayer_lowered  }
0xa1: {  	s8 =	simm.s32 $0x1BFF;
	s21 =	sshll.u32 s7, $0x1;
	s5 =	sadd.s32 s20, s19  }
0xa2: {  	s22 =	simm.s32 $0x0;
	s6 =	sshll.u32 s6, $0x1;
	s7 =	sadd.s32 s21, s5  }
0xa3: {  	[timem:s22], [sflag:s8] =	dma.local [hbm:s7], s6  }
0xa4: {  	_ =	swait.ge [sflag:s8], s6  }
0xa5: {  	s6 =	ssub.s32 $0x0, s6;
	[sflag:s8] =	ssyncset.done $0x0  }
0xa6: {  	[sflag:s8] =	ssyncadd.s32 s6;
	_ =	sdelay $0x1  }
0xa7: {  	s23 =	simm.s32 $0x1B8B  }
0xa8: {  	_ =	swait.ge [sflag:s23], $0x1  }
0xa9: {  	[sflag:s23] =	ssyncset.done $0x0  }
0xaa: {  	[sflag:s23] =	ssyncadd.s32 $0xFFFFFFFF  }
0xab: {  	s6 =	sld [smem:$0x0]  }
0xac: {  	s7 =	sand.u32 $0xFFFFFFFE, s1  }
0xad: {  	p0 =	sne.s32 s1, s7  }
0xae: {  	s7 =	sshll.u32 @p0 s7, $0xE  }
0xaf: {  	s7 =	sadd.s32 @p0 $0x11B8D, s7;
	s8 =	sshll.u32 @p0 s6, $0x11  }
0xb0: {  	s7 =	sor.u32 @p0 s8, s7  }
0xb1: {  	[sflag:s7] =	ssyncadd.remote.s32 @p0 $0x1;
	_ =	sdelay $0x1  }
0xb2: {  	s7 =	simm.s32 @p0 $0x1B8D  }
0xb3: {  	_ =	swait.eq @p0 [sflag:s7], $0x1  }
0xb4: {  	[sflag:s7] =	ssyncadd.s32 @p0 $0xFFFFFFFF  }
0xb5: {  	s8 =	sshll.u32 @!p0 s1, $0xE  }
0xb6: {  	s8 =	sor.u32 @!p0 $0x4000, s8;
	s7 =	simm.s32 @!p0 $0x1B8D  }
0xb7: {  	s6 =	sshll.u32 @!p0 s6, $0x11;
	s8 =	sadd.s32 @!p0 $0x11B8D, s8;
	_ =	swait.eq @!p0 [sflag:s7], $0x1  }
0xb8: {  	s6 =	sor.u32 @!p0 s6, s8;
	[sflag:s7] =	ssyncadd.s32 @!p0 $0xFFFFFFFF  }
0xb9: {  	s25 =	simm.s32 $0x1B8E;
	s24 =	sld [smem:$0x3FFE];
	[sflag:s6] =	ssyncadd.remote.s32 @!p0 $0x1  }
0xba: {  	s26 =	simm.s32 $execute0_lowered;
	[smem:$0x3FD2] =	sst s25  }
0xbb: {  	s7 =	sshll.u32 s26, $0x1;
	_ =	strace $0x80000049;
	[dreg:$0x1] =	wrdreg $0xFFFFFFFF  }
0xbc: {  	s28 =	simm.s32 $_size_execute0_lowered;
	s5 =	sadd.s32 s5, s7;
	[dreg:$0x0] =	wrdreg $0x0  }
0xbd: {  	s7 =	sshll.u32 s28, $0x1;
	[dreg:$0x2] =	wrdreg s5  }
0xbe: {  	[dreg:$0x3] =	wrdreg s7  }
0xbf: {  	[dreg:$0x4] =	wrdreg $0xC0  }
0xc0: {  	_ =	task [dreg:s22], $0x5FFFF  }
0xc1: {  	[dreg:$0x1] =	wrdreg $0xFFFFFFFF  }
0xc2: {  	[dreg:$0x0] =	wrdreg $0x60  }
0xc3: {  	[dreg:$0x2] =	wrdreg s24  }
0xc4: {  	[dreg:$0x3] =	wrdreg s17  }
0xc5: {  	[dreg:$0x4] =	wrdreg s2  }
0xc6: {  	[dreg:$0x5] =	wrdreg $0x2F300  }
0xc7: {  	[dreg:$0x6] =	wrdreg $0xA  }
0xc8: {  	_ =	task.clear_ibuf [dreg:s22], $0x7FFFF;
	_ =	strace $0x90000049  }
0xc9: {  	s29 =	simm.s32 $0xA;
	_ =	strace $0x8000004B  }
0xca: {  	_ =	swait.ge [sflag:s29], $0x1  }
0xcb: {  	[sflag:s29] =	ssyncadd.s32 $0xFFFFFFFF  }
0xcc: {  	_ =	strace $0x9000004B  }
0xcd: {  	_ =	sfence  }
0xce: {  	s30 =	sld [smem:$0x0];
	_ =	sdelay $0x2  }
0xcf: {  	s31 =	sshll.u32 s1, $0xD;
	s1 =	sshrl.u32 s1, $0x2  }
0xd0: {  	s4 =	sand.u32 $0x4000, s31;
	s1 =	sadd.s32 s1, s30  }
0xd1: {  	s0 =	sor.u32 s4, s0;
	s1 =	sshll.u32 s1, $0x11  }
0xd2: {  	s0 =	sor.u32 s1, s0  }
0xd3: {  	s0 =	sadd.s32 $0x8F2B, s0  }
0xd4: {  	[sflag:s0] =	ssyncadd.remote.s32 $0x1  }
0xd5: {  	_ =	sfence.sel $0xFFFF  }
0xd6: {  	[dreg:$0x0] =	wrdreg $0xFFFFFFFF;
	(pc) =	sbr.abs _section_cstart, $3  }
0xd7: {  	[dreg:$0x1] =	wrdreg $0xFFFFFFFF  }
0xd8: {  	_ =	task.clear_ibuf [dreg:s22], $0x2FFFF;
	_ =	strace $0x9FFFFFFF  }
0xd9: {  	(tm) =	ssettm $0x7FFFFFFF  }
tec
execute0_lowered:
.L_overlay_start_1:
0x0: {  	(tag) =	ssettag $0x1  }
0x1: {  	s0 =	stileid.u32  }
0x2: {  	s1 =	smul.u32 $0x60, s0  }
0x3: {  	v0 =	vlaneseq.u32  }
0x4: {  	v1 =	vor.u32 s1, v0  }
0x5: {  	v2 =	vshll.u32 v1, $0x2  }
0x6: {  	v2 =	vand.u32 $0x7BC, v2  }
0x7: {  	s29 =	srdreg.scid;
	v4 =	vor.u32 $0x1, v2  }
0x8: {  	vm3 =	vcmask $0x300;
	s11 =	sand.u32 $0x1, s29;
	v3 =	vmov s1;
	s2 =	sor.u32 $0x10, s1;
	[tilespmem:$0x1FF10] =	vst v4;
	v4 =	vor.u32 $0x2, v2  }
0x9: {  	s30 =	sshll.u32 s0, $0x1;
	s25 =	sadd.s32 $0x20, s1;
	s26 =	sadd.s32 $0x30, s1;
	v3 =	vshrl.u32 v3, $0x9;
	v7 =	vor.u32 s2, v0;
	[tilespmem:$0x1FF20] =	vst v4;
	v4 =	vor.u32 $0x3, v2  }
0xa: {  	s6 =	sor.u32 s11, s30;
	s28 =	sadd.s32 $0x40, s1;
	v16 =	vor.u32 s25, v0;
	v25 =	vor.u32 s26, v0;
	[tilespmem:$0x1FF30] =	vst v4;
	v4 =	vor.u32 $0x1E8, v0  }
0xb: {  	s1 =	sadd.s32 $0x50, s1;
	s7 =	smul.u32 $0x30, s6;
	v34 =	vor.u32 s28, v0;
	v11 =	vmov s28;
	v5 =	vand.u32 v4, v1  }
0xc: {  	v43 =	vor.u32 s1, v0;
	v6 =	vand.u32 $0x1FF, v7;
	[tilespmem:$0x1FF40] =	vst v5;
	v5 =	vshll.u32 v3, $0x1  }
0xd: {  	v39 =	vshrl.u32 v11, $0x9;
	s9 =	sadd.s32 $0x10, s7;
	v10 =	vmin.u32 v6, $0x1F3;
	v8 =	vadd.s32 $0x6, v5  }
0xe: {  	s13 =	sadd.s32 $0x20, s7;
	v11 =	vor.u32 s9, v0;
	v13 =	vshll.u32 v10, $0x2;
	v5 =	vadd.s32 $0x7, v5;
	[tilespmem:$0x1FF50] =	vst v8  }
0xf: {  	vm2 =	vlt.u32 v6, $0x1F4;
	v6 =	vor.u32 s13, v0;
	[tilespmem:$0x1FF60] =	vst v5;
	v5 =	vor.u32 $0x1, v13  }
0x10: {  	v6 =	vand.u32 $0x1FF, v6;
	v8 =	vmov s2;
	[tilespmem:$0x1FF70] =	vst v5;
	v5 =	vor.u32 $0x2, v13  }
0x11: {  	v61 =	vmin.u32 v6, $0x1F3;
	v12 =	vshrl.u32 v8, $0x9;
	[tilespmem:$0x1FF80] =	vst v5;
	v5 =	vor.u32 $0x3, v13  }
0x12: {  	v44 =	vand.u32 v4, v34;
	v8 =	vshll.u32 v16, $0x2;
	[tilespmem:$0x1FF90] =	vst v5;
	v5 =	vshll.u32 v12, $0x1  }
0x13: {  	v19 =	vand.u32 $0x7BC, v8;
	v8 =	vand.u32 $0x1FF, v25;
	v9 =	vadd.s32 $0x6, v5  }
0x14: {  	v28 =	vmin.u32 v8, $0x1F3;
	vm1 =	vlt.u32 v8, $0x1F4;
	v5 =	vadd.s32 $0x7, v5;
	[tilespmem:$0x1FFA0] =	vst v9  }
0x15: {  	v31 =	vshll.u32 v28, $0x2;
	v9 =	vmov s25;
	[tilespmem:$0x1FFB0] =	vst v5;
	v5 =	vor.u32 $0x1, v19  }
0x16: {  	v32 =	vor.u32 $0x1, v31;
	v33 =	vor.u32 $0x2, v31;
	v35 =	vor.u32 $0x3, v31  }
0x17: {  	v21 =	vshrl.u32 v9, $0x9;
	[tilespmem:$0x1FFC0] =	vst v5;
	v5 =	vor.u32 $0x2, v19;
	v9 =	vmov s26  }
0x18: {  	[tilespmem:$0x1FFD0] =	vst v5;
	v5 =	vor.u32 $0x3, v19;
	v30 =	vshrl.u32 v9, $0x9;
	v9 =	vshll.u32 v34, $0x2  }
0x19: {  	[tilespmem:$0x1FFE0] =	vst v5;
	v5 =	vand.u32 v4, v16;
	v37 =	vand.u32 $0x7BC, v9;
	v4 =	vshll.u32 v39, $0x1  }
0x1a: {  	v9 =	vmov s1;
	[tilespmem:$0x1FFF0] =	vst v5;
	v5 =	vshll.u32 v21, $0x1;
	v40 =	vor.u32 $0x1, v37  }
0x1b: {  	v41 =	vor.u32 $0x2, v37;
	v42 =	vor.u32 $0x3, v37;
	v45 =	vadd.s32 $0x6, v4  }
0x1c: {  	v47 =	vadd.s32 $0x7, v4;
	v48 =	vshrl.u32 v9, $0x9;
	v27 =	vadd.s32 $0x6, v5  }
0x1d: {  	v29 =	vadd.s32 $0x7, v5;
	v5 =	vshll.u32 v30, $0x1;
	v4 =	vshll.u32 v48, $0x1  }
0x1e: {  	s8 =	rddreg [dreg:$0x0];
	v36 =	vadd.s32 $0x6, v5;
	v38 =	vadd.s32 $0x7, v5;
	v5 =	vand.u32 $0x1FF, v43  }
0x1f: {  	s4 =	rddreg [dreg:$0x3];
	v53 =	vadd.s32 $0x6, v4;
	v54 =	vadd.s32 $0x7, v4;
	v4 =	vmov s7  }
0x20: {  	s3 =	rddreg [dreg:$0x4];
	s5 =	simm.s32 $0x0;
	s15 =	simm.s32 $0xA10;
	v9 =	vor.u32 s7, v0;
	v46 =	vmin.u32 v5, $0x1F3;
	v55 =	vshrl.u32 v4, $0x9  }
0x21: {  	s16 =	simm.s32 $0xA70;
	s17 =	simm.s32 $0x9E0;
	s18 =	simm.s32 $0x1200;
	v4 =	vand.u32 $0x1FF, v9;
	v9 =	vand.u32 $0x1FF, v11;
	vm0 =	vlt.u32 v5, $0x1F4  }
0x22: {  	s19 =	simm.s32 $0xB30;
	s20 =	simm.s32 $0x1D30;
	s21 =	simm.s32 $0x0;
	v5 =	vimm.s32 $0x63C000;
	v49 =	vshll.u32 v46, $0x2;
	v56 =	vmin.u32 v4, $0x1F3  }
0x23: {  	[smem:$0x7FF] =	sst s5;
	s31 =	smul.u32 $0xC, s0;
	s12 =	ssub.s32 $0x2, s11;
	v4 =	vmov s9;
	v57 =	vmin.u32 v9, $0x1F3;
	v5 =	vsel vm3, $0x5F0000, v5  }
0x24: {  	p0 =	sne.s32 s11, $0x0;
	s10 =	smul.u32 $0x240, s6;
	s14 =	sshrl.u32 s12, $0x1;
	vm3 =	vcmask $0x704;
	v50 =	vor.u32 $0x1, v49;
	v51 =	vor.u32 $0x2, v49  }
0x25: {  	s11 =	simm.s32 $0x1;
	s6 =	sadd.s32 $0x3D000, s8;
	s12 =	ssub.s32 s12, s14;
	v52 =	vor.u32 $0x3, v49;
	v58 =	vshll.u32 v56, $0x2;
	v59 =	vshrl.u32 v4, $0x9  }
0x26: {  	s14 =	simm.s32 $0x60;
	s10 =	sadd.s32 s10, s8;
	s2 =	rddreg [dreg:$0x2];
	v60 =	vshll.u32 v57, $0x2;
	v5 =	vsel vm3, $0x603000, v5;
	vm3 =	vcmask $0xB08  }
0x27: {  	s1 =	rddreg [dreg:$0x1];
	_ =	strace $0x8000004A;
	s7 =	sadd.s32 $0x3200, s8;
	v4 =	vmov s13;
	v5 =	vsel vm3, $0x616000, v5;
	vm3 =	vcmask $0xF0C  }
0x28: {  	s9 =	sadd.s32 s31, s8;
	s8 =	sadd.s32 $0x106E00, s10;
	s10 =	smax.u32 s12, $0x1;
	v62 =	vshrl.u32 v4, $0x9;
	v4 =	vshll.u32 v61, $0x2;
	v6 =	vor.u32 $0x1, v60  }
0x29: {  	s12 =	simm.s32 $0x7D0;
	s9 =	sadd.s32 $0x10B600, s9;
	s13 =	simm.s32 $0x9C8;
	v63 =	vsel vm3, $0x629000, v5;
	v5 =	vor.u32 $0x1, v58;
	v8 =	vor.u32 $0x1, v4  }
.LBB2_1:
0x2a: {  	[tilespmem:s5], [sflag:$0x1] =	stream.linear.gather [hbm4b:s7+s5], $0x7D0, $0x38;
	[tilespmem:$0x41F8] =	vst v63  }
0x2b: {  	_ =	swait.ge [sflag:s11], $0x7D0  }
0x2c: {  	[sflag:s11] =	ssyncset.done $0x0  }
0x2d: {  	[sflag:s11] =	ssyncadd.s32 $0xFFFFF830  }
0x2e: {  	[tilespmem:s12], [sflag:$0x1] =	stream.linear.gather [hbm4b:s2+s5], $0x1F8, $0x38;
	[tilespmem:$0x41F8] =	vst v63  }
0x2f: {  	_ =	swait.ge [sflag:s11], $0x1F8  }
0x30: {  	[sflag:s11] =	ssyncset.done $0x0  }
.Ltmp0:
0x31: {  	[sflag:s11] =	ssyncadd.s32 $0xFFFFFE08;
	(pc) =	sbr.rel @p0 .LBB2_3-.Ltmp0, $4  }
0x32: {  	[tilespmem:s13], [sflag:$0x1] =	stream.linear.gather [hbm4b:s1+s5], $0x18, $0x38;
	[tilespmem:$0x41F8] =	vst v63  }
0x33: {  	_ =	swait.ge [sflag:s11], $0x18  }
0x34: {  	[sflag:s11] =	ssyncset.done $0x0  }
0x35: {  	[sflag:s11] =	ssyncadd.s32 $0xFFFFFFE8  }
0x36: {  	v9 =	vld [tilespmem:$0x1FF50]  }
0x37: {  	v11 =	vld [tilespmem:$0x1FF60];
	_ =	sdelay $0x6  }
0x38: {  	v9 =	vld.idx.msk [tilespmem:v9+s13+$0x0], $0xffff  }
0x39: {  	v11 =	vld.idx.msk [tilespmem:v11+s13+$0x0], $0xffff;
	_ =	sdelay $0x3  }
0x3a: {  	v14 =	vld [tilespmem:$0x1FF20];
	(erf) = vrcp.f32 v9  }
0x3b: {  	(erf) = vrcp.f32 v11;
	v11 =	vld [tilespmem:$0x1FF10];
	_ =	sdelay $0x1  }
0x3c: {  	v17 =	vld [tilespmem:$0x1FF40];
	_ =	sdelay $0x1  }
0x3d: {  	v15 =	vld [tilespmem:$0x1FF30];
	_ =	sdelay $0x2  }
0x3e: {  	v14 =	vld.idx.msk [tilespmem:v14+s5+$0x0], $0xffff  }
0x3f: {  	v11 =	vld.idx.msk [tilespmem:v11+s5+$0x0], $0xffff  }
0x40: {  	v9 =	vld.idx.msk [tilespmem:v2+s5+$0x0], $0xffff  }
0x41: {  	v17 =	vld.idx.msk [tilespmem:v17+s12+$0x0], $0xffff;
	_ =	sdelay $0x1  }
0x42: {  	v15 =	vld.idx.msk [tilespmem:v15+s5+$0x0], $0xffff  }
0x43: {  	v11 =	vmul.f32 $4.000000000e+01, v11  }
0x44: {  	v9 =	vmul.f32 $4.000000000e+01, v9  }
0x45: {  	v14 =	vmul.f32 $6.400000000e+02, v14;
	v17 =	vmul.u32 $0x3, v17;
	v11 =	vtrunc.f32 v11  }
0x46: {  	v9 =	vtrunc.f32 v9;
	v11 =	vcvt.f32.s32 v11  }
0x47: {  	v15 =	vmul.f32 $6.400000000e+02, v15;
	v17 =	vadd.s32 v3, v17;
	v9 =	vcvt.f32.s32 v9;
	v18 =	vpop (erf)  }
0x48: {  	v17 =	vmul.u32 $0x28, v17;
	v20 =	vpop (erf);
	v14 =	vmul.f32 v18, v14;
	vm3 =	vgt.s32 v11, $0x0  }
0x49: {  	vm15 =	vgt.s32 v9, $0x0;
	v15 =	vmul.f32 v20, v15;
	v11 =	vnsel vm3, $0x0, v11  }
0x4a: {  	v9 =	vnsel vm15, $0x0, v9;
	v11 =	vmin.u32 v11, $0x27  }
0x4b: {  	vm4 =	vlt.f32 v15, $4.000000000e+00;
	vm3 =	vlt.f32 v14, $4.000000000e+00;
	v11 =	vadd.s32 v11, v17  }
0x4c: {  	vm5 =	vgt.f32 v14, $2.500000000e-01;
	vm3 =	vmand vm3, vm4;
	v11 =	vmul.u32 $0x28, v11  }
0x4d: {  	v9 =	vmin.u32 v9, $0x27;
	vm8 =	vgt.f32 v15, $2.500000000e-01;
	vm3 =	vmand vm3, vm5  }
0x4e: {  	vm3 =	vmand vm8, vm3;
	v9 =	vadd.s32 v9, v11  }
0x4f: {  	v9 =	vnsel vm3, $0x12C00, v9  }
0x50: {  	[tilespmem:$0xA10] =	vst v9;
	v9 =	vld [tilespmem:$0x1FFA0];
	_ =	sdelay $0x6  }
0x51: {  	[tilespmem:$0xA70] =	vst v1;
	v11 =	vld [tilespmem:$0x1FFB0]  }
0x52: {  	v9 =	vld.idx.msk [tilespmem:v9+s13+$0x0], $0xffff;
	_ =	sdelay $0x2  }
0x53: {  	v14 =	vld [tilespmem:$0x1FF80]  }
0x54: {  	v15 =	vld [tilespmem:$0x1FF90]  }
0x55: {  	(erf) = vrcp.f32 v9;
	v9 =	vld [tilespmem:$0x1FF70];
	_ =	sdelay $0x2  }
0x56: {  	v11 =	vld.idx.msk [tilespmem:v11+s13+$0x0], $0xffff;
	_ =	sdelay $0x2  }
0x57: {  	v14 =	vld.idx.msk [tilespmem:v14+s5+$0x0], $0xffff  }
0x58: {  	v15 =	vld.idx.msk [tilespmem:v15+s5+$0x0], $0xffff  }
0x59: {  	(erf) = vrcp.f32 v11;
	v9 =	vld.idx.msk [tilespmem:v9+s5+$0x0], $0xffff  }
0x5a: {  	v11 =	vld.idx.msk [tilespmem:v13+s5+$0x0], $0xffff  }
0x5b: {  	v17 =	vld.idx.msk [tilespmem:v10+s12+$0x0], $0xffff;
	_ =	sdelay $0x2  }
0x5c: {  	v9 =	vmul.f32 $4.000000000e+01, v9  }
0x5d: {  	v14 =	vmul.f32 $6.400000000e+02, v14;
	v11 =	vmul.f32 $4.000000000e+01, v11  }
0x5e: {  	v15 =	vmul.f32 $6.400000000e+02, v15;
	v17 =	vmul.u32 $0x3, v17;
	v9 =	vtrunc.f32 v9  }
0x5f: {  	v11 =	vtrunc.f32 v11;
	v18 =	vpop (erf);
	v9 =	vcvt.f32.s32 v9  }
0x60: {  	v17 =	vadd.s32 v12, v17;
	v11 =	vcvt.f32.s32 v11;
	v14 =	vmul.f32 v18, v14;
	v18 =	vpop (erf)  }
0x61: {  	v17 =	vmul.u32 $0x28, v17;
	v15 =	vmul.f32 v18, v15;
	vm9 =	vgt.s32 v9, $0x0  }
0x62: {  	vm12 =	vgt.s32 v11, $0x0;
	vm3 =	vlt.f32 v14, $4.000000000e+00;
	v9 =	vnsel vm9, $0x0, v9  }
0x63: {  	vm11 =	vgt.f32 v14, $2.500000000e-01;
	vm10 =	vlt.f32 v15, $4.000000000e+00;
	v9 =	vmin.u32 v9, $0x27  }
0x64: {  	v11 =	vnsel vm12, $0x0, v11;
	vm3 =	vmand vm3, vm10;
	v9 =	vadd.s32 v9, v17  }
0x65: {  	vm13 =	vgt.f32 v15, $2.500000000e-01;
	vm3 =	vmand vm3, vm11;
	v9 =	vmul.u32 $0x28, v9  }
0x66: {  	v11 =	vmin.u32 v11, $0x27;
	vm3 =	vmand vm13, vm3  }
0x67: {  	vm3 =	vmand vm2, vm3;
	v9 =	vadd.s32 v11, v9  }
0x68: {  	[tilespmem:$0xA80] =	vst v7;
	v9 =	vnsel vm3, $0x12C00, v9  }
0x69: {  	[tilespmem:$0xA20] =	vst v9  }
0x6a: {  	v9 =	vld.idx.msk [tilespmem:v27+s13+$0x0], $0xffff  }
0x6b: {  	v11 =	vld.idx.msk [tilespmem:v29+s13+$0x0], $0xffff;
	_ =	sdelay $0x3  }
0x6c: {  	v14 =	vld [tilespmem:$0x1FFD0];
	(erf) = vrcp.f32 v9  }
0x6d: {  	(erf) = vrcp.f32 v11;
	v11 =	vld [tilespmem:$0x1FFC0];
	_ =	sdelay $0x1  }
0x6e: {  	v17 =	vld [tilespmem:$0x1FFF0];
	_ =	sdelay $0x1  }
0x6f: {  	v15 =	vld [tilespmem:$0x1FFE0];
	_ =	sdelay $0x2  }
0x70: {  	v14 =	vld.idx.msk [tilespmem:v14+s5+$0x0], $0xffff  }
0x71: {  	v11 =	vld.idx.msk [tilespmem:v11+s5+$0x0], $0xffff  }
0x72: {  	v9 =	vld.idx.msk [tilespmem:v19+s5+$0x0], $0xffff  }
0x73: {  	v17 =	vld.idx.msk [tilespmem:v17+s12+$0x0], $0xffff;
	_ =	sdelay $0x1  }
0x74: {  	v15 =	vld.idx.msk [tilespmem:v15+s5+$0x0], $0xffff  }
0x75: {  	v11 =	vmul.f32 $4.000000000e+01, v11  }
0x76: {  	v9 =	vmul.f32 $4.000000000e+01, v9  }
0x77: {  	v14 =	vmul.f32 $6.400000000e+02, v14;
	v17 =	vmul.u32 $0x3, v17;
	v11 =	vtrunc.f32 v11  }
0x78: {  	v9 =	vtrunc.f32 v9;
	v11 =	vcvt.f32.s32 v11  }
0x79: {  	v15 =	vmul.f32 $6.400000000e+02, v15;
	v17 =	vadd.s32 v21, v17;
	v9 =	vcvt.f32.s32 v9;
	v18 =	vpop (erf)  }
0x7a: {  	v17 =	vmul.u32 $0x28, v17;
	v20 =	vpop (erf);
	v14 =	vmul.f32 v18, v14;
	vm3 =	vgt.s32 v11, $0x0  }
0x7b: {  	vm15 =	vgt.s32 v9, $0x0;
	v15 =	vmul.f32 v20, v15;
	v11 =	vnsel vm3, $0x0, v11  }
0x7c: {  	v9 =	vnsel vm15, $0x0, v9;
	v11 =	vmin.u32 v11, $0x27  }
0x7d: {  	vm14 =	vlt.f32 v15, $4.000000000e+00;
	vm3 =	vlt.f32 v14, $4.000000000e+00;
	v11 =	vadd.s32 v11, v17  }
0x7e: {  	vm8 =	vgt.f32 v14, $2.500000000e-01;
	vm3 =	vmand vm3, vm14;
	v11 =	vmul.u32 $0x28, v11  }
0x7f: {  	v9 =	vmin.u32 v9, $0x27;
	vm9 =	vgt.f32 v15, $2.500000000e-01;
	vm3 =	vmand vm3, vm8  }
0x80: {  	vm3 =	vmand vm9, vm3;
	v9 =	vadd.s32 v9, v11  }
0x81: {  	[tilespmem:$0xA90] =	vst v16;
	v9 =	vnsel vm3, $0x12C00, v9  }
0x82: {  	[tilespmem:$0xA30] =	vst v9  }
0x83: {  	v9 =	vld.idx.msk [tilespmem:v36+s13+$0x0], $0xffff  }
0x84: {  	v11 =	vld.idx.msk [tilespmem:v38+s13+$0x0], $0xffff;
	_ =	sdelay $0x2  }
0x85: {  	v14 =	vld.idx.msk [tilespmem:v33+s5+$0x0], $0xffff  }
0x86: {  	v15 =	vld.idx.msk [tilespmem:v35+s5+$0x0], $0xffff;
	(erf) = vrcp.f32 v9  }
0x87: {  	v9 =	vld.idx.msk [tilespmem:v32+s5+$0x0], $0xffff;
	(erf) = vrcp.f32 v11  }
0x88: {  	v11 =	vld.idx.msk [tilespmem:v31+s5+$0x0], $0xffff  }
0x89: {  	v17 =	vld.idx.msk [tilespmem:v28+s12+$0x0], $0xffff;
	_ =	sdelay $0x2  }
0x8a: {  	v9 =	vmul.f32 $4.000000000e+01, v9  }
0x8b: {  	v14 =	vmul.f32 $6.400000000e+02, v14;
	v11 =	vmul.f32 $4.000000000e+01, v11  }
0x8c: {  	v15 =	vmul.f32 $6.400000000e+02, v15;
	v17 =	vmul.u32 $0x3, v17;
	v9 =	vtrunc.f32 v9  }
0x8d: {  	v9 =	vcvt.f32.s32 v9;
	v11 =	vtrunc.f32 v11;
	v18 =	vpop (erf)  }
0x8e: {  	v17 =	vadd.s32 v30, v17;
	v11 =	vcvt.f32.s32 v11;
	v14 =	vmul.f32 v18, v14;
	v18 =	vpop (erf)  }
0x8f: {  	v17 =	vmul.u32 $0x28, v17;
	vm10 =	vgt.s32 v9, $0x0;
	v15 =	vmul.f32 v18, v15  }
0x90: {  	v9 =	vnsel vm10, $0x0, v9;
	vm13 =	vgt.s32 v11, $0x0;
	vm3 =	vlt.f32 v14, $4.000000000e+00  }
0x91: {  	vm12 =	vgt.f32 v14, $2.500000000e-01;
	v9 =	vmin.u32 v9, $0x27;
	vm11 =	vlt.f32 v15, $4.000000000e+00  }
0x92: {  	v11 =	vnsel vm13, $0x0, v11;
	v9 =	vadd.s32 v9, v17;
	vm3 =	vmand vm3, vm11  }
0x93: {  	vm14 =	vgt.f32 v15, $2.500000000e-01;
	v9 =	vmul.u32 $0x28, v9;
	vm3 =	vmand vm3, vm12  }
0x94: {  	v11 =	vmin.u32 v11, $0x27;
	vm3 =	vmand vm14, vm3  }
0x95: {  	v9 =	vadd.s32 v11, v9;
	vm3 =	vmand vm1, vm3  }
0x96: {  	[tilespmem:$0xAA0] =	vst v25;
	v9 =	vnsel vm3, $0x12C00, v9  }
0x97: {  	[tilespmem:$0xA40] =	vst v9  }
0x98: {  	v9 =	vld.idx.msk [tilespmem:v45+s13+$0x0], $0xffff  }
0x99: {  	v11 =	vld.idx.msk [tilespmem:v47+s13+$0x0], $0xffff;
	_ =	sdelay $0x3  }
0x9a: {  	v14 =	vld.idx.msk [tilespmem:v41+s5+$0x0], $0xffff;
	(erf) = vrcp.f32 v9  }
0x9b: {  	(erf) = vrcp.f32 v11;
	v11 =	vld.idx.msk [tilespmem:v40+s5+$0x0], $0xffff  }
0x9c: {  	v9 =	vld.idx.msk [tilespmem:v37+s5+$0x0], $0xffff  }
0x9d: {  	v17 =	vld.idx.msk [tilespmem:v44+s12+$0x0], $0xffff;
	_ =	sdelay $0x1  }
0x9e: {  	v15 =	vld.idx.msk [tilespmem:v42+s5+$0x0], $0xffff  }
0x9f: {  	v11 =	vmul.f32 $4.000000000e+01, v11  }
0xa0: {  	v9 =	vmul.f32 $4.000000000e+01, v9  }
0xa1: {  	v14 =	vmul.f32 $6.400000000e+02, v14;
	v17 =	vmul.u32 $0x3, v17;
	v11 =	vtrunc.f32 v11  }
0xa2: {  	v9 =	vtrunc.f32 v9;
	v11 =	vcvt.f32.s32 v11  }
0xa3: {  	v15 =	vmul.f32 $6.400000000e+02, v15;
	v17 =	vadd.s32 v39, v17;
	v9 =	vcvt.f32.s32 v9;
	v18 =	vpop (erf)  }
0xa4: {  	v17 =	vmul.u32 $0x28, v17;
	v20 =	vpop (erf);
	v14 =	vmul.f32 v18, v14;
	vm3 =	vgt.s32 v11, $0x0  }
0xa5: {  	vm8 =	vgt.s32 v9, $0x0;
	v15 =	vmul.f32 v20, v15;
	v11 =	vnsel vm3, $0x0, v11  }
0xa6: {  	v9 =	vnsel vm8, $0x0, v9;
	v11 =	vmin.u32 v11, $0x27  }
0xa7: {  	vm3 =	vlt.f32 v14, $4.000000000e+00;
	vm15 =	vlt.f32 v15, $4.000000000e+00;
	v11 =	vadd.s32 v11, v17  }
0xa8: {  	vm9 =	vgt.f32 v14, $2.500000000e-01;
	vm3 =	vmand vm3, vm15;
	v11 =	vmul.u32 $0x28, v11  }
0xa9: {  	v9 =	vmin.u32 v9, $0x27;
	vm10 =	vgt.f32 v15, $2.500000000e-01;
	vm3 =	vmand vm3, vm9  }
0xaa: {  	vm3 =	vmand vm10, vm3;
	v9 =	vadd.s32 v9, v11  }
0xab: {  	[tilespmem:$0xAB0] =	vst v34;
	v9 =	vnsel vm3, $0x12C00, v9  }
0xac: {  	[tilespmem:$0xA50] =	vst v9  }
0xad: {  	v9 =	vld.idx.msk [tilespmem:v53+s13+$0x0], $0xffff  }
0xae: {  	v11 =	vld.idx.msk [tilespmem:v54+s13+$0x0], $0xffff;
	_ =	sdelay $0x2  }
0xaf: {  	v14 =	vld.idx.msk [tilespmem:v51+s5+$0x0], $0xffff  }
0xb0: {  	v15 =	vld.idx.msk [tilespmem:v52+s5+$0x0], $0xffff;
	(erf) = vrcp.f32 v9  }
0xb1: {  	v9 =	vld.idx.msk [tilespmem:v50+s5+$0x0], $0xffff;
	(erf) = vrcp.f32 v11  }
0xb2: {  	v11 =	vld.idx.msk [tilespmem:v49+s5+$0x0], $0xffff  }
0xb3: {  	v17 =	vld.idx.msk [tilespmem:v46+s12+$0x0], $0xffff;
	_ =	sdelay $0x2  }
0xb4: {  	v9 =	vmul.f32 $4.000000000e+01, v9  }
0xb5: {  	v14 =	vmul.f32 $6.400000000e+02, v14;
	v11 =	vmul.f32 $4.000000000e+01, v11  }
0xb6: {  	v15 =	vmul.f32 $6.400000000e+02, v15;
	v17 =	vmul.u32 $0x3, v17;
	v9 =	vtrunc.f32 v9  }
0xb7: {  	v9 =	vcvt.f32.s32 v9;
	v11 =	vtrunc.f32 v11;
	v18 =	vpop (erf)  }
0xb8: {  	v17 =	vadd.s32 v48, v17;
	v11 =	vcvt.f32.s32 v11;
	v14 =	vmul.f32 v18, v14;
	v18 =	vpop (erf)  }
0xb9: {  	v17 =	vmul.u32 $0x28, v17;
	vm11 =	vgt.s32 v9, $0x0;
	v15 =	vmul.f32 v18, v15  }
0xba: {  	v9 =	vnsel vm11, $0x0, v9;
	vm14 =	vgt.s32 v11, $0x0;
	vm3 =	vlt.f32 v14, $4.000000000e+00  }
0xbb: {  	vm13 =	vgt.f32 v14, $2.500000000e-01;
	v9 =	vmin.u32 v9, $0x27;
	vm12 =	vlt.f32 v15, $4.000000000e+00  }
0xbc: {  	v11 =	vnsel vm14, $0x0, v11;
	v9 =	vadd.s32 v9, v17;
	vm3 =	vmand vm3, vm12  }
0xbd: {  	vm15 =	vgt.f32 v15, $2.500000000e-01;
	v9 =	vmul.u32 $0x28, v9;
	vm3 =	vmand vm3, vm13  }
0xbe: {  	v11 =	vmin.u32 v11, $0x27;
	vm3 =	vmand vm15, vm3  }
0xbf: {  	v9 =	vadd.s32 v11, v9;
	vm3 =	vmand vm0, vm3  }
0xc0: {  	[tilespmem:$0xAC0] =	vst v43;
	v9 =	vnsel vm3, $0x12C00, v9  }
0xc1: {  	[tilespmem:$0xA60] =	vst v9  }
0xc2: {  	[spmem:s4] =	stream.indirect.scatter [tilespmem:s16], [sflag:$0x1], $0x1, s15, s14, $0xb8;
	[tilespmem:$0x41F8] =	vst v63  }
0xc3: {  	_ =	swait.ge [sflag:s11], $0x60  }
0xc4: {  	[sflag:s11] =	ssyncset.done $0x0  }
0xc5: {  	[sflag:s11] =	ssyncadd.s32 $0xFFFFFFA0  }
.LBB2_3:
0xc6: {  	_ =	sdelay $0x2  }
0xc7: {  	s22 =	simm.s32 $0x0  }
0xc8: {  	v9 =	vld.idx.msk [tilespmem:v5+s22+$0x0], $0xffff;
	_ =	sdelay $0x1  }
0xc9: {  	v14 =	vld.idx.msk [tilespmem:v56+s12+$0x0], $0xffff  }
0xca: {  	v11 =	vld.idx.msk [tilespmem:v58+s22+$0x0], $0xffff;
	_ =	sdelay $0x1  }
0xcb: {  	v9 =	vmul.f32 $4.000000000e+01, v9;
	_ =	sdelay $0x1  }
0xcc: {  	v9 =	vtrunc.f32 v9  }
0xcd: {  	v14 =	vmul.u32 $0x3, v14;
	v11 =	vmul.f32 $4.000000000e+01, v11;
	v9 =	vcvt.f32.s32 v9;
	_ =	sdelay $0x1  }
0xce: {  	v14 =	vadd.s32 v55, v14;
	v11 =	vtrunc.f32 v11;
	vm3 =	vgt.s32 v9, $0x0  }
0xcf: {  	v14 =	vmul.u32 $0x28, v14;
	v11 =	vcvt.f32.s32 v11;
	v9 =	vnsel vm3, $0x0, v9  }
0xd0: {  	v9 =	vmin.u32 v9, $0x27  }
0xd1: {  	vm3 =	vgt.s32 v11, $0x0;
	v9 =	vadd.s32 v9, v14  }
0xd2: {  	v11 =	vnsel vm3, $0x0, v11;
	v9 =	vmul.u32 $0x28, v9  }
0xd3: {  	v11 =	vmin.u32 v11, $0x27  }
0xd4: {  	v9 =	vadd.s32 v11, v9  }
0xd5: {  	[tilespmem:$0x9E0] =	vst v9  }
0xd6: {  	v9 =	vld.idx.msk [tilespmem:v6+s22+$0x0], $0xffff;
	_ =	sdelay $0x1  }
0xd7: {  	v11 =	vld.idx.msk [tilespmem:v60+s22+$0x0], $0xffff  }
0xd8: {  	v14 =	vld.idx.msk [tilespmem:v57+s12+$0x0], $0xffff;
	_ =	sdelay $0x1  }
0xd9: {  	v9 =	vmul.f32 $4.000000000e+01, v9;
	_ =	sdelay $0x1  }
0xda: {  	v9 =	vtrunc.f32 v9  }
0xdb: {  	v11 =	vmul.f32 $4.000000000e+01, v11;
	v14 =	vmul.u32 $0x3, v14;
	v9 =	vcvt.f32.s32 v9;
	_ =	sdelay $0x1  }
0xdc: {  	v11 =	vtrunc.f32 v11;
	v14 =	vadd.s32 v59, v14;
	vm3 =	vgt.s32 v9, $0x0  }
0xdd: {  	v11 =	vcvt.f32.s32 v11;
	v14 =	vmul.u32 $0x28, v14;
	v9 =	vnsel vm3, $0x0, v9  }
0xde: {  	v9 =	vmin.u32 v9, $0x27  }
0xdf: {  	vm3 =	vgt.s32 v11, $0x0;
	v9 =	vadd.s32 v9, v14  }
0xe0: {  	v11 =	vnsel vm3, $0x0, v11;
	v9 =	vmul.u32 $0x28, v9  }
0xe1: {  	v11 =	vmin.u32 v11, $0x27  }
0xe2: {  	v9 =	vadd.s32 v11, v9  }
0xe3: {  	[tilespmem:$0x9F0] =	vst v9  }
0xe4: {  	v9 =	vld.idx.msk [tilespmem:v8+s22+$0x0], $0xffff;
	_ =	sdelay $0x1  }
0xe5: {  	v11 =	vld.idx.msk [tilespmem:v4+s22+$0x0], $0xffff  }
0xe6: {  	v14 =	vld.idx.msk [tilespmem:v61+s12+$0x0], $0xffff;
	_ =	sdelay $0x1  }
0xe7: {  	v9 =	vmul.f32 $4.000000000e+01, v9;
	_ =	sdelay $0x1  }
0xe8: {  	v9 =	vtrunc.f32 v9  }
0xe9: {  	v11 =	vmul.f32 $4.000000000e+01, v11;
	v14 =	vmul.u32 $0x3, v14;
	v9 =	vcvt.f32.s32 v9;
	_ =	sdelay $0x1  }
0xea: {  	v11 =	vtrunc.f32 v11;
	v14 =	vadd.s32 v62, v14;
	vm3 =	vgt.s32 v9, $0x0  }
0xeb: {  	v11 =	vcvt.f32.s32 v11;
	v14 =	vmul.u32 $0x28, v14;
	v9 =	vnsel vm3, $0x0, v9  }
0xec: {  	v9 =	vmin.u32 v9, $0x27  }
0xed: {  	vm3 =	vgt.s32 v11, $0x0;
	v9 =	vadd.s32 v9, v14;
	v14 =	vmov s22  }
0xee: {  	v11 =	vnsel vm3, $0x0, v11;
	v9 =	vmul.u32 $0x28, v9  }
0xef: {  	v11 =	vmin.u32 v11, $0x27  }
0xf0: {  	v9 =	vadd.s32 v11, v9  }
0xf1: {  	[tilespmem:$0xA00] =	vst v9  }
0xf2: {  	v20 =	vld.idx.msk [tilespmem:v14+s17+$0x0], $0xffff;
	_ =	sdelay $0x1  }
0xf3: {  	v17 =	vmul.u32 $0x13000, v0;
	_ =	sdelay $0x1  }
0xf4: {  	v15 =	vadd.s32 $0x130000, v17;
	v11 =	vadd.s32 $0x260000, v17  }
0xf5: {  	s22 =	simm.s32 $0xB60;
	v9 =	vadd.s32 $0x4C0000, v17;
	v14 =	vadd.s32 $0x390000, v17;
	v22 =	vadd.s32 v17, v20  }
0xf6: {  	s23 =	simm.s32 $0x1;
	v26 =	vadd.s32 v15, v20;
	v18 =	vadd.s32 v11, v20;
	v24 =	vadd.s32 v14, v20;
	[tilespmem:s22+$0xFFFFFFD0] =	vst v22  }
0xf7: {  	v23 =	vadd.s32 v9, v20;
	v20 =	vadd.s32 v63, v20;
	v22 =	vmov s23;
	s23 =	simm.s32 $0x2;
	[tilespmem:s22+$0xFFFFFFE0] =	vst v26  }
.LBB2_4:
0xf8: {  	p1 =	sne.s32 s23, $0x2F;
	[tilespmem:s22+$0xFFFFFFF0] =	vst v18  }
0xf9: {  	[tilespmem:s22+$0x0] =	vst v24  }
0xfa: {  	[tilespmem:s22+$0x10] =	vst v23  }
0xfb: {  	[tilespmem:s22+$0x20] =	vst v20  }
0xfc: {  	v20 =	vld.idx.msk [tilespmem:v22+s17+$0x0], $0xffff;
	_ =	sdelay $0x3  }
.Ltmp1:
0xfd: {  	(pc) =	sbr.rel @p1 .LBB2_4-.Ltmp1, $4  }
0xfe: {  	_ = 	snop  }
0xff: {  	s22 =	sadd.s32 $0x60, s22;
	v22 =	vadd.s32 v17, v20;
	v26 =	vadd.s32 v15, v20;
	v18 =	vadd.s32 v11, v20  }
0x100: {  	v24 =	vadd.s32 v14, v20;
	v23 =	vadd.s32 v9, v20;
	v20 =	vadd.s32 v63, v20;
	[tilespmem:s22+$0xFFFFFFD0] =	vst v22  }
0x101: {  	v22 =	vmov s23;
	s23 =	sadd.s32 $0x1, s23;
	[tilespmem:s22+$0xFFFFFFE0] =	vst v26  }
0x102: {  	[tilespmem:s22+$0xFFFFFFF0] =	vst v18  }
0x103: {  	[tilespmem:s22+$0x0] =	vst v24  }
0x104: {  	[tilespmem:s22+$0x10] =	vst v23  }
0x105: {  	[tilespmem:s22+$0x20] =	vst v20  }
0x106: {  	v18 =	vld.idx.msk [tilespmem:v22+s17+$0x0], $0xffff;
	_ =	sdelay $0x4  }
0x107: {  	s31 =	sadd.s32 $0x60, s22;
	v17 =	vadd.s32 v17, v18  }
0x108: {  	v15 =	vadd.s32 v15, v18;
	[tilespmem:s31+$0xFFFFFFD0] =	vst v17  }
0x109: {  	v11 =	vadd.s32 v11, v18;
	[tilespmem:s31+$0xFFFFFFE0] =	vst v15  }
0x10a: {  	v14 =	vadd.s32 v14, v18;
	[tilespmem:s31+$0xFFFFFFF0] =	vst v11  }
0x10b: {  	v9 =	vadd.s32 v9, v18;
	[tilespmem:s31+$0x0] =	vst v14  }
0x10c: {  	v11 =	vadd.s32 v63, v18;
	[tilespmem:s31+$0x10] =	vst v9  }
0x10d: {  	[tilespmem:s31+$0x20] =	vst v11  }
0x10e: {  	[tilespmem:s20], [sflag:$0x1] =	stream.indirect.gather [hbm4b:s6+s18], $0x1, s19, s18, $0xb8;
	[tilespmem:$0x41F8] =	vst v63  }
0x10f: {  	_ =	swait.ge [sflag:s11], $0x1200  }
0x110: {  	[sflag:s11] =	ssyncset.done $0x0  }
0x111: {  	[sflag:s11] =	ssyncadd.s32 $0xFFFFEE00  }
0x112: {  	[hbm4b:s8+s5] =	stream.linear.scatter [tilespmem:s20], [sflag:$0x1], $0x1200, $0x38;
	[tilespmem:$0x41F8] =	vst v63  }
0x113: {  	_ =	swait.ge [sflag:s11], $0x1200  }
0x114: {  	[sflag:s11] =	ssyncset.done $0x0  }
0x115: {  	s22 =	simm.s32 @!p0 $0x60;
	[sflag:s11] =	ssyncadd.s32 $0xFFFFEE00  }
0x116: {  	s23 =	simm.s32 @!p0 $0xA10;
	s24 =	simm.s32 @!p0 $0xAD0;
	[bflag:$0x0] =	sbarrier.arrive $0xFFFF  }
0x117: {  	[tilespmem:s24], [sflag:$0x1] =	stream.indirect.gather @!p0 [spmem:s4], $0x1, s23, s22, $0xb8;
	[tilespmem:$0x41F8] =	vst v63  }
0x118: {  	s22 =	simm.s32 @!p0 $0x1  }
0x119: {  	s21 =	sadd.s32 $0x1, s21;
	_ =	swait.ge @!p0 [sflag:s22], $0x60  }
0x11a: {  	p1 =	sne.s32 s21, s10;
	[sflag:s22] =	ssyncset.done @!p0 $0x0  }
.Ltmp2:
0x11b: {  	s23 =	simm.s32 @!p0 $0x0;
	[sflag:s22] =	ssyncadd.s32 @!p0 $0xFFFFFFA0;
	(pc) =	sbr.rel @p1 .LBB2_1-.Ltmp2, $4  }
0x11c: {  	[hbm4b:s9+s23] =	stream.linear.scatter @!p0 [tilespmem:s24], [sflag:$0x1], $0x60, $0x38;
	[tilespmem:$0x41F8] =	vst v63  }
0x11d: {  	_ =	swait.ge @!p0 [sflag:s22], $0x60  }
0x11e: {  	[sflag:s22] =	ssyncset.done @!p0 $0x0  }
0x11f: {  	[sflag:s22] =	ssyncadd.s32 @!p0 $0xFFFFFFA0  }
0x120: {  	_ =	sfence.sel $0x180000  }
0x121: {  	[bflag:$0x0] =	sbarrier.arrive $0xFFFF  }
0x122: {  	p0 =	sne.s32 s0, $0x0;
	_ =	strace $0x9000004A  }
0x123: {  	s0 =	sadd.s32 @!p0 $0x100000, s3;
	[bflag:$0x2] =	sbarrier.arrive $0xFFFF  }
0x124: {  	[sflag:s0] =	ssyncadd.tile.s32 @!p0 $0x1;
	_ =	shalt  }
.Lfunc_end2:
_tile_overlayer_lowered:
.L_overlay_start_2:
0x125: {  	(tag) =	ssettag $0x2  }
0x126: {  	s0 =	rddreg [dreg:$0x0];
	s2 =	stileid.u32  }
0x127: {  	s1 =	rddreg [dreg:$0x1];
	p0 =	sne.s32 s2, $0x0  }
0x128: {  	s3 =	rddreg [dreg:$0x2];
	[bflag:$0x3] =	sbarrier.arrive $0xFFFF;
	s2 =	simm.s32 @!p0 $0x1C01  }
0x129: {  	[timem:s3], [sflag:s2] =	dma.local @!p0 [hbm:s0], s1  }
0x12a: {  	s0 =	simm.s32 @!p0 $0x1  }
0x12b: {  	_ =	swait.ge @!p0 [sflag:s0], s1  }
0x12c: {  	s1 =	ssub.s32 @!p0 $0x0, s1;
	[sflag:s0] =	ssyncset.done @!p0 $0x0  }
0x12d: {  	[sflag:s0] =	ssyncadd.s32 @!p0 s1  }
0x12e: {  	[bflag:$0x3] =	sbarrier.arrive $0xFFFF  }
0x12f: {  	_ =	shalt  }

// kernel: kernel.15.cloned.1.call-start
scs
__scs_entry_jumppad:
0x0: {  	(pc) =	sbr.rel $0x88, $3  }
0x1: {  	(tag) =	ssettag $0x0;
	lr =	simm.s32 $0x1  }
0x2: {  	[smem:$0x3F9A] =	sst lr;
	_ =	strace $0xD0000000  }
0x3: {  	_ = 	snop  }
0x4: {  	_ = 	snop  }
0x5: {  	_ = 	snop  }
0x6: {  	_ = 	snop  }
0x7: {  	_ = 	snop  }
__scs_overlays_trampoline_lowered:
0x8: {  	[smem:$0x3FA9] =	sst s0  }
0x9: {  	[smem:$0x3FAA] =	sst s1  }
0xa: {  	[smem:$0x3FAB] =	sst s2  }
0xb: {  	[smem:$0x3FAC] =	sst s3  }
0xc: {  	[smem:$0x3FAD] =	sst s4  }
0xd: {  	[smem:$0x3FAE] =	sst s5  }
0xe: {  	[smem:$0x3FAF] =	sst s6  }
0xf: {  	[smem:$0x3FB0] =	sst s7  }
0x10: {  	[smem:$0x3FB1] =	sst s8  }
0x11: {  	[smem:$0x3FB2] =	sst s9;
	s0 =	simm.s32 @!p0 $0x0  }
0x12: {  	s1 =	sld [smem:$0x3F98];
	s0 =	simm.s32 @p0 $0x1  }
0x13: {  	[smem:$0x3FB3] =	sst s0;
	s0 =	simm.s32 @!p1 $0x0  }
0x14: {  	s2 =	sld [smem:$0x3F97];
	s0 =	simm.s32 @p1 $0x1  }
0x15: {  	[smem:$0x3FB4] =	sst s0;
	s0 =	simm.s32 @!p2 $0x0  }
0x16: {  	s3 =	sld [smem:$0x3FDB];
	s0 =	simm.s32 @p2 $0x1  }
0x17: {  	s4 =	simm.s32 $0x1BF5;
	[smem:$0x3FB6] =	sst s0  }
0x18: {  	s0 =	sld [smem:$0x3F99];
	_ =	swait.ge [sflag:s4], $0x0  }
0x19: {  	s7 =	sld [smem:$0x3F9A]  }
0x1a: {  	s8 =	sadd.s32 $0xFFFFE003, lr  }
0x1b: {  	s9 =	sadd.s32 $0xFFFFFEF7, lr;
	s5 =	simm.s32 $0xFFFFFFFF;
	p2 =	slt.u32 s8, $0xFFFFF086  }
0x1c: {  	p1 =	slt.u32 s9, $0xF7A;
	s5 =	simm.s32 @!p2 $0x0  }
0x1d: {  	s5 =	simm.s32 @p1 $0x1;
	p0 =	seq.s32 s7, s2  }
0x1e: {  	s7 =	smul.u32 @!p0 $0xF7A, s2;
	p2 =	seq.s32 @!p0 s5, $0x0  }
0x1f: {  	s9 =	smul.u32 $0xF7A, s1;
	s8 =	simm.s32 @!p0 $0x1BF5;
	p2 =	por !p2, p0  }
0x20: {  	[sflag:s8] =	ssyncset.s32 @!p0 $0xFFFFF086;
	s6 =	sadd.s32 @!p0 s3, s7;
	s7 =	simm.s32 @!p0 $0x108  }
0x21: {  	s3 =	sadd.s32 s3, s9;
	s6 =	sadd.s32 @!p0 $0x88, s6;
	s7 =	simm.s32 @p2 $0x1082  }
0x22: {  	[simem:s7], [sflag:s8] =	dma.local @!p0 [hbm:s6], $0xF7A  }
0x23: {  	s9 =	sor.u32 $0xD0000000, s2;
	s6 =	simm.s32 $0x108;
	_ =	swait.ge @!p0 [sflag:s8], $0x0  }
0x24: {  	s3 =	sadd.s32 $0x88, s3;
	s6 =	simm.s32 @!p1 $0x1082;
	[sflag:s4] =	ssyncset.s32 $0xFFFFF086  }
0x25: {  	[simem:s6], [sflag:s4] =	dma.local [hbm:s3], $0xF7A  }
0x26: {  	[smem:$0x3F9A] =	sst s1;
	(tag) =	ssettag s2;
	_ =	strace s9  }
0x27: {  	s1 =	sld [smem:$0x3FAA]  }
0x28: {  	s2 =	sld [smem:$0x3FAB]  }
0x29: {  	s4 =	sld [smem:$0x3FAD]  }
0x2a: {  	p0 =	seq.s32 s5, $0x0;
	s5 =	sld [smem:$0x3FAE]  }
0x2b: {  	s6 =	sld [smem:$0x3FAF]  }
0x2c: {  	s7 =	sld [smem:$0x3FB0]  }
0x2d: {  	s3 =	simm.s32 $0x108;
	s8 =	sld [smem:$0x3FB1]  }
0x2e: {  	s3 =	simm.s32 @!p0 $0x1082;
	s9 =	sld [smem:$0x3FB2]  }
0x2f: {  	lr =	sadd.s32 s0, s3;
	s0 =	sld [smem:$0x3FA9]  }
0x30: {  	s3 =	sld [smem:$0x3FAC]  }
0x31: {  	[smem:$0x3FB5] =	sst s10  }
0x32: {  	s10 =	sld [smem:$0x3FB3];
	_ =	sdelay $0x3  }
0x33: {  	p0 =	seq.s32 s10, $0x1;
	s10 =	sld [smem:$0x3FB5];
	_ =	sdelay $0x3  }
0x34: {  	[smem:$0x3FB5] =	sst s10  }
0x35: {  	s10 =	sld [smem:$0x3FB4];
	_ =	sdelay $0x3  }
0x36: {  	p1 =	seq.s32 s10, $0x1;
	s10 =	sld [smem:$0x3FB5];
	_ =	sdelay $0x3  }
0x37: {  	[smem:$0x3FB5] =	sst s10  }
0x38: {  	s10 =	sld [smem:$0x3FB6]  }
0x39: {  	_ = 	snop;
	(pc) =	sbr.ind lr, $3  }
0x3a: {  	_ = 	snop  }
0x3b: {  	_ = 	snop  }
0x3c: {  	p2 =	seq.s32 s10, $0x1;
	s10 =	sld [smem:$0x3FB5]  }
0x3d: {  	_ =	shalt  }
0x3e: {  	_ =	shalt  }
0x3f: {  	_ =	shalt  }
0x40: {  	_ =	shalt  }
0x41: {  	_ =	shalt  }
0x42: {  	_ =	shalt  }
0x43: {  	_ =	shalt  }
0x44: {  	_ =	shalt  }
0x45: {  	_ =	shalt  }
0x46: {  	_ =	shalt  }
0x47: {  	_ =	shalt  }
0x48: {  	_ =	shalt  }
0x49: {  	_ =	shalt  }
0x4a: {  	_ =	shalt  }
0x4b: {  	_ =	shalt  }
0x4c: {  	_ =	shalt  }
0x4d: {  	_ =	shalt  }
0x4e: {  	_ =	shalt  }
0x4f: {  	_ =	shalt  }
0x50: {  	_ =	shalt  }
0x51: {  	_ =	shalt  }
0x52: {  	_ =	shalt  }
0x53: {  	_ =	shalt  }
0x54: {  	_ =	shalt  }
0x55: {  	_ =	shalt  }
0x56: {  	_ =	shalt  }
0x57: {  	_ =	shalt  }
0x58: {  	_ =	shalt  }
0x59: {  	_ =	shalt  }
0x5a: {  	_ =	shalt  }
0x5b: {  	_ =	shalt  }
0x5c: {  	_ =	shalt  }
0x5d: {  	_ =	shalt  }
0x5e: {  	_ =	shalt  }
0x5f: {  	_ =	shalt  }
0x60: {  	_ =	shalt  }
0x61: {  	_ =	shalt  }
0x62: {  	_ =	shalt  }
0x63: {  	_ =	shalt  }
0x64: {  	_ =	shalt  }
0x65: {  	_ =	shalt  }
0x66: {  	_ =	shalt  }
0x67: {  	_ =	shalt  }
0x68: {  	_ =	shalt  }
0x69: {  	_ =	shalt  }
0x6a: {  	_ =	shalt  }
0x6b: {  	_ =	shalt  }
0x6c: {  	_ =	shalt  }
0x6d: {  	_ =	shalt  }
0x6e: {  	_ =	shalt  }
0x6f: {  	_ =	shalt  }
0x70: {  	_ =	shalt  }
0x71: {  	_ =	shalt  }
0x72: {  	_ =	shalt  }
0x73: {  	_ =	shalt  }
0x74: {  	_ =	shalt  }
0x75: {  	_ =	shalt  }
0x76: {  	_ =	shalt  }
0x77: {  	_ =	shalt  }
0x78: {  	_ =	shalt  }
0x79: {  	_ =	shalt  }
0x7a: {  	_ =	shalt  }
0x7b: {  	_ =	shalt  }
0x7c: {  	_ =	shalt  }
0x7d: {  	_ =	shalt  }
0x7e: {  	_ =	shalt  }
0x7f: {  	_ =	shalt  }
0x80: {  	_ =	shalt  }
0x81: {  	_ =	shalt  }
0x82: {  	_ =	shalt  }
0x83: {  	_ =	shalt  }
0x84: {  	_ =	shalt  }
0x85: {  	_ =	shalt  }
0x86: {  	_ =	shalt  }
0x87: {  	_ =	shalt  }
.Lfunc_end0:
.L_simem_size_0:
called_computation.2_lowered:
.L_overlay_start_0:
0x88: {  	s2 =	sld [smem:$0x3FD9]  }
0x89: {  	s3 =	sld [smem:$0x3FFE];
	_ =	sdelay $0x1  }
0x8a: {  	s1 =	srdreg.scid  }
0x8b: {  	s0 =	sand.u32 $0x1, s1  }
0x8c: {  	s15 =	sshll.u32 s0, $0xA;
	s2 =	sadd.s32 s3, s2  }
0x8d: {  	s2 =	sadd.s32 s2, s15  }
0x8e: {  	[smem:$0x3FC1] =	sst s2  }
0x8f: {  	_ = 	snop  }
0x90: {  	s16 =	sld [smem:$0x3FD0];
	_ =	sdelay $0x2  }
0x91: {  	s4 =	simm.s32 $0xC;
	s5 =	simm.s32 $0x10;
	s2 =	sld [smem:$0x3FC4]  }
0x92: {  	[smem:s5], [sflag:s4] =	dma.local [hbm:s16], $0x1  }
0x93: {  	_ =	swait.eq [sflag:s4], $0x1  }
0x94: {  	[sflag:s4] =	ssyncset.done $0x0  }
0x95: {  	[sflag:s4] =	ssyncadd.s32 $0xFFFFFFFF  }
0x96: {  	s17 =	sld [smem:$0x12];
	(tm) =	ssettm $0x1  }
0x97: {  	s18 =	sld [smem:$0x3FFB];
	_ =	sdelay $0x3  }
0x98: {  	_ =	strace s18  }
0x99: {  	s3 =	sld [smem:$0x3FFC];
	_ =	sdelay $0x3  }
0x9a: {  	_ =	strace s3  }
0x9b: {  	s3 =	sld [smem:$0x3FFD];
	_ =	sdelay $0x3  }
0x9c: {  	_ =	strace s3  }
0x9d: {  	_ =	strace $0x8FFFFFFF  }
0x9e: {  	s19 =	sld [smem:$0x3FDB];
	_ =	sdelay $0x1  }
0x9f: {  	s20 =	simm.s32 $_scs_section_size  }
0xa0: {  	s6 =	simm.s32 $_size__tile_overlayer_lowered;
	s7 =	simm.s32 $_tile_overlayer_lowered  }
0xa1: {  	s8 =	simm.s32 $0x1BFF;
	s21 =	sshll.u32 s7, $0x1;
	s5 =	sadd.s32 s20, s19  }
0xa2: {  	s22 =	simm.s32 $0x0;
	s6 =	sshll.u32 s6, $0x1;
	s7 =	sadd.s32 s21, s5  }
0xa3: {  	[timem:s22], [sflag:s8] =	dma.local [hbm:s7], s6  }
0xa4: {  	_ =	swait.ge [sflag:s8], s6  }
0xa5: {  	s6 =	ssub.s32 $0x0, s6;
	[sflag:s8] =	ssyncset.done $0x0  }
0xa6: {  	[sflag:s8] =	ssyncadd.s32 s6;
	_ =	sdelay $0x1  }
0xa7: {  	s23 =	simm.s32 $0x1B8B  }
0xa8: {  	_ =	swait.ge [sflag:s23], $0x1  }
0xa9: {  	[sflag:s23] =	ssyncset.done $0x0  }
0xaa: {  	[sflag:s23] =	ssyncadd.s32 $0xFFFFFFFF  }
0xab: {  	s6 =	sld [smem:$0x0]  }
0xac: {  	s7 =	sand.u32 $0xFFFFFFFE, s1  }
0xad: {  	p0 =	sne.s32 s1, s7  }
0xae: {  	s7 =	sshll.u32 @p0 s7, $0xE  }
0xaf: {  	s7 =	sadd.s32 @p0 $0x11B8D, s7;
	s8 =	sshll.u32 @p0 s6, $0x11  }
0xb0: {  	s7 =	sor.u32 @p0 s8, s7  }
0xb1: {  	[sflag:s7] =	ssyncadd.remote.s32 @p0 $0x1;
	_ =	sdelay $0x1  }
0xb2: {  	s7 =	simm.s32 @p0 $0x1B8D  }
0xb3: {  	_ =	swait.eq @p0 [sflag:s7], $0x1  }
0xb4: {  	[sflag:s7] =	ssyncadd.s32 @p0 $0xFFFFFFFF  }
0xb5: {  	s8 =	sshll.u32 @!p0 s1, $0xE  }
0xb6: {  	s8 =	sor.u32 @!p0 $0x4000, s8;
	s7 =	simm.s32 @!p0 $0x1B8D  }
0xb7: {  	s6 =	sshll.u32 @!p0 s6, $0x11;
	s8 =	sadd.s32 @!p0 $0x11B8D, s8;
	_ =	swait.eq @!p0 [sflag:s7], $0x1  }
0xb8: {  	s6 =	sor.u32 @!p0 s6, s8;
	[sflag:s7] =	ssyncadd.s32 @!p0 $0xFFFFFFFF  }
0xb9: {  	s25 =	simm.s32 $0x1B8E;
	s24 =	sld [smem:$0x3FFE];
	[sflag:s6] =	ssyncadd.remote.s32 @!p0 $0x1  }
0xba: {  	s26 =	simm.s32 $execute0_lowered;
	[smem:$0x3FD2] =	sst s25  }
0xbb: {  	s7 =	sshll.u32 s26, $0x1;
	_ =	strace $0x8000004C;
	[dreg:$0x1] =	wrdreg $0xFFFFFFFF  }
0xbc: {  	s28 =	simm.s32 $_size_execute0_lowered;
	s5 =	sadd.s32 s5, s7;
	[dreg:$0x0] =	wrdreg $0x0  }
0xbd: {  	s7 =	sshll.u32 s28, $0x1;
	[dreg:$0x2] =	wrdreg s5  }
0xbe: {  	[dreg:$0x3] =	wrdreg s7  }
0xbf: {  	[dreg:$0x4] =	wrdreg $0xC0  }
0xc0: {  	_ =	task [dreg:s22], $0x5FFFF  }
0xc1: {  	[dreg:$0x1] =	wrdreg $0xFFFFFFFF  }
0xc2: {  	[dreg:$0x0] =	wrdreg $0x60  }
0xc3: {  	[dreg:$0x2] =	wrdreg s24  }
0xc4: {  	[dreg:$0x3] =	wrdreg s17  }
0xc5: {  	[dreg:$0x4] =	wrdreg s2  }
0xc6: {  	[dreg:$0x5] =	wrdreg $0x2F300  }
0xc7: {  	[dreg:$0x6] =	wrdreg $0xB  }
0xc8: {  	_ =	task.clear_ibuf [dreg:s22], $0x7FFFF;
	_ =	strace $0x9000004C  }
0xc9: {  	s29 =	simm.s32 $0xB;
	_ =	strace $0x8000004E  }
0xca: {  	_ =	swait.ge [sflag:s29], $0x1  }
0xcb: {  	[sflag:s29] =	ssyncadd.s32 $0xFFFFFFFF  }
0xcc: {  	_ =	strace $0x9000004E  }
0xcd: {  	_ =	sfence  }
0xce: {  	s30 =	sld [smem:$0x0];
	_ =	sdelay $0x2  }
0xcf: {  	s31 =	sshll.u32 s1, $0xD;
	s1 =	sshrl.u32 s1, $0x2  }
0xd0: {  	s4 =	sand.u32 $0x4000, s31;
	s1 =	sadd.s32 s1, s30  }
0xd1: {  	s0 =	sor.u32 s4, s0;
	s1 =	sshll.u32 s1, $0x11  }
0xd2: {  	s0 =	sor.u32 s1, s0  }
0xd3: {  	s0 =	sadd.s32 $0x8F2B, s0  }
0xd4: {  	[sflag:s0] =	ssyncadd.remote.s32 $0x1  }
0xd5: {  	_ =	sfence.sel $0xFFFF  }
0xd6: {  	[dreg:$0x0] =	wrdreg $0xFFFFFFFF;
	(pc) =	sbr.abs _section_cstart, $3  }
0xd7: {  	[dreg:$0x1] =	wrdreg $0xFFFFFFFF  }
0xd8: {  	_ =	task.clear_ibuf [dreg:s22], $0x2FFFF;
	_ =	strace $0x9FFFFFFF  }
0xd9: {  	(tm) =	ssettm $0x7FFFFFFF  }
tec
execute0_lowered:
.L_overlay_start_1:
0x0: {  	(tag) =	ssettag $0x1  }
0x1: {  	s0 =	stileid.u32  }
0x2: {  	s1 =	smul.u32 $0x60, s0  }
0x3: {  	v0 =	vlaneseq.u32;
	s29 =	srdreg.scid  }
0x4: {  	s11 =	sand.u32 $0x1, s29;
	s30 =	sshll.u32 s0, $0x1;
	v1 =	vor.u32 s1, v0  }
0x5: {  	vm3 =	vcmask $0x300;
	s6 =	sor.u32 s11, s30;
	v3 =	vmov s1;
	s2 =	sor.u32 $0x10, s1;
	s25 =	sadd.s32 $0x20, s1;
	v2 =	vshll.u32 v1, $0x2  }
0x6: {  	s26 =	sadd.s32 $0x30, s1;
	s28 =	sadd.s32 $0x40, s1;
	s1 =	sadd.s32 $0x50, s1;
	v6 =	vshrl.u32 v3, $0x9;
	v5 =	vor.u32 s2, v0;
	v17 =	vor.u32 s25, v0  }
0x7: {  	s7 =	smul.u32 $0x30, s6;
	v24 =	vor.u32 s26, v0;
	v34 =	vor.u32 s28, v0;
	v41 =	vor.u32 s1, v0  }
0x8: {  	v2 =	vand.u32 $0x7BC, v2;
	v4 =	vand.u32 $0x1FF, v5;
	v10 =	vshll.u32 v6, $0x1  }
0x9: {  	[tilespmem:$0x1FF50] =	vst v6;
	v6 =	vmov s2;
	s9 =	sadd.s32 $0x10, s7;
	v3 =	vor.u32 $0x1, v2;
	v7 =	vor.u32 $0x3, v2  }
0xa: {  	v9 =	vmin.u32 v4, $0x1F3;
	v13 =	vshrl.u32 v6, $0x9;
	v12 =	vor.u32 s9, v0;
	[tilespmem:$0x1FF10] =	vst v3  }
0xb: {  	vm2 =	vlt.u32 v4, $0x1F4;
	v3 =	vor.u32 $0x2, v2;
	[tilespmem:$0x1FF30] =	vst v7;
	v11 =	vshll.u32 v9, $0x2  }
0xc: {  	v4 =	vimm.s32 $0x189C000;
	[tilespmem:$0x1FF20] =	vst v3;
	v3 =	vor.u32 $0x1E8, v0;
	v6 =	vor.u32 $0x1, v11  }
0xd: {  	v18 =	vshll.u32 v13, $0x1;
	v4 =	vsel vm3, $0x1770000, v4;
	v7 =	vand.u32 v3, v1;
	[tilespmem:$0x1FF70] =	vst v6  }
0xe: {  	vm3 =	vcmask $0x704;
	v8 =	vor.u32 $0x1, v18;
	v6 =	vor.u32 $0x2, v11;
	[tilespmem:$0x1FF40] =	vst v7  }
0xf: {  	v4 =	vsel vm3, $0x17BB000, v4;
	vm3 =	vcmask $0xB08;
	v7 =	vor.u32 $0x1, v10;
	[tilespmem:$0x1FF80] =	vst v6  }
0x10: {  	v44 =	vand.u32 v3, v34;
	v4 =	vsel vm3, $0x1806000, v4;
	v6 =	vor.u32 $0x3, v11;
	[tilespmem:$0x1FF60] =	vst v7  }
0x11: {  	vm3 =	vcmask $0xF0C;
	[tilespmem:$0x1FF90] =	vst v6;
	v6 =	vmov s25;
	v7 =	vshll.u32 v17, $0x2  }
0x12: {  	v63 =	vsel vm3, $0x1851000, v4;
	v20 =	vshrl.u32 v6, $0x9;
	v21 =	vand.u32 $0x7BC, v7  }
0x13: {  	v7 =	vmov s26;
	v6 =	vor.u32 $0x1, v21;
	v27 =	vshll.u32 v20, $0x1  }
0x14: {  	v30 =	vshrl.u32 v7, $0x9;
	v7 =	vshll.u32 v34, $0x2;
	[tilespmem:$0x1FFB0] =	vst v6;
	v6 =	vor.u32 $0x2, v21  }
0x15: {  	[tilespmem:$0x1FFA0] =	vst v8;
	v8 =	vor.u32 $0x1, v27;
	v36 =	vshll.u32 v30, $0x1;
	v38 =	vand.u32 $0x7BC, v7  }
0x16: {  	v7 =	vand.u32 $0x1FF, v41;
	[tilespmem:$0x1FFC0] =	vst v6;
	v6 =	vor.u32 $0x3, v21;
	v37 =	vor.u32 $0x1, v36  }
0x17: {  	[tilespmem:$0x1FFF0] =	vst v8;
	v8 =	vmov s28;
	v40 =	vor.u32 $0x1, v38;
	v42 =	vor.u32 $0x2, v38  }
0x18: {  	v43 =	vor.u32 $0x3, v38;
	v45 =	vmin.u32 v7, $0x1F3;
	vm0 =	vlt.u32 v7, $0x1F4  }
0x19: {  	s8 =	rddreg [dreg:$0x0];
	[tilespmem:$0x1FFD0] =	vst v6;
	v6 =	vand.u32 v3, v17;
	v39 =	vshrl.u32 v8, $0x9;
	v3 =	vmov s1  }
0x1a: {  	s4 =	rddreg [dreg:$0x3];
	v48 =	vshll.u32 v45, $0x2;
	v8 =	vor.u32 s7, v0;
	[tilespmem:$0x1FFE0] =	vst v6;
	v6 =	vand.u32 $0x1FF, v24  }
0x1b: {  	s3 =	rddreg [dreg:$0x4];
	v46 =	vshll.u32 v39, $0x1;
	v47 =	vshrl.u32 v3, $0x9;
	v50 =	vor.u32 $0x1, v48  }
0x1c: {  	s5 =	simm.s32 $0x0;
	s15 =	simm.s32 $0xA10;
	s16 =	simm.s32 $0xA70;
	v52 =	vor.u32 $0x2, v48;
	v53 =	vor.u32 $0x3, v48;
	v3 =	vmov s7  }
0x1d: {  	s17 =	simm.s32 $0x9E0;
	s18 =	simm.s32 $0x1200;
	s19 =	simm.s32 $0xB30;
	v28 =	vmin.u32 v6, $0x1F3;
	v49 =	vor.u32 $0x1, v46;
	v51 =	vshll.u32 v47, $0x1  }
0x1e: {  	s20 =	simm.s32 $0x1D30;
	s21 =	simm.s32 $0x0;
	s13 =	sadd.s32 $0x20, s7;
	v55 =	vshrl.u32 v3, $0x9;
	v3 =	vand.u32 $0x1FF, v8;
	v8 =	vand.u32 $0x1FF, v12  }
0x1f: {  	[smem:$0x7FF] =	sst s5;
	s31 =	smul.u32 $0xC, s0;
	s12 =	ssub.s32 $0x2, s11;
	vm1 =	vlt.u32 v6, $0x1F4;
	v6 =	vor.u32 s13, v0;
	v31 =	vshll.u32 v28, $0x2  }
0x20: {  	p0 =	sne.s32 s11, $0x0;
	s10 =	smul.u32 $0x240, s6;
	s14 =	sshrl.u32 s12, $0x1;
	v54 =	vor.u32 $0x1, v51;
	v56 =	vmin.u32 v3, $0x1F3;
	v3 =	vmov s9  }
0x21: {  	s11 =	simm.s32 $0x1;
	s6 =	sadd.s32 $0x10B800, s8;
	s12 =	ssub.s32 s12, s14;
	v57 =	vmin.u32 v8, $0x1F3;
	v6 =	vand.u32 $0x1FF, v6;
	v32 =	vor.u32 $0x1, v31  }
0x22: {  	s14 =	simm.s32 $0x60;
	s2 =	rddreg [dreg:$0x2];
	s10 =	sadd.s32 s10, s8;
	v33 =	vor.u32 $0x2, v31;
	v35 =	vor.u32 $0x3, v31;
	v58 =	vshll.u32 v56, $0x2  }
0x23: {  	s1 =	rddreg [dreg:$0x1];
	s7 =	sadd.s32 $0x3200, s8;
	_ =	strace $0x8000004D;
	v59 =	vshrl.u32 v3, $0x9;
	v3 =	vmov s13;
	v61 =	vmin.u32 v6, $0x1F3  }
0x24: {  	s9 =	sadd.s32 s31, s8;
	s8 =	sadd.s32 $0x428600, s10;
	s10 =	smax.u32 s12, $0x1;
	v60 =	vshll.u32 v57, $0x2;
	v62 =	vshrl.u32 v3, $0x9;
	v4 =	vshll.u32 v61, $0x2  }
0x25: {  	s12 =	simm.s32 $0x7D0;
	s9 =	sadd.s32 $0x42CE00, s9;
	s13 =	simm.s32 $0x9C8;
	v6 =	vor.u32 $0x1, v58;
	v7 =	vor.u32 $0x1, v60;
	v8 =	vor.u32 $0x1, v4  }
.LBB2_1:
0x26: {  	[tilespmem:s5], [sflag:$0x1] =	stream.linear.gather [hbm4b:s7+s5], $0x7D0, $0x38;
	[tilespmem:$0x7A38] =	vst v63  }
0x27: {  	_ =	swait.ge [sflag:s11], $0x7D0  }
0x28: {  	[sflag:s11] =	ssyncset.done $0x0  }
0x29: {  	[sflag:s11] =	ssyncadd.s32 $0xFFFFF830  }
0x2a: {  	[tilespmem:s12], [sflag:$0x1] =	stream.linear.gather [hbm4b:s2+s5], $0x1F8, $0x38;
	[tilespmem:$0x7A38] =	vst v63  }
0x2b: {  	_ =	swait.ge [sflag:s11], $0x1F8  }
0x2c: {  	[sflag:s11] =	ssyncset.done $0x0  }
.Ltmp0:
0x2d: {  	[sflag:s11] =	ssyncadd.s32 $0xFFFFFE08;
	(pc) =	sbr.rel @p0 .LBB2_3-.Ltmp0, $4  }
0x2e: {  	[tilespmem:s13], [sflag:$0x1] =	stream.linear.gather [hbm4b:s1+s5], $0x18, $0x38;
	[tilespmem:$0x7A38] =	vst v63  }
0x2f: {  	_ =	swait.ge [sflag:s11], $0x18  }
0x30: {  	[sflag:s11] =	ssyncset.done $0x0  }
0x31: {  	[sflag:s11] =	ssyncadd.s32 $0xFFFFFFE8  }
0x32: {  	v12 =	vld [tilespmem:$0x1FF60];
	_ =	sdelay $0x6  }
0x33: {  	v3 =	vld.idx.msk [tilespmem:v10+s13+$0x0], $0xffff  }
0x34: {  	v12 =	vld.idx.msk [tilespmem:v12+s13+$0x0], $0xffff;
	_ =	sdelay $0x2  }
0x35: {  	v14 =	vld [tilespmem:$0x1FF20]  }
0x36: {  	(erf) = vrcp.f32 v3  }
0x37: {  	(erf) = vrcp.f32 v12;
	v12 =	vld [tilespmem:$0x1FF10];
	_ =	sdelay $0x2  }
0x38: {  	v16 =	vld [tilespmem:$0x1FF40]  }
0x39: {  	v15 =	vld [tilespmem:$0x1FF30];
	_ =	sdelay $0x1  }
0x3a: {  	v14 =	vld.idx.msk [tilespmem:v14+s5+$0x0], $0xffff  }
0x3b: {  	v3 =	vld.idx.msk [tilespmem:v2+s5+$0x0], $0xffff  }
0x3c: {  	v12 =	vld.idx.msk [tilespmem:v12+s5+$0x0], $0xffff;
	_ =	sdelay $0x2  }
0x3d: {  	v16 =	vld.idx.msk [tilespmem:v16+s12+$0x0], $0xffff;
	v14 =	vmul.f32 $6.400000000e+02, v14  }
0x3e: {  	v15 =	vld.idx.msk [tilespmem:v15+s5+$0x0], $0xffff;
	v3 =	vmul.f32 $8.000000000e+01, v3;
	v19 =	vpop (erf)  }
0x3f: {  	v14 =	vmul.f32 v19, v14;
	v19 =	vld [tilespmem:$0x1FF50];
	v12 =	vmul.f32 $8.000000000e+01, v12;
	_ =	sdelay $0x1  }
0x40: {  	v3 =	vtrunc.f32 v3;
	v12 =	vtrunc.f32 v12  }
0x41: {  	v16 =	vmul.u32 $0x3, v16;
	v3 =	vcvt.f32.s32 v3;
	v12 =	vcvt.f32.s32 v12  }
0x42: {  	v15 =	vmul.f32 $6.400000000e+02, v15  }
0x43: {  	vm15 =	vgt.s32 v3, $0x0;
	v16 =	vadd.s32 v19, v16;
	v22 =	vpop (erf);
	vm3 =	vgt.s32 v12, $0x0  }
0x44: {  	v16 =	vmul.u32 $0x50, v16;
	v15 =	vmul.f32 v22, v15;
	v12 =	vnsel vm3, $0x0, v12  }
0x45: {  	v3 =	vnsel vm15, $0x0, v3;
	v12 =	vmin.u32 v12, $0x4F  }
0x46: {  	vm4 =	vlt.f32 v15, $4.000000000e+00;
	vm3 =	vlt.f32 v14, $4.000000000e+00;
	v12 =	vadd.s32 v12, v16  }
0x47: {  	vm5 =	vgt.f32 v14, $2.500000000e-01;
	vm3 =	vmand vm3, vm4;
	v12 =	vmul.u32 $0x50, v12  }
0x48: {  	v3 =	vmin.u32 v3, $0x4F;
	vm8 =	vgt.f32 v15, $2.500000000e-01;
	vm3 =	vmand vm3, vm5  }
0x49: {  	vm3 =	vmand vm8, vm3;
	v3 =	vadd.s32 v3, v12  }
0x4a: {  	[tilespmem:$0xA70] =	vst v1;
	v3 =	vnsel vm3, $0x4B000, v3  }
0x4b: {  	[tilespmem:$0xA10] =	vst v3  }
0x4c: {  	v3 =	vld.idx.msk [tilespmem:v18+s13+$0x0], $0xffff;
	_ =	sdelay $0x2  }
0x4d: {  	v12 =	vld [tilespmem:$0x1FFA0];
	_ =	sdelay $0x1  }
0x4e: {  	(erf) = vrcp.f32 v3;
	v3 =	vld [tilespmem:$0x1FF70];
	_ =	sdelay $0x3  }
0x4f: {  	v14 =	vld [tilespmem:$0x1FF80];
	_ =	sdelay $0x1  }
0x50: {  	v12 =	vld.idx.msk [tilespmem:v12+s13+$0x0], $0xffff  }
0x51: {  	v15 =	vld [tilespmem:$0x1FF90]  }
0x52: {  	v3 =	vld.idx.msk [tilespmem:v3+s5+$0x0], $0xffff;
	_ =	sdelay $0x1  }
0x53: {  	v16 =	vld.idx.msk [tilespmem:v9+s12+$0x0], $0xffff  }
0x54: {  	(erf) = vrcp.f32 v12;
	v12 =	vld.idx.msk [tilespmem:v11+s5+$0x0], $0xffff  }
0x55: {  	v14 =	vld.idx.msk [tilespmem:v14+s5+$0x0], $0xffff  }
0x56: {  	v3 =	vmul.f32 $8.000000000e+01, v3;
	_ =	sdelay $0x1  }
0x57: {  	v15 =	vld.idx.msk [tilespmem:v15+s5+$0x0], $0xffff;
	v3 =	vtrunc.f32 v3  }
0x58: {  	v16 =	vmul.u32 $0x3, v16;
	v12 =	vmul.f32 $8.000000000e+01, v12;
	v3 =	vcvt.f32.s32 v3  }
0x59: {  	v14 =	vmul.f32 $6.400000000e+02, v14  }
0x5a: {  	v16 =	vadd.s32 v13, v16;
	v12 =	vtrunc.f32 v12;
	vm9 =	vgt.s32 v3, $0x0  }
0x5b: {  	v16 =	vmul.u32 $0x50, v16;
	v12 =	vcvt.f32.s32 v12;
	v3 =	vnsel vm9, $0x0, v3  }
0x5c: {  	v15 =	vmul.f32 $6.400000000e+02, v15;
	v19 =	vpop (erf);
	v3 =	vmin.u32 v3, $0x4F  }
0x5d: {  	v14 =	vmul.f32 v19, v14;
	v19 =	vpop (erf);
	vm12 =	vgt.s32 v12, $0x0;
	v3 =	vadd.s32 v3, v16  }
0x5e: {  	v15 =	vmul.f32 v19, v15;
	v12 =	vnsel vm12, $0x0, v12;
	v3 =	vmul.u32 $0x50, v3  }
0x5f: {  	v12 =	vmin.u32 v12, $0x4F  }
0x60: {  	vm3 =	vlt.f32 v14, $4.000000000e+00;
	vm10 =	vlt.f32 v15, $4.000000000e+00;
	v3 =	vadd.s32 v12, v3;
	v12 =	vld [tilespmem:$0x1FFF0]  }
0x61: {  	vm11 =	vgt.f32 v14, $2.500000000e-01;
	vm3 =	vmand vm3, vm10  }
0x62: {  	vm13 =	vgt.f32 v15, $2.500000000e-01;
	vm3 =	vmand vm3, vm11  }
0x63: {  	vm3 =	vmand vm13, vm3  }
0x64: {  	vm3 =	vmand vm2, vm3  }
0x65: {  	[tilespmem:$0xA80] =	vst v5;
	v3 =	vnsel vm3, $0x4B000, v3  }
0x66: {  	[tilespmem:$0xA20] =	vst v3  }
0x67: {  	v3 =	vld.idx.msk [tilespmem:v27+s13+$0x0], $0xffff  }
0x68: {  	v12 =	vld.idx.msk [tilespmem:v12+s13+$0x0], $0xffff;
	_ =	sdelay $0x3  }
0x69: {  	v14 =	vld [tilespmem:$0x1FFC0];
	(erf) = vrcp.f32 v3  }
0x6a: {  	(erf) = vrcp.f32 v12;
	v12 =	vld [tilespmem:$0x1FFB0];
	_ =	sdelay $0x1  }
0x6b: {  	v16 =	vld [tilespmem:$0x1FFE0];
	_ =	sdelay $0x1  }
0x6c: {  	v15 =	vld [tilespmem:$0x1FFD0];
	_ =	sdelay $0x2  }
0x6d: {  	v14 =	vld.idx.msk [tilespmem:v14+s5+$0x0], $0xffff  }
0x6e: {  	v12 =	vld.idx.msk [tilespmem:v12+s5+$0x0], $0xffff  }
0x6f: {  	v3 =	vld.idx.msk [tilespmem:v21+s5+$0x0], $0xffff  }
0x70: {  	v16 =	vld.idx.msk [tilespmem:v16+s12+$0x0], $0xffff;
	_ =	sdelay $0x1  }
0x71: {  	v15 =	vld.idx.msk [tilespmem:v15+s5+$0x0], $0xffff  }
0x72: {  	v12 =	vmul.f32 $8.000000000e+01, v12  }
0x73: {  	v3 =	vmul.f32 $8.000000000e+01, v3  }
0x74: {  	v14 =	vmul.f32 $6.400000000e+02, v14;
	v16 =	vmul.u32 $0x3, v16;
	v12 =	vtrunc.f32 v12  }
0x75: {  	v3 =	vtrunc.f32 v3;
	v12 =	vcvt.f32.s32 v12  }
0x76: {  	v15 =	vmul.f32 $6.400000000e+02, v15;
	v16 =	vadd.s32 v20, v16;
	v3 =	vcvt.f32.s32 v3;
	v19 =	vpop (erf)  }
0x77: {  	v16 =	vmul.u32 $0x50, v16;
	v14 =	vmul.f32 v19, v14;
	v22 =	vpop (erf);
	vm3 =	vgt.s32 v12, $0x0  }
0x78: {  	vm15 =	vgt.s32 v3, $0x0;
	v15 =	vmul.f32 v22, v15;
	v12 =	vnsel vm3, $0x0, v12  }
0x79: {  	v3 =	vnsel vm15, $0x0, v3;
	v12 =	vmin.u32 v12, $0x4F  }
0x7a: {  	vm14 =	vlt.f32 v15, $4.000000000e+00;
	vm3 =	vlt.f32 v14, $4.000000000e+00;
	v12 =	vadd.s32 v12, v16  }
0x7b: {  	vm8 =	vgt.f32 v14, $2.500000000e-01;
	vm3 =	vmand vm3, vm14;
	v12 =	vmul.u32 $0x50, v12  }
0x7c: {  	v3 =	vmin.u32 v3, $0x4F;
	vm9 =	vgt.f32 v15, $2.500000000e-01;
	vm3 =	vmand vm3, vm8  }
0x7d: {  	vm3 =	vmand vm9, vm3;
	v3 =	vadd.s32 v3, v12  }
0x7e: {  	[tilespmem:$0xA90] =	vst v17;
	v3 =	vnsel vm3, $0x4B000, v3  }
0x7f: {  	[tilespmem:$0xA30] =	vst v3  }
0x80: {  	v3 =	vld.idx.msk [tilespmem:v36+s13+$0x0], $0xffff  }
0x81: {  	v12 =	vld.idx.msk [tilespmem:v37+s13+$0x0], $0xffff;
	_ =	sdelay $0x2  }
0x82: {  	v14 =	vld.idx.msk [tilespmem:v33+s5+$0x0], $0xffff  }
0x83: {  	v15 =	vld.idx.msk [tilespmem:v35+s5+$0x0], $0xffff;
	(erf) = vrcp.f32 v3  }
0x84: {  	v3 =	vld.idx.msk [tilespmem:v32+s5+$0x0], $0xffff;
	(erf) = vrcp.f32 v12  }
0x85: {  	v12 =	vld.idx.msk [tilespmem:v31+s5+$0x0], $0xffff  }
0x86: {  	v16 =	vld.idx.msk [tilespmem:v28+s12+$0x0], $0xffff;
	_ =	sdelay $0x2  }
0x87: {  	v3 =	vmul.f32 $8.000000000e+01, v3  }
0x88: {  	v14 =	vmul.f32 $6.400000000e+02, v14;
	v12 =	vmul.f32 $8.000000000e+01, v12  }
0x89: {  	v15 =	vmul.f32 $6.400000000e+02, v15;
	v16 =	vmul.u32 $0x3, v16;
	v3 =	vtrunc.f32 v3  }
0x8a: {  	v3 =	vcvt.f32.s32 v3;
	v12 =	vtrunc.f32 v12;
	v19 =	vpop (erf)  }
0x8b: {  	v16 =	vadd.s32 v30, v16;
	v12 =	vcvt.f32.s32 v12;
	v14 =	vmul.f32 v19, v14;
	v19 =	vpop (erf)  }
0x8c: {  	v16 =	vmul.u32 $0x50, v16;
	vm10 =	vgt.s32 v3, $0x0;
	v15 =	vmul.f32 v19, v15  }
0x8d: {  	v3 =	vnsel vm10, $0x0, v3;
	vm13 =	vgt.s32 v12, $0x0;
	vm3 =	vlt.f32 v14, $4.000000000e+00  }
0x8e: {  	vm12 =	vgt.f32 v14, $2.500000000e-01;
	v3 =	vmin.u32 v3, $0x4F;
	vm11 =	vlt.f32 v15, $4.000000000e+00  }
0x8f: {  	v12 =	vnsel vm13, $0x0, v12;
	v3 =	vadd.s32 v3, v16;
	vm3 =	vmand vm3, vm11  }
0x90: {  	vm14 =	vgt.f32 v15, $2.500000000e-01;
	v3 =	vmul.u32 $0x50, v3;
	vm3 =	vmand vm3, vm12  }
0x91: {  	v12 =	vmin.u32 v12, $0x4F;
	vm3 =	vmand vm14, vm3  }
0x92: {  	v3 =	vadd.s32 v12, v3;
	vm3 =	vmand vm1, vm3  }
0x93: {  	[tilespmem:$0xAA0] =	vst v24;
	v3 =	vnsel vm3, $0x4B000, v3  }
0x94: {  	[tilespmem:$0xA40] =	vst v3  }
0x95: {  	v3 =	vld.idx.msk [tilespmem:v46+s13+$0x0], $0xffff  }
0x96: {  	v12 =	vld.idx.msk [tilespmem:v49+s13+$0x0], $0xffff;
	_ =	sdelay $0x3  }
0x97: {  	v14 =	vld.idx.msk [tilespmem:v42+s5+$0x0], $0xffff;
	(erf) = vrcp.f32 v3  }
0x98: {  	(erf) = vrcp.f32 v12;
	v12 =	vld.idx.msk [tilespmem:v40+s5+$0x0], $0xffff  }
0x99: {  	v3 =	vld.idx.msk [tilespmem:v38+s5+$0x0], $0xffff  }
0x9a: {  	v16 =	vld.idx.msk [tilespmem:v44+s12+$0x0], $0xffff;
	_ =	sdelay $0x1  }
0x9b: {  	v15 =	vld.idx.msk [tilespmem:v43+s5+$0x0], $0xffff  }
0x9c: {  	v12 =	vmul.f32 $8.000000000e+01, v12  }
0x9d: {  	v3 =	vmul.f32 $8.000000000e+01, v3  }
0x9e: {  	v14 =	vmul.f32 $6.400000000e+02, v14;
	v16 =	vmul.u32 $0x3, v16;
	v12 =	vtrunc.f32 v12  }
0x9f: {  	v3 =	vtrunc.f32 v3;
	v12 =	vcvt.f32.s32 v12  }
0xa0: {  	v15 =	vmul.f32 $6.400000000e+02, v15;
	v16 =	vadd.s32 v39, v16;
	v3 =	vcvt.f32.s32 v3;
	v19 =	vpop (erf)  }
0xa1: {  	v16 =	vmul.u32 $0x50, v16;
	v22 =	vpop (erf);
	v14 =	vmul.f32 v19, v14;
	vm3 =	vgt.s32 v12, $0x0  }
0xa2: {  	vm8 =	vgt.s32 v3, $0x0;
	v15 =	vmul.f32 v22, v15;
	v12 =	vnsel vm3, $0x0, v12  }
0xa3: {  	v3 =	vnsel vm8, $0x0, v3;
	v12 =	vmin.u32 v12, $0x4F  }
0xa4: {  	vm3 =	vlt.f32 v14, $4.000000000e+00;
	vm15 =	vlt.f32 v15, $4.000000000e+00;
	v12 =	vadd.s32 v12, v16  }
0xa5: {  	vm9 =	vgt.f32 v14, $2.500000000e-01;
	vm3 =	vmand vm3, vm15;
	v12 =	vmul.u32 $0x50, v12  }
0xa6: {  	v3 =	vmin.u32 v3, $0x4F;
	vm10 =	vgt.f32 v15, $2.500000000e-01;
	vm3 =	vmand vm3, vm9  }
0xa7: {  	vm3 =	vmand vm10, vm3;
	v3 =	vadd.s32 v3, v12  }
0xa8: {  	[tilespmem:$0xAB0] =	vst v34;
	v3 =	vnsel vm3, $0x4B000, v3  }
0xa9: {  	[tilespmem:$0xA50] =	vst v3  }
0xaa: {  	v3 =	vld.idx.msk [tilespmem:v51+s13+$0x0], $0xffff  }
0xab: {  	v12 =	vld.idx.msk [tilespmem:v54+s13+$0x0], $0xffff;
	_ =	sdelay $0x2  }
0xac: {  	v14 =	vld.idx.msk [tilespmem:v52+s5+$0x0], $0xffff  }
0xad: {  	v15 =	vld.idx.msk [tilespmem:v53+s5+$0x0], $0xffff;
	(erf) = vrcp.f32 v3  }
0xae: {  	v3 =	vld.idx.msk [tilespmem:v50+s5+$0x0], $0xffff;
	(erf) = vrcp.f32 v12  }
0xaf: {  	v12 =	vld.idx.msk [tilespmem:v48+s5+$0x0], $0xffff  }
0xb0: {  	v16 =	vld.idx.msk [tilespmem:v45+s12+$0x0], $0xffff;
	_ =	sdelay $0x2  }
0xb1: {  	v3 =	vmul.f32 $8.000000000e+01, v3  }
0xb2: {  	v14 =	vmul.f32 $6.400000000e+02, v14;
	v12 =	vmul.f32 $8.000000000e+01, v12  }
0xb3: {  	v15 =	vmul.f32 $6.400000000e+02, v15;
	v16 =	vmul.u32 $0x3, v16;
	v3 =	vtrunc.f32 v3  }
0xb4: {  	v3 =	vcvt.f32.s32 v3;
	v12 =	vtrunc.f32 v12;
	v19 =	vpop (erf)  }
0xb5: {  	v16 =	vadd.s32 v47, v16;
	v12 =	vcvt.f32.s32 v12;
	v14 =	vmul.f32 v19, v14;
	v19 =	vpop (erf)  }
0xb6: {  	v16 =	vmul.u32 $0x50, v16;
	vm11 =	vgt.s32 v3, $0x0;
	v15 =	vmul.f32 v19, v15  }
0xb7: {  	v3 =	vnsel vm11, $0x0, v3;
	vm14 =	vgt.s32 v12, $0x0;
	vm3 =	vlt.f32 v14, $4.000000000e+00  }
0xb8: {  	vm13 =	vgt.f32 v14, $2.500000000e-01;
	v3 =	vmin.u32 v3, $0x4F;
	vm12 =	vlt.f32 v15, $4.000000000e+00  }
0xb9: {  	v12 =	vnsel vm14, $0x0, v12;
	v3 =	vadd.s32 v3, v16;
	vm3 =	vmand vm3, vm12  }
0xba: {  	vm15 =	vgt.f32 v15, $2.500000000e-01;
	v3 =	vmul.u32 $0x50, v3;
	vm3 =	vmand vm3, vm13  }
0xbb: {  	v12 =	vmin.u32 v12, $0x4F;
	vm3 =	vmand vm15, vm3  }
0xbc: {  	v3 =	vadd.s32 v12, v3;
	vm3 =	vmand vm0, vm3  }
0xbd: {  	[tilespmem:$0xAC0] =	vst v41;
	v3 =	vnsel vm3, $0x4B000, v3  }
0xbe: {  	[tilespmem:$0xA60] =	vst v3  }
0xbf: {  	[spmem:s4] =	stream.indirect.scatter [tilespmem:s16], [sflag:$0x1], $0x1, s15, s14, $0xb8;
	[tilespmem:$0x7A38] =	vst v63  }
0xc0: {  	_ =	swait.ge [sflag:s11], $0x60  }
0xc1: {  	[sflag:s11] =	ssyncset.done $0x0  }
0xc2: {  	[sflag:s11] =	ssyncadd.s32 $0xFFFFFFA0  }
.LBB2_3:
0xc3: {  	_ =	sdelay $0x2  }
0xc4: {  	s22 =	simm.s32 $0x0  }
0xc5: {  	v3 =	vld.idx.msk [tilespmem:v6+s22+$0x0], $0xffff;
	_ =	sdelay $0x1  }
0xc6: {  	v14 =	vld.idx.msk [tilespmem:v56+s12+$0x0], $0xffff  }
0xc7: {  	v12 =	vld.idx.msk [tilespmem:v58+s22+$0x0], $0xffff;
	_ =	sdelay $0x1  }
0xc8: {  	v3 =	vmul.f32 $8.000000000e+01, v3;
	_ =	sdelay $0x1  }
0xc9: {  	v3 =	vtrunc.f32 v3  }
0xca: {  	v14 =	vmul.u32 $0x3, v14;
	v12 =	vmul.f32 $8.000000000e+01, v12;
	v3 =	vcvt.f32.s32 v3;
	_ =	sdelay $0x1  }
0xcb: {  	v14 =	vadd.s32 v55, v14;
	v12 =	vtrunc.f32 v12;
	vm3 =	vgt.s32 v3, $0x0  }
0xcc: {  	v14 =	vmul.u32 $0x50, v14;
	v12 =	vcvt.f32.s32 v12;
	v3 =	vnsel vm3, $0x0, v3  }
0xcd: {  	v3 =	vmin.u32 v3, $0x4F  }
0xce: {  	vm3 =	vgt.s32 v12, $0x0;
	v3 =	vadd.s32 v3, v14  }
0xcf: {  	v12 =	vnsel vm3, $0x0, v12;
	v3 =	vmul.u32 $0x50, v3  }
0xd0: {  	v12 =	vmin.u32 v12, $0x4F  }
0xd1: {  	v3 =	vadd.s32 v12, v3  }
0xd2: {  	[tilespmem:$0x9E0] =	vst v3  }
0xd3: {  	v3 =	vld.idx.msk [tilespmem:v7+s22+$0x0], $0xffff;
	_ =	sdelay $0x1  }
0xd4: {  	v12 =	vld.idx.msk [tilespmem:v60+s22+$0x0], $0xffff  }
0xd5: {  	v14 =	vld.idx.msk [tilespmem:v57+s12+$0x0], $0xffff;
	_ =	sdelay $0x1  }
0xd6: {  	v3 =	vmul.f32 $8.000000000e+01, v3;
	_ =	sdelay $0x1  }
0xd7: {  	v3 =	vtrunc.f32 v3  }
0xd8: {  	v12 =	vmul.f32 $8.000000000e+01, v12;
	v14 =	vmul.u32 $0x3, v14;
	v3 =	vcvt.f32.s32 v3;
	_ =	sdelay $0x1  }
0xd9: {  	v12 =	vtrunc.f32 v12;
	v14 =	vadd.s32 v59, v14;
	vm3 =	vgt.s32 v3, $0x0  }
0xda: {  	v12 =	vcvt.f32.s32 v12;
	v14 =	vmul.u32 $0x50, v14;
	v3 =	vnsel vm3, $0x0, v3  }
0xdb: {  	v3 =	vmin.u32 v3, $0x4F  }
0xdc: {  	vm3 =	vgt.s32 v12, $0x0;
	v3 =	vadd.s32 v3, v14  }
0xdd: {  	v12 =	vnsel vm3, $0x0, v12;
	v3 =	vmul.u32 $0x50, v3  }
0xde: {  	v12 =	vmin.u32 v12, $0x4F  }
0xdf: {  	v3 =	vadd.s32 v12, v3  }
0xe0: {  	[tilespmem:$0x9F0] =	vst v3  }
0xe1: {  	v3 =	vld.idx.msk [tilespmem:v8+s22+$0x0], $0xffff;
	_ =	sdelay $0x1  }
0xe2: {  	v12 =	vld.idx.msk [tilespmem:v4+s22+$0x0], $0xffff  }
0xe3: {  	v14 =	vld.idx.msk [tilespmem:v61+s12+$0x0], $0xffff;
	_ =	sdelay $0x1  }
0xe4: {  	v3 =	vmul.f32 $8.000000000e+01, v3;
	_ =	sdelay $0x1  }
0xe5: {  	v3 =	vtrunc.f32 v3  }
0xe6: {  	v12 =	vmul.f32 $8.000000000e+01, v12;
	v14 =	vmul.u32 $0x3, v14;
	v3 =	vcvt.f32.s32 v3;
	_ =	sdelay $0x1  }
0xe7: {  	v12 =	vtrunc.f32 v12;
	v14 =	vadd.s32 v62, v14;
	vm3 =	vgt.s32 v3, $0x0  }
0xe8: {  	v12 =	vcvt.f32.s32 v12;
	v14 =	vmul.u32 $0x50, v14;
	v3 =	vnsel vm3, $0x0, v3  }
0xe9: {  	v3 =	vmin.u32 v3, $0x4F  }
0xea: {  	vm3 =	vgt.s32 v12, $0x0;
	v3 =	vadd.s32 v3, v14;
	v14 =	vmov s22  }
0xeb: {  	v12 =	vnsel vm3, $0x0, v12;
	v3 =	vmul.u32 $0x50, v3  }
0xec: {  	v12 =	vmin.u32 v12, $0x4F  }
0xed: {  	v3 =	vadd.s32 v12, v3  }
0xee: {  	[tilespmem:$0xA00] =	vst v3  }
0xef: {  	v23 =	vld.idx.msk [tilespmem:v14+s17+$0x0], $0xffff;
	_ =	sdelay $0x1  }
0xf0: {  	v19 =	vmul.u32 $0x4B000, v0  }
0xf1: {  	s23 =	simm.s32 $0x1  }
0xf2: {  	v25 =	vmov s23;
	v16 =	vadd.s32 $0x4B0000, v19  }
0xf3: {  	v15 =	vadd.s32 $0xE10000, v19;
	s22 =	simm.s32 $0xB60;
	v14 =	vadd.s32 $0x960000, v19;
	v3 =	vadd.s32 v19, v23  }
0xf4: {  	v12 =	vadd.s32 $0x12C0000, v19;
	v29 =	vadd.s32 v16, v23;
	v22 =	vadd.s32 v14, v23;
	[tilespmem:s22+$0xFFFFFFD0] =	vst v3  }
0xf5: {  	s23 =	simm.s32 $0x2;
	v26 =	vadd.s32 v12, v23;
	v3 =	vadd.s32 v15, v23;
	v23 =	vadd.s32 v63, v23;
	[tilespmem:s22+$0xFFFFFFE0] =	vst v29  }
.LBB2_4:
0xf6: {  	p1 =	sne.s32 s23, $0x2F;
	[tilespmem:s22+$0xFFFFFFF0] =	vst v22  }
0xf7: {  	[tilespmem:s22+$0x0] =	vst v3  }
0xf8: {  	[tilespmem:s22+$0x10] =	vst v26  }
0xf9: {  	[tilespmem:s22+$0x20] =	vst v23  }
0xfa: {  	v23 =	vld.idx.msk [tilespmem:v25+s17+$0x0], $0xffff;
	_ =	sdelay $0x3  }
.Ltmp1:
0xfb: {  	(pc) =	sbr.rel @p1 .LBB2_4-.Ltmp1, $4  }
0xfc: {  	_ = 	snop  }
0xfd: {  	s22 =	sadd.s32 $0x60, s22;
	v3 =	vadd.s32 v19, v23;
	v29 =	vadd.s32 v16, v23;
	v22 =	vadd.s32 v14, v23  }
0xfe: {  	v26 =	vadd.s32 v12, v23;
	[tilespmem:s22+$0xFFFFFFD0] =	vst v3;
	v3 =	vadd.s32 v15, v23;
	v23 =	vadd.s32 v63, v23  }
0xff: {  	v25 =	vmov s23;
	s23 =	sadd.s32 $0x1, s23;
	[tilespmem:s22+$0xFFFFFFE0] =	vst v29  }
0x100: {  	[tilespmem:s22+$0xFFFFFFF0] =	vst v22  }
0x101: {  	[tilespmem:s22+$0x0] =	vst v3  }
0x102: {  	[tilespmem:s22+$0x10] =	vst v26  }
0x103: {  	[tilespmem:s22+$0x20] =	vst v23  }
0x104: {  	v3 =	vld.idx.msk [tilespmem:v25+s17+$0x0], $0xffff;
	_ =	sdelay $0x4  }
0x105: {  	s31 =	sadd.s32 $0x60, s22;
	v19 =	vadd.s32 v19, v3  }
0x106: {  	v16 =	vadd.s32 v16, v3;
	[tilespmem:s31+$0xFFFFFFD0] =	vst v19  }
0x107: {  	v14 =	vadd.s32 v14, v3;
	[tilespmem:s31+$0xFFFFFFE0] =	vst v16  }
0x108: {  	v15 =	vadd.s32 v15, v3;
	[tilespmem:s31+$0xFFFFFFF0] =	vst v14  }
0x109: {  	v12 =	vadd.s32 v12, v3;
	[tilespmem:s31+$0x0] =	vst v15  }
0x10a: {  	v3 =	vadd.s32 v63, v3;
	[tilespmem:s31+$0x10] =	vst v12  }
0x10b: {  	[tilespmem:s31+$0x20] =	vst v3  }
0x10c: {  	[tilespmem:s20], [sflag:$0x1] =	stream.indirect.gather [hbm4b:s6+s18], $0x1, s19, s18, $0xb8;
	[tilespmem:$0x7A38] =	vst v63  }
0x10d: {  	_ =	swait.ge [sflag:s11], $0x1200  }
0x10e: {  	[sflag:s11] =	ssyncset.done $0x0  }
0x10f: {  	[sflag:s11] =	ssyncadd.s32 $0xFFFFEE00  }
0x110: {  	[hbm4b:s8+s5] =	stream.linear.scatter [tilespmem:s20], [sflag:$0x1], $0x1200, $0x38;
	[tilespmem:$0x7A38] =	vst v63  }
0x111: {  	_ =	swait.ge [sflag:s11], $0x1200  }
0x112: {  	[sflag:s11] =	ssyncset.done $0x0  }
0x113: {  	s22 =	simm.s32 @!p0 $0x60;
	[sflag:s11] =	ssyncadd.s32 $0xFFFFEE00  }
0x114: {  	s23 =	simm.s32 @!p0 $0xA10;
	s24 =	simm.s32 @!p0 $0xAD0;
	[bflag:$0x0] =	sbarrier.arrive $0xFFFF  }
0x115: {  	[tilespmem:s24], [sflag:$0x1] =	stream.indirect.gather @!p0 [spmem:s4], $0x1, s23, s22, $0xb8;
	[tilespmem:$0x7A38] =	vst v63  }
0x116: {  	s22 =	simm.s32 @!p0 $0x1  }
0x117: {  	s21 =	sadd.s32 $0x1, s21;
	_ =	swait.ge @!p0 [sflag:s22], $0x60  }
0x118: {  	p1 =	sne.s32 s21, s10;
	[sflag:s22] =	ssyncset.done @!p0 $0x0  }
.Ltmp2:
0x119: {  	s23 =	simm.s32 @!p0 $0x0;
	[sflag:s22] =	ssyncadd.s32 @!p0 $0xFFFFFFA0;
	(pc) =	sbr.rel @p1 .LBB2_1-.Ltmp2, $4  }
0x11a: {  	[hbm4b:s9+s23] =	stream.linear.scatter @!p0 [tilespmem:s24], [sflag:$0x1], $0x60, $0x38;
	[tilespmem:$0x7A38] =	vst v63  }
0x11b: {  	_ =	swait.ge @!p0 [sflag:s22], $0x60  }
0x11c: {  	[sflag:s22] =	ssyncset.done @!p0 $0x0  }
0x11d: {  	[sflag:s22] =	ssyncadd.s32 @!p0 $0xFFFFFFA0  }
0x11e: {  	_ =	sfence.sel $0x180000  }
0x11f: {  	[bflag:$0x0] =	sbarrier.arrive $0xFFFF  }
0x120: {  	p0 =	sne.s32 s0, $0x0;
	_ =	strace $0x9000004D  }
0x121: {  	s0 =	sadd.s32 @!p0 $0x100000, s3;
	[bflag:$0x2] =	sbarrier.arrive $0xFFFF  }
0x122: {  	[sflag:s0] =	ssyncadd.tile.s32 @!p0 $0x1;
	_ =	shalt  }
.Lfunc_end2:
_tile_overlayer_lowered:
.L_overlay_start_2:
0x123: {  	(tag) =	ssettag $0x2  }
0x124: {  	s0 =	rddreg [dreg:$0x0];
	s2 =	stileid.u32  }
0x125: {  	s1 =	rddreg [dreg:$0x1];
	p0 =	sne.s32 s2, $0x0  }
0x126: {  	s3 =	rddreg [dreg:$0x2];
	[bflag:$0x3] =	sbarrier.arrive $0xFFFF;
	s2 =	simm.s32 @!p0 $0x1C01  }
0x127: {  	[timem:s3], [sflag:s2] =	dma.local @!p0 [hbm:s0], s1  }
0x128: {  	s0 =	simm.s32 @!p0 $0x1  }
0x129: {  	_ =	swait.ge @!p0 [sflag:s0], s1  }
0x12a: {  	s1 =	ssub.s32 @!p0 $0x0, s1;
	[sflag:s0] =	ssyncset.done @!p0 $0x0  }
0x12b: {  	[sflag:s0] =	ssyncadd.s32 @!p0 s1  }
0x12c: {  	[bflag:$0x3] =	sbarrier.arrive $0xFFFF  }
0x12d: {  	_ =	shalt  }

// kernel: kernel.9.cloned.1.call-start
scs
__scs_entry_jumppad:
0x0: {  	(pc) =	sbr.rel $0x88, $3  }
0x1: {  	(tag) =	ssettag $0x0;
	lr =	simm.s32 $0x1  }
0x2: {  	[smem:$0x3F9A] =	sst lr;
	_ =	strace $0xD0000000  }
0x3: {  	_ = 	snop  }
0x4: {  	_ = 	snop  }
0x5: {  	_ = 	snop  }
0x6: {  	_ = 	snop  }
0x7: {  	_ = 	snop  }
__scs_overlays_trampoline_lowered:
0x8: {  	[smem:$0x3FA9] =	sst s0  }
0x9: {  	[smem:$0x3FAA] =	sst s1  }
0xa: {  	[smem:$0x3FAB] =	sst s2  }
0xb: {  	[smem:$0x3FAC] =	sst s3  }
0xc: {  	[smem:$0x3FAD] =	sst s4  }
0xd: {  	[smem:$0x3FAE] =	sst s5  }
0xe: {  	[smem:$0x3FAF] =	sst s6  }
0xf: {  	[smem:$0x3FB0] =	sst s7  }
0x10: {  	[smem:$0x3FB1] =	sst s8  }
0x11: {  	[smem:$0x3FB2] =	sst s9;
	s0 =	simm.s32 @!p0 $0x0  }
0x12: {  	s1 =	sld [smem:$0x3F98];
	s0 =	simm.s32 @p0 $0x1  }
0x13: {  	[smem:$0x3FB3] =	sst s0;
	s0 =	simm.s32 @!p1 $0x0  }
0x14: {  	s2 =	sld [smem:$0x3F97];
	s0 =	simm.s32 @p1 $0x1  }
0x15: {  	[smem:$0x3FB4] =	sst s0;
	s0 =	simm.s32 @!p2 $0x0  }
0x16: {  	s3 =	sld [smem:$0x3FDB];
	s0 =	simm.s32 @p2 $0x1  }
0x17: {  	s4 =	simm.s32 $0x1BF5;
	[smem:$0x3FB6] =	sst s0  }
0x18: {  	s0 =	sld [smem:$0x3F99];
	_ =	swait.ge [sflag:s4], $0x0  }
0x19: {  	s7 =	sld [smem:$0x3F9A]  }
0x1a: {  	s8 =	sadd.s32 $0xFFFFE003, lr  }
0x1b: {  	s9 =	sadd.s32 $0xFFFFFEF7, lr;
	s5 =	simm.s32 $0xFFFFFFFF;
	p2 =	slt.u32 s8, $0xFFFFF086  }
0x1c: {  	p1 =	slt.u32 s9, $0xF7A;
	s5 =	simm.s32 @!p2 $0x0  }
0x1d: {  	s5 =	simm.s32 @p1 $0x1;
	p0 =	seq.s32 s7, s2  }
0x1e: {  	s7 =	smul.u32 @!p0 $0xF7A, s2;
	p2 =	seq.s32 @!p0 s5, $0x0  }
0x1f: {  	s9 =	smul.u32 $0xF7A, s1;
	s8 =	simm.s32 @!p0 $0x1BF5;
	p2 =	por !p2, p0  }
0x20: {  	[sflag:s8] =	ssyncset.s32 @!p0 $0xFFFFF086;
	s6 =	sadd.s32 @!p0 s3, s7;
	s7 =	simm.s32 @!p0 $0x108  }
0x21: {  	s3 =	sadd.s32 s3, s9;
	s6 =	sadd.s32 @!p0 $0x88, s6;
	s7 =	simm.s32 @p2 $0x1082  }
0x22: {  	[simem:s7], [sflag:s8] =	dma.local @!p0 [hbm:s6], $0xF7A  }
0x23: {  	s9 =	sor.u32 $0xD0000000, s2;
	s6 =	simm.s32 $0x108;
	_ =	swait.ge @!p0 [sflag:s8], $0x0  }
0x24: {  	s3 =	sadd.s32 $0x88, s3;
	s6 =	simm.s32 @!p1 $0x1082;
	[sflag:s4] =	ssyncset.s32 $0xFFFFF086  }
0x25: {  	[simem:s6], [sflag:s4] =	dma.local [hbm:s3], $0xF7A  }
0x26: {  	[smem:$0x3F9A] =	sst s1;
	(tag) =	ssettag s2;
	_ =	strace s9  }
0x27: {  	s1 =	sld [smem:$0x3FAA]  }
0x28: {  	s2 =	sld [smem:$0x3FAB]  }
0x29: {  	s4 =	sld [smem:$0x3FAD]  }
0x2a: {  	p0 =	seq.s32 s5, $0x0;
	s5 =	sld [smem:$0x3FAE]  }
0x2b: {  	s6 =	sld [smem:$0x3FAF]  }
0x2c: {  	s7 =	sld [smem:$0x3FB0]  }
0x2d: {  	s3 =	simm.s32 $0x108;
	s8 =	sld [smem:$0x3FB1]  }
0x2e: {  	s3 =	simm.s32 @!p0 $0x1082;
	s9 =	sld [smem:$0x3FB2]  }
0x2f: {  	lr =	sadd.s32 s0, s3;
	s0 =	sld [smem:$0x3FA9]  }
0x30: {  	s3 =	sld [smem:$0x3FAC]  }
0x31: {  	[smem:$0x3FB5] =	sst s10  }
0x32: {  	s10 =	sld [smem:$0x3FB3];
	_ =	sdelay $0x3  }
0x33: {  	p0 =	seq.s32 s10, $0x1;
	s10 =	sld [smem:$0x3FB5];
	_ =	sdelay $0x3  }
0x34: {  	[smem:$0x3FB5] =	sst s10  }
0x35: {  	s10 =	sld [smem:$0x3FB4];
	_ =	sdelay $0x3  }
0x36: {  	p1 =	seq.s32 s10, $0x1;
	s10 =	sld [smem:$0x3FB5];
	_ =	sdelay $0x3  }
0x37: {  	[smem:$0x3FB5] =	sst s10  }
0x38: {  	s10 =	sld [smem:$0x3FB6]  }
0x39: {  	_ = 	snop;
	(pc) =	sbr.ind lr, $3  }
0x3a: {  	_ = 	snop  }
0x3b: {  	_ = 	snop  }
0x3c: {  	p2 =	seq.s32 s10, $0x1;
	s10 =	sld [smem:$0x3FB5]  }
0x3d: {  	_ =	shalt  }
0x3e: {  	_ =	shalt  }
0x3f: {  	_ =	shalt  }
0x40: {  	_ =	shalt  }
0x41: {  	_ =	shalt  }
0x42: {  	_ =	shalt  }
0x43: {  	_ =	shalt  }
0x44: {  	_ =	shalt  }
0x45: {  	_ =	shalt  }
0x46: {  	_ =	shalt  }
0x47: {  	_ =	shalt  }
0x48: {  	_ =	shalt  }
0x49: {  	_ =	shalt  }
0x4a: {  	_ =	shalt  }
0x4b: {  	_ =	shalt  }
0x4c: {  	_ =	shalt  }
0x4d: {  	_ =	shalt  }
0x4e: {  	_ =	shalt  }
0x4f: {  	_ =	shalt  }
0x50: {  	_ =	shalt  }
0x51: {  	_ =	shalt  }
0x52: {  	_ =	shalt  }
0x53: {  	_ =	shalt  }
0x54: {  	_ =	shalt  }
0x55: {  	_ =	shalt  }
0x56: {  	_ =	shalt  }
0x57: {  	_ =	shalt  }
0x58: {  	_ =	shalt  }
0x59: {  	_ =	shalt  }
0x5a: {  	_ =	shalt  }
0x5b: {  	_ =	shalt  }
0x5c: {  	_ =	shalt  }
0x5d: {  	_ =	shalt  }
0x5e: {  	_ =	shalt  }
0x5f: {  	_ =	shalt  }
0x60: {  	_ =	shalt  }
0x61: {  	_ =	shalt  }
0x62: {  	_ =	shalt  }
0x63: {  	_ =	shalt  }
0x64: {  	_ =	shalt  }
0x65: {  	_ =	shalt  }
0x66: {  	_ =	shalt  }
0x67: {  	_ =	shalt  }
0x68: {  	_ =	shalt  }
0x69: {  	_ =	shalt  }
0x6a: {  	_ =	shalt  }
0x6b: {  	_ =	shalt  }
0x6c: {  	_ =	shalt  }
0x6d: {  	_ =	shalt  }
0x6e: {  	_ =	shalt  }
0x6f: {  	_ =	shalt  }
0x70: {  	_ =	shalt  }
0x71: {  	_ =	shalt  }
0x72: {  	_ =	shalt  }
0x73: {  	_ =	shalt  }
0x74: {  	_ =	shalt  }
0x75: {  	_ =	shalt  }
0x76: {  	_ =	shalt  }
0x77: {  	_ =	shalt  }
0x78: {  	_ =	shalt  }
0x79: {  	_ =	shalt  }
0x7a: {  	_ =	shalt  }
0x7b: {  	_ =	shalt  }
0x7c: {  	_ =	shalt  }
0x7d: {  	_ =	shalt  }
0x7e: {  	_ =	shalt  }
0x7f: {  	_ =	shalt  }
0x80: {  	_ =	shalt  }
0x81: {  	_ =	shalt  }
0x82: {  	_ =	shalt  }
0x83: {  	_ =	shalt  }
0x84: {  	_ =	shalt  }
0x85: {  	_ =	shalt  }
0x86: {  	_ =	shalt  }
0x87: {  	_ =	shalt  }
.Lfunc_end0:
.L_simem_size_0:
called_computation_lowered:
.L_overlay_start_0:
0x88: {  	s2 =	sld [smem:$0x3FD9]  }
0x89: {  	s3 =	sld [smem:$0x3FFE];
	_ =	sdelay $0x1  }
0x8a: {  	s1 =	srdreg.scid  }
0x8b: {  	s0 =	sand.u32 $0x1, s1  }
0x8c: {  	s14 =	sshll.u32 s0, $0xA;
	s2 =	sadd.s32 s3, s2  }
0x8d: {  	s2 =	sadd.s32 s2, s14  }
0x8e: {  	[smem:$0x3FC1] =	sst s2  }
0x8f: {  	_ = 	snop  }
0x90: {  	s2 =	sld [smem:$0x3FD0];
	_ =	sdelay $0x2  }
0x91: {  	s4 =	simm.s32 $0xC;
	s5 =	simm.s32 $0x10;
	s15 =	sld [smem:$0x3FC4]  }
0x92: {  	[smem:s5], [sflag:s4] =	dma.local [hbm:s2], $0x1  }
0x93: {  	_ =	swait.eq [sflag:s4], $0x1  }
0x94: {  	[sflag:s4] =	ssyncset.done $0x0  }
0x95: {  	[sflag:s4] =	ssyncadd.s32 $0xFFFFFFFF  }
0x96: {  	s16 =	sld [smem:$0x12];
	(tm) =	ssettm $0x1  }
0x97: {  	s17 =	sld [smem:$0x3FFB];
	_ =	sdelay $0x3  }
0x98: {  	_ =	strace s17  }
0x99: {  	s4 =	sld [smem:$0x3FFC];
	_ =	sdelay $0x3  }
0x9a: {  	_ =	strace s4  }
0x9b: {  	s4 =	sld [smem:$0x3FFD];
	_ =	sdelay $0x3  }
0x9c: {  	_ =	strace s4  }
0x9d: {  	_ =	strace $0x8FFFFFFF  }
0x9e: {  	s18 =	sld [smem:$0x3FDB];
	_ =	sdelay $0x1  }
0x9f: {  	s19 =	simm.s32 $_scs_section_size  }
0xa0: {  	s6 =	simm.s32 $_size__tile_overlayer_lowered;
	s7 =	simm.s32 $_tile_overlayer_lowered  }
0xa1: {  	s22 =	simm.s32 $0x1BFF;
	s21 =	sshll.u32 s7, $0x1;
	s4 =	sadd.s32 s19, s18  }
0xa2: {  	s8 =	simm.s32 $0x0;
	s20 =	sshll.u32 s6, $0x1;
	s6 =	sadd.s32 s21, s4  }
0xa3: {  	[timem:s8], [sflag:s22] =	dma.local [hbm:s6], s20  }
0xa4: {  	_ =	swait.ge [sflag:s22], s20  }
0xa5: {  	s5 =	ssub.s32 $0x0, s20;
	[sflag:s22] =	ssyncset.done $0x0  }
0xa6: {  	[sflag:s22] =	ssyncadd.s32 s5;
	_ =	sdelay $0x1  }
0xa7: {  	s23 =	simm.s32 $0x1B8B  }
0xa8: {  	_ =	swait.ge [sflag:s23], $0x1  }
0xa9: {  	[sflag:s23] =	ssyncset.done $0x0  }
0xaa: {  	s25 =	simm.s32 $0x1B8E;
	s24 =	sld [smem:$0x3FFE];
	[sflag:s23] =	ssyncadd.s32 $0xFFFFFFFF  }
0xab: {  	s26 =	simm.s32 $execute0_lowered;
	[smem:$0x3FD2] =	sst s25  }
0xac: {  	s6 =	sshll.u32 s26, $0x1;
	_ =	strace $0x80000046;
	[dreg:$0x1] =	wrdreg $0xFFFFFFFF  }
0xad: {  	s28 =	simm.s32 $_size_execute0_lowered;
	s4 =	sadd.s32 s4, s6;
	[dreg:$0x0] =	wrdreg $0x0  }
0xae: {  	s6 =	sshll.u32 s28, $0x1;
	[dreg:$0x2] =	wrdreg s4  }
0xaf: {  	[dreg:$0x3] =	wrdreg s6  }
0xb0: {  	[dreg:$0x4] =	wrdreg $0xC0  }
0xb1: {  	_ =	task [dreg:s8], $0x5FFFF  }
0xb2: {  	[dreg:$0x1] =	wrdreg $0xFFFFFFFF  }
0xb3: {  	[dreg:$0x0] =	wrdreg $0x60  }
0xb4: {  	[dreg:$0x2] =	wrdreg s24  }
0xb5: {  	[dreg:$0x3] =	wrdreg s16  }
0xb6: {  	[dreg:$0x4] =	wrdreg s15  }
0xb7: {  	[dreg:$0x5] =	wrdreg $0x2F300  }
0xb8: {  	[dreg:$0x6] =	wrdreg $0x9  }
0xb9: {  	_ =	task.clear_ibuf [dreg:s8], $0x7FFFF;
	_ =	strace $0x90000046  }
0xba: {  	s29 =	simm.s32 $0x9;
	_ =	strace $0x80000048  }
0xbb: {  	_ =	swait.ge [sflag:s29], $0x1  }
0xbc: {  	[sflag:s29] =	ssyncadd.s32 $0xFFFFFFFF  }
0xbd: {  	_ =	strace $0x90000048  }
0xbe: {  	_ =	sfence  }
0xbf: {  	s30 =	sld [smem:$0x0];
	_ =	sdelay $0x2  }
0xc0: {  	s31 =	sshll.u32 s1, $0xD;
	s1 =	sshrl.u32 s1, $0x2  }
0xc1: {  	s3 =	sand.u32 $0x4000, s31;
	s1 =	sadd.s32 s1, s30  }
0xc2: {  	s0 =	sor.u32 s3, s0;
	s1 =	sshll.u32 s1, $0x11  }
0xc3: {  	s0 =	sor.u32 s1, s0  }
0xc4: {  	s0 =	sadd.s32 $0x8F2B, s0  }
0xc5: {  	[sflag:s0] =	ssyncadd.remote.s32 $0x1  }
0xc6: {  	_ =	sfence.sel $0xFFFF  }
0xc7: {  	[dreg:$0x0] =	wrdreg $0xFFFFFFFF;
	(pc) =	sbr.abs _section_cstart, $3  }
0xc8: {  	[dreg:$0x1] =	wrdreg $0xFFFFFFFF  }
0xc9: {  	_ =	task.clear_ibuf [dreg:s8], $0x2FFFF;
	_ =	strace $0x9FFFFFFF  }
0xca: {  	(tm) =	ssettm $0x7FFFFFFF  }
0xcb: {  	_ =	shalt  }
tec
execute0_lowered:
.L_overlay_start_1:
0x0: {  	(tag) =	ssettag $0x1  }
0x1: {  	s0 =	stileid.u32  }
0x2: {  	s1 =	smul.u32 $0x60, s0  }
0x3: {  	v0 =	vlaneseq.u32  }
0x4: {  	v1 =	vor.u32 s1, v0  }
0x5: {  	v2 =	vshll.u32 v1, $0x2  }
0x6: {  	v2 =	vand.u32 $0x7BC, v2  }
0x7: {  	s29 =	srdreg.scid;
	v4 =	vor.u32 $0x1, v2  }
0x8: {  	vm3 =	vcmask $0x300;
	s11 =	sand.u32 $0x1, s29;
	v3 =	vmov s1;
	s2 =	sor.u32 $0x10, s1;
	[tilespmem:$0x1FF10] =	vst v4;
	v4 =	vor.u32 $0x2, v2  }
0x9: {  	s30 =	sshll.u32 s0, $0x1;
	s25 =	sadd.s32 $0x20, s1;
	s26 =	sadd.s32 $0x30, s1;
	v3 =	vshrl.u32 v3, $0x9;
	v7 =	vor.u32 s2, v0;
	[tilespmem:$0x1FF20] =	vst v4;
	v4 =	vor.u32 $0x3, v2  }
0xa: {  	s6 =	sor.u32 s11, s30;
	s28 =	sadd.s32 $0x40, s1;
	v16 =	vor.u32 s25, v0;
	v25 =	vor.u32 s26, v0;
	[tilespmem:$0x1FF30] =	vst v4;
	v4 =	vor.u32 $0x1E8, v0  }
0xb: {  	s1 =	sadd.s32 $0x50, s1;
	s7 =	smul.u32 $0x30, s6;
	v34 =	vor.u32 s28, v0;
	v11 =	vmov s28;
	v5 =	vand.u32 v4, v1  }
0xc: {  	v43 =	vor.u32 s1, v0;
	v6 =	vand.u32 $0x1FF, v7;
	[tilespmem:$0x1FF40] =	vst v5;
	v5 =	vshll.u32 v3, $0x1  }
0xd: {  	v39 =	vshrl.u32 v11, $0x9;
	s9 =	sadd.s32 $0x10, s7;
	v10 =	vmin.u32 v6, $0x1F3;
	v8 =	vadd.s32 $0xC, v5  }
0xe: {  	s13 =	sadd.s32 $0x20, s7;
	v11 =	vor.u32 s9, v0;
	v13 =	vshll.u32 v10, $0x2;
	v5 =	vadd.s32 $0xD, v5;
	[tilespmem:$0x1FF50] =	vst v8  }
0xf: {  	vm2 =	vlt.u32 v6, $0x1F4;
	v6 =	vor.u32 s13, v0;
	[tilespmem:$0x1FF60] =	vst v5;
	v5 =	vor.u32 $0x1, v13  }
0x10: {  	v6 =	vand.u32 $0x1FF, v6;
	v8 =	vmov s2;
	[tilespmem:$0x1FF70] =	vst v5;
	v5 =	vor.u32 $0x2, v13  }
0x11: {  	v61 =	vmin.u32 v6, $0x1F3;
	v12 =	vshrl.u32 v8, $0x9;
	[tilespmem:$0x1FF80] =	vst v5;
	v5 =	vor.u32 $0x3, v13  }
0x12: {  	v44 =	vand.u32 v4, v34;
	v8 =	vshll.u32 v16, $0x2;
	[tilespmem:$0x1FF90] =	vst v5;
	v5 =	vshll.u32 v12, $0x1  }
0x13: {  	v19 =	vand.u32 $0x7BC, v8;
	v8 =	vand.u32 $0x1FF, v25;
	v9 =	vadd.s32 $0xC, v5  }
0x14: {  	v28 =	vmin.u32 v8, $0x1F3;
	vm1 =	vlt.u32 v8, $0x1F4;
	v5 =	vadd.s32 $0xD, v5;
	[tilespmem:$0x1FFA0] =	vst v9  }
0x15: {  	v31 =	vshll.u32 v28, $0x2;
	v9 =	vmov s25;
	[tilespmem:$0x1FFB0] =	vst v5;
	v5 =	vor.u32 $0x1, v19  }
0x16: {  	v32 =	vor.u32 $0x1, v31;
	v33 =	vor.u32 $0x2, v31;
	v35 =	vor.u32 $0x3, v31  }
0x17: {  	v21 =	vshrl.u32 v9, $0x9;
	[tilespmem:$0x1FFC0] =	vst v5;
	v5 =	vor.u32 $0x2, v19;
	v9 =	vmov s26  }
0x18: {  	[tilespmem:$0x1FFD0] =	vst v5;
	v5 =	vor.u32 $0x3, v19;
	v30 =	vshrl.u32 v9, $0x9;
	v9 =	vshll.u32 v34, $0x2  }
0x19: {  	[tilespmem:$0x1FFE0] =	vst v5;
	v5 =	vand.u32 v4, v16;
	v37 =	vand.u32 $0x7BC, v9;
	v4 =	vshll.u32 v39, $0x1  }
0x1a: {  	v9 =	vmov s1;
	[tilespmem:$0x1FFF0] =	vst v5;
	v5 =	vshll.u32 v21, $0x1;
	v40 =	vor.u32 $0x1, v37  }
0x1b: {  	v41 =	vor.u32 $0x2, v37;
	v42 =	vor.u32 $0x3, v37;
	v45 =	vadd.s32 $0xC, v4  }
0x1c: {  	v47 =	vadd.s32 $0xD, v4;
	v48 =	vshrl.u32 v9, $0x9;
	v27 =	vadd.s32 $0xC, v5  }
0x1d: {  	v29 =	vadd.s32 $0xD, v5;
	v5 =	vshll.u32 v30, $0x1;
	v4 =	vshll.u32 v48, $0x1  }
0x1e: {  	s8 =	rddreg [dreg:$0x0];
	v36 =	vadd.s32 $0xC, v5;
	v38 =	vadd.s32 $0xD, v5;
	v5 =	vand.u32 $0x1FF, v43  }
0x1f: {  	s4 =	rddreg [dreg:$0x3];
	v53 =	vadd.s32 $0xC, v4;
	v54 =	vadd.s32 $0xD, v4;
	v4 =	vmov s7  }
0x20: {  	s3 =	rddreg [dreg:$0x4];
	s5 =	simm.s32 $0x0;
	s15 =	simm.s32 $0xA10;
	v9 =	vor.u32 s7, v0;
	v46 =	vmin.u32 v5, $0x1F3;
	v55 =	vshrl.u32 v4, $0x9  }
0x21: {  	s16 =	simm.s32 $0xA70;
	s17 =	simm.s32 $0x9E0;
	s18 =	simm.s32 $0x1200;
	v4 =	vand.u32 $0x1FF, v9;
	v9 =	vand.u32 $0x1FF, v11;
	vm0 =	vlt.u32 v5, $0x1F4  }
0x22: {  	s19 =	simm.s32 $0xB30;
	s20 =	simm.s32 $0x1D30;
	s21 =	simm.s32 $0x0;
	v5 =	vimm.s32 $0x1A4000;
	v49 =	vshll.u32 v46, $0x2;
	v56 =	vmin.u32 v4, $0x1F3  }
0x23: {  	[smem:$0x7FF] =	sst s5;
	s31 =	smul.u32 $0xC, s0;
	s12 =	ssub.s32 $0x2, s11;
	v4 =	vmov s9;
	v57 =	vmin.u32 v9, $0x1F3;
	v5 =	vsel vm3, $0x190000, v5  }
0x24: {  	p0 =	sne.s32 s11, $0x0;
	s10 =	smul.u32 $0x240, s6;
	s14 =	sshrl.u32 s12, $0x1;
	vm3 =	vcmask $0x704;
	v50 =	vor.u32 $0x1, v49;
	v51 =	vor.u32 $0x2, v49  }
0x25: {  	s11 =	simm.s32 $0x1;
	s6 =	sadd.s32 $0x3400, s8;
	s12 =	ssub.s32 s12, s14;
	v52 =	vor.u32 $0x3, v49;
	v58 =	vshll.u32 v56, $0x2;
	v59 =	vshrl.u32 v4, $0x9  }
0x26: {  	s14 =	simm.s32 $0x60;
	s10 =	sadd.s32 s10, s8;
	s2 =	rddreg [dreg:$0x2];
	v60 =	vshll.u32 v57, $0x2;
	v5 =	vsel vm3, $0x195000, v5;
	vm3 =	vcmask $0xB08  }
0x27: {  	s1 =	rddreg [dreg:$0x1];
	_ =	strace $0x80000047;
	s7 =	sadd.s32 $0x3200, s8;
	v4 =	vmov s13;
	v5 =	vsel vm3, $0x19A000, v5;
	vm3 =	vcmask $0xF0C  }
0x28: {  	s9 =	sadd.s32 s31, s8;
	s8 =	sadd.s32 $0x38600, s10;
	s10 =	smax.u32 s12, $0x1;
	v62 =	vshrl.u32 v4, $0x9;
	v4 =	vshll.u32 v61, $0x2;
	v6 =	vor.u32 $0x1, v60  }
0x29: {  	s12 =	simm.s32 $0x7D0;
	s9 =	sadd.s32 $0x3CE00, s9;
	s13 =	simm.s32 $0x9C8;
	v63 =	vsel vm3, $0x19F000, v5;
	v5 =	vor.u32 $0x1, v58;
	v8 =	vor.u32 $0x1, v4  }
.LBB2_1:
0x2a: {  	[tilespmem:s5], [sflag:$0x1] =	stream.linear.gather [hbm4b:s7+s5], $0x7D0, $0x38;
	[tilespmem:$0x33E8] =	vst v63  }
0x2b: {  	_ =	swait.ge [sflag:s11], $0x7D0  }
0x2c: {  	[sflag:s11] =	ssyncset.done $0x0  }
0x2d: {  	[sflag:s11] =	ssyncadd.s32 $0xFFFFF830  }
0x2e: {  	[tilespmem:s12], [sflag:$0x1] =	stream.linear.gather [hbm4b:s2+s5], $0x1F8, $0x38;
	[tilespmem:$0x33E8] =	vst v63  }
0x2f: {  	_ =	swait.ge [sflag:s11], $0x1F8  }
0x30: {  	[sflag:s11] =	ssyncset.done $0x0  }
.Ltmp0:
0x31: {  	[sflag:s11] =	ssyncadd.s32 $0xFFFFFE08;
	(pc) =	sbr.rel @p0 .LBB2_3-.Ltmp0, $4  }
0x32: {  	[tilespmem:s13], [sflag:$0x1] =	stream.linear.gather [hbm4b:s1+s5], $0x18, $0x38;
	[tilespmem:$0x33E8] =	vst v63  }
0x33: {  	_ =	swait.ge [sflag:s11], $0x18  }
0x34: {  	[sflag:s11] =	ssyncset.done $0x0  }
0x35: {  	[sflag:s11] =	ssyncadd.s32 $0xFFFFFFE8  }
0x36: {  	v9 =	vld [tilespmem:$0x1FF50]  }
0x37: {  	v11 =	vld [tilespmem:$0x1FF60];
	_ =	sdelay $0x6  }
0x38: {  	v9 =	vld.idx.msk [tilespmem:v9+s13+$0x0], $0xffff  }
0x39: {  	v11 =	vld.idx.msk [tilespmem:v11+s13+$0x0], $0xffff;
	_ =	sdelay $0x3  }
0x3a: {  	v14 =	vld [tilespmem:$0x1FF20];
	(erf) = vrcp.f32 v9  }
0x3b: {  	(erf) = vrcp.f32 v11;
	v11 =	vld [tilespmem:$0x1FF10];
	_ =	sdelay $0x1  }
0x3c: {  	v17 =	vld [tilespmem:$0x1FF40];
	_ =	sdelay $0x1  }
0x3d: {  	v15 =	vld [tilespmem:$0x1FF30];
	_ =	sdelay $0x2  }
0x3e: {  	v14 =	vld.idx.msk [tilespmem:v14+s5+$0x0], $0xffff  }
0x3f: {  	v11 =	vld.idx.msk [tilespmem:v11+s5+$0x0], $0xffff  }
0x40: {  	v9 =	vld.idx.msk [tilespmem:v2+s5+$0x0], $0xffff  }
0x41: {  	v17 =	vld.idx.msk [tilespmem:v17+s12+$0x0], $0xffff;
	_ =	sdelay $0x1  }
0x42: {  	v15 =	vld.idx.msk [tilespmem:v15+s5+$0x0], $0xffff  }
0x43: {  	v11 =	vmul.f32 $2.000000000e+01, v11  }
0x44: {  	v9 =	vmul.f32 $2.000000000e+01, v9  }
0x45: {  	v14 =	vmul.f32 $6.400000000e+02, v14;
	v17 =	vmul.u32 $0x3, v17;
	v11 =	vtrunc.f32 v11  }
0x46: {  	v9 =	vtrunc.f32 v9;
	v11 =	vcvt.f32.s32 v11  }
0x47: {  	v15 =	vmul.f32 $6.400000000e+02, v15;
	v17 =	vadd.s32 v3, v17;
	v9 =	vcvt.f32.s32 v9;
	v18 =	vpop (erf)  }
0x48: {  	v17 =	vmul.u32 $0x14, v17;
	v20 =	vpop (erf);
	v14 =	vmul.f32 v18, v14;
	vm3 =	vgt.s32 v11, $0x0  }
0x49: {  	vm15 =	vgt.s32 v9, $0x0;
	v15 =	vmul.f32 v20, v15;
	v11 =	vnsel vm3, $0x0, v11  }
0x4a: {  	v9 =	vnsel vm15, $0x0, v9;
	v11 =	vmin.u32 v11, $0x13  }
0x4b: {  	vm4 =	vlt.f32 v15, $4.000000000e+00;
	vm3 =	vlt.f32 v14, $4.000000000e+00;
	v11 =	vadd.s32 v11, v17  }
0x4c: {  	vm5 =	vgt.f32 v14, $2.500000000e-01;
	vm3 =	vmand vm3, vm4;
	v11 =	vmul.u32 $0x14, v11  }
0x4d: {  	v9 =	vmin.u32 v9, $0x13;
	vm8 =	vgt.f32 v15, $2.500000000e-01;
	vm3 =	vmand vm3, vm5  }
0x4e: {  	vm3 =	vmand vm8, vm3;
	v9 =	vadd.s32 v9, v11  }
0x4f: {  	v9 =	vnsel vm3, $0x4B00, v9  }
0x50: {  	[tilespmem:$0xA10] =	vst v9;
	v9 =	vld [tilespmem:$0x1FFA0];
	_ =	sdelay $0x6  }
0x51: {  	[tilespmem:$0xA70] =	vst v1;
	v11 =	vld [tilespmem:$0x1FFB0]  }
0x52: {  	v9 =	vld.idx.msk [tilespmem:v9+s13+$0x0], $0xffff;
	_ =	sdelay $0x2  }
0x53: {  	v14 =	vld [tilespmem:$0x1FF80]  }
0x54: {  	v15 =	vld [tilespmem:$0x1FF90]  }
0x55: {  	(erf) = vrcp.f32 v9;
	v9 =	vld [tilespmem:$0x1FF70];
	_ =	sdelay $0x2  }
0x56: {  	v11 =	vld.idx.msk [tilespmem:v11+s13+$0x0], $0xffff;
	_ =	sdelay $0x2  }
0x57: {  	v14 =	vld.idx.msk [tilespmem:v14+s5+$0x0], $0xffff  }
0x58: {  	v15 =	vld.idx.msk [tilespmem:v15+s5+$0x0], $0xffff  }
0x59: {  	(erf) = vrcp.f32 v11;
	v9 =	vld.idx.msk [tilespmem:v9+s5+$0x0], $0xffff  }
0x5a: {  	v11 =	vld.idx.msk [tilespmem:v13+s5+$0x0], $0xffff  }
0x5b: {  	v17 =	vld.idx.msk [tilespmem:v10+s12+$0x0], $0xffff;
	_ =	sdelay $0x2  }
0x5c: {  	v9 =	vmul.f32 $2.000000000e+01, v9  }
0x5d: {  	v14 =	vmul.f32 $6.400000000e+02, v14;
	v11 =	vmul.f32 $2.000000000e+01, v11  }
0x5e: {  	v15 =	vmul.f32 $6.400000000e+02, v15;
	v17 =	vmul.u32 $0x3, v17;
	v9 =	vtrunc.f32 v9  }
0x5f: {  	v11 =	vtrunc.f32 v11;
	v18 =	vpop (erf);
	v9 =	vcvt.f32.s32 v9  }
0x60: {  	v17 =	vadd.s32 v12, v17;
	v11 =	vcvt.f32.s32 v11;
	v14 =	vmul.f32 v18, v14;
	v18 =	vpop (erf)  }
0x61: {  	v17 =	vmul.u32 $0x14, v17;
	v15 =	vmul.f32 v18, v15;
	vm9 =	vgt.s32 v9, $0x0  }
0x62: {  	vm12 =	vgt.s32 v11, $0x0;
	vm3 =	vlt.f32 v14, $4.000000000e+00;
	v9 =	vnsel vm9, $0x0, v9  }
0x63: {  	vm11 =	vgt.f32 v14, $2.500000000e-01;
	vm10 =	vlt.f32 v15, $4.000000000e+00;
	v9 =	vmin.u32 v9, $0x13  }
0x64: {  	v11 =	vnsel vm12, $0x0, v11;
	vm3 =	vmand vm3, vm10;
	v9 =	vadd.s32 v9, v17  }
0x65: {  	vm13 =	vgt.f32 v15, $2.500000000e-01;
	vm3 =	vmand vm3, vm11;
	v9 =	vmul.u32 $0x14, v9  }
0x66: {  	v11 =	vmin.u32 v11, $0x13;
	vm3 =	vmand vm13, vm3  }
0x67: {  	vm3 =	vmand vm2, vm3;
	v9 =	vadd.s32 v11, v9  }
0x68: {  	[tilespmem:$0xA80] =	vst v7;
	v9 =	vnsel vm3, $0x4B00, v9  }
0x69: {  	[tilespmem:$0xA20] =	vst v9  }
0x6a: {  	v9 =	vld.idx.msk [tilespmem:v27+s13+$0x0], $0xffff  }
0x6b: {  	v11 =	vld.idx.msk [tilespmem:v29+s13+$0x0], $0xffff;
	_ =	sdelay $0x3  }
0x6c: {  	v14 =	vld [tilespmem:$0x1FFD0];
	(erf) = vrcp.f32 v9  }
0x6d: {  	(erf) = vrcp.f32 v11;
	v11 =	vld [tilespmem:$0x1FFC0];
	_ =	sdelay $0x1  }
0x6e: {  	v17 =	vld [tilespmem:$0x1FFF0];
	_ =	sdelay $0x1  }
0x6f: {  	v15 =	vld [tilespmem:$0x1FFE0];
	_ =	sdelay $0x2  }
0x70: {  	v14 =	vld.idx.msk [tilespmem:v14+s5+$0x0], $0xffff  }
0x71: {  	v11 =	vld.idx.msk [tilespmem:v11+s5+$0x0], $0xffff  }
0x72: {  	v9 =	vld.idx.msk [tilespmem:v19+s5+$0x0], $0xffff  }
0x73: {  	v17 =	vld.idx.msk [tilespmem:v17+s12+$0x0], $0xffff;
	_ =	sdelay $0x1  }
0x74: {  	v15 =	vld.idx.msk [tilespmem:v15+s5+$0x0], $0xffff  }
0x75: {  	v11 =	vmul.f32 $2.000000000e+01, v11  }
0x76: {  	v9 =	vmul.f32 $2.000000000e+01, v9  }
0x77: {  	v14 =	vmul.f32 $6.400000000e+02, v14;
	v17 =	vmul.u32 $0x3, v17;
	v11 =	vtrunc.f32 v11  }
0x78: {  	v9 =	vtrunc.f32 v9;
	v11 =	vcvt.f32.s32 v11  }
0x79: {  	v15 =	vmul.f32 $6.400000000e+02, v15;
	v17 =	vadd.s32 v21, v17;
	v9 =	vcvt.f32.s32 v9;
	v18 =	vpop (erf)  }
0x7a: {  	v17 =	vmul.u32 $0x14, v17;
	v20 =	vpop (erf);
	v14 =	vmul.f32 v18, v14;
	vm3 =	vgt.s32 v11, $0x0  }
0x7b: {  	vm15 =	vgt.s32 v9, $0x0;
	v15 =	vmul.f32 v20, v15;
	v11 =	vnsel vm3, $0x0, v11  }
0x7c: {  	v9 =	vnsel vm15, $0x0, v9;
	v11 =	vmin.u32 v11, $0x13  }
0x7d: {  	vm14 =	vlt.f32 v15, $4.000000000e+00;
	vm3 =	vlt.f32 v14, $4.000000000e+00;
	v11 =	vadd.s32 v11, v17  }
0x7e: {  	vm8 =	vgt.f32 v14, $2.500000000e-01;
	vm3 =	vmand vm3, vm14;
	v11 =	vmul.u32 $0x14, v11  }
0x7f: {  	v9 =	vmin.u32 v9, $0x13;
	vm9 =	vgt.f32 v15, $2.500000000e-01;
	vm3 =	vmand vm3, vm8  }
0x80: {  	vm3 =	vmand vm9, vm3;
	v9 =	vadd.s32 v9, v11  }
0x81: {  	[tilespmem:$0xA90] =	vst v16;
	v9 =	vnsel vm3, $0x4B00, v9  }
0x82: {  	[tilespmem:$0xA30] =	vst v9  }
0x83: {  	v9 =	vld.idx.msk [tilespmem:v36+s13+$0x0], $0xffff  }
0x84: {  	v11 =	vld.idx.msk [tilespmem:v38+s13+$0x0], $0xffff;
	_ =	sdelay $0x2  }
0x85: {  	v14 =	vld.idx.msk [tilespmem:v33+s5+$0x0], $0xffff  }
0x86: {  	v15 =	vld.idx.msk [tilespmem:v35+s5+$0x0], $0xffff;
	(erf) = vrcp.f32 v9  }
0x87: {  	v9 =	vld.idx.msk [tilespmem:v32+s5+$0x0], $0xffff;
	(erf) = vrcp.f32 v11  }
0x88: {  	v11 =	vld.idx.msk [tilespmem:v31+s5+$0x0], $0xffff  }
0x89: {  	v17 =	vld.idx.msk [tilespmem:v28+s12+$0x0], $0xffff;
	_ =	sdelay $0x2  }
0x8a: {  	v9 =	vmul.f32 $2.000000000e+01, v9  }
0x8b: {  	v14 =	vmul.f32 $6.400000000e+02, v14;
	v11 =	vmul.f32 $2.000000000e+01, v11  }
0x8c: {  	v15 =	vmul.f32 $6.400000000e+02, v15;
	v17 =	vmul.u32 $0x3, v17;
	v9 =	vtrunc.f32 v9  }
0x8d: {  	v9 =	vcvt.f32.s32 v9;
	v11 =	vtrunc.f32 v11;
	v18 =	vpop (erf)  }
0x8e: {  	v17 =	vadd.s32 v30, v17;
	v11 =	vcvt.f32.s32 v11;
	v14 =	vmul.f32 v18, v14;
	v18 =	vpop (erf)  }
0x8f: {  	v17 =	vmul.u32 $0x14, v17;
	vm10 =	vgt.s32 v9, $0x0;
	v15 =	vmul.f32 v18, v15  }
0x90: {  	v9 =	vnsel vm10, $0x0, v9;
	vm13 =	vgt.s32 v11, $0x0;
	vm3 =	vlt.f32 v14, $4.000000000e+00  }
0x91: {  	vm12 =	vgt.f32 v14, $2.500000000e-01;
	v9 =	vmin.u32 v9, $0x13;
	vm11 =	vlt.f32 v15, $4.000000000e+00  }
0x92: {  	v11 =	vnsel vm13, $0x0, v11;
	v9 =	vadd.s32 v9, v17;
	vm3 =	vmand vm3, vm11  }
0x93: {  	vm14 =	vgt.f32 v15, $2.500000000e-01;
	v9 =	vmul.u32 $0x14, v9;
	vm3 =	vmand vm3, vm12  }
0x94: {  	v11 =	vmin.u32 v11, $0x13;
	vm3 =	vmand vm14, vm3  }
0x95: {  	v9 =	vadd.s32 v11, v9;
	vm3 =	vmand vm1, vm3  }
0x96: {  	[tilespmem:$0xAA0] =	vst v25;
	v9 =	vnsel vm3, $0x4B00, v9  }
0x97: {  	[tilespmem:$0xA40] =	vst v9  }
0x98: {  	v9 =	vld.idx.msk [tilespmem:v45+s13+$0x0], $0xffff  }
0x99: {  	v11 =	vld.idx.msk [tilespmem:v47+s13+$0x0], $0xffff;
	_ =	sdelay $0x3  }
0x9a: {  	v14 =	vld.idx.msk [tilespmem:v41+s5+$0x0], $0xffff;
	(erf) = vrcp.f32 v9  }
0x9b: {  	(erf) = vrcp.f32 v11;
	v11 =	vld.idx.msk [tilespmem:v40+s5+$0x0], $0xffff  }
0x9c: {  	v9 =	vld.idx.msk [tilespmem:v37+s5+$0x0], $0xffff  }
0x9d: {  	v17 =	vld.idx.msk [tilespmem:v44+s12+$0x0], $0xffff;
	_ =	sdelay $0x1  }
0x9e: {  	v15 =	vld.idx.msk [tilespmem:v42+s5+$0x0], $0xffff  }
0x9f: {  	v11 =	vmul.f32 $2.000000000e+01, v11  }
0xa0: {  	v9 =	vmul.f32 $2.000000000e+01, v9  }
0xa1: {  	v14 =	vmul.f32 $6.400000000e+02, v14;
	v17 =	vmul.u32 $0x3, v17;
	v11 =	vtrunc.f32 v11  }
0xa2: {  	v9 =	vtrunc.f32 v9;
	v11 =	vcvt.f32.s32 v11  }
0xa3: {  	v15 =	vmul.f32 $6.400000000e+02, v15;
	v17 =	vadd.s32 v39, v17;
	v9 =	vcvt.f32.s32 v9;
	v18 =	vpop (erf)  }
0xa4: {  	v17 =	vmul.u32 $0x14, v17;
	v20 =	vpop (erf);
	v14 =	vmul.f32 v18, v14;
	vm3 =	vgt.s32 v11, $0x0  }
0xa5: {  	vm8 =	vgt.s32 v9, $0x0;
	v15 =	vmul.f32 v20, v15;
	v11 =	vnsel vm3, $0x0, v11  }
0xa6: {  	v9 =	vnsel vm8, $0x0, v9;
	v11 =	vmin.u32 v11, $0x13  }
0xa7: {  	vm3 =	vlt.f32 v14, $4.000000000e+00;
	vm15 =	vlt.f32 v15, $4.000000000e+00;
	v11 =	vadd.s32 v11, v17  }
0xa8: {  	vm9 =	vgt.f32 v14, $2.500000000e-01;
	vm3 =	vmand vm3, vm15;
	v11 =	vmul.u32 $0x14, v11  }
0xa9: {  	v9 =	vmin.u32 v9, $0x13;
	vm10 =	vgt.f32 v15, $2.500000000e-01;
	vm3 =	vmand vm3, vm9  }
0xaa: {  	vm3 =	vmand vm10, vm3;
	v9 =	vadd.s32 v9, v11  }
0xab: {  	[tilespmem:$0xAB0] =	vst v34;
	v9 =	vnsel vm3, $0x4B00, v9  }
0xac: {  	[tilespmem:$0xA50] =	vst v9  }
0xad: {  	v9 =	vld.idx.msk [tilespmem:v53+s13+$0x0], $0xffff  }
0xae: {  	v11 =	vld.idx.msk [tilespmem:v54+s13+$0x0], $0xffff;
	_ =	sdelay $0x2  }
0xaf: {  	v14 =	vld.idx.msk [tilespmem:v51+s5+$0x0], $0xffff  }
0xb0: {  	v15 =	vld.idx.msk [tilespmem:v52+s5+$0x0], $0xffff;
	(erf) = vrcp.f32 v9  }
0xb1: {  	v9 =	vld.idx.msk [tilespmem:v50+s5+$0x0], $0xffff;
	(erf) = vrcp.f32 v11  }
0xb2: {  	v11 =	vld.idx.msk [tilespmem:v49+s5+$0x0], $0xffff  }
0xb3: {  	v17 =	vld.idx.msk [tilespmem:v46+s12+$0x0], $0xffff;
	_ =	sdelay $0x2  }
0xb4: {  	v9 =	vmul.f32 $2.000000000e+01, v9  }
0xb5: {  	v14 =	vmul.f32 $6.400000000e+02, v14;
	v11 =	vmul.f32 $2.000000000e+01, v11  }
0xb6: {  	v15 =	vmul.f32 $6.400000000e+02, v15;
	v17 =	vmul.u32 $0x3, v17;
	v9 =	vtrunc.f32 v9  }
0xb7: {  	v9 =	vcvt.f32.s32 v9;
	v11 =	vtrunc.f32 v11;
	v18 =	vpop (erf)  }
0xb8: {  	v17 =	vadd.s32 v48, v17;
	v11 =	vcvt.f32.s32 v11;
	v14 =	vmul.f32 v18, v14;
	v18 =	vpop (erf)  }
0xb9: {  	v17 =	vmul.u32 $0x14, v17;
	vm11 =	vgt.s32 v9, $0x0;
	v15 =	vmul.f32 v18, v15  }
0xba: {  	v9 =	vnsel vm11, $0x0, v9;
	vm14 =	vgt.s32 v11, $0x0;
	vm3 =	vlt.f32 v14, $4.000000000e+00  }
0xbb: {  	vm13 =	vgt.f32 v14, $2.500000000e-01;
	v9 =	vmin.u32 v9, $0x13;
	vm12 =	vlt.f32 v15, $4.000000000e+00  }
0xbc: {  	v11 =	vnsel vm14, $0x0, v11;
	v9 =	vadd.s32 v9, v17;
	vm3 =	vmand vm3, vm12  }
0xbd: {  	vm15 =	vgt.f32 v15, $2.500000000e-01;
	v9 =	vmul.u32 $0x14, v9;
	vm3 =	vmand vm3, vm13  }
0xbe: {  	v11 =	vmin.u32 v11, $0x13;
	vm3 =	vmand vm15, vm3  }
0xbf: {  	v9 =	vadd.s32 v11, v9;
	vm3 =	vmand vm0, vm3  }
0xc0: {  	[tilespmem:$0xAC0] =	vst v43;
	v9 =	vnsel vm3, $0x4B00, v9  }
0xc1: {  	[tilespmem:$0xA60] =	vst v9  }
0xc2: {  	[spmem:s4] =	stream.indirect.scatter [tilespmem:s16], [sflag:$0x1], $0x1, s15, s14, $0xb8;
	[tilespmem:$0x33E8] =	vst v63  }
0xc3: {  	_ =	swait.ge [sflag:s11], $0x60  }
0xc4: {  	[sflag:s11] =	ssyncset.done $0x0  }
0xc5: {  	[sflag:s11] =	ssyncadd.s32 $0xFFFFFFA0  }
.LBB2_3:
0xc6: {  	_ =	sdelay $0x2  }
0xc7: {  	s22 =	simm.s32 $0x0  }
0xc8: {  	v9 =	vld.idx.msk [tilespmem:v5+s22+$0x0], $0xffff;
	_ =	sdelay $0x1  }
0xc9: {  	v14 =	vld.idx.msk [tilespmem:v56+s12+$0x0], $0xffff  }
0xca: {  	v11 =	vld.idx.msk [tilespmem:v58+s22+$0x0], $0xffff;
	_ =	sdelay $0x1  }
0xcb: {  	v9 =	vmul.f32 $2.000000000e+01, v9;
	_ =	sdelay $0x1  }
0xcc: {  	v9 =	vtrunc.f32 v9  }
0xcd: {  	v14 =	vmul.u32 $0x3, v14;
	v11 =	vmul.f32 $2.000000000e+01, v11;
	v9 =	vcvt.f32.s32 v9;
	_ =	sdelay $0x1  }
0xce: {  	v14 =	vadd.s32 v55, v14;
	v11 =	vtrunc.f32 v11;
	vm3 =	vgt.s32 v9, $0x0  }
0xcf: {  	v14 =	vmul.u32 $0x14, v14;
	v11 =	vcvt.f32.s32 v11;
	v9 =	vnsel vm3, $0x0, v9  }
0xd0: {  	v9 =	vmin.u32 v9, $0x13  }
0xd1: {  	vm3 =	vgt.s32 v11, $0x0;
	v9 =	vadd.s32 v9, v14  }
0xd2: {  	v11 =	vnsel vm3, $0x0, v11;
	v9 =	vmul.u32 $0x14, v9  }
0xd3: {  	v11 =	vmin.u32 v11, $0x13  }
0xd4: {  	v9 =	vadd.s32 v11, v9  }
0xd5: {  	[tilespmem:$0x9E0] =	vst v9  }
0xd6: {  	v9 =	vld.idx.msk [tilespmem:v6+s22+$0x0], $0xffff;
	_ =	sdelay $0x1  }
0xd7: {  	v11 =	vld.idx.msk [tilespmem:v60+s22+$0x0], $0xffff  }
0xd8: {  	v14 =	vld.idx.msk [tilespmem:v57+s12+$0x0], $0xffff;
	_ =	sdelay $0x1  }
0xd9: {  	v9 =	vmul.f32 $2.000000000e+01, v9;
	_ =	sdelay $0x1  }
0xda: {  	v9 =	vtrunc.f32 v9  }
0xdb: {  	v11 =	vmul.f32 $2.000000000e+01, v11;
	v14 =	vmul.u32 $0x3, v14;
	v9 =	vcvt.f32.s32 v9;
	_ =	sdelay $0x1  }
0xdc: {  	v11 =	vtrunc.f32 v11;
	v14 =	vadd.s32 v59, v14;
	vm3 =	vgt.s32 v9, $0x0  }
0xdd: {  	v11 =	vcvt.f32.s32 v11;
	v14 =	vmul.u32 $0x14, v14;
	v9 =	vnsel vm3, $0x0, v9  }
0xde: {  	v9 =	vmin.u32 v9, $0x13  }
0xdf: {  	vm3 =	vgt.s32 v11, $0x0;
	v9 =	vadd.s32 v9, v14  }
0xe0: {  	v11 =	vnsel vm3, $0x0, v11;
	v9 =	vmul.u32 $0x14, v9  }
0xe1: {  	v11 =	vmin.u32 v11, $0x13  }
0xe2: {  	v9 =	vadd.s32 v11, v9  }
0xe3: {  	[tilespmem:$0x9F0] =	vst v9  }
0xe4: {  	v9 =	vld.idx.msk [tilespmem:v8+s22+$0x0], $0xffff;
	_ =	sdelay $0x1  }
0xe5: {  	v11 =	vld.idx.msk [tilespmem:v4+s22+$0x0], $0xffff  }
0xe6: {  	v14 =	vld.idx.msk [tilespmem:v61+s12+$0x0], $0xffff;
	_ =	sdelay $0x1  }
0xe7: {  	v9 =	vmul.f32 $2.000000000e+01, v9;
	_ =	sdelay $0x1  }
0xe8: {  	v9 =	vtrunc.f32 v9  }
0xe9: {  	v11 =	vmul.f32 $2.000000000e+01, v11;
	v14 =	vmul.u32 $0x3, v14;
	v9 =	vcvt.f32.s32 v9;
	_ =	sdelay $0x1  }
0xea: {  	v11 =	vtrunc.f32 v11;
	v14 =	vadd.s32 v62, v14;
	vm3 =	vgt.s32 v9, $0x0  }
0xeb: {  	v11 =	vcvt.f32.s32 v11;
	v14 =	vmul.u32 $0x14, v14;
	v9 =	vnsel vm3, $0x0, v9  }
0xec: {  	v9 =	vmin.u32 v9, $0x13  }
0xed: {  	vm3 =	vgt.s32 v11, $0x0;
	v9 =	vadd.s32 v9, v14;
	v14 =	vmov s22  }
0xee: {  	v11 =	vnsel vm3, $0x0, v11;
	v9 =	vmul.u32 $0x14, v9  }
0xef: {  	v11 =	vmin.u32 v11, $0x13  }
0xf0: {  	v9 =	vadd.s32 v11, v9  }
0xf1: {  	[tilespmem:$0xA00] =	vst v9  }
0xf2: {  	v20 =	vld.idx.msk [tilespmem:v14+s17+$0x0], $0xffff;
	_ =	sdelay $0x1  }
0xf3: {  	v17 =	vmul.u32 $0x5000, v0;
	_ =	sdelay $0x1  }
0xf4: {  	v15 =	vadd.s32 $0x50000, v17;
	v11 =	vadd.s32 $0xA0000, v17  }
0xf5: {  	s22 =	simm.s32 $0xB60;
	v9 =	vadd.s32 $0x140000, v17;
	v14 =	vadd.s32 $0xF0000, v17;
	v22 =	vadd.s32 v17, v20  }
0xf6: {  	s23 =	simm.s32 $0x1;
	v26 =	vadd.s32 v15, v20;
	v18 =	vadd.s32 v11, v20;
	v24 =	vadd.s32 v14, v20;
	[tilespmem:s22+$0xFFFFFFD0] =	vst v22  }
0xf7: {  	v23 =	vadd.s32 v9, v20;
	v20 =	vadd.s32 v63, v20;
	v22 =	vmov s23;
	s23 =	simm.s32 $0x2;
	[tilespmem:s22+$0xFFFFFFE0] =	vst v26  }
.LBB2_4:
0xf8: {  	p1 =	sne.s32 s23, $0x2F;
	[tilespmem:s22+$0xFFFFFFF0] =	vst v18  }
0xf9: {  	[tilespmem:s22+$0x0] =	vst v24  }
0xfa: {  	[tilespmem:s22+$0x10] =	vst v23  }
0xfb: {  	[tilespmem:s22+$0x20] =	vst v20  }
0xfc: {  	v20 =	vld.idx.msk [tilespmem:v22+s17+$0x0], $0xffff;
	_ =	sdelay $0x3  }
.Ltmp1:
0xfd: {  	(pc) =	sbr.rel @p1 .LBB2_4-.Ltmp1, $4  }
0xfe: {  	_ = 	snop  }
0xff: {  	s22 =	sadd.s32 $0x60, s22;
	v22 =	vadd.s32 v17, v20;
	v26 =	vadd.s32 v15, v20;
	v18 =	vadd.s32 v11, v20  }
0x100: {  	v24 =	vadd.s32 v14, v20;
	v23 =	vadd.s32 v9, v20;
	v20 =	vadd.s32 v63, v20;
	[tilespmem:s22+$0xFFFFFFD0] =	vst v22  }
0x101: {  	v22 =	vmov s23;
	s23 =	sadd.s32 $0x1, s23;
	[tilespmem:s22+$0xFFFFFFE0] =	vst v26  }
0x102: {  	[tilespmem:s22+$0xFFFFFFF0] =	vst v18  }
0x103: {  	[tilespmem:s22+$0x0] =	vst v24  }
0x104: {  	[tilespmem:s22+$0x10] =	vst v23  }
0x105: {  	[tilespmem:s22+$0x20] =	vst v20  }
0x106: {  	v18 =	vld.idx.msk [tilespmem:v22+s17+$0x0], $0xffff;
	_ =	sdelay $0x4  }
0x107: {  	s31 =	sadd.s32 $0x60, s22;
	v17 =	vadd.s32 v17, v18  }
0x108: {  	v15 =	vadd.s32 v15, v18;
	[tilespmem:s31+$0xFFFFFFD0] =	vst v17  }
0x109: {  	v11 =	vadd.s32 v11, v18;
	[tilespmem:s31+$0xFFFFFFE0] =	vst v15  }
0x10a: {  	v14 =	vadd.s32 v14, v18;
	[tilespmem:s31+$0xFFFFFFF0] =	vst v11  }
0x10b: {  	v9 =	vadd.s32 v9, v18;
	[tilespmem:s31+$0x0] =	vst v14  }
0x10c: {  	v11 =	vadd.s32 v63, v18;
	[tilespmem:s31+$0x10] =	vst v9  }
0x10d: {  	[tilespmem:s31+$0x20] =	vst v11  }
0x10e: {  	[tilespmem:s20], [sflag:$0x1] =	stream.indirect.gather [hbm4b:s6+s18], $0x1, s19, s18, $0xb8;
	[tilespmem:$0x33E8] =	vst v63  }
0x10f: {  	_ =	swait.ge [sflag:s11], $0x1200  }
0x110: {  	[sflag:s11] =	ssyncset.done $0x0  }
0x111: {  	[sflag:s11] =	ssyncadd.s32 $0xFFFFEE00  }
0x112: {  	[hbm4b:s8+s5] =	stream.linear.scatter [tilespmem:s20], [sflag:$0x1], $0x1200, $0x38;
	[tilespmem:$0x33E8] =	vst v63  }
0x113: {  	_ =	swait.ge [sflag:s11], $0x1200  }
0x114: {  	[sflag:s11] =	ssyncset.done $0x0  }
0x115: {  	s22 =	simm.s32 @!p0 $0x60;
	[sflag:s11] =	ssyncadd.s32 $0xFFFFEE00  }
0x116: {  	s23 =	simm.s32 @!p0 $0xA10;
	s24 =	simm.s32 @!p0 $0xAD0;
	[bflag:$0x0] =	sbarrier.arrive $0xFFFF  }
0x117: {  	[tilespmem:s24], [sflag:$0x1] =	stream.indirect.gather @!p0 [spmem:s4], $0x1, s23, s22, $0xb8;
	[tilespmem:$0x33E8] =	vst v63  }
0x118: {  	s22 =	simm.s32 @!p0 $0x1  }
0x119: {  	s21 =	sadd.s32 $0x1, s21;
	_ =	swait.ge @!p0 [sflag:s22], $0x60  }
0x11a: {  	p1 =	sne.s32 s21, s10;
	[sflag:s22] =	ssyncset.done @!p0 $0x0  }
.Ltmp2:
0x11b: {  	s23 =	simm.s32 @!p0 $0x0;
	[sflag:s22] =	ssyncadd.s32 @!p0 $0xFFFFFFA0;
	(pc) =	sbr.rel @p1 .LBB2_1-.Ltmp2, $4  }
0x11c: {  	[hbm4b:s9+s23] =	stream.linear.scatter @!p0 [tilespmem:s24], [sflag:$0x1], $0x60, $0x38;
	[tilespmem:$0x33E8] =	vst v63  }
0x11d: {  	_ =	swait.ge @!p0 [sflag:s22], $0x60  }
0x11e: {  	[sflag:s22] =	ssyncset.done @!p0 $0x0  }
0x11f: {  	[sflag:s22] =	ssyncadd.s32 @!p0 $0xFFFFFFA0  }
0x120: {  	_ =	sfence.sel $0x180000  }
0x121: {  	[bflag:$0x0] =	sbarrier.arrive $0xFFFF  }
0x122: {  	p0 =	sne.s32 s0, $0x0;
	_ =	strace $0x90000047  }
0x123: {  	s0 =	sadd.s32 @!p0 $0x100000, s3;
	[bflag:$0x2] =	sbarrier.arrive $0xFFFF  }
0x124: {  	[sflag:s0] =	ssyncadd.tile.s32 @!p0 $0x1;
	_ =	shalt  }
.Lfunc_end2:
_tile_overlayer_lowered:
.L_overlay_start_2:
0x125: {  	(tag) =	ssettag $0x2  }
0x126: {  	s0 =	rddreg [dreg:$0x0];
	s2 =	stileid.u32  }
0x127: {  	s1 =	rddreg [dreg:$0x1];
	p0 =	sne.s32 s2, $0x0  }
0x128: {  	s3 =	rddreg [dreg:$0x2];
	[bflag:$0x3] =	sbarrier.arrive $0xFFFF;
	s2 =	simm.s32 @!p0 $0x1C01  }
0x129: {  	[timem:s3], [sflag:s2] =	dma.local @!p0 [hbm:s0], s1  }
0x12a: {  	s0 =	simm.s32 @!p0 $0x1  }
0x12b: {  	_ =	swait.ge @!p0 [sflag:s0], s1  }
0x12c: {  	s1 =	ssub.s32 @!p0 $0x0, s1;
	[sflag:s0] =	ssyncset.done @!p0 $0x0  }
0x12d: {  	[sflag:s0] =	ssyncadd.s32 @!p0 s1  }
0x12e: {  	[bflag:$0x3] =	sbarrier.arrive $0xFFFF  }
0x12f: {  	_ =	shalt  }

</sc_bundles>
